<compile_context>
chip_gen: v7x
topology: tpu7x:2x2x1
jax: 0.10.2.dev20260603
libtpu: 0.0.44.dev20260713+nightly
codegen_flags: <defaults>
</compile_context>

<pallas_src>
import functools

import jax
import jax.numpy as jnp
from jax import lax
from jax.experimental import pallas as pl
from jax.experimental.pallas import tpu as pltpu
from jax.experimental.pallas import tpu_sc as plsc

_L = 16


def _build_permute(num_batches, rows, nh, num_scopes, num_decomps):
    num_workers = 32
    batches_per_worker = num_batches // num_workers
    half = rows // 2
    scopes_per_half = num_scopes // 2
    mesh = plsc.VectorSubcoreMesh(core_axis_name="c", subcore_axis_name="s",
                                  num_cores=2, num_subcores=16)
    nc = mesh.num_cores
    perm_groups = (num_scopes * num_decomps) // _L
    row_stride = 2 * num_decomps

    @functools.partial(
        pl.kernel,
        out_type=jax.ShapeDtypeStruct((num_batches, rows, nh), jnp.float32),
        mesh=mesh,
        scratch_types=[
            pltpu.VMEM((2, rows + row_stride, nh), jnp.float32),
            pltpu.VMEM((2, half, nh), jnp.float32),
            pltpu.VMEM((num_scopes * num_decomps,), jnp.int32),
            pltpu.SMEM((num_scopes * num_decomps,), jnp.int32),
            pltpu.SemaphoreType.DMA,
            pltpu.SemaphoreType.DMA,
            pltpu.SemaphoreType.DMA,
            pltpu.SemaphoreType.DMA,
        ],
    )
    def permute_kernel(x_hbm, perm_hbm, out_hbm, abuf, sbuf, perm_v, pes,
                      gsem0, gsem1, psem0, psem1):
        wid = lax.axis_index("s") * nc + lax.axis_index("c")
        base_b = wid * batches_per_worker

        pltpu.sync_copy(perm_hbm, perm_v)
        for j in range(perm_groups):
            pv = perm_v[pl.ds(_L * j, _L)]
            for l in range(_L):
                p = pv[l]
                psel = jnp.where(p < 0, num_scopes, p)
                d_static = (_L * j + l) % num_decomps
                pes[_L * j + l] = row_stride * psel + d_static

        zvec = jnp.zeros((_L,), jnp.float32)
        for slot in range(2):
            for r in range(row_stride):
                for k in range(nh // _L):
                    abuf[slot, rows + r, pl.ds(_L * k, _L)] = zvec

        gsems = (gsem0, gsem1)
        psems = (psem0, psem1)

        def gather_cp(i, slot):
            return pltpu.make_async_copy(
                x_hbm.at[base_b + i], abuf.at[slot, pl.ds(0, rows)],
                gsems[slot])

        def scatter_cp(i, h):
            return pltpu.make_async_copy(
                sbuf.at[h], out_hbm.at[base_b + i, pl.ds(half * h, half)],
                psems[h])

        def shuffle_half(slot, h):
            half_off = scopes_per_half * num_decomps * h

            @plsc.parallel_loop(0, scopes_per_half * num_decomps, unroll=4)
            def _sd(i):
                base = pes[half_off + i]
                sl = i // num_decomps
                d = i - num_decomps * sl
                for c in range(2):
                    usrc = base + num_decomps * c
                    udst = row_stride * sl + num_decomps * c + d
                    for k in range(nh // _L):
                        sbuf[h, udst, pl.ds(_L * k, _L)] = (
                            abuf[slot, usrc, pl.ds(_L * k, _L)])

        gather_cp(0, 0).start()

        @pl.loop(0, batches_per_worker, step=2)
        def _batch(i):
            for sub in range(2):
                jj = i + sub
                slot = sub

                @pl.when(jj + 1 < batches_per_worker)
                def _prefetch():
                    gather_cp(jj + 1, 1 - slot).start()

                gather_cp(jj, slot).wait()
                for h in range(2):
                    @pl.when(jj > 0)
                    def _drain():
                        scatter_cp(jj - 1, h).wait()

                    shuffle_half(slot, h)
                    scatter_cp(jj, h).start()

        for h in range(2):
            scatter_cp(batches_per_worker - 1, h).wait()

    return permute_kernel


def kernel(x, permutations):
    b, s, d, n = x.shape
    nh = n // 2
    rows = s * 2 * d
    xr = (x.reshape(b, s, d, 2, nh).transpose(0, 1, 3, 2, 4)
          .reshape(b, rows, nh))
    permf = permutations.T.reshape(d * s)
    permute = _build_permute(b, rows, nh, s, d)
    out = permute(xr, permf)
    return (out.reshape(b, s, 2, d, nh).transpose(0, 1, 3, 2, 4)
            .reshape(b, s, d, n))

# --- scband reference (transcript-rebuilt; emitter-appended) ---
"""Pipeline reference for scband-permute-and-pad-scopes-85564338471033 (READ-ONLY COPY).

The authoritative reference and input builder live on the scoring server;
editing this copy changes nothing except your own understanding.
"""

import jax, jax.numpy as jnp
import numpy as np


def _make_permutations():
    # shape (num_decomps=4, num_scopes=32); -1 entries select the zero-padded scope
    return np.stack([
        np.arange(31, -1, -1),
        np.arange(32),
        np.concatenate([np.arange(0, 32, 2), np.arange(1, 32, 2)]),
        np.concatenate([np.array([-1]), np.arange(31)]),
    ]).astype(np.int32)


def setup_inputs(seed: int = 0) -> dict:
    key = jax.random.key(seed)
    # x layout: [batch, num_scopes, num_decomps, num_nodes]
    x = jax.random.normal(key, (1024, 32, 4, 256), dtype=jnp.float32)
    permutations = jnp.asarray(_make_permutations())
    return {"x": x, "permutations": permutations}


def reference(x, permutations):
    # Faithful translation of PermuteAndPadScopes.call
    decomps_first = jnp.transpose(x, (2, 1, 0, 3))  # (D, S, B, N)
    decomps_first_padded = jnp.pad(decomps_first, ((0, 0), (1, 0), (0, 0), (0, 0)))  # (D, S+1, B, N)
    gather_indices = permutations + 1  # (D, S); -1 -> 0 selects zero pad
    # tf.gather(..., axis=1, batch_dims=1): per-decomp gather along scope axis
    permuted = jax.vmap(lambda a, i: jnp.take(a, i, axis=0))(decomps_first_padded, gather_indices)  # (D, S, B, N)
    return jnp.transpose(permuted, (2, 1, 0, 3))  # (B, S, D, N)

if __name__ == "__main__":
    import jax
    _d = setup_inputs()
    print(jax.jit(kernel)(*tuple(_d.values())))

</pallas_src>

<mosaic_0001>
#map = affine_map<(d0, d1) -> (0, 0, 0)>
#map1 = affine_map<(d0, d1) -> (0)>
module attributes {stable_mosaic.version = 14 : i64} {
  func.func @permute_kernel(%arg0: i32, %arg1: i32, %arg2: memref<1024x256x128xf32, #tpu.memory_space<hbm>>, %arg3: memref<128xi32, #tpu.memory_space<hbm>>, %arg4: memref<1024x256x128xf32, #tpu.memory_space<hbm>>, %arg5: memref<2x264x128xf32, #tpu.memory_space<vmem>>, %arg6: memref<2x128x128xf32, #tpu.memory_space<vmem>>, %arg7: memref<128xi32, #tpu.memory_space<vmem>>, %arg8: memref<128xi32, #tpu.memory_space<smem>>, %arg9: memref<!tpu.dma_semaphore, #tpu.memory_space<semaphore_mem>>, %arg10: memref<!tpu.dma_semaphore, #tpu.memory_space<semaphore_mem>>, %arg11: memref<!tpu.dma_semaphore, #tpu.memory_space<semaphore_mem>>, %arg12: memref<!tpu.dma_semaphore, #tpu.memory_space<semaphore_mem>>) attributes {dimension_semantics = [#tpu.dimension_semantics<core_parallel>, #tpu.dimension_semantics<subcore_parallel>], iteration_bounds = array<i64: 2, 16>, scalar_prefetch = 0 : i64, scratch_operands = 8 : i64, tpu.core_type = #tpu.core_type<sc_vector_subcore>, window_params = [{transform_indices = #map}, {transform_indices = #map1}, {transform_indices = #map}]} {
    %mul3A = arith.constant 2 : i32
    %mul3A_0 = arith.muli %arg1, %mul3A : i32
    %add3A = arith.addi %mul3A_0, %arg0 : i32
    %mul3A_1 = arith.constant 32 : i32
    %mul3A_2 = arith.muli %add3A, %mul3A_1 : i32
    "tpu.region"() ({
      %run_scoped3A = tpu.sem_alloc : memref<!tpu.dma_semaphore, #tpu.memory_space<semaphore_mem>>
      tpu.enqueue_dma source(%arg3 : memref<128xi32, #tpu.memory_space<hbm>>) target(%arg7 : memref<128xi32, #tpu.memory_space<vmem>>) target_semaphore(%run_scoped3A : memref<!tpu.dma_semaphore, #tpu.memory_space<semaphore_mem>>)
      tpu.wait_dma2 semaphore(%run_scoped3A : memref<!tpu.dma_semaphore, #tpu.memory_space<semaphore_mem>>) src(%arg3 : memref<128xi32, #tpu.memory_space<hbm>>) dst(%arg7 : memref<128xi32, #tpu.memory_space<vmem>>)
      tpu.yield
    }) : () -> ()
    %get3A = arith.constant 0 : index
    %get3A_3 = tpu.vector_load %arg7[%get3A] {strides = array<i32>} : memref<128xi32, #tpu.memory_space<vmem>>, vector<16xi32>,
    %get3A_4 = vector.shape_cast %get3A_3 : vector<16xi32> to vector<16xi32>
    %slice3A = vector.extract_strided_slice %get3A_4 {offsets = [0], sizes = [1], strides = [1]} : vector<16xi32> to vector<1xi32>
    %squeeze3A = vector.extract %slice3A[0] : i32 from vector<1xi32>
    %lt3A = arith.constant 0 : i32
    %lt3A_5 = arith.cmpi slt, %squeeze3A, %lt3A : i32
    %jit3A = arith.constant 32 : i32
    %select_n3A = arith.select %lt3A_5, %jit3A, %squeeze3A : i32
    %mul3A_6 = arith.constant 8 : i32
    %mul3A_7 = arith.muli %mul3A_6, %select_n3A : i32
    %add3A_8 = arith.constant 0 : i32
    %add3A_9 = arith.addi %mul3A_7, %add3A_8 : i32
    %swap3A = arith.constant 0 : i32
    %swap3A_10 = arith.index_cast %swap3A : i32 to index
    %swap3A_11 = memref.load %arg8[%swap3A_10] : memref<128xi32, #tpu.memory_space<smem>>
    memref.store %add3A_9, %arg8[%swap3A_10] : memref<128xi32, #tpu.memory_space<smem>>
    %slice3A_12 = vector.extract_strided_slice %get3A_4 {offsets = [1], sizes = [1], strides = [1]} : vector<16xi32> to vector<1xi32>
    %squeeze3A_13 = vector.extract %slice3A_12[0] : i32 from vector<1xi32>
    %lt3A_14 = arith.constant 0 : i32
    %lt3A_15 = arith.cmpi slt, %squeeze3A_13, %lt3A_14 : i32
    %jit3A_16 = arith.constant 32 : i32
    %select_n3A_17 = arith.select %lt3A_15, %jit3A_16, %squeeze3A_13 : i32
    %mul3A_18 = arith.constant 8 : i32
    %mul3A_19 = arith.muli %mul3A_18, %select_n3A_17 : i32
    %add3A_20 = arith.constant 1 : i32
    %add3A_21 = arith.addi %mul3A_19, %add3A_20 : i32
    %swap3A_22 = arith.constant 1 : i32
    %swap3A_23 = arith.index_cast %swap3A_22 : i32 to index
    %swap3A_24 = memref.load %arg8[%swap3A_23] : memref<128xi32, #tpu.memory_space<smem>>
    memref.store %add3A_21, %arg8[%swap3A_23] : memref<128xi32, #tpu.memory_space<smem>>
    %slice3A_25 = vector.extract_strided_slice %get3A_4 {offsets = [2], sizes = [1], strides = [1]} : vector<16xi32> to vector<1xi32>
    %squeeze3A_26 = vector.extract %slice3A_25[0] : i32 from vector<1xi32>
    %lt3A_27 = arith.constant 0 : i32
    %lt3A_28 = arith.cmpi slt, %squeeze3A_26, %lt3A_27 : i32
    %jit3A_29 = arith.constant 32 : i32
    %select_n3A_30 = arith.select %lt3A_28, %jit3A_29, %squeeze3A_26 : i32
    %mul3A_31 = arith.constant 8 : i32
    %mul3A_32 = arith.muli %mul3A_31, %select_n3A_30 : i32
    %add3A_33 = arith.constant 2 : i32
    %add3A_34 = arith.addi %mul3A_32, %add3A_33 : i32
    %swap3A_35 = arith.constant 2 : i32
    %swap3A_36 = arith.index_cast %swap3A_35 : i32 to index
    %swap3A_37 = memref.load %arg8[%swap3A_36] : memref<128xi32, #tpu.memory_space<smem>>
    memref.store %add3A_34, %arg8[%swap3A_36] : memref<128xi32, #tpu.memory_space<smem>>
    %slice3A_38 = vector.extract_strided_slice %get3A_4 {offsets = [3], sizes = [1], strides = [1]} : vector<16xi32> to vector<1xi32>
    %squeeze3A_39 = vector.extract %slice3A_38[0] : i32 from vector<1xi32>
    %lt3A_40 = arith.constant 0 : i32
    %lt3A_41 = arith.cmpi slt, %squeeze3A_39, %lt3A_40 : i32
    %jit3A_42 = arith.constant 32 : i32
    %select_n3A_43 = arith.select %lt3A_41, %jit3A_42, %squeeze3A_39 : i32
    %mul3A_44 = arith.constant 8 : i32
    %mul3A_45 = arith.muli %mul3A_44, %select_n3A_43 : i32
    %add3A_46 = arith.constant 3 : i32
    %add3A_47 = arith.addi %mul3A_45, %add3A_46 : i32
    %swap3A_48 = arith.constant 3 : i32
    %swap3A_49 = arith.index_cast %swap3A_48 : i32 to index
    %swap3A_50 = memref.load %arg8[%swap3A_49] : memref<128xi32, #tpu.memory_space<smem>>
    memref.store %add3A_47, %arg8[%swap3A_49] : memref<128xi32, #tpu.memory_space<smem>>
    %slice3A_51 = vector.extract_strided_slice %get3A_4 {offsets = [4], sizes = [1], strides = [1]} : vector<16xi32> to vector<1xi32>
    %squeeze3A_52 = vector.extract %slice3A_51[0] : i32 from vector<1xi32>
    %lt3A_53 = arith.constant 0 : i32
    %lt3A_54 = arith.cmpi slt, %squeeze3A_52, %lt3A_53 : i32
    %jit3A_55 = arith.constant 32 : i32
    %select_n3A_56 = arith.select %lt3A_54, %jit3A_55, %squeeze3A_52 : i32
    %mul3A_57 = arith.constant 8 : i32
    %mul3A_58 = arith.muli %mul3A_57, %select_n3A_56 : i32
    %add3A_59 = arith.constant 0 : i32
    %add3A_60 = arith.addi %mul3A_58, %add3A_59 : i32
    %swap3A_61 = arith.constant 4 : i32
    %swap3A_62 = arith.index_cast %swap3A_61 : i32 to index
    %swap3A_63 = memref.load %arg8[%swap3A_62] : memref<128xi32, #tpu.memory_space<smem>>
    memref.store %add3A_60, %arg8[%swap3A_62] : memref<128xi32, #tpu.memory_space<smem>>
    %slice3A_64 = vector.extract_strided_slice %get3A_4 {offsets = [5], sizes = [1], strides = [1]} : vector<16xi32> to vector<1xi32>
    %squeeze3A_65 = vector.extract %slice3A_64[0] : i32 from vector<1xi32>
    %lt3A_66 = arith.constant 0 : i32
    %lt3A_67 = arith.cmpi slt, %squeeze3A_65, %lt3A_66 : i32
    %jit3A_68 = arith.constant 32 : i32
    %select_n3A_69 = arith.select %lt3A_67, %jit3A_68, %squeeze3A_65 : i32
    %mul3A_70 = arith.constant 8 : i32
    %mul3A_71 = arith.muli %mul3A_70, %select_n3A_69 : i32
    %add3A_72 = arith.constant 1 : i32
    %add3A_73 = arith.addi %mul3A_71, %add3A_72 : i32
    %swap3A_74 = arith.constant 5 : i32
    %swap3A_75 = arith.index_cast %swap3A_74 : i32 to index
    %swap3A_76 = memref.load %arg8[%swap3A_75] : memref<128xi32, #tpu.memory_space<smem>>
    memref.store %add3A_73, %arg8[%swap3A_75] : memref<128xi32, #tpu.memory_space<smem>>
    %slice3A_77 = vector.extract_strided_slice %get3A_4 {offsets = [6], sizes = [1], strides = [1]} : vector<16xi32> to vector<1xi32>
    %squeeze3A_78 = vector.extract %slice3A_77[0] : i32 from vector<1xi32>
    %lt3A_79 = arith.constant 0 : i32
    %lt3A_80 = arith.cmpi slt, %squeeze3A_78, %lt3A_79 : i32
    %jit3A_81 = arith.constant 32 : i32
    %select_n3A_82 = arith.select %lt3A_80, %jit3A_81, %squeeze3A_78 : i32
    %mul3A_83 = arith.constant 8 : i32
    %mul3A_84 = arith.muli %mul3A_83, %select_n3A_82 : i32
    %add3A_85 = arith.constant 2 : i32
    %add3A_86 = arith.addi %mul3A_84, %add3A_85 : i32
    %swap3A_87 = arith.constant 6 : i32
    %swap3A_88 = arith.index_cast %swap3A_87 : i32 to index
    %swap3A_89 = memref.load %arg8[%swap3A_88] : memref<128xi32, #tpu.memory_space<smem>>
    memref.store %add3A_86, %arg8[%swap3A_88] : memref<128xi32, #tpu.memory_space<smem>>
    %slice3A_90 = vector.extract_strided_slice %get3A_4 {offsets = [7], sizes = [1], strides = [1]} : vector<16xi32> to vector<1xi32>
    %squeeze3A_91 = vector.extract %slice3A_90[0] : i32 from vector<1xi32>
    %lt3A_92 = arith.constant 0 : i32
    %lt3A_93 = arith.cmpi slt, %squeeze3A_91, %lt3A_92 : i32
    %jit3A_94 = arith.constant 32 : i32
    %select_n3A_95 = arith.select %lt3A_93, %jit3A_94, %squeeze3A_91 : i32
    %mul3A_96 = arith.constant 8 : i32
    %mul3A_97 = arith.muli %mul3A_96, %select_n3A_95 : i32
    %add3A_98 = arith.constant 3 : i32
    %add3A_99 = arith.addi %mul3A_97, %add3A_98 : i32
    %swap3A_100 = arith.constant 7 : i32
    %swap3A_101 = arith.index_cast %swap3A_100 : i32 to index
    %swap3A_102 = memref.load %arg8[%swap3A_101] : memref<128xi32, #tpu.memory_space<smem>>
    memref.store %add3A_99, %arg8[%swap3A_101] : memref<128xi32, #tpu.memory_space<smem>>
    %slice3A_103 = vector.extract_strided_slice %get3A_4 {offsets = [8], sizes = [1], strides = [1]} : vector<16xi32> to vector<1xi32>
    %squeeze3A_104 = vector.extract %slice3A_103[0] : i32 from vector<1xi32>
    %lt3A_105 = arith.constant 0 : i32
    %lt3A_106 = arith.cmpi slt, %squeeze3A_104, %lt3A_105 : i32
    %jit3A_107 = arith.constant 32 : i32
    %select_n3A_108 = arith.select %lt3A_106, %jit3A_107, %squeeze3A_104 : i32
    %mul3A_109 = arith.constant 8 : i32
    %mul3A_110 = arith.muli %mul3A_109, %select_n3A_108 : i32
    %add3A_111 = arith.constant 0 : i32
    %add3A_112 = arith.addi %mul3A_110, %add3A_111 : i32
    %swap3A_113 = arith.constant 8 : i32
    %swap3A_114 = arith.index_cast %swap3A_113 : i32 to index
    %swap3A_115 = memref.load %arg8[%swap3A_114] : memref<128xi32, #tpu.memory_space<smem>>
    memref.store %add3A_112, %arg8[%swap3A_114] : memref<128xi32, #tpu.memory_space<smem>>
    %slice3A_116 = vector.extract_strided_slice %get3A_4 {offsets = [9], sizes = [1], strides = [1]} : vector<16xi32> to vector<1xi32>
    %squeeze3A_117 = vector.extract %slice3A_116[0] : i32 from vector<1xi32>
    %lt3A_118 = arith.constant 0 : i32
    %lt3A_119 = arith.cmpi slt, %squeeze3A_117, %lt3A_118 : i32
    %jit3A_120 = arith.constant 32 : i32
    %select_n3A_121 = arith.select %lt3A_119, %jit3A_120, %squeeze3A_117 : i32
    %mul3A_122 = arith.constant 8 : i32
    %mul3A_123 = arith.muli %mul3A_122, %select_n3A_121 : i32
    %add3A_124 = arith.constant 1 : i32
    %add3A_125 = arith.addi %mul3A_123, %add3A_124 : i32
    %swap3A_126 = arith.constant 9 : i32
    %swap3A_127 = arith.index_cast %swap3A_126 : i32 to index
    %swap3A_128 = memref.load %arg8[%swap3A_127] : memref<128xi32, #tpu.memory_space<smem>>
    memref.store %add3A_125, %arg8[%swap3A_127] : memref<128xi32, #tpu.memory_space<smem>>
    %slice3A_129 = vector.extract_strided_slice %get3A_4 {offsets = [10], sizes = [1], strides = [1]} : vector<16xi32> to vector<1xi32>
    %squeeze3A_130 = vector.extract %slice3A_129[0] : i32 from vector<1xi32>
    %lt3A_131 = arith.constant 0 : i32
    %lt3A_132 = arith.cmpi slt, %squeeze3A_130, %lt3A_131 : i32
    %jit3A_133 = arith.constant 32 : i32
    %select_n3A_134 = arith.select %lt3A_132, %jit3A_133, %squeeze3A_130 : i32
    %mul3A_135 = arith.constant 8 : i32
    %mul3A_136 = arith.muli %mul3A_135, %select_n3A_134 : i32
    %add3A_137 = arith.constant 2 : i32
    %add3A_138 = arith.addi %mul3A_136, %add3A_137 : i32
    %swap3A_139 = arith.constant 10 : i32
    %swap3A_140 = arith.index_cast %swap3A_139 : i32 to index
    %swap3A_141 = memref.load %arg8[%swap3A_140] : memref<128xi32, #tpu.memory_space<smem>>
    memref.store %add3A_138, %arg8[%swap3A_140] : memref<128xi32, #tpu.memory_space<smem>>
    %slice3A_142 = vector.extract_strided_slice %get3A_4 {offsets = [11], sizes = [1], strides = [1]} : vector<16xi32> to vector<1xi32>
    %squeeze3A_143 = vector.extract %slice3A_142[0] : i32 from vector<1xi32>
    %lt3A_144 = arith.constant 0 : i32
    %lt3A_145 = arith.cmpi slt, %squeeze3A_143, %lt3A_144 : i32
    %jit3A_146 = arith.constant 32 : i32
    %select_n3A_147 = arith.select %lt3A_145, %jit3A_146, %squeeze3A_143 : i32
    %mul3A_148 = arith.constant 8 : i32
    %mul3A_149 = arith.muli %mul3A_148, %select_n3A_147 : i32
    %add3A_150 = arith.constant 3 : i32
    %add3A_151 = arith.addi %mul3A_149, %add3A_150 : i32
    %swap3A_152 = arith.constant 11 : i32
    %swap3A_153 = arith.index_cast %swap3A_152 : i32 to index
    %swap3A_154 = memref.load %arg8[%swap3A_153] : memref<128xi32, #tpu.memory_space<smem>>
    memref.store %add3A_151, %arg8[%swap3A_153] : memref<128xi32, #tpu.memory_space<smem>>
    %slice3A_155 = vector.extract_strided_slice %get3A_4 {offsets = [12], sizes = [1], strides = [1]} : vector<16xi32> to vector<1xi32>
    %squeeze3A_156 = vector.extract %slice3A_155[0] : i32 from vector<1xi32>
    %lt3A_157 = arith.constant 0 : i32
    %lt3A_158 = arith.cmpi slt, %squeeze3A_156, %lt3A_157 : i32
    %jit3A_159 = arith.constant 32 : i32
    %select_n3A_160 = arith.select %lt3A_158, %jit3A_159, %squeeze3A_156 : i32
    %mul3A_161 = arith.constant 8 : i32
    %mul3A_162 = arith.muli %mul3A_161, %select_n3A_160 : i32
    %add3A_163 = arith.constant 0 : i32
    %add3A_164 = arith.addi %mul3A_162, %add3A_163 : i32
    %swap3A_165 = arith.constant 12 : i32
    %swap3A_166 = arith.index_cast %swap3A_165 : i32 to index
    %swap3A_167 = memref.load %arg8[%swap3A_166] : memref<128xi32, #tpu.memory_space<smem>>
    memref.store %add3A_164, %arg8[%swap3A_166] : memref<128xi32, #tpu.memory_space<smem>>
    %slice3A_168 = vector.extract_strided_slice %get3A_4 {offsets = [13], sizes = [1], strides = [1]} : vector<16xi32> to vector<1xi32>
    %squeeze3A_169 = vector.extract %slice3A_168[0] : i32 from vector<1xi32>
    %lt3A_170 = arith.constant 0 : i32
    %lt3A_171 = arith.cmpi slt, %squeeze3A_169, %lt3A_170 : i32
    %jit3A_172 = arith.constant 32 : i32
    %select_n3A_173 = arith.select %lt3A_171, %jit3A_172, %squeeze3A_169 : i32
    %mul3A_174 = arith.constant 8 : i32
    %mul3A_175 = arith.muli %mul3A_174, %select_n3A_173 : i32
    %add3A_176 = arith.constant 1 : i32
    %add3A_177 = arith.addi %mul3A_175, %add3A_176 : i32
    %swap3A_178 = arith.constant 13 : i32
    %swap3A_179 = arith.index_cast %swap3A_178 : i32 to index
    %swap3A_180 = memref.load %arg8[%swap3A_179] : memref<128xi32, #tpu.memory_space<smem>>
    memref.store %add3A_177, %arg8[%swap3A_179] : memref<128xi32, #tpu.memory_space<smem>>
    %slice3A_181 = vector.extract_strided_slice %get3A_4 {offsets = [14], sizes = [1], strides = [1]} : vector<16xi32> to vector<1xi32>
    %squeeze3A_182 = vector.extract %slice3A_181[0] : i32 from vector<1xi32>
    %lt3A_183 = arith.constant 0 : i32
    %lt3A_184 = arith.cmpi slt, %squeeze3A_182, %lt3A_183 : i32
    %jit3A_185 = arith.constant 32 : i32
    %select_n3A_186 = arith.select %lt3A_184, %jit3A_185, %squeeze3A_182 : i32
    %mul3A_187 = arith.constant 8 : i32
    %mul3A_188 = arith.muli %mul3A_187, %select_n3A_186 : i32
    %add3A_189 = arith.constant 2 : i32
    %add3A_190 = arith.addi %mul3A_188, %add3A_189 : i32
    %swap3A_191 = arith.constant 14 : i32
    %swap3A_192 = arith.index_cast %swap3A_191 : i32 to index
    %swap3A_193 = memref.load %arg8[%swap3A_192] : memref<128xi32, #tpu.memory_space<smem>>
    memref.store %add3A_190, %arg8[%swap3A_192] : memref<128xi32, #tpu.memory_space<smem>>
    %slice3A_194 = vector.extract_strided_slice %get3A_4 {offsets = [15], sizes = [1], strides = [1]} : vector<16xi32> to vector<1xi32>
    %squeeze3A_195 = vector.extract %slice3A_194[0] : i32 from vector<1xi32>
    %lt3A_196 = arith.constant 0 : i32
    %lt3A_197 = arith.cmpi slt, %squeeze3A_195, %lt3A_196 : i32
    %jit3A_198 = arith.constant 32 : i32
    %select_n3A_199 = arith.select %lt3A_197, %jit3A_198, %squeeze3A_195 : i32
    %mul3A_200 = arith.constant 8 : i32
    %mul3A_201 = arith.muli %mul3A_200, %select_n3A_199 : i32
    %add3A_202 = arith.constant 3 : i32
    %add3A_203 = arith.addi %mul3A_201, %add3A_202 : i32
    %swap3A_204 = arith.constant 15 : i32
    %swap3A_205 = arith.index_cast %swap3A_204 : i32 to index
    %swap3A_206 = memref.load %arg8[%swap3A_205] : memref<128xi32, #tpu.memory_space<smem>>
    memref.store %add3A_203, %arg8[%swap3A_205] : memref<128xi32, #tpu.memory_space<smem>>
    %get3A_207 = arith.constant 16 : index
    %get3A_208 = tpu.vector_load %arg7[%get3A_207] {strides = array<i32>} : memref<128xi32, #tpu.memory_space<vmem>>, vector<16xi32>,
    %get3A_209 = vector.shape_cast %get3A_208 : vector<16xi32> to vector<16xi32>
    %slice3A_210 = vector.extract_strided_slice %get3A_209 {offsets = [0], sizes = [1], strides = [1]} : vector<16xi32> to vector<1xi32>
    %squeeze3A_211 = vector.extract %slice3A_210[0] : i32 from vector<1xi32>
    %lt3A_212 = arith.constant 0 : i32
    %lt3A_213 = arith.cmpi slt, %squeeze3A_211, %lt3A_212 : i32
    %jit3A_214 = arith.constant 32 : i32
    %select_n3A_215 = arith.select %lt3A_213, %jit3A_214, %squeeze3A_211 : i32
    %mul3A_216 = arith.constant 8 : i32
    %mul3A_217 = arith.muli %mul3A_216, %select_n3A_215 : i32
    %add3A_218 = arith.constant 0 : i32
    %add3A_219 = arith.addi %mul3A_217, %add3A_218 : i32
    %swap3A_220 = arith.constant 16 : i32
    %swap3A_221 = arith.index_cast %swap3A_220 : i32 to index
    %swap3A_222 = memref.load %arg8[%swap3A_221] : memref<128xi32, #tpu.memory_space<smem>>
    memref.store %add3A_219, %arg8[%swap3A_221] : memref<128xi32, #tpu.memory_space<smem>>
    %slice3A_223 = vector.extract_strided_slice %get3A_209 {offsets = [1], sizes = [1], strides = [1]} : vector<16xi32> to vector<1xi32>
    %squeeze3A_224 = vector.extract %slice3A_223[0] : i32 from vector<1xi32>
    %lt3A_225 = arith.constant 0 : i32
    %lt3A_226 = arith.cmpi slt, %squeeze3A_224, %lt3A_225 : i32
    %jit3A_227 = arith.constant 32 : i32
    %select_n3A_228 = arith.select %lt3A_226, %jit3A_227, %squeeze3A_224 : i32
    %mul3A_229 = arith.constant 8 : i32
    %mul3A_230 = arith.muli %mul3A_229, %select_n3A_228 : i32
    %add3A_231 = arith.constant 1 : i32
    %add3A_232 = arith.addi %mul3A_230, %add3A_231 : i32
    %swap3A_233 = arith.constant 17 : i32
    %swap3A_234 = arith.index_cast %swap3A_233 : i32 to index
    %swap3A_235 = memref.load %arg8[%swap3A_234] : memref<128xi32, #tpu.memory_space<smem>>
    memref.store %add3A_232, %arg8[%swap3A_234] : memref<128xi32, #tpu.memory_space<smem>>
    %slice3A_236 = vector.extract_strided_slice %get3A_209 {offsets = [2], sizes = [1], strides = [1]} : vector<16xi32> to vector<1xi32>
    %squeeze3A_237 = vector.extract %slice3A_236[0] : i32 from vector<1xi32>
    %lt3A_238 = arith.constant 0 : i32
    %lt3A_239 = arith.cmpi slt, %squeeze3A_237, %lt3A_238 : i32
    %jit3A_240 = arith.constant 32 : i32
    %select_n3A_241 = arith.select %lt3A_239, %jit3A_240, %squeeze3A_237 : i32
    %mul3A_242 = arith.constant 8 : i32
    %mul3A_243 = arith.muli %mul3A_242, %select_n3A_241 : i32
    %add3A_244 = arith.constant 2 : i32
    %add3A_245 = arith.addi %mul3A_243, %add3A_244 : i32
    %swap3A_246 = arith.constant 18 : i32
    %swap3A_247 = arith.index_cast %swap3A_246 : i32 to index
    %swap3A_248 = memref.load %arg8[%swap3A_247] : memref<128xi32, #tpu.memory_space<smem>>
    memref.store %add3A_245, %arg8[%swap3A_247] : memref<128xi32, #tpu.memory_space<smem>>
    %slice3A_249 = vector.extract_strided_slice %get3A_209 {offsets = [3], sizes = [1], strides = [1]} : vector<16xi32> to vector<1xi32>
    %squeeze3A_250 = vector.extract %slice3A_249[0] : i32 from vector<1xi32>
    %lt3A_251 = arith.constant 0 : i32
    %lt3A_252 = arith.cmpi slt, %squeeze3A_250, %lt3A_251 : i32
    %jit3A_253 = arith.constant 32 : i32
    %select_n3A_254 = arith.select %lt3A_252, %jit3A_253, %squeeze3A_250 : i32
    %mul3A_255 = arith.constant 8 : i32
    %mul3A_256 = arith.muli %mul3A_255, %select_n3A_254 : i32
    %add3A_257 = arith.constant 3 : i32
    %add3A_258 = arith.addi %mul3A_256, %add3A_257 : i32
    %swap3A_259 = arith.constant 19 : i32
    %swap3A_260 = arith.index_cast %swap3A_259 : i32 to index
    %swap3A_261 = memref.load %arg8[%swap3A_260] : memref<128xi32, #tpu.memory_space<smem>>
    memref.store %add3A_258, %arg8[%swap3A_260] : memref<128xi32, #tpu.memory_space<smem>>
    %slice3A_262 = vector.extract_strided_slice %get3A_209 {offsets = [4], sizes = [1], strides = [1]} : vector<16xi32> to vector<1xi32>
    %squeeze3A_263 = vector.extract %slice3A_262[0] : i32 from vector<1xi32>
    %lt3A_264 = arith.constant 0 : i32
    %lt3A_265 = arith.cmpi slt, %squeeze3A_263, %lt3A_264 : i32
    %jit3A_266 = arith.constant 32 : i32
    %select_n3A_267 = arith.select %lt3A_265, %jit3A_266, %squeeze3A_263 : i32
    %mul3A_268 = arith.constant 8 : i32
    %mul3A_269 = arith.muli %mul3A_268, %select_n3A_267 : i32
    %add3A_270 = arith.constant 0 : i32
    %add3A_271 = arith.addi %mul3A_269, %add3A_270 : i32
    %swap3A_272 = arith.constant 20 : i32
    %swap3A_273 = arith.index_cast %swap3A_272 : i32 to index
    %swap3A_274 = memref.load %arg8[%swap3A_273] : memref<128xi32, #tpu.memory_space<smem>>
    memref.store %add3A_271, %arg8[%swap3A_273] : memref<128xi32, #tpu.memory_space<smem>>
    %slice3A_275 = vector.extract_strided_slice %get3A_209 {offsets = [5], sizes = [1], strides = [1]} : vector<16xi32> to vector<1xi32>
    %squeeze3A_276 = vector.extract %slice3A_275[0] : i32 from vector<1xi32>
    %lt3A_277 = arith.constant 0 : i32
    %lt3A_278 = arith.cmpi slt, %squeeze3A_276, %lt3A_277 : i32
    %jit3A_279 = arith.constant 32 : i32
    %select_n3A_280 = arith.select %lt3A_278, %jit3A_279, %squeeze3A_276 : i32
    %mul3A_281 = arith.constant 8 : i32
    %mul3A_282 = arith.muli %mul3A_281, %select_n3A_280 : i32
    %add3A_283 = arith.constant 1 : i32
    %add3A_284 = arith.addi %mul3A_282, %add3A_283 : i32
    %swap3A_285 = arith.constant 21 : i32
    %swap3A_286 = arith.index_cast %swap3A_285 : i32 to index
    %swap3A_287 = memref.load %arg8[%swap3A_286] : memref<128xi32, #tpu.memory_space<smem>>
    memref.store %add3A_284, %arg8[%swap3A_286] : memref<128xi32, #tpu.memory_space<smem>>
    %slice3A_288 = vector.extract_strided_slice %get3A_209 {offsets = [6], sizes = [1], strides = [1]} : vector<16xi32> to vector<1xi32>
    %squeeze3A_289 = vector.extract %slice3A_288[0] : i32 from vector<1xi32>
    %lt3A_290 = arith.constant 0 : i32
    %lt3A_291 = arith.cmpi slt, %squeeze3A_289, %lt3A_290 : i32
    %jit3A_292 = arith.constant 32 : i32
    %select_n3A_293 = arith.select %lt3A_291, %jit3A_292, %squeeze3A_289 : i32
    %mul3A_294 = arith.constant 8 : i32
    %mul3A_295 = arith.muli %mul3A_294, %select_n3A_293 : i32
    %add3A_296 = arith.constant 2 : i32
    %add3A_297 = arith.addi %mul3A_295, %add3A_296 : i32
    %swap3A_298 = arith.constant 22 : i32
    %swap3A_299 = arith.index_cast %swap3A_298 : i32 to index
    %swap3A_300 = memref.load %arg8[%swap3A_299] : memref<128xi32, #tpu.memory_space<smem>>
    memref.store %add3A_297, %arg8[%swap3A_299] : memref<128xi32, #tpu.memory_space<smem>>
    %slice3A_301 = vector.extract_strided_slice %get3A_209 {offsets = [7], sizes = [1], strides = [1]} : vector<16xi32> to vector<1xi32>
    %squeeze3A_302 = vector.extract %slice3A_301[0] : i32 from vector<1xi32>
    %lt3A_303 = arith.constant 0 : i32
    %lt3A_304 = arith.cmpi slt, %squeeze3A_302, %lt3A_303 : i32
    %jit3A_305 = arith.constant 32 : i32
    %select_n3A_306 = arith.select %lt3A_304, %jit3A_305, %squeeze3A_302 : i32
    %mul3A_307 = arith.constant 8 : i32
    %mul3A_308 = arith.muli %mul3A_307, %select_n3A_306 : i32
    %add3A_309 = arith.constant 3 : i32
    %add3A_310 = arith.addi %mul3A_308, %add3A_309 : i32
    %swap3A_311 = arith.constant 23 : i32
    %swap3A_312 = arith.index_cast %swap3A_311 : i32 to index
    %swap3A_313 = memref.load %arg8[%swap3A_312] : memref<128xi32, #tpu.memory_space<smem>>
    memref.store %add3A_310, %arg8[%swap3A_312] : memref<128xi32, #tpu.memory_space<smem>>
    %slice3A_314 = vector.extract_strided_slice %get3A_209 {offsets = [8], sizes = [1], strides = [1]} : vector<16xi32> to vector<1xi32>
    %squeeze3A_315 = vector.extract %slice3A_314[0] : i32 from vector<1xi32>
    %lt3A_316 = arith.constant 0 : i32
    %lt3A_317 = arith.cmpi slt, %squeeze3A_315, %lt3A_316 : i32
    %jit3A_318 = arith.constant 32 : i32
    %select_n3A_319 = arith.select %lt3A_317, %jit3A_318, %squeeze3A_315 : i32
    %mul3A_320 = arith.constant 8 : i32
    %mul3A_321 = arith.muli %mul3A_320, %select_n3A_319 : i32
    %add3A_322 = arith.constant 0 : i32
    %add3A_323 = arith.addi %mul3A_321, %add3A_322 : i32
    %swap3A_324 = arith.constant 24 : i32
    %swap3A_325 = arith.index_cast %swap3A_324 : i32 to index
    %swap3A_326 = memref.load %arg8[%swap3A_325] : memref<128xi32, #tpu.memory_space<smem>>
    memref.store %add3A_323, %arg8[%swap3A_325] : memref<128xi32, #tpu.memory_space<smem>>
    %slice3A_327 = vector.extract_strided_slice %get3A_209 {offsets = [9], sizes = [1], strides = [1]} : vector<16xi32> to vector<1xi32>
    %squeeze3A_328 = vector.extract %slice3A_327[0] : i32 from vector<1xi32>
    %lt3A_329 = arith.constant 0 : i32
    %lt3A_330 = arith.cmpi slt, %squeeze3A_328, %lt3A_329 : i32
    %jit3A_331 = arith.constant 32 : i32
    %select_n3A_332 = arith.select %lt3A_330, %jit3A_331, %squeeze3A_328 : i32
    %mul3A_333 = arith.constant 8 : i32
    %mul3A_334 = arith.muli %mul3A_333, %select_n3A_332 : i32
    %add3A_335 = arith.constant 1 : i32
    %add3A_336 = arith.addi %mul3A_334, %add3A_335 : i32
    %swap3A_337 = arith.constant 25 : i32
    %swap3A_338 = arith.index_cast %swap3A_337 : i32 to index
    %swap3A_339 = memref.load %arg8[%swap3A_338] : memref<128xi32, #tpu.memory_space<smem>>
    memref.store %add3A_336, %arg8[%swap3A_338] : memref<128xi32, #tpu.memory_space<smem>>
    %slice3A_340 = vector.extract_strided_slice %get3A_209 {offsets = [10], sizes = [1], strides = [1]} : vector<16xi32> to vector<1xi32>
    %squeeze3A_341 = vector.extract %slice3A_340[0] : i32 from vector<1xi32>
    %lt3A_342 = arith.constant 0 : i32
    %lt3A_343 = arith.cmpi slt, %squeeze3A_341, %lt3A_342 : i32
    %jit3A_344 = arith.constant 32 : i32
    %select_n3A_345 = arith.select %lt3A_343, %jit3A_344, %squeeze3A_341 : i32
    %mul3A_346 = arith.constant 8 : i32
    %mul3A_347 = arith.muli %mul3A_346, %select_n3A_345 : i32
    %add3A_348 = arith.constant 2 : i32
    %add3A_349 = arith.addi %mul3A_347, %add3A_348 : i32
    %swap3A_350 = arith.constant 26 : i32
    %swap3A_351 = arith.index_cast %swap3A_350 : i32 to index
    %swap3A_352 = memref.load %arg8[%swap3A_351] : memref<128xi32, #tpu.memory_space<smem>>
    memref.store %add3A_349, %arg8[%swap3A_351] : memref<128xi32, #tpu.memory_space<smem>>
    %slice3A_353 = vector.extract_strided_slice %get3A_209 {offsets = [11], sizes = [1], strides = [1]} : vector<16xi32> to vector<1xi32>
    %squeeze3A_354 = vector.extract %slice3A_353[0] : i32 from vector<1xi32>
    %lt3A_355 = arith.constant 0 : i32
    %lt3A_356 = arith.cmpi slt, %squeeze3A_354, %lt3A_355 : i32
    %jit3A_357 = arith.constant 32 : i32
    %select_n3A_358 = arith.select %lt3A_356, %jit3A_357, %squeeze3A_354 : i32
    %mul3A_359 = arith.constant 8 : i32
    %mul3A_360 = arith.muli %mul3A_359, %select_n3A_358 : i32
    %add3A_361 = arith.constant 3 : i32
    %add3A_362 = arith.addi %mul3A_360, %add3A_361 : i32
    %swap3A_363 = arith.constant 27 : i32
    %swap3A_364 = arith.index_cast %swap3A_363 : i32 to index
    %swap3A_365 = memref.load %arg8[%swap3A_364] : memref<128xi32, #tpu.memory_space<smem>>
    memref.store %add3A_362, %arg8[%swap3A_364] : memref<128xi32, #tpu.memory_space<smem>>
    %slice3A_366 = vector.extract_strided_slice %get3A_209 {offsets = [12], sizes = [1], strides = [1]} : vector<16xi32> to vector<1xi32>
    %squeeze3A_367 = vector.extract %slice3A_366[0] : i32 from vector<1xi32>
    %lt3A_368 = arith.constant 0 : i32
    %lt3A_369 = arith.cmpi slt, %squeeze3A_367, %lt3A_368 : i32
    %jit3A_370 = arith.constant 32 : i32
    %select_n3A_371 = arith.select %lt3A_369, %jit3A_370, %squeeze3A_367 : i32
    %mul3A_372 = arith.constant 8 : i32
    %mul3A_373 = arith.muli %mul3A_372, %select_n3A_371 : i32
    %add3A_374 = arith.constant 0 : i32
    %add3A_375 = arith.addi %mul3A_373, %add3A_374 : i32
    %swap3A_376 = arith.constant 28 : i32
    %swap3A_377 = arith.index_cast %swap3A_376 : i32 to index
    %swap3A_378 = memref.load %arg8[%swap3A_377] : memref<128xi32, #tpu.memory_space<smem>>
    memref.store %add3A_375, %arg8[%swap3A_377] : memref<128xi32, #tpu.memory_space<smem>>
    %slice3A_379 = vector.extract_strided_slice %get3A_209 {offsets = [13], sizes = [1], strides = [1]} : vector<16xi32> to vector<1xi32>
    %squeeze3A_380 = vector.extract %slice3A_379[0] : i32 from vector<1xi32>
    %lt3A_381 = arith.constant 0 : i32
    %lt3A_382 = arith.cmpi slt, %squeeze3A_380, %lt3A_381 : i32
    %jit3A_383 = arith.constant 32 : i32
    %select_n3A_384 = arith.select %lt3A_382, %jit3A_383, %squeeze3A_380 : i32
    %mul3A_385 = arith.constant 8 : i32
    %mul3A_386 = arith.muli %mul3A_385, %select_n3A_384 : i32
    %add3A_387 = arith.constant 1 : i32
    %add3A_388 = arith.addi %mul3A_386, %add3A_387 : i32
    %swap3A_389 = arith.constant 29 : i32
    %swap3A_390 = arith.index_cast %swap3A_389 : i32 to index
    %swap3A_391 = memref.load %arg8[%swap3A_390] : memref<128xi32, #tpu.memory_space<smem>>
    memref.store %add3A_388, %arg8[%swap3A_390] : memref<128xi32, #tpu.memory_space<smem>>
    %slice3A_392 = vector.extract_strided_slice %get3A_209 {offsets = [14], sizes = [1], strides = [1]} : vector<16xi32> to vector<1xi32>
    %squeeze3A_393 = vector.extract %slice3A_392[0] : i32 from vector<1xi32>
    %lt3A_394 = arith.constant 0 : i32
    %lt3A_395 = arith.cmpi slt, %squeeze3A_393, %lt3A_394 : i32
    %jit3A_396 = arith.constant 32 : i32
    %select_n3A_397 = arith.select %lt3A_395, %jit3A_396, %squeeze3A_393 : i32
    %mul3A_398 = arith.constant 8 : i32
    %mul3A_399 = arith.muli %mul3A_398, %select_n3A_397 : i32
    %add3A_400 = arith.constant 2 : i32
    %add3A_401 = arith.addi %mul3A_399, %add3A_400 : i32
    %swap3A_402 = arith.constant 30 : i32
    %swap3A_403 = arith.index_cast %swap3A_402 : i32 to index
    %swap3A_404 = memref.load %arg8[%swap3A_403] : memref<128xi32, #tpu.memory_space<smem>>
    memref.store %add3A_401, %arg8[%swap3A_403] : memref<128xi32, #tpu.memory_space<smem>>
    %slice3A_405 = vector.extract_strided_slice %get3A_209 {offsets = [15], sizes = [1], strides = [1]} : vector<16xi32> to vector<1xi32>
    %squeeze3A_406 = vector.extract %slice3A_405[0] : i32 from vector<1xi32>
    %lt3A_407 = arith.constant 0 : i32
    %lt3A_408 = arith.cmpi slt, %squeeze3A_406, %lt3A_407 : i32
    %jit3A_409 = arith.constant 32 : i32
    %select_n3A_410 = arith.select %lt3A_408, %jit3A_409, %squeeze3A_406 : i32
    %mul3A_411 = arith.constant 8 : i32
    %mul3A_412 = arith.muli %mul3A_411, %select_n3A_410 : i32
    %add3A_413 = arith.constant 3 : i32
    %add3A_414 = arith.addi %mul3A_412, %add3A_413 : i32
    %swap3A_415 = arith.constant 31 : i32
    %swap3A_416 = arith.index_cast %swap3A_415 : i32 to index
    %swap3A_417 = memref.load %arg8[%swap3A_416] : memref<128xi32, #tpu.memory_space<smem>>
    memref.store %add3A_414, %arg8[%swap3A_416] : memref<128xi32, #tpu.memory_space<smem>>
    %get3A_418 = arith.constant 32 : index
    %get3A_419 = tpu.vector_load %arg7[%get3A_418] {strides = array<i32>} : memref<128xi32, #tpu.memory_space<vmem>>, vector<16xi32>,
    %get3A_420 = vector.shape_cast %get3A_419 : vector<16xi32> to vector<16xi32>
    %slice3A_421 = vector.extract_strided_slice %get3A_420 {offsets = [0], sizes = [1], strides = [1]} : vector<16xi32> to vector<1xi32>
    %squeeze3A_422 = vector.extract %slice3A_421[0] : i32 from vector<1xi32>
    %lt3A_423 = arith.constant 0 : i32
    %lt3A_424 = arith.cmpi slt, %squeeze3A_422, %lt3A_423 : i32
    %jit3A_425 = arith.constant 32 : i32
    %select_n3A_426 = arith.select %lt3A_424, %jit3A_425, %squeeze3A_422 : i32
    %mul3A_427 = arith.constant 8 : i32
    %mul3A_428 = arith.muli %mul3A_427, %select_n3A_426 : i32
    %add3A_429 = arith.constant 0 : i32
    %add3A_430 = arith.addi %mul3A_428, %add3A_429 : i32
    %swap3A_431 = arith.constant 32 : i32
    %swap3A_432 = arith.index_cast %swap3A_431 : i32 to index
    %swap3A_433 = memref.load %arg8[%swap3A_432] : memref<128xi32, #tpu.memory_space<smem>>
    memref.store %add3A_430, %arg8[%swap3A_432] : memref<128xi32, #tpu.memory_space<smem>>
    %slice3A_434 = vector.extract_strided_slice %get3A_420 {offsets = [1], sizes = [1], strides = [1]} : vector<16xi32> to vector<1xi32>
    %squeeze3A_435 = vector.extract %slice3A_434[0] : i32 from vector<1xi32>
    %lt3A_436 = arith.constant 0 : i32
    %lt3A_437 = arith.cmpi slt, %squeeze3A_435, %lt3A_436 : i32
    %jit3A_438 = arith.constant 32 : i32
    %select_n3A_439 = arith.select %lt3A_437, %jit3A_438, %squeeze3A_435 : i32
    %mul3A_440 = arith.constant 8 : i32
    %mul3A_441 = arith.muli %mul3A_440, %select_n3A_439 : i32
    %add3A_442 = arith.constant 1 : i32
    %add3A_443 = arith.addi %mul3A_441, %add3A_442 : i32
    %swap3A_444 = arith.constant 33 : i32
    %swap3A_445 = arith.index_cast %swap3A_444 : i32 to index
    %swap3A_446 = memref.load %arg8[%swap3A_445] : memref<128xi32, #tpu.memory_space<smem>>
    memref.store %add3A_443, %arg8[%swap3A_445] : memref<128xi32, #tpu.memory_space<smem>>
    %slice3A_447 = vector.extract_strided_slice %get3A_420 {offsets = [2], sizes = [1], strides = [1]} : vector<16xi32> to vector<1xi32>
    %squeeze3A_448 = vector.extract %slice3A_447[0] : i32 from vector<1xi32>
    %lt3A_449 = arith.constant 0 : i32
    %lt3A_450 = arith.cmpi slt, %squeeze3A_448, %lt3A_449 : i32
    %jit3A_451 = arith.constant 32 : i32
    %select_n3A_452 = arith.select %lt3A_450, %jit3A_451, %squeeze3A_448 : i32
    %mul3A_453 = arith.constant 8 : i32
    %mul3A_454 = arith.muli %mul3A_453, %select_n3A_452 : i32
    %add3A_455 = arith.constant 2 : i32
    %add3A_456 = arith.addi %mul3A_454, %add3A_455 : i32
    %swap3A_457 = arith.constant 34 : i32
    %swap3A_458 = arith.index_cast %swap3A_457 : i32 to index
    %swap3A_459 = memref.load %arg8[%swap3A_458] : memref<128xi32, #tpu.memory_space<smem>>
    memref.store %add3A_456, %arg8[%swap3A_458] : memref<128xi32, #tpu.memory_space<smem>>
    %slice3A_460 = vector.extract_strided_slice %get3A_420 {offsets = [3], sizes = [1], strides = [1]} : vector<16xi32> to vector<1xi32>
    %squeeze3A_461 = vector.extract %slice3A_460[0] : i32 from vector<1xi32>
    %lt3A_462 = arith.constant 0 : i32
    %lt3A_463 = arith.cmpi slt, %squeeze3A_461, %lt3A_462 : i32
    %jit3A_464 = arith.constant 32 : i32
    %select_n3A_465 = arith.select %lt3A_463, %jit3A_464, %squeeze3A_461 : i32
    %mul3A_466 = arith.constant 8 : i32
    %mul3A_467 = arith.muli %mul3A_466, %select_n3A_465 : i32
    %add3A_468 = arith.constant 3 : i32
    %add3A_469 = arith.addi %mul3A_467, %add3A_468 : i32
    %swap3A_470 = arith.constant 35 : i32
    %swap3A_471 = arith.index_cast %swap3A_470 : i32 to index
    %swap3A_472 = memref.load %arg8[%swap3A_471] : memref<128xi32, #tpu.memory_space<smem>>
    memref.store %add3A_469, %arg8[%swap3A_471] : memref<128xi32, #tpu.memory_space<smem>>
    %slice3A_473 = vector.extract_strided_slice %get3A_420 {offsets = [4], sizes = [1], strides = [1]} : vector<16xi32> to vector<1xi32>
    %squeeze3A_474 = vector.extract %slice3A_473[0] : i32 from vector<1xi32>
    %lt3A_475 = arith.constant 0 : i32
    %lt3A_476 = arith.cmpi slt, %squeeze3A_474, %lt3A_475 : i32
    %jit3A_477 = arith.constant 32 : i32
    %select_n3A_478 = arith.select %lt3A_476, %jit3A_477, %squeeze3A_474 : i32
    %mul3A_479 = arith.constant 8 : i32
    %mul3A_480 = arith.muli %mul3A_479, %select_n3A_478 : i32
    %add3A_481 = arith.constant 0 : i32
    %add3A_482 = arith.addi %mul3A_480, %add3A_481 : i32
    %swap3A_483 = arith.constant 36 : i32
    %swap3A_484 = arith.index_cast %swap3A_483 : i32 to index
    %swap3A_485 = memref.load %arg8[%swap3A_484] : memref<128xi32, #tpu.memory_space<smem>>
    memref.store %add3A_482, %arg8[%swap3A_484] : memref<128xi32, #tpu.memory_space<smem>>
    %slice3A_486 = vector.extract_strided_slice %get3A_420 {offsets = [5], sizes = [1], strides = [1]} : vector<16xi32> to vector<1xi32>
    %squeeze3A_487 = vector.extract %slice3A_486[0] : i32 from vector<1xi32>
    %lt3A_488 = arith.constant 0 : i32
    %lt3A_489 = arith.cmpi slt, %squeeze3A_487, %lt3A_488 : i32
    %jit3A_490 = arith.constant 32 : i32
    %select_n3A_491 = arith.select %lt3A_489, %jit3A_490, %squeeze3A_487 : i32
    %mul3A_492 = arith.constant 8 : i32
    %mul3A_493 = arith.muli %mul3A_492, %select_n3A_491 : i32
    %add3A_494 = arith.constant 1 : i32
    %add3A_495 = arith.addi %mul3A_493, %add3A_494 : i32
    %swap3A_496 = arith.constant 37 : i32
    %swap3A_497 = arith.index_cast %swap3A_496 : i32 to index
    %swap3A_498 = memref.load %arg8[%swap3A_497] : memref<128xi32, #tpu.memory_space<smem>>
    memref.store %add3A_495, %arg8[%swap3A_497] : memref<128xi32, #tpu.memory_space<smem>>
    %slice3A_499 = vector.extract_strided_slice %get3A_420 {offsets = [6], sizes = [1], strides = [1]} : vector<16xi32> to vector<1xi32>
    %squeeze3A_500 = vector.extract %slice3A_499[0] : i32 from vector<1xi32>
    %lt3A_501 = arith.constant 0 : i32
    %lt3A_502 = arith.cmpi slt, %squeeze3A_500, %lt3A_501 : i32
    %jit3A_503 = arith.constant 32 : i32
    %select_n3A_504 = arith.select %lt3A_502, %jit3A_503, %squeeze3A_500 : i32
    %mul3A_505 = arith.constant 8 : i32
    %mul3A_506 = arith.muli %mul3A_505, %select_n3A_504 : i32
    %add3A_507 = arith.constant 2 : i32
    %add3A_508 = arith.addi %mul3A_506, %add3A_507 : i32
    %swap3A_509 = arith.constant 38 : i32
    %swap3A_510 = arith.index_cast %swap3A_509 : i32 to index
    %swap3A_511 = memref.load %arg8[%swap3A_510] : memref<128xi32, #tpu.memory_space<smem>>
    memref.store %add3A_508, %arg8[%swap3A_510] : memref<128xi32, #tpu.memory_space<smem>>
    %slice3A_512 = vector.extract_strided_slice %get3A_420 {offsets = [7], sizes = [1], strides = [1]} : vector<16xi32> to vector<1xi32>
    %squeeze3A_513 = vector.extract %slice3A_512[0] : i32 from vector<1xi32>
    %lt3A_514 = arith.constant 0 : i32
    %lt3A_515 = arith.cmpi slt, %squeeze3A_513, %lt3A_514 : i32
    %jit3A_516 = arith.constant 32 : i32
    %select_n3A_517 = arith.select %lt3A_515, %jit3A_516, %squeeze3A_513 : i32
    %mul3A_518 = arith.constant 8 : i32
    %mul3A_519 = arith.muli %mul3A_518, %select_n3A_517 : i32
    %add3A_520 = arith.constant 3 : i32
    %add3A_521 = arith.addi %mul3A_519, %add3A_520 : i32
    %swap3A_522 = arith.constant 39 : i32
    %swap3A_523 = arith.index_cast %swap3A_522 : i32 to index
    %swap3A_524 = memref.load %arg8[%swap3A_523] : memref<128xi32, #tpu.memory_space<smem>>
    memref.store %add3A_521, %arg8[%swap3A_523] : memref<128xi32, #tpu.memory_space<smem>>
    %slice3A_525 = vector.extract_strided_slice %get3A_420 {offsets = [8], sizes = [1], strides = [1]} : vector<16xi32> to vector<1xi32>
    %squeeze3A_526 = vector.extract %slice3A_525[0] : i32 from vector<1xi32>
    %lt3A_527 = arith.constant 0 : i32
    %lt3A_528 = arith.cmpi slt, %squeeze3A_526, %lt3A_527 : i32
    %jit3A_529 = arith.constant 32 : i32
    %select_n3A_530 = arith.select %lt3A_528, %jit3A_529, %squeeze3A_526 : i32
    %mul3A_531 = arith.constant 8 : i32
    %mul3A_532 = arith.muli %mul3A_531, %select_n3A_530 : i32
    %add3A_533 = arith.constant 0 : i32
    %add3A_534 = arith.addi %mul3A_532, %add3A_533 : i32
    %swap3A_535 = arith.constant 40 : i32
    %swap3A_536 = arith.index_cast %swap3A_535 : i32 to index
    %swap3A_537 = memref.load %arg8[%swap3A_536] : memref<128xi32, #tpu.memory_space<smem>>
    memref.store %add3A_534, %arg8[%swap3A_536] : memref<128xi32, #tpu.memory_space<smem>>
    %slice3A_538 = vector.extract_strided_slice %get3A_420 {offsets = [9], sizes = [1], strides = [1]} : vector<16xi32> to vector<1xi32>
    %squeeze3A_539 = vector.extract %slice3A_538[0] : i32 from vector<1xi32>
    %lt3A_540 = arith.constant 0 : i32
    %lt3A_541 = arith.cmpi slt, %squeeze3A_539, %lt3A_540 : i32
    %jit3A_542 = arith.constant 32 : i32
    %select_n3A_543 = arith.select %lt3A_541, %jit3A_542, %squeeze3A_539 : i32
    %mul3A_544 = arith.constant 8 : i32
    %mul3A_545 = arith.muli %mul3A_544, %select_n3A_543 : i32
    %add3A_546 = arith.constant 1 : i32
    %add3A_547 = arith.addi %mul3A_545, %add3A_546 : i32
    %swap3A_548 = arith.constant 41 : i32
    %swap3A_549 = arith.index_cast %swap3A_548 : i32 to index
    %swap3A_550 = memref.load %arg8[%swap3A_549] : memref<128xi32, #tpu.memory_space<smem>>
    memref.store %add3A_547, %arg8[%swap3A_549] : memref<128xi32, #tpu.memory_space<smem>>
    %slice3A_551 = vector.extract_strided_slice %get3A_420 {offsets = [10], sizes = [1], strides = [1]} : vector<16xi32> to vector<1xi32>
    %squeeze3A_552 = vector.extract %slice3A_551[0] : i32 from vector<1xi32>
    %lt3A_553 = arith.constant 0 : i32
    %lt3A_554 = arith.cmpi slt, %squeeze3A_552, %lt3A_553 : i32
    %jit3A_555 = arith.constant 32 : i32
    %select_n3A_556 = arith.select %lt3A_554, %jit3A_555, %squeeze3A_552 : i32
    %mul3A_557 = arith.constant 8 : i32
    %mul3A_558 = arith.muli %mul3A_557, %select_n3A_556 : i32
    %add3A_559 = arith.constant 2 : i32
    %add3A_560 = arith.addi %mul3A_558, %add3A_559 : i32
    %swap3A_561 = arith.constant 42 : i32
    %swap3A_562 = arith.index_cast %swap3A_561 : i32 to index
    %swap3A_563 = memref.load %arg8[%swap3A_562] : memref<128xi32, #tpu.memory_space<smem>>
    memref.store %add3A_560, %arg8[%swap3A_562] : memref<128xi32, #tpu.memory_space<smem>>
    %slice3A_564 = vector.extract_strided_slice %get3A_420 {offsets = [11], sizes = [1], strides = [1]} : vector<16xi32> to vector<1xi32>
    %squeeze3A_565 = vector.extract %slice3A_564[0] : i32 from vector<1xi32>
    %lt3A_566 = arith.constant 0 : i32
    %lt3A_567 = arith.cmpi slt, %squeeze3A_565, %lt3A_566 : i32
    %jit3A_568 = arith.constant 32 : i32
    %select_n3A_569 = arith.select %lt3A_567, %jit3A_568, %squeeze3A_565 : i32
    %mul3A_570 = arith.constant 8 : i32
    %mul3A_571 = arith.muli %mul3A_570, %select_n3A_569 : i32
    %add3A_572 = arith.constant 3 : i32
    %add3A_573 = arith.addi %mul3A_571, %add3A_572 : i32
    %swap3A_574 = arith.constant 43 : i32
    %swap3A_575 = arith.index_cast %swap3A_574 : i32 to index
    %swap3A_576 = memref.load %arg8[%swap3A_575] : memref<128xi32, #tpu.memory_space<smem>>
    memref.store %add3A_573, %arg8[%swap3A_575] : memref<128xi32, #tpu.memory_space<smem>>
    %slice3A_577 = vector.extract_strided_slice %get3A_420 {offsets = [12], sizes = [1], strides = [1]} : vector<16xi32> to vector<1xi32>
    %squeeze3A_578 = vector.extract %slice3A_577[0] : i32 from vector<1xi32>
    %lt3A_579 = arith.constant 0 : i32
    %lt3A_580 = arith.cmpi slt, %squeeze3A_578, %lt3A_579 : i32
    %jit3A_581 = arith.constant 32 : i32
    %select_n3A_582 = arith.select %lt3A_580, %jit3A_581, %squeeze3A_578 : i32
    %mul3A_583 = arith.constant 8 : i32
    %mul3A_584 = arith.muli %mul3A_583, %select_n3A_582 : i32
    %add3A_585 = arith.constant 0 : i32
    %add3A_586 = arith.addi %mul3A_584, %add3A_585 : i32
    %swap3A_587 = arith.constant 44 : i32
    %swap3A_588 = arith.index_cast %swap3A_587 : i32 to index
    %swap3A_589 = memref.load %arg8[%swap3A_588] : memref<128xi32, #tpu.memory_space<smem>>
    memref.store %add3A_586, %arg8[%swap3A_588] : memref<128xi32, #tpu.memory_space<smem>>
    %slice3A_590 = vector.extract_strided_slice %get3A_420 {offsets = [13], sizes = [1], strides = [1]} : vector<16xi32> to vector<1xi32>
    %squeeze3A_591 = vector.extract %slice3A_590[0] : i32 from vector<1xi32>
    %lt3A_592 = arith.constant 0 : i32
    %lt3A_593 = arith.cmpi slt, %squeeze3A_591, %lt3A_592 : i32
    %jit3A_594 = arith.constant 32 : i32
    %select_n3A_595 = arith.select %lt3A_593, %jit3A_594, %squeeze3A_591 : i32
    %mul3A_596 = arith.constant 8 : i32
    %mul3A_597 = arith.muli %mul3A_596, %select_n3A_595 : i32
    %add3A_598 = arith.constant 1 : i32
    %add3A_599 = arith.addi %mul3A_597, %add3A_598 : i32
    %swap3A_600 = arith.constant 45 : i32
    %swap3A_601 = arith.index_cast %swap3A_600 : i32 to index
    %swap3A_602 = memref.load %arg8[%swap3A_601] : memref<128xi32, #tpu.memory_space<smem>>
    memref.store %add3A_599, %arg8[%swap3A_601] : memref<128xi32, #tpu.memory_space<smem>>
    %slice3A_603 = vector.extract_strided_slice %get3A_420 {offsets = [14], sizes = [1], strides = [1]} : vector<16xi32> to vector<1xi32>
    %squeeze3A_604 = vector.extract %slice3A_603[0] : i32 from vector<1xi32>
    %lt3A_605 = arith.constant 0 : i32
    %lt3A_606 = arith.cmpi slt, %squeeze3A_604, %lt3A_605 : i32
    %jit3A_607 = arith.constant 32 : i32
    %select_n3A_608 = arith.select %lt3A_606, %jit3A_607, %squeeze3A_604 : i32
    %mul3A_609 = arith.constant 8 : i32
    %mul3A_610 = arith.muli %mul3A_609, %select_n3A_608 : i32
    %add3A_611 = arith.constant 2 : i32
    %add3A_612 = arith.addi %mul3A_610, %add3A_611 : i32
    %swap3A_613 = arith.constant 46 : i32
    %swap3A_614 = arith.index_cast %swap3A_613 : i32 to index
    %swap3A_615 = memref.load %arg8[%swap3A_614] : memref<128xi32, #tpu.memory_space<smem>>
    memref.store %add3A_612, %arg8[%swap3A_614] : memref<128xi32, #tpu.memory_space<smem>>
    %slice3A_616 = vector.extract_strided_slice %get3A_420 {offsets = [15], sizes = [1], strides = [1]} : vector<16xi32> to vector<1xi32>
    %squeeze3A_617 = vector.extract %slice3A_616[0] : i32 from vector<1xi32>
    %lt3A_618 = arith.constant 0 : i32
    %lt3A_619 = arith.cmpi slt, %squeeze3A_617, %lt3A_618 : i32
    %jit3A_620 = arith.constant 32 : i32
    %select_n3A_621 = arith.select %lt3A_619, %jit3A_620, %squeeze3A_617 : i32
    %mul3A_622 = arith.constant 8 : i32
    %mul3A_623 = arith.muli %mul3A_622, %select_n3A_621 : i32
    %add3A_624 = arith.constant 3 : i32
    %add3A_625 = arith.addi %mul3A_623, %add3A_624 : i32
    %swap3A_626 = arith.constant 47 : i32
    %swap3A_627 = arith.index_cast %swap3A_626 : i32 to index
    %swap3A_628 = memref.load %arg8[%swap3A_627] : memref<128xi32, #tpu.memory_space<smem>>
    memref.store %add3A_625, %arg8[%swap3A_627] : memref<128xi32, #tpu.memory_space<smem>>
    %get3A_629 = arith.constant 48 : index
    %get3A_630 = tpu.vector_load %arg7[%get3A_629] {strides = array<i32>} : memref<128xi32, #tpu.memory_space<vmem>>, vector<16xi32>,
    %get3A_631 = vector.shape_cast %get3A_630 : vector<16xi32> to vector<16xi32>
    %slice3A_632 = vector.extract_strided_slice %get3A_631 {offsets = [0], sizes = [1], strides = [1]} : vector<16xi32> to vector<1xi32>
    %squeeze3A_633 = vector.extract %slice3A_632[0] : i32 from vector<1xi32>
    %lt3A_634 = arith.constant 0 : i32
    %lt3A_635 = arith.cmpi slt, %squeeze3A_633, %lt3A_634 : i32
    %jit3A_636 = arith.constant 32 : i32
    %select_n3A_637 = arith.select %lt3A_635, %jit3A_636, %squeeze3A_633 : i32
    %mul3A_638 = arith.constant 8 : i32
    %mul3A_639 = arith.muli %mul3A_638, %select_n3A_637 : i32
    %add3A_640 = arith.constant 0 : i32
    %add3A_641 = arith.addi %mul3A_639, %add3A_640 : i32
    %swap3A_642 = arith.constant 48 : i32
    %swap3A_643 = arith.index_cast %swap3A_642 : i32 to index
    %swap3A_644 = memref.load %arg8[%swap3A_643] : memref<128xi32, #tpu.memory_space<smem>>
    memref.store %add3A_641, %arg8[%swap3A_643] : memref<128xi32, #tpu.memory_space<smem>>
    %slice3A_645 = vector.extract_strided_slice %get3A_631 {offsets = [1], sizes = [1], strides = [1]} : vector<16xi32> to vector<1xi32>
    %squeeze3A_646 = vector.extract %slice3A_645[0] : i32 from vector<1xi32>
    %lt3A_647 = arith.constant 0 : i32
    %lt3A_648 = arith.cmpi slt, %squeeze3A_646, %lt3A_647 : i32
    %jit3A_649 = arith.constant 32 : i32
    %select_n3A_650 = arith.select %lt3A_648, %jit3A_649, %squeeze3A_646 : i32
    %mul3A_651 = arith.constant 8 : i32
    %mul3A_652 = arith.muli %mul3A_651, %select_n3A_650 : i32
    %add3A_653 = arith.constant 1 : i32
    %add3A_654 = arith.addi %mul3A_652, %add3A_653 : i32
    %swap3A_655 = arith.constant 49 : i32
    %swap3A_656 = arith.index_cast %swap3A_655 : i32 to index
    %swap3A_657 = memref.load %arg8[%swap3A_656] : memref<128xi32, #tpu.memory_space<smem>>
    memref.store %add3A_654, %arg8[%swap3A_656] : memref<128xi32, #tpu.memory_space<smem>>
    %slice3A_658 = vector.extract_strided_slice %get3A_631 {offsets = [2], sizes = [1], strides = [1]} : vector<16xi32> to vector<1xi32>
    %squeeze3A_659 = vector.extract %slice3A_658[0] : i32 from vector<1xi32>
    %lt3A_660 = arith.constant 0 : i32
    %lt3A_661 = arith.cmpi slt, %squeeze3A_659, %lt3A_660 : i32
    %jit3A_662 = arith.constant 32 : i32
    %select_n3A_663 = arith.select %lt3A_661, %jit3A_662, %squeeze3A_659 : i32
    %mul3A_664 = arith.constant 8 : i32
    %mul3A_665 = arith.muli %mul3A_664, %select_n3A_663 : i32
    %add3A_666 = arith.constant 2 : i32
    %add3A_667 = arith.addi %mul3A_665, %add3A_666 : i32
    %swap3A_668 = arith.constant 50 : i32
    %swap3A_669 = arith.index_cast %swap3A_668 : i32 to index
    %swap3A_670 = memref.load %arg8[%swap3A_669] : memref<128xi32, #tpu.memory_space<smem>>
    memref.store %add3A_667, %arg8[%swap3A_669] : memref<128xi32, #tpu.memory_space<smem>>
    %slice3A_671 = vector.extract_strided_slice %get3A_631 {offsets = [3], sizes = [1], strides = [1]} : vector<16xi32> to vector<1xi32>
    %squeeze3A_672 = vector.extract %slice3A_671[0] : i32 from vector<1xi32>
    %lt3A_673 = arith.constant 0 : i32
    %lt3A_674 = arith.cmpi slt, %squeeze3A_672, %lt3A_673 : i32
    %jit3A_675 = arith.constant 32 : i32
    %select_n3A_676 = arith.select %lt3A_674, %jit3A_675, %squeeze3A_672 : i32
    %mul3A_677 = arith.constant 8 : i32
    %mul3A_678 = arith.muli %mul3A_677, %select_n3A_676 : i32
    %add3A_679 = arith.constant 3 : i32
    %add3A_680 = arith.addi %mul3A_678, %add3A_679 : i32
    %swap3A_681 = arith.constant 51 : i32
    %swap3A_682 = arith.index_cast %swap3A_681 : i32 to index
    %swap3A_683 = memref.load %arg8[%swap3A_682] : memref<128xi32, #tpu.memory_space<smem>>
    memref.store %add3A_680, %arg8[%swap3A_682] : memref<128xi32, #tpu.memory_space<smem>>
    %slice3A_684 = vector.extract_strided_slice %get3A_631 {offsets = [4], sizes = [1], strides = [1]} : vector<16xi32> to vector<1xi32>
    %squeeze3A_685 = vector.extract %slice3A_684[0] : i32 from vector<1xi32>
    %lt3A_686 = arith.constant 0 : i32
    %lt3A_687 = arith.cmpi slt, %squeeze3A_685, %lt3A_686 : i32
    %jit3A_688 = arith.constant 32 : i32
    %select_n3A_689 = arith.select %lt3A_687, %jit3A_688, %squeeze3A_685 : i32
    %mul3A_690 = arith.constant 8 : i32
    %mul3A_691 = arith.muli %mul3A_690, %select_n3A_689 : i32
    %add3A_692 = arith.constant 0 : i32
    %add3A_693 = arith.addi %mul3A_691, %add3A_692 : i32
    %swap3A_694 = arith.constant 52 : i32
    %swap3A_695 = arith.index_cast %swap3A_694 : i32 to index
    %swap3A_696 = memref.load %arg8[%swap3A_695] : memref<128xi32, #tpu.memory_space<smem>>
    memref.store %add3A_693, %arg8[%swap3A_695] : memref<128xi32, #tpu.memory_space<smem>>
    %slice3A_697 = vector.extract_strided_slice %get3A_631 {offsets = [5], sizes = [1], strides = [1]} : vector<16xi32> to vector<1xi32>
    %squeeze3A_698 = vector.extract %slice3A_697[0] : i32 from vector<1xi32>
    %lt3A_699 = arith.constant 0 : i32
    %lt3A_700 = arith.cmpi slt, %squeeze3A_698, %lt3A_699 : i32
    %jit3A_701 = arith.constant 32 : i32
    %select_n3A_702 = arith.select %lt3A_700, %jit3A_701, %squeeze3A_698 : i32
    %mul3A_703 = arith.constant 8 : i32
    %mul3A_704 = arith.muli %mul3A_703, %select_n3A_702 : i32
    %add3A_705 = arith.constant 1 : i32
    %add3A_706 = arith.addi %mul3A_704, %add3A_705 : i32
    %swap3A_707 = arith.constant 53 : i32
    %swap3A_708 = arith.index_cast %swap3A_707 : i32 to index
    %swap3A_709 = memref.load %arg8[%swap3A_708] : memref<128xi32, #tpu.memory_space<smem>>
    memref.store %add3A_706, %arg8[%swap3A_708] : memref<128xi32, #tpu.memory_space<smem>>
    %slice3A_710 = vector.extract_strided_slice %get3A_631 {offsets = [6], sizes = [1], strides = [1]} : vector<16xi32> to vector<1xi32>
    %squeeze3A_711 = vector.extract %slice3A_710[0] : i32 from vector<1xi32>
    %lt3A_712 = arith.constant 0 : i32
    %lt3A_713 = arith.cmpi slt, %squeeze3A_711, %lt3A_712 : i32
    %jit3A_714 = arith.constant 32 : i32
    %select_n3A_715 = arith.select %lt3A_713, %jit3A_714, %squeeze3A_711 : i32
    %mul3A_716 = arith.constant 8 : i32
    %mul3A_717 = arith.muli %mul3A_716, %select_n3A_715 : i32
    %add3A_718 = arith.constant 2 : i32
    %add3A_719 = arith.addi %mul3A_717, %add3A_718 : i32
    %swap3A_720 = arith.constant 54 : i32
    %swap3A_721 = arith.index_cast %swap3A_720 : i32 to index
    %swap3A_722 = memref.load %arg8[%swap3A_721] : memref<128xi32, #tpu.memory_space<smem>>
    memref.store %add3A_719, %arg8[%swap3A_721] : memref<128xi32, #tpu.memory_space<smem>>
    %slice3A_723 = vector.extract_strided_slice %get3A_631 {offsets = [7], sizes = [1], strides = [1]} : vector<16xi32> to vector<1xi32>
    %squeeze3A_724 = vector.extract %slice3A_723[0] : i32 from vector<1xi32>
    %lt3A_725 = arith.constant 0 : i32
    %lt3A_726 = arith.cmpi slt, %squeeze3A_724, %lt3A_725 : i32
    %jit3A_727 = arith.constant 32 : i32
    %select_n3A_728 = arith.select %lt3A_726, %jit3A_727, %squeeze3A_724 : i32
    %mul3A_729 = arith.constant 8 : i32
    %mul3A_730 = arith.muli %mul3A_729, %select_n3A_728 : i32
    %add3A_731 = arith.constant 3 : i32
    %add3A_732 = arith.addi %mul3A_730, %add3A_731 : i32
    %swap3A_733 = arith.constant 55 : i32
    %swap3A_734 = arith.index_cast %swap3A_733 : i32 to index
    %swap3A_735 = memref.load %arg8[%swap3A_734] : memref<128xi32, #tpu.memory_space<smem>>
    memref.store %add3A_732, %arg8[%swap3A_734] : memref<128xi32, #tpu.memory_space<smem>>
    %slice3A_736 = vector.extract_strided_slice %get3A_631 {offsets = [8], sizes = [1], strides = [1]} : vector<16xi32> to vector<1xi32>
    %squeeze3A_737 = vector.extract %slice3A_736[0] : i32 from vector<1xi32>
    %lt3A_738 = arith.constant 0 : i32
    %lt3A_739 = arith.cmpi slt, %squeeze3A_737, %lt3A_738 : i32
    %jit3A_740 = arith.constant 32 : i32
    %select_n3A_741 = arith.select %lt3A_739, %jit3A_740, %squeeze3A_737 : i32
    %mul3A_742 = arith.constant 8 : i32
    %mul3A_743 = arith.muli %mul3A_742, %select_n3A_741 : i32
    %add3A_744 = arith.constant 0 : i32
    %add3A_745 = arith.addi %mul3A_743, %add3A_744 : i32
    %swap3A_746 = arith.constant 56 : i32
    %swap3A_747 = arith.index_cast %swap3A_746 : i32 to index
    %swap3A_748 = memref.load %arg8[%swap3A_747] : memref<128xi32, #tpu.memory_space<smem>>
    memref.store %add3A_745, %arg8[%swap3A_747] : memref<128xi32, #tpu.memory_space<smem>>
    %slice3A_749 = vector.extract_strided_slice %get3A_631 {offsets = [9], sizes = [1], strides = [1]} : vector<16xi32> to vector<1xi32>
    %squeeze3A_750 = vector.extract %slice3A_749[0] : i32 from vector<1xi32>
    %lt3A_751 = arith.constant 0 : i32
    %lt3A_752 = arith.cmpi slt, %squeeze3A_750, %lt3A_751 : i32
    %jit3A_753 = arith.constant 32 : i32
    %select_n3A_754 = arith.select %lt3A_752, %jit3A_753, %squeeze3A_750 : i32
    %mul3A_755 = arith.constant 8 : i32
    %mul3A_756 = arith.muli %mul3A_755, %select_n3A_754 : i32
    %add3A_757 = arith.constant 1 : i32
    %add3A_758 = arith.addi %mul3A_756, %add3A_757 : i32
    %swap3A_759 = arith.constant 57 : i32
    %swap3A_760 = arith.index_cast %swap3A_759 : i32 to index
    %swap3A_761 = memref.load %arg8[%swap3A_760] : memref<128xi32, #tpu.memory_space<smem>>
    memref.store %add3A_758, %arg8[%swap3A_760] : memref<128xi32, #tpu.memory_space<smem>>
    %slice3A_762 = vector.extract_strided_slice %get3A_631 {offsets = [10], sizes = [1], strides = [1]} : vector<16xi32> to vector<1xi32>
    %squeeze3A_763 = vector.extract %slice3A_762[0] : i32 from vector<1xi32>
    %lt3A_764 = arith.constant 0 : i32
    %lt3A_765 = arith.cmpi slt, %squeeze3A_763, %lt3A_764 : i32
    %jit3A_766 = arith.constant 32 : i32
    %select_n3A_767 = arith.select %lt3A_765, %jit3A_766, %squeeze3A_763 : i32
    %mul3A_768 = arith.constant 8 : i32
    %mul3A_769 = arith.muli %mul3A_768, %select_n3A_767 : i32
    %add3A_770 = arith.constant 2 : i32
    %add3A_771 = arith.addi %mul3A_769, %add3A_770 : i32
    %swap3A_772 = arith.constant 58 : i32
    %swap3A_773 = arith.index_cast %swap3A_772 : i32 to index
    %swap3A_774 = memref.load %arg8[%swap3A_773] : memref<128xi32, #tpu.memory_space<smem>>
    memref.store %add3A_771, %arg8[%swap3A_773] : memref<128xi32, #tpu.memory_space<smem>>
    %slice3A_775 = vector.extract_strided_slice %get3A_631 {offsets = [11], sizes = [1], strides = [1]} : vector<16xi32> to vector<1xi32>
    %squeeze3A_776 = vector.extract %slice3A_775[0] : i32 from vector<1xi32>
    %lt3A_777 = arith.constant 0 : i32
    %lt3A_778 = arith.cmpi slt, %squeeze3A_776, %lt3A_777 : i32
    %jit3A_779 = arith.constant 32 : i32
    %select_n3A_780 = arith.select %lt3A_778, %jit3A_779, %squeeze3A_776 : i32
    %mul3A_781 = arith.constant 8 : i32
    %mul3A_782 = arith.muli %mul3A_781, %select_n3A_780 : i32
    %add3A_783 = arith.constant 3 : i32
    %add3A_784 = arith.addi %mul3A_782, %add3A_783 : i32
    %swap3A_785 = arith.constant 59 : i32
    %swap3A_786 = arith.index_cast %swap3A_785 : i32 to index
    %swap3A_787 = memref.load %arg8[%swap3A_786] : memref<128xi32, #tpu.memory_space<smem>>
    memref.store %add3A_784, %arg8[%swap3A_786] : memref<128xi32, #tpu.memory_space<smem>>
    %slice3A_788 = vector.extract_strided_slice %get3A_631 {offsets = [12], sizes = [1], strides = [1]} : vector<16xi32> to vector<1xi32>
    %squeeze3A_789 = vector.extract %slice3A_788[0] : i32 from vector<1xi32>
    %lt3A_790 = arith.constant 0 : i32
    %lt3A_791 = arith.cmpi slt, %squeeze3A_789, %lt3A_790 : i32
    %jit3A_792 = arith.constant 32 : i32
    %select_n3A_793 = arith.select %lt3A_791, %jit3A_792, %squeeze3A_789 : i32
    %mul3A_794 = arith.constant 8 : i32
    %mul3A_795 = arith.muli %mul3A_794, %select_n3A_793 : i32
    %add3A_796 = arith.constant 0 : i32
    %add3A_797 = arith.addi %mul3A_795, %add3A_796 : i32
    %swap3A_798 = arith.constant 60 : i32
    %swap3A_799 = arith.index_cast %swap3A_798 : i32 to index
    %swap3A_800 = memref.load %arg8[%swap3A_799] : memref<128xi32, #tpu.memory_space<smem>>
    memref.store %add3A_797, %arg8[%swap3A_799] : memref<128xi32, #tpu.memory_space<smem>>
    %slice3A_801 = vector.extract_strided_slice %get3A_631 {offsets = [13], sizes = [1], strides = [1]} : vector<16xi32> to vector<1xi32>
    %squeeze3A_802 = vector.extract %slice3A_801[0] : i32 from vector<1xi32>
    %lt3A_803 = arith.constant 0 : i32
    %lt3A_804 = arith.cmpi slt, %squeeze3A_802, %lt3A_803 : i32
    %jit3A_805 = arith.constant 32 : i32
    %select_n3A_806 = arith.select %lt3A_804, %jit3A_805, %squeeze3A_802 : i32
    %mul3A_807 = arith.constant 8 : i32
    %mul3A_808 = arith.muli %mul3A_807, %select_n3A_806 : i32
    %add3A_809 = arith.constant 1 : i32
    %add3A_810 = arith.addi %mul3A_808, %add3A_809 : i32
    %swap3A_811 = arith.constant 61 : i32
    %swap3A_812 = arith.index_cast %swap3A_811 : i32 to index
    %swap3A_813 = memref.load %arg8[%swap3A_812] : memref<128xi32, #tpu.memory_space<smem>>
    memref.store %add3A_810, %arg8[%swap3A_812] : memref<128xi32, #tpu.memory_space<smem>>
    %slice3A_814 = vector.extract_strided_slice %get3A_631 {offsets = [14], sizes = [1], strides = [1]} : vector<16xi32> to vector<1xi32>
    %squeeze3A_815 = vector.extract %slice3A_814[0] : i32 from vector<1xi32>
    %lt3A_816 = arith.constant 0 : i32
    %lt3A_817 = arith.cmpi slt, %squeeze3A_815, %lt3A_816 : i32
    %jit3A_818 = arith.constant 32 : i32
    %select_n3A_819 = arith.select %lt3A_817, %jit3A_818, %squeeze3A_815 : i32
    %mul3A_820 = arith.constant 8 : i32
    %mul3A_821 = arith.muli %mul3A_820, %select_n3A_819 : i32
    %add3A_822 = arith.constant 2 : i32
    %add3A_823 = arith.addi %mul3A_821, %add3A_822 : i32
    %swap3A_824 = arith.constant 62 : i32
    %swap3A_825 = arith.index_cast %swap3A_824 : i32 to index
    %swap3A_826 = memref.load %arg8[%swap3A_825] : memref<128xi32, #tpu.memory_space<smem>>
    memref.store %add3A_823, %arg8[%swap3A_825] : memref<128xi32, #tpu.memory_space<smem>>
    %slice3A_827 = vector.extract_strided_slice %get3A_631 {offsets = [15], sizes = [1], strides = [1]} : vector<16xi32> to vector<1xi32>
    %squeeze3A_828 = vector.extract %slice3A_827[0] : i32 from vector<1xi32>
    %lt3A_829 = arith.constant 0 : i32
    %lt3A_830 = arith.cmpi slt, %squeeze3A_828, %lt3A_829 : i32
    %jit3A_831 = arith.constant 32 : i32
    %select_n3A_832 = arith.select %lt3A_830, %jit3A_831, %squeeze3A_828 : i32
    %mul3A_833 = arith.constant 8 : i32
    %mul3A_834 = arith.muli %mul3A_833, %select_n3A_832 : i32
    %add3A_835 = arith.constant 3 : i32
    %add3A_836 = arith.addi %mul3A_834, %add3A_835 : i32
    %swap3A_837 = arith.constant 63 : i32
    %swap3A_838 = arith.index_cast %swap3A_837 : i32 to index
    %swap3A_839 = memref.load %arg8[%swap3A_838] : memref<128xi32, #tpu.memory_space<smem>>
    memref.store %add3A_836, %arg8[%swap3A_838] : memref<128xi32, #tpu.memory_space<smem>>
    %get3A_840 = arith.constant 64 : index
    %get3A_841 = tpu.vector_load %arg7[%get3A_840] {strides = array<i32>} : memref<128xi32, #tpu.memory_space<vmem>>, vector<16xi32>,
    %get3A_842 = vector.shape_cast %get3A_841 : vector<16xi32> to vector<16xi32>
    %slice3A_843 = vector.extract_strided_slice %get3A_842 {offsets = [0], sizes = [1], strides = [1]} : vector<16xi32> to vector<1xi32>
    %squeeze3A_844 = vector.extract %slice3A_843[0] : i32 from vector<1xi32>
    %lt3A_845 = arith.constant 0 : i32
    %lt3A_846 = arith.cmpi slt, %squeeze3A_844, %lt3A_845 : i32
    %jit3A_847 = arith.constant 32 : i32
    %select_n3A_848 = arith.select %lt3A_846, %jit3A_847, %squeeze3A_844 : i32
    %mul3A_849 = arith.constant 8 : i32
    %mul3A_850 = arith.muli %mul3A_849, %select_n3A_848 : i32
    %add3A_851 = arith.constant 0 : i32
    %add3A_852 = arith.addi %mul3A_850, %add3A_851 : i32
    %swap3A_853 = arith.constant 64 : i32
    %swap3A_854 = arith.index_cast %swap3A_853 : i32 to index
    %swap3A_855 = memref.load %arg8[%swap3A_854] : memref<128xi32, #tpu.memory_space<smem>>
    memref.store %add3A_852, %arg8[%swap3A_854] : memref<128xi32, #tpu.memory_space<smem>>
    %slice3A_856 = vector.extract_strided_slice %get3A_842 {offsets = [1], sizes = [1], strides = [1]} : vector<16xi32> to vector<1xi32>
    %squeeze3A_857 = vector.extract %slice3A_856[0] : i32 from vector<1xi32>
    %lt3A_858 = arith.constant 0 : i32
    %lt3A_859 = arith.cmpi slt, %squeeze3A_857, %lt3A_858 : i32
    %jit3A_860 = arith.constant 32 : i32
    %select_n3A_861 = arith.select %lt3A_859, %jit3A_860, %squeeze3A_857 : i32
    %mul3A_862 = arith.constant 8 : i32
    %mul3A_863 = arith.muli %mul3A_862, %select_n3A_861 : i32
    %add3A_864 = arith.constant 1 : i32
    %add3A_865 = arith.addi %mul3A_863, %add3A_864 : i32
    %swap3A_866 = arith.constant 65 : i32
    %swap3A_867 = arith.index_cast %swap3A_866 : i32 to index
    %swap3A_868 = memref.load %arg8[%swap3A_867] : memref<128xi32, #tpu.memory_space<smem>>
    memref.store %add3A_865, %arg8[%swap3A_867] : memref<128xi32, #tpu.memory_space<smem>>
    %slice3A_869 = vector.extract_strided_slice %get3A_842 {offsets = [2], sizes = [1], strides = [1]} : vector<16xi32> to vector<1xi32>
    %squeeze3A_870 = vector.extract %slice3A_869[0] : i32 from vector<1xi32>
    %lt3A_871 = arith.constant 0 : i32
    %lt3A_872 = arith.cmpi slt, %squeeze3A_870, %lt3A_871 : i32
    %jit3A_873 = arith.constant 32 : i32
    %select_n3A_874 = arith.select %lt3A_872, %jit3A_873, %squeeze3A_870 : i32
    %mul3A_875 = arith.constant 8 : i32
    %mul3A_876 = arith.muli %mul3A_875, %select_n3A_874 : i32
    %add3A_877 = arith.constant 2 : i32
    %add3A_878 = arith.addi %mul3A_876, %add3A_877 : i32
    %swap3A_879 = arith.constant 66 : i32
    %swap3A_880 = arith.index_cast %swap3A_879 : i32 to index
    %swap3A_881 = memref.load %arg8[%swap3A_880] : memref<128xi32, #tpu.memory_space<smem>>
    memref.store %add3A_878, %arg8[%swap3A_880] : memref<128xi32, #tpu.memory_space<smem>>
    %slice3A_882 = vector.extract_strided_slice %get3A_842 {offsets = [3], sizes = [1], strides = [1]} : vector<16xi32> to vector<1xi32>
    %squeeze3A_883 = vector.extract %slice3A_882[0] : i32 from vector<1xi32>
    %lt3A_884 = arith.constant 0 : i32
    %lt3A_885 = arith.cmpi slt, %squeeze3A_883, %lt3A_884 : i32
    %jit3A_886 = arith.constant 32 : i32
    %select_n3A_887 = arith.select %lt3A_885, %jit3A_886, %squeeze3A_883 : i32
    %mul3A_888 = arith.constant 8 : i32
    %mul3A_889 = arith.muli %mul3A_888, %select_n3A_887 : i32
    %add3A_890 = arith.constant 3 : i32
    %add3A_891 = arith.addi %mul3A_889, %add3A_890 : i32
    %swap3A_892 = arith.constant 67 : i32
    %swap3A_893 = arith.index_cast %swap3A_892 : i32 to index
    %swap3A_894 = memref.load %arg8[%swap3A_893] : memref<128xi32, #tpu.memory_space<smem>>
    memref.store %add3A_891, %arg8[%swap3A_893] : memref<128xi32, #tpu.memory_space<smem>>
    %slice3A_895 = vector.extract_strided_slice %get3A_842 {offsets = [4], sizes = [1], strides = [1]} : vector<16xi32> to vector<1xi32>
    %squeeze3A_896 = vector.extract %slice3A_895[0] : i32 from vector<1xi32>
    %lt3A_897 = arith.constant 0 : i32
    %lt3A_898 = arith.cmpi slt, %squeeze3A_896, %lt3A_897 : i32
    %jit3A_899 = arith.constant 32 : i32
    %select_n3A_900 = arith.select %lt3A_898, %jit3A_899, %squeeze3A_896 : i32
    %mul3A_901 = arith.constant 8 : i32
    %mul3A_902 = arith.muli %mul3A_901, %select_n3A_900 : i32
    %add3A_903 = arith.constant 0 : i32
    %add3A_904 = arith.addi %mul3A_902, %add3A_903 : i32
    %swap3A_905 = arith.constant 68 : i32
    %swap3A_906 = arith.index_cast %swap3A_905 : i32 to index
    %swap3A_907 = memref.load %arg8[%swap3A_906] : memref<128xi32, #tpu.memory_space<smem>>
    memref.store %add3A_904, %arg8[%swap3A_906] : memref<128xi32, #tpu.memory_space<smem>>
    %slice3A_908 = vector.extract_strided_slice %get3A_842 {offsets = [5], sizes = [1], strides = [1]} : vector<16xi32> to vector<1xi32>
    %squeeze3A_909 = vector.extract %slice3A_908[0] : i32 from vector<1xi32>
    %lt3A_910 = arith.constant 0 : i32
    %lt3A_911 = arith.cmpi slt, %squeeze3A_909, %lt3A_910 : i32
    %jit3A_912 = arith.constant 32 : i32
    %select_n3A_913 = arith.select %lt3A_911, %jit3A_912, %squeeze3A_909 : i32
    %mul3A_914 = arith.constant 8 : i32
    %mul3A_915 = arith.muli %mul3A_914, %select_n3A_913 : i32
    %add3A_916 = arith.constant 1 : i32
    %add3A_917 = arith.addi %mul3A_915, %add3A_916 : i32
    %swap3A_918 = arith.constant 69 : i32
    %swap3A_919 = arith.index_cast %swap3A_918 : i32 to index
    %swap3A_920 = memref.load %arg8[%swap3A_919] : memref<128xi32, #tpu.memory_space<smem>>
    memref.store %add3A_917, %arg8[%swap3A_919] : memref<128xi32, #tpu.memory_space<smem>>
    %slice3A_921 = vector.extract_strided_slice %get3A_842 {offsets = [6], sizes = [1], strides = [1]} : vector<16xi32> to vector<1xi32>
    %squeeze3A_922 = vector.extract %slice3A_921[0] : i32 from vector<1xi32>
    %lt3A_923 = arith.constant 0 : i32
    %lt3A_924 = arith.cmpi slt, %squeeze3A_922, %lt3A_923 : i32
    %jit3A_925 = arith.constant 32 : i32
    %select_n3A_926 = arith.select %lt3A_924, %jit3A_925, %squeeze3A_922 : i32
    %mul3A_927 = arith.constant 8 : i32
    %mul3A_928 = arith.muli %mul3A_927, %select_n3A_926 : i32
    %add3A_929 = arith.constant 2 : i32
    %add3A_930 = arith.addi %mul3A_928, %add3A_929 : i32
    %swap3A_931 = arith.constant 70 : i32
    %swap3A_932 = arith.index_cast %swap3A_931 : i32 to index
    %swap3A_933 = memref.load %arg8[%swap3A_932] : memref<128xi32, #tpu.memory_space<smem>>
    memref.store %add3A_930, %arg8[%swap3A_932] : memref<128xi32, #tpu.memory_space<smem>>
    %slice3A_934 = vector.extract_strided_slice %get3A_842 {offsets = [7], sizes = [1], strides = [1]} : vector<16xi32> to vector<1xi32>
    %squeeze3A_935 = vector.extract %slice3A_934[0] : i32 from vector<1xi32>
    %lt3A_936 = arith.constant 0 : i32
    %lt3A_937 = arith.cmpi slt, %squeeze3A_935, %lt3A_936 : i32
    %jit3A_938 = arith.constant 32 : i32
    %select_n3A_939 = arith.select %lt3A_937, %jit3A_938, %squeeze3A_935 : i32
    %mul3A_940 = arith.constant 8 : i32
    %mul3A_941 = arith.muli %mul3A_940, %select_n3A_939 : i32
    %add3A_942 = arith.constant 3 : i32
    %add3A_943 = arith.addi %mul3A_941, %add3A_942 : i32
    %swap3A_944 = arith.constant 71 : i32
    %swap3A_945 = arith.index_cast %swap3A_944 : i32 to index
    %swap3A_946 = memref.load %arg8[%swap3A_945] : memref<128xi32, #tpu.memory_space<smem>>
    memref.store %add3A_943, %arg8[%swap3A_945] : memref<128xi32, #tpu.memory_space<smem>>
    %slice3A_947 = vector.extract_strided_slice %get3A_842 {offsets = [8], sizes = [1], strides = [1]} : vector<16xi32> to vector<1xi32>
    %squeeze3A_948 = vector.extract %slice3A_947[0] : i32 from vector<1xi32>
    %lt3A_949 = arith.constant 0 : i32
    %lt3A_950 = arith.cmpi slt, %squeeze3A_948, %lt3A_949 : i32
    %jit3A_951 = arith.constant 32 : i32
    %select_n3A_952 = arith.select %lt3A_950, %jit3A_951, %squeeze3A_948 : i32
    %mul3A_953 = arith.constant 8 : i32
    %mul3A_954 = arith.muli %mul3A_953, %select_n3A_952 : i32
    %add3A_955 = arith.constant 0 : i32
    %add3A_956 = arith.addi %mul3A_954, %add3A_955 : i32
    %swap3A_957 = arith.constant 72 : i32
    %swap3A_958 = arith.index_cast %swap3A_957 : i32 to index
    %swap3A_959 = memref.load %arg8[%swap3A_958] : memref<128xi32, #tpu.memory_space<smem>>
    memref.store %add3A_956, %arg8[%swap3A_958] : memref<128xi32, #tpu.memory_space<smem>>
    %slice3A_960 = vector.extract_strided_slice %get3A_842 {offsets = [9], sizes = [1], strides = [1]} : vector<16xi32> to vector<1xi32>
    %squeeze3A_961 = vector.extract %slice3A_960[0] : i32 from vector<1xi32>
    %lt3A_962 = arith.constant 0 : i32
    %lt3A_963 = arith.cmpi slt, %squeeze3A_961, %lt3A_962 : i32
    %jit3A_964 = arith.constant 32 : i32
    %select_n3A_965 = arith.select %lt3A_963, %jit3A_964, %squeeze3A_961 : i32
    %mul3A_966 = arith.constant 8 : i32
    %mul3A_967 = arith.muli %mul3A_966, %select_n3A_965 : i32
    %add3A_968 = arith.constant 1 : i32
    %add3A_969 = arith.addi %mul3A_967, %add3A_968 : i32
    %swap3A_970 = arith.constant 73 : i32
    %swap3A_971 = arith.index_cast %swap3A_970 : i32 to index
    %swap3A_972 = memref.load %arg8[%swap3A_971] : memref<128xi32, #tpu.memory_space<smem>>
    memref.store %add3A_969, %arg8[%swap3A_971] : memref<128xi32, #tpu.memory_space<smem>>
    %slice3A_973 = vector.extract_strided_slice %get3A_842 {offsets = [10], sizes = [1], strides = [1]} : vector<16xi32> to vector<1xi32>
    %squeeze3A_974 = vector.extract %slice3A_973[0] : i32 from vector<1xi32>
    %lt3A_975 = arith.constant 0 : i32
    %lt3A_976 = arith.cmpi slt, %squeeze3A_974, %lt3A_975 : i32
    %jit3A_977 = arith.constant 32 : i32
    %select_n3A_978 = arith.select %lt3A_976, %jit3A_977, %squeeze3A_974 : i32
    %mul3A_979 = arith.constant 8 : i32
    %mul3A_980 = arith.muli %mul3A_979, %select_n3A_978 : i32
    %add3A_981 = arith.constant 2 : i32
    %add3A_982 = arith.addi %mul3A_980, %add3A_981 : i32
    %swap3A_983 = arith.constant 74 : i32
    %swap3A_984 = arith.index_cast %swap3A_983 : i32 to index
    %swap3A_985 = memref.load %arg8[%swap3A_984] : memref<128xi32, #tpu.memory_space<smem>>
    memref.store %add3A_982, %arg8[%swap3A_984] : memref<128xi32, #tpu.memory_space<smem>>
    %slice3A_986 = vector.extract_strided_slice %get3A_842 {offsets = [11], sizes = [1], strides = [1]} : vector<16xi32> to vector<1xi32>
    %squeeze3A_987 = vector.extract %slice3A_986[0] : i32 from vector<1xi32>
    %lt3A_988 = arith.constant 0 : i32
    %lt3A_989 = arith.cmpi slt, %squeeze3A_987, %lt3A_988 : i32
    %jit3A_990 = arith.constant 32 : i32
    %select_n3A_991 = arith.select %lt3A_989, %jit3A_990, %squeeze3A_987 : i32
    %mul3A_992 = arith.constant 8 : i32
    %mul3A_993 = arith.muli %mul3A_992, %select_n3A_991 : i32
    %add3A_994 = arith.constant 3 : i32
    %add3A_995 = arith.addi %mul3A_993, %add3A_994 : i32
    %swap3A_996 = arith.constant 75 : i32
    %swap3A_997 = arith.index_cast %swap3A_996 : i32 to index
    %swap3A_998 = memref.load %arg8[%swap3A_997] : memref<128xi32, #tpu.memory_space<smem>>
    memref.store %add3A_995, %arg8[%swap3A_997] : memref<128xi32, #tpu.memory_space<smem>>
    %slice3A_999 = vector.extract_strided_slice %get3A_842 {offsets = [12], sizes = [1], strides = [1]} : vector<16xi32> to vector<1xi32>
    %squeeze3A_1000 = vector.extract %slice3A_999[0] : i32 from vector<1xi32>
    %lt3A_1001 = arith.constant 0 : i32
    %lt3A_1002 = arith.cmpi slt, %squeeze3A_1000, %lt3A_1001 : i32
    %jit3A_1003 = arith.constant 32 : i32
    %select_n3A_1004 = arith.select %lt3A_1002, %jit3A_1003, %squeeze3A_1000 : i32
    %mul3A_1005 = arith.constant 8 : i32
    %mul3A_1006 = arith.muli %mul3A_1005, %select_n3A_1004 : i32
    %add3A_1007 = arith.constant 0 : i32
    %add3A_1008 = arith.addi %mul3A_1006, %add3A_1007 : i32
    %swap3A_1009 = arith.constant 76 : i32
    %swap3A_1010 = arith.index_cast %swap3A_1009 : i32 to index
    %swap3A_1011 = memref.load %arg8[%swap3A_1010] : memref<128xi32, #tpu.memory_space<smem>>
    memref.store %add3A_1008, %arg8[%swap3A_1010] : memref<128xi32, #tpu.memory_space<smem>>
    %slice3A_1012 = vector.extract_strided_slice %get3A_842 {offsets = [13], sizes = [1], strides = [1]} : vector<16xi32> to vector<1xi32>
    %squeeze3A_1013 = vector.extract %slice3A_1012[0] : i32 from vector<1xi32>
    %lt3A_1014 = arith.constant 0 : i32
    %lt3A_1015 = arith.cmpi slt, %squeeze3A_1013, %lt3A_1014 : i32
    %jit3A_1016 = arith.constant 32 : i32
    %select_n3A_1017 = arith.select %lt3A_1015, %jit3A_1016, %squeeze3A_1013 : i32
    %mul3A_1018 = arith.constant 8 : i32
    %mul3A_1019 = arith.muli %mul3A_1018, %select_n3A_1017 : i32
    %add3A_1020 = arith.constant 1 : i32
    %add3A_1021 = arith.addi %mul3A_1019, %add3A_1020 : i32
    %swap3A_1022 = arith.constant 77 : i32
    %swap3A_1023 = arith.index_cast %swap3A_1022 : i32 to index
    %swap3A_1024 = memref.load %arg8[%swap3A_1023] : memref<128xi32, #tpu.memory_space<smem>>
    memref.store %add3A_1021, %arg8[%swap3A_1023] : memref<128xi32, #tpu.memory_space<smem>>
    %slice3A_1025 = vector.extract_strided_slice %get3A_842 {offsets = [14], sizes = [1], strides = [1]} : vector<16xi32> to vector<1xi32>
    %squeeze3A_1026 = vector.extract %slice3A_1025[0] : i32 from vector<1xi32>
    %lt3A_1027 = arith.constant 0 : i32
    %lt3A_1028 = arith.cmpi slt, %squeeze3A_1026, %lt3A_1027 : i32
    %jit3A_1029 = arith.constant 32 : i32
    %select_n3A_1030 = arith.select %lt3A_1028, %jit3A_1029, %squeeze3A_1026 : i32
    %mul3A_1031 = arith.constant 8 : i32
    %mul3A_1032 = arith.muli %mul3A_1031, %select_n3A_1030 : i32
    %add3A_1033 = arith.constant 2 : i32
    %add3A_1034 = arith.addi %mul3A_1032, %add3A_1033 : i32
    %swap3A_1035 = arith.constant 78 : i32
    %swap3A_1036 = arith.index_cast %swap3A_1035 : i32 to index
    %swap3A_1037 = memref.load %arg8[%swap3A_1036] : memref<128xi32, #tpu.memory_space<smem>>
    memref.store %add3A_1034, %arg8[%swap3A_1036] : memref<128xi32, #tpu.memory_space<smem>>
    %slice3A_1038 = vector.extract_strided_slice %get3A_842 {offsets = [15], sizes = [1], strides = [1]} : vector<16xi32> to vector<1xi32>
    %squeeze3A_1039 = vector.extract %slice3A_1038[0] : i32 from vector<1xi32>
    %lt3A_1040 = arith.constant 0 : i32
    %lt3A_1041 = arith.cmpi slt, %squeeze3A_1039, %lt3A_1040 : i32
    %jit3A_1042 = arith.constant 32 : i32
    %select_n3A_1043 = arith.select %lt3A_1041, %jit3A_1042, %squeeze3A_1039 : i32
    %mul3A_1044 = arith.constant 8 : i32
    %mul3A_1045 = arith.muli %mul3A_1044, %select_n3A_1043 : i32
    %add3A_1046 = arith.constant 3 : i32
    %add3A_1047 = arith.addi %mul3A_1045, %add3A_1046 : i32
    %swap3A_1048 = arith.constant 79 : i32
    %swap3A_1049 = arith.index_cast %swap3A_1048 : i32 to index
    %swap3A_1050 = memref.load %arg8[%swap3A_1049] : memref<128xi32, #tpu.memory_space<smem>>
    memref.store %add3A_1047, %arg8[%swap3A_1049] : memref<128xi32, #tpu.memory_space<smem>>
    %get3A_1051 = arith.constant 80 : index
    %get3A_1052 = tpu.vector_load %arg7[%get3A_1051] {strides = array<i32>} : memref<128xi32, #tpu.memory_space<vmem>>, vector<16xi32>,
    %get3A_1053 = vector.shape_cast %get3A_1052 : vector<16xi32> to vector<16xi32>
    %slice3A_1054 = vector.extract_strided_slice %get3A_1053 {offsets = [0], sizes = [1], strides = [1]} : vector<16xi32> to vector<1xi32>
    %squeeze3A_1055 = vector.extract %slice3A_1054[0] : i32 from vector<1xi32>
    %lt3A_1056 = arith.constant 0 : i32
    %lt3A_1057 = arith.cmpi slt, %squeeze3A_1055, %lt3A_1056 : i32
    %jit3A_1058 = arith.constant 32 : i32
    %select_n3A_1059 = arith.select %lt3A_1057, %jit3A_1058, %squeeze3A_1055 : i32
    %mul3A_1060 = arith.constant 8 : i32
    %mul3A_1061 = arith.muli %mul3A_1060, %select_n3A_1059 : i32
    %add3A_1062 = arith.constant 0 : i32
    %add3A_1063 = arith.addi %mul3A_1061, %add3A_1062 : i32
    %swap3A_1064 = arith.constant 80 : i32
    %swap3A_1065 = arith.index_cast %swap3A_1064 : i32 to index
    %swap3A_1066 = memref.load %arg8[%swap3A_1065] : memref<128xi32, #tpu.memory_space<smem>>
    memref.store %add3A_1063, %arg8[%swap3A_1065] : memref<128xi32, #tpu.memory_space<smem>>
    %slice3A_1067 = vector.extract_strided_slice %get3A_1053 {offsets = [1], sizes = [1], strides = [1]} : vector<16xi32> to vector<1xi32>
    %squeeze3A_1068 = vector.extract %slice3A_1067[0] : i32 from vector<1xi32>
    %lt3A_1069 = arith.constant 0 : i32
    %lt3A_1070 = arith.cmpi slt, %squeeze3A_1068, %lt3A_1069 : i32
    %jit3A_1071 = arith.constant 32 : i32
    %select_n3A_1072 = arith.select %lt3A_1070, %jit3A_1071, %squeeze3A_1068 : i32
    %mul3A_1073 = arith.constant 8 : i32
    %mul3A_1074 = arith.muli %mul3A_1073, %select_n3A_1072 : i32
    %add3A_1075 = arith.constant 1 : i32
    %add3A_1076 = arith.addi %mul3A_1074, %add3A_1075 : i32
    %swap3A_1077 = arith.constant 81 : i32
    %swap3A_1078 = arith.index_cast %swap3A_1077 : i32 to index
    %swap3A_1079 = memref.load %arg8[%swap3A_1078] : memref<128xi32, #tpu.memory_space<smem>>
    memref.store %add3A_1076, %arg8[%swap3A_1078] : memref<128xi32, #tpu.memory_space<smem>>
    %slice3A_1080 = vector.extract_strided_slice %get3A_1053 {offsets = [2], sizes = [1], strides = [1]} : vector<16xi32> to vector<1xi32>
    %squeeze3A_1081 = vector.extract %slice3A_1080[0] : i32 from vector<1xi32>
    %lt3A_1082 = arith.constant 0 : i32
    %lt3A_1083 = arith.cmpi slt, %squeeze3A_1081, %lt3A_1082 : i32
    %jit3A_1084 = arith.constant 32 : i32
    %select_n3A_1085 = arith.select %lt3A_1083, %jit3A_1084, %squeeze3A_1081 : i32
    %mul3A_1086 = arith.constant 8 : i32
    %mul3A_1087 = arith.muli %mul3A_1086, %select_n3A_1085 : i32
    %add3A_1088 = arith.constant 2 : i32
    %add3A_1089 = arith.addi %mul3A_1087, %add3A_1088 : i32
    %swap3A_1090 = arith.constant 82 : i32
    %swap3A_1091 = arith.index_cast %swap3A_1090 : i32 to index
    %swap3A_1092 = memref.load %arg8[%swap3A_1091] : memref<128xi32, #tpu.memory_space<smem>>
    memref.store %add3A_1089, %arg8[%swap3A_1091] : memref<128xi32, #tpu.memory_space<smem>>
    %slice3A_1093 = vector.extract_strided_slice %get3A_1053 {offsets = [3], sizes = [1], strides = [1]} : vector<16xi32> to vector<1xi32>
    %squeeze3A_1094 = vector.extract %slice3A_1093[0] : i32 from vector<1xi32>
    %lt3A_1095 = arith.constant 0 : i32
    %lt3A_1096 = arith.cmpi slt, %squeeze3A_1094, %lt3A_1095 : i32
    %jit3A_1097 = arith.constant 32 : i32
    %select_n3A_1098 = arith.select %lt3A_1096, %jit3A_1097, %squeeze3A_1094 : i32
    %mul3A_1099 = arith.constant 8 : i32
    %mul3A_1100 = arith.muli %mul3A_1099, %select_n3A_1098 : i32
    %add3A_1101 = arith.constant 3 : i32
    %add3A_1102 = arith.addi %mul3A_1100, %add3A_1101 : i32
    %swap3A_1103 = arith.constant 83 : i32
    %swap3A_1104 = arith.index_cast %swap3A_1103 : i32 to index
    %swap3A_1105 = memref.load %arg8[%swap3A_1104] : memref<128xi32, #tpu.memory_space<smem>>
    memref.store %add3A_1102, %arg8[%swap3A_1104] : memref<128xi32, #tpu.memory_space<smem>>
    %slice3A_1106 = vector.extract_strided_slice %get3A_1053 {offsets = [4], sizes = [1], strides = [1]} : vector<16xi32> to vector<1xi32>
    %squeeze3A_1107 = vector.extract %slice3A_1106[0] : i32 from vector<1xi32>
    %lt3A_1108 = arith.constant 0 : i32
    %lt3A_1109 = arith.cmpi slt, %squeeze3A_1107, %lt3A_1108 : i32
    %jit3A_1110 = arith.constant 32 : i32
    %select_n3A_1111 = arith.select %lt3A_1109, %jit3A_1110, %squeeze3A_1107 : i32
    %mul3A_1112 = arith.constant 8 : i32
    %mul3A_1113 = arith.muli %mul3A_1112, %select_n3A_1111 : i32
    %add3A_1114 = arith.constant 0 : i32
    %add3A_1115 = arith.addi %mul3A_1113, %add3A_1114 : i32
    %swap3A_1116 = arith.constant 84 : i32
    %swap3A_1117 = arith.index_cast %swap3A_1116 : i32 to index
    %swap3A_1118 = memref.load %arg8[%swap3A_1117] : memref<128xi32, #tpu.memory_space<smem>>
    memref.store %add3A_1115, %arg8[%swap3A_1117] : memref<128xi32, #tpu.memory_space<smem>>
    %slice3A_1119 = vector.extract_strided_slice %get3A_1053 {offsets = [5], sizes = [1], strides = [1]} : vector<16xi32> to vector<1xi32>
    %squeeze3A_1120 = vector.extract %slice3A_1119[0] : i32 from vector<1xi32>
    %lt3A_1121 = arith.constant 0 : i32
    %lt3A_1122 = arith.cmpi slt, %squeeze3A_1120, %lt3A_1121 : i32
    %jit3A_1123 = arith.constant 32 : i32
    %select_n3A_1124 = arith.select %lt3A_1122, %jit3A_1123, %squeeze3A_1120 : i32
    %mul3A_1125 = arith.constant 8 : i32
    %mul3A_1126 = arith.muli %mul3A_1125, %select_n3A_1124 : i32
    %add3A_1127 = arith.constant 1 : i32
    %add3A_1128 = arith.addi %mul3A_1126, %add3A_1127 : i32
    %swap3A_1129 = arith.constant 85 : i32
    %swap3A_1130 = arith.index_cast %swap3A_1129 : i32 to index
    %swap3A_1131 = memref.load %arg8[%swap3A_1130] : memref<128xi32, #tpu.memory_space<smem>>
    memref.store %add3A_1128, %arg8[%swap3A_1130] : memref<128xi32, #tpu.memory_space<smem>>
    %slice3A_1132 = vector.extract_strided_slice %get3A_1053 {offsets = [6], sizes = [1], strides = [1]} : vector<16xi32> to vector<1xi32>
    %squeeze3A_1133 = vector.extract %slice3A_1132[0] : i32 from vector<1xi32>
    %lt3A_1134 = arith.constant 0 : i32
    %lt3A_1135 = arith.cmpi slt, %squeeze3A_1133, %lt3A_1134 : i32
    %jit3A_1136 = arith.constant 32 : i32
    %select_n3A_1137 = arith.select %lt3A_1135, %jit3A_1136, %squeeze3A_1133 : i32
    %mul3A_1138 = arith.constant 8 : i32
    %mul3A_1139 = arith.muli %mul3A_1138, %select_n3A_1137 : i32
    %add3A_1140 = arith.constant 2 : i32
    %add3A_1141 = arith.addi %mul3A_1139, %add3A_1140 : i32
    %swap3A_1142 = arith.constant 86 : i32
    %swap3A_1143 = arith.index_cast %swap3A_1142 : i32 to index
    %swap3A_1144 = memref.load %arg8[%swap3A_1143] : memref<128xi32, #tpu.memory_space<smem>>
    memref.store %add3A_1141, %arg8[%swap3A_1143] : memref<128xi32, #tpu.memory_space<smem>>
    %slice3A_1145 = vector.extract_strided_slice %get3A_1053 {offsets = [7], sizes = [1], strides = [1]} : vector<16xi32> to vector<1xi32>
    %squeeze3A_1146 = vector.extract %slice3A_1145[0] : i32 from vector<1xi32>
    %lt3A_1147 = arith.constant 0 : i32
    %lt3A_1148 = arith.cmpi slt, %squeeze3A_1146, %lt3A_1147 : i32
    %jit3A_1149 = arith.constant 32 : i32
    %select_n3A_1150 = arith.select %lt3A_1148, %jit3A_1149, %squeeze3A_1146 : i32
    %mul3A_1151 = arith.constant 8 : i32
    %mul3A_1152 = arith.muli %mul3A_1151, %select_n3A_1150 : i32
    %add3A_1153 = arith.constant 3 : i32
    %add3A_1154 = arith.addi %mul3A_1152, %add3A_1153 : i32
    %swap3A_1155 = arith.constant 87 : i32
    %swap3A_1156 = arith.index_cast %swap3A_1155 : i32 to index
    %swap3A_1157 = memref.load %arg8[%swap3A_1156] : memref<128xi32, #tpu.memory_space<smem>>
    memref.store %add3A_1154, %arg8[%swap3A_1156] : memref<128xi32, #tpu.memory_space<smem>>
    %slice3A_1158 = vector.extract_strided_slice %get3A_1053 {offsets = [8], sizes = [1], strides = [1]} : vector<16xi32> to vector<1xi32>
    %squeeze3A_1159 = vector.extract %slice3A_1158[0] : i32 from vector<1xi32>
    %lt3A_1160 = arith.constant 0 : i32
    %lt3A_1161 = arith.cmpi slt, %squeeze3A_1159, %lt3A_1160 : i32
    %jit3A_1162 = arith.constant 32 : i32
    %select_n3A_1163 = arith.select %lt3A_1161, %jit3A_1162, %squeeze3A_1159 : i32
    %mul3A_1164 = arith.constant 8 : i32
    %mul3A_1165 = arith.muli %mul3A_1164, %select_n3A_1163 : i32
    %add3A_1166 = arith.constant 0 : i32
    %add3A_1167 = arith.addi %mul3A_1165, %add3A_1166 : i32
    %swap3A_1168 = arith.constant 88 : i32
    %swap3A_1169 = arith.index_cast %swap3A_1168 : i32 to index
    %swap3A_1170 = memref.load %arg8[%swap3A_1169] : memref<128xi32, #tpu.memory_space<smem>>
    memref.store %add3A_1167, %arg8[%swap3A_1169] : memref<128xi32, #tpu.memory_space<smem>>
    %slice3A_1171 = vector.extract_strided_slice %get3A_1053 {offsets = [9], sizes = [1], strides = [1]} : vector<16xi32> to vector<1xi32>
    %squeeze3A_1172 = vector.extract %slice3A_1171[0] : i32 from vector<1xi32>
    %lt3A_1173 = arith.constant 0 : i32
    %lt3A_1174 = arith.cmpi slt, %squeeze3A_1172, %lt3A_1173 : i32
    %jit3A_1175 = arith.constant 32 : i32
    %select_n3A_1176 = arith.select %lt3A_1174, %jit3A_1175, %squeeze3A_1172 : i32
    %mul3A_1177 = arith.constant 8 : i32
    %mul3A_1178 = arith.muli %mul3A_1177, %select_n3A_1176 : i32
    %add3A_1179 = arith.constant 1 : i32
    %add3A_1180 = arith.addi %mul3A_1178, %add3A_1179 : i32
    %swap3A_1181 = arith.constant 89 : i32
    %swap3A_1182 = arith.index_cast %swap3A_1181 : i32 to index
    %swap3A_1183 = memref.load %arg8[%swap3A_1182] : memref<128xi32, #tpu.memory_space<smem>>
    memref.store %add3A_1180, %arg8[%swap3A_1182] : memref<128xi32, #tpu.memory_space<smem>>
    %slice3A_1184 = vector.extract_strided_slice %get3A_1053 {offsets = [10], sizes = [1], strides = [1]} : vector<16xi32> to vector<1xi32>
    %squeeze3A_1185 = vector.extract %slice3A_1184[0] : i32 from vector<1xi32>
    %lt3A_1186 = arith.constant 0 : i32
    %lt3A_1187 = arith.cmpi slt, %squeeze3A_1185, %lt3A_1186 : i32
    %jit3A_1188 = arith.constant 32 : i32
    %select_n3A_1189 = arith.select %lt3A_1187, %jit3A_1188, %squeeze3A_1185 : i32
    %mul3A_1190 = arith.constant 8 : i32
    %mul3A_1191 = arith.muli %mul3A_1190, %select_n3A_1189 : i32
    %add3A_1192 = arith.constant 2 : i32
    %add3A_1193 = arith.addi %mul3A_1191, %add3A_1192 : i32
    %swap3A_1194 = arith.constant 90 : i32
    %swap3A_1195 = arith.index_cast %swap3A_1194 : i32 to index
    %swap3A_1196 = memref.load %arg8[%swap3A_1195] : memref<128xi32, #tpu.memory_space<smem>>
    memref.store %add3A_1193, %arg8[%swap3A_1195] : memref<128xi32, #tpu.memory_space<smem>>
    %slice3A_1197 = vector.extract_strided_slice %get3A_1053 {offsets = [11], sizes = [1], strides = [1]} : vector<16xi32> to vector<1xi32>
    %squeeze3A_1198 = vector.extract %slice3A_1197[0] : i32 from vector<1xi32>
    %lt3A_1199 = arith.constant 0 : i32
    %lt3A_1200 = arith.cmpi slt, %squeeze3A_1198, %lt3A_1199 : i32
    %jit3A_1201 = arith.constant 32 : i32
    %select_n3A_1202 = arith.select %lt3A_1200, %jit3A_1201, %squeeze3A_1198 : i32
    %mul3A_1203 = arith.constant 8 : i32
    %mul3A_1204 = arith.muli %mul3A_1203, %select_n3A_1202 : i32
    %add3A_1205 = arith.constant 3 : i32
    %add3A_1206 = arith.addi %mul3A_1204, %add3A_1205 : i32
    %swap3A_1207 = arith.constant 91 : i32
    %swap3A_1208 = arith.index_cast %swap3A_1207 : i32 to index
    %swap3A_1209 = memref.load %arg8[%swap3A_1208] : memref<128xi32, #tpu.memory_space<smem>>
    memref.store %add3A_1206, %arg8[%swap3A_1208] : memref<128xi32, #tpu.memory_space<smem>>
    %slice3A_1210 = vector.extract_strided_slice %get3A_1053 {offsets = [12], sizes = [1], strides = [1]} : vector<16xi32> to vector<1xi32>
    %squeeze3A_1211 = vector.extract %slice3A_1210[0] : i32 from vector<1xi32>
    %lt3A_1212 = arith.constant 0 : i32
    %lt3A_1213 = arith.cmpi slt, %squeeze3A_1211, %lt3A_1212 : i32
    %jit3A_1214 = arith.constant 32 : i32
    %select_n3A_1215 = arith.select %lt3A_1213, %jit3A_1214, %squeeze3A_1211 : i32
    %mul3A_1216 = arith.constant 8 : i32
    %mul3A_1217 = arith.muli %mul3A_1216, %select_n3A_1215 : i32
    %add3A_1218 = arith.constant 0 : i32
    %add3A_1219 = arith.addi %mul3A_1217, %add3A_1218 : i32
    %swap3A_1220 = arith.constant 92 : i32
    %swap3A_1221 = arith.index_cast %swap3A_1220 : i32 to index
    %swap3A_1222 = memref.load %arg8[%swap3A_1221] : memref<128xi32, #tpu.memory_space<smem>>
    memref.store %add3A_1219, %arg8[%swap3A_1221] : memref<128xi32, #tpu.memory_space<smem>>
    %slice3A_1223 = vector.extract_strided_slice %get3A_1053 {offsets = [13], sizes = [1], strides = [1]} : vector<16xi32> to vector<1xi32>
    %squeeze3A_1224 = vector.extract %slice3A_1223[0] : i32 from vector<1xi32>
    %lt3A_1225 = arith.constant 0 : i32
    %lt3A_1226 = arith.cmpi slt, %squeeze3A_1224, %lt3A_1225 : i32
    %jit3A_1227 = arith.constant 32 : i32
    %select_n3A_1228 = arith.select %lt3A_1226, %jit3A_1227, %squeeze3A_1224 : i32
    %mul3A_1229 = arith.constant 8 : i32
    %mul3A_1230 = arith.muli %mul3A_1229, %select_n3A_1228 : i32
    %add3A_1231 = arith.constant 1 : i32
    %add3A_1232 = arith.addi %mul3A_1230, %add3A_1231 : i32
    %swap3A_1233 = arith.constant 93 : i32
    %swap3A_1234 = arith.index_cast %swap3A_1233 : i32 to index
    %swap3A_1235 = memref.load %arg8[%swap3A_1234] : memref<128xi32, #tpu.memory_space<smem>>
    memref.store %add3A_1232, %arg8[%swap3A_1234] : memref<128xi32, #tpu.memory_space<smem>>
    %slice3A_1236 = vector.extract_strided_slice %get3A_1053 {offsets = [14], sizes = [1], strides = [1]} : vector<16xi32> to vector<1xi32>
    %squeeze3A_1237 = vector.extract %slice3A_1236[0] : i32 from vector<1xi32>
    %lt3A_1238 = arith.constant 0 : i32
    %lt3A_1239 = arith.cmpi slt, %squeeze3A_1237, %lt3A_1238 : i32
    %jit3A_1240 = arith.constant 32 : i32
    %select_n3A_1241 = arith.select %lt3A_1239, %jit3A_1240, %squeeze3A_1237 : i32
    %mul3A_1242 = arith.constant 8 : i32
    %mul3A_1243 = arith.muli %mul3A_1242, %select_n3A_1241 : i32
    %add3A_1244 = arith.constant 2 : i32
    %add3A_1245 = arith.addi %mul3A_1243, %add3A_1244 : i32
    %swap3A_1246 = arith.constant 94 : i32
    %swap3A_1247 = arith.index_cast %swap3A_1246 : i32 to index
    %swap3A_1248 = memref.load %arg8[%swap3A_1247] : memref<128xi32, #tpu.memory_space<smem>>
    memref.store %add3A_1245, %arg8[%swap3A_1247] : memref<128xi32, #tpu.memory_space<smem>>
    %slice3A_1249 = vector.extract_strided_slice %get3A_1053 {offsets = [15], sizes = [1], strides = [1]} : vector<16xi32> to vector<1xi32>
    %squeeze3A_1250 = vector.extract %slice3A_1249[0] : i32 from vector<1xi32>
    %lt3A_1251 = arith.constant 0 : i32
    %lt3A_1252 = arith.cmpi slt, %squeeze3A_1250, %lt3A_1251 : i32
    %jit3A_1253 = arith.constant 32 : i32
    %select_n3A_1254 = arith.select %lt3A_1252, %jit3A_1253, %squeeze3A_1250 : i32
    %mul3A_1255 = arith.constant 8 : i32
    %mul3A_1256 = arith.muli %mul3A_1255, %select_n3A_1254 : i32
    %add3A_1257 = arith.constant 3 : i32
    %add3A_1258 = arith.addi %mul3A_1256, %add3A_1257 : i32
    %swap3A_1259 = arith.constant 95 : i32
    %swap3A_1260 = arith.index_cast %swap3A_1259 : i32 to index
    %swap3A_1261 = memref.load %arg8[%swap3A_1260] : memref<128xi32, #tpu.memory_space<smem>>
    memref.store %add3A_1258, %arg8[%swap3A_1260] : memref<128xi32, #tpu.memory_space<smem>>
    %get3A_1262 = arith.constant 96 : index
    %get3A_1263 = tpu.vector_load %arg7[%get3A_1262] {strides = array<i32>} : memref<128xi32, #tpu.memory_space<vmem>>, vector<16xi32>,
    %get3A_1264 = vector.shape_cast %get3A_1263 : vector<16xi32> to vector<16xi32>
    %slice3A_1265 = vector.extract_strided_slice %get3A_1264 {offsets = [0], sizes = [1], strides = [1]} : vector<16xi32> to vector<1xi32>
    %squeeze3A_1266 = vector.extract %slice3A_1265[0] : i32 from vector<1xi32>
    %lt3A_1267 = arith.constant 0 : i32
    %lt3A_1268 = arith.cmpi slt, %squeeze3A_1266, %lt3A_1267 : i32
    %jit3A_1269 = arith.constant 32 : i32
    %select_n3A_1270 = arith.select %lt3A_1268, %jit3A_1269, %squeeze3A_1266 : i32
    %mul3A_1271 = arith.constant 8 : i32
    %mul3A_1272 = arith.muli %mul3A_1271, %select_n3A_1270 : i32
    %add3A_1273 = arith.constant 0 : i32
    %add3A_1274 = arith.addi %mul3A_1272, %add3A_1273 : i32
    %swap3A_1275 = arith.constant 96 : i32
    %swap3A_1276 = arith.index_cast %swap3A_1275 : i32 to index
    %swap3A_1277 = memref.load %arg8[%swap3A_1276] : memref<128xi32, #tpu.memory_space<smem>>
    memref.store %add3A_1274, %arg8[%swap3A_1276] : memref<128xi32, #tpu.memory_space<smem>>
    %slice3A_1278 = vector.extract_strided_slice %get3A_1264 {offsets = [1], sizes = [1], strides = [1]} : vector<16xi32> to vector<1xi32>
    %squeeze3A_1279 = vector.extract %slice3A_1278[0] : i32 from vector<1xi32>
    %lt3A_1280 = arith.constant 0 : i32
    %lt3A_1281 = arith.cmpi slt, %squeeze3A_1279, %lt3A_1280 : i32
    %jit3A_1282 = arith.constant 32 : i32
    %select_n3A_1283 = arith.select %lt3A_1281, %jit3A_1282, %squeeze3A_1279 : i32
    %mul3A_1284 = arith.constant 8 : i32
    %mul3A_1285 = arith.muli %mul3A_1284, %select_n3A_1283 : i32
    %add3A_1286 = arith.constant 1 : i32
    %add3A_1287 = arith.addi %mul3A_1285, %add3A_1286 : i32
    %swap3A_1288 = arith.constant 97 : i32
    %swap3A_1289 = arith.index_cast %swap3A_1288 : i32 to index
    %swap3A_1290 = memref.load %arg8[%swap3A_1289] : memref<128xi32, #tpu.memory_space<smem>>
    memref.store %add3A_1287, %arg8[%swap3A_1289] : memref<128xi32, #tpu.memory_space<smem>>
    %slice3A_1291 = vector.extract_strided_slice %get3A_1264 {offsets = [2], sizes = [1], strides = [1]} : vector<16xi32> to vector<1xi32>
    %squeeze3A_1292 = vector.extract %slice3A_1291[0] : i32 from vector<1xi32>
    %lt3A_1293 = arith.constant 0 : i32
    %lt3A_1294 = arith.cmpi slt, %squeeze3A_1292, %lt3A_1293 : i32
    %jit3A_1295 = arith.constant 32 : i32
    %select_n3A_1296 = arith.select %lt3A_1294, %jit3A_1295, %squeeze3A_1292 : i32
    %mul3A_1297 = arith.constant 8 : i32
    %mul3A_1298 = arith.muli %mul3A_1297, %select_n3A_1296 : i32
    %add3A_1299 = arith.constant 2 : i32
    %add3A_1300 = arith.addi %mul3A_1298, %add3A_1299 : i32
    %swap3A_1301 = arith.constant 98 : i32
    %swap3A_1302 = arith.index_cast %swap3A_1301 : i32 to index
    %swap3A_1303 = memref.load %arg8[%swap3A_1302] : memref<128xi32, #tpu.memory_space<smem>>
    memref.store %add3A_1300, %arg8[%swap3A_1302] : memref<128xi32, #tpu.memory_space<smem>>
    %slice3A_1304 = vector.extract_strided_slice %get3A_1264 {offsets = [3], sizes = [1], strides = [1]} : vector<16xi32> to vector<1xi32>
    %squeeze3A_1305 = vector.extract %slice3A_1304[0] : i32 from vector<1xi32>
    %lt3A_1306 = arith.constant 0 : i32
    %lt3A_1307 = arith.cmpi slt, %squeeze3A_1305, %lt3A_1306 : i32
    %jit3A_1308 = arith.constant 32 : i32
    %select_n3A_1309 = arith.select %lt3A_1307, %jit3A_1308, %squeeze3A_1305 : i32
    %mul3A_1310 = arith.constant 8 : i32
    %mul3A_1311 = arith.muli %mul3A_1310, %select_n3A_1309 : i32
    %add3A_1312 = arith.constant 3 : i32
    %add3A_1313 = arith.addi %mul3A_1311, %add3A_1312 : i32
    %swap3A_1314 = arith.constant 99 : i32
    %swap3A_1315 = arith.index_cast %swap3A_1314 : i32 to index
    %swap3A_1316 = memref.load %arg8[%swap3A_1315] : memref<128xi32, #tpu.memory_space<smem>>
    memref.store %add3A_1313, %arg8[%swap3A_1315] : memref<128xi32, #tpu.memory_space<smem>>
    %slice3A_1317 = vector.extract_strided_slice %get3A_1264 {offsets = [4], sizes = [1], strides = [1]} : vector<16xi32> to vector<1xi32>
    %squeeze3A_1318 = vector.extract %slice3A_1317[0] : i32 from vector<1xi32>
    %lt3A_1319 = arith.constant 0 : i32
    %lt3A_1320 = arith.cmpi slt, %squeeze3A_1318, %lt3A_1319 : i32
    %jit3A_1321 = arith.constant 32 : i32
    %select_n3A_1322 = arith.select %lt3A_1320, %jit3A_1321, %squeeze3A_1318 : i32
    %mul3A_1323 = arith.constant 8 : i32
    %mul3A_1324 = arith.muli %mul3A_1323, %select_n3A_1322 : i32
    %add3A_1325 = arith.constant 0 : i32
    %add3A_1326 = arith.addi %mul3A_1324, %add3A_1325 : i32
    %swap3A_1327 = arith.constant 100 : i32
    %swap3A_1328 = arith.index_cast %swap3A_1327 : i32 to index
    %swap3A_1329 = memref.load %arg8[%swap3A_1328] : memref<128xi32, #tpu.memory_space<smem>>
    memref.store %add3A_1326, %arg8[%swap3A_1328] : memref<128xi32, #tpu.memory_space<smem>>
    %slice3A_1330 = vector.extract_strided_slice %get3A_1264 {offsets = [5], sizes = [1], strides = [1]} : vector<16xi32> to vector<1xi32>
    %squeeze3A_1331 = vector.extract %slice3A_1330[0] : i32 from vector<1xi32>
    %lt3A_1332 = arith.constant 0 : i32
    %lt3A_1333 = arith.cmpi slt, %squeeze3A_1331, %lt3A_1332 : i32
    %jit3A_1334 = arith.constant 32 : i32
    %select_n3A_1335 = arith.select %lt3A_1333, %jit3A_1334, %squeeze3A_1331 : i32
    %mul3A_1336 = arith.constant 8 : i32
    %mul3A_1337 = arith.muli %mul3A_1336, %select_n3A_1335 : i32
    %add3A_1338 = arith.constant 1 : i32
    %add3A_1339 = arith.addi %mul3A_1337, %add3A_1338 : i32
    %swap3A_1340 = arith.constant 101 : i32
    %swap3A_1341 = arith.index_cast %swap3A_1340 : i32 to index
    %swap3A_1342 = memref.load %arg8[%swap3A_1341] : memref<128xi32, #tpu.memory_space<smem>>
    memref.store %add3A_1339, %arg8[%swap3A_1341] : memref<128xi32, #tpu.memory_space<smem>>
    %slice3A_1343 = vector.extract_strided_slice %get3A_1264 {offsets = [6], sizes = [1], strides = [1]} : vector<16xi32> to vector<1xi32>
    %squeeze3A_1344 = vector.extract %slice3A_1343[0] : i32 from vector<1xi32>
    %lt3A_1345 = arith.constant 0 : i32
    %lt3A_1346 = arith.cmpi slt, %squeeze3A_1344, %lt3A_1345 : i32
    %jit3A_1347 = arith.constant 32 : i32
    %select_n3A_1348 = arith.select %lt3A_1346, %jit3A_1347, %squeeze3A_1344 : i32
    %mul3A_1349 = arith.constant 8 : i32
    %mul3A_1350 = arith.muli %mul3A_1349, %select_n3A_1348 : i32
    %add3A_1351 = arith.constant 2 : i32
    %add3A_1352 = arith.addi %mul3A_1350, %add3A_1351 : i32
    %swap3A_1353 = arith.constant 102 : i32
    %swap3A_1354 = arith.index_cast %swap3A_1353 : i32 to index
    %swap3A_1355 = memref.load %arg8[%swap3A_1354] : memref<128xi32, #tpu.memory_space<smem>>
    memref.store %add3A_1352, %arg8[%swap3A_1354] : memref<128xi32, #tpu.memory_space<smem>>
    %slice3A_1356 = vector.extract_strided_slice %get3A_1264 {offsets = [7], sizes = [1], strides = [1]} : vector<16xi32> to vector<1xi32>
    %squeeze3A_1357 = vector.extract %slice3A_1356[0] : i32 from vector<1xi32>
    %lt3A_1358 = arith.constant 0 : i32
    %lt3A_1359 = arith.cmpi slt, %squeeze3A_1357, %lt3A_1358 : i32
    %jit3A_1360 = arith.constant 32 : i32
    %select_n3A_1361 = arith.select %lt3A_1359, %jit3A_1360, %squeeze3A_1357 : i32
    %mul3A_1362 = arith.constant 8 : i32
    %mul3A_1363 = arith.muli %mul3A_1362, %select_n3A_1361 : i32
    %add3A_1364 = arith.constant 3 : i32
    %add3A_1365 = arith.addi %mul3A_1363, %add3A_1364 : i32
    %swap3A_1366 = arith.constant 103 : i32
    %swap3A_1367 = arith.index_cast %swap3A_1366 : i32 to index
    %swap3A_1368 = memref.load %arg8[%swap3A_1367] : memref<128xi32, #tpu.memory_space<smem>>
    memref.store %add3A_1365, %arg8[%swap3A_1367] : memref<128xi32, #tpu.memory_space<smem>>
    %slice3A_1369 = vector.extract_strided_slice %get3A_1264 {offsets = [8], sizes = [1], strides = [1]} : vector<16xi32> to vector<1xi32>
    %squeeze3A_1370 = vector.extract %slice3A_1369[0] : i32 from vector<1xi32>
    %lt3A_1371 = arith.constant 0 : i32
    %lt3A_1372 = arith.cmpi slt, %squeeze3A_1370, %lt3A_1371 : i32
    %jit3A_1373 = arith.constant 32 : i32
    %select_n3A_1374 = arith.select %lt3A_1372, %jit3A_1373, %squeeze3A_1370 : i32
    %mul3A_1375 = arith.constant 8 : i32
    %mul3A_1376 = arith.muli %mul3A_1375, %select_n3A_1374 : i32
    %add3A_1377 = arith.constant 0 : i32
    %add3A_1378 = arith.addi %mul3A_1376, %add3A_1377 : i32
    %swap3A_1379 = arith.constant 104 : i32
    %swap3A_1380 = arith.index_cast %swap3A_1379 : i32 to index
    %swap3A_1381 = memref.load %arg8[%swap3A_1380] : memref<128xi32, #tpu.memory_space<smem>>
    memref.store %add3A_1378, %arg8[%swap3A_1380] : memref<128xi32, #tpu.memory_space<smem>>
    %slice3A_1382 = vector.extract_strided_slice %get3A_1264 {offsets = [9], sizes = [1], strides = [1]} : vector<16xi32> to vector<1xi32>
    %squeeze3A_1383 = vector.extract %slice3A_1382[0] : i32 from vector<1xi32>
    %lt3A_1384 = arith.constant 0 : i32
    %lt3A_1385 = arith.cmpi slt, %squeeze3A_1383, %lt3A_1384 : i32
    %jit3A_1386 = arith.constant 32 : i32
    %select_n3A_1387 = arith.select %lt3A_1385, %jit3A_1386, %squeeze3A_1383 : i32
    %mul3A_1388 = arith.constant 8 : i32
    %mul3A_1389 = arith.muli %mul3A_1388, %select_n3A_1387 : i32
    %add3A_1390 = arith.constant 1 : i32
    %add3A_1391 = arith.addi %mul3A_1389, %add3A_1390 : i32
    %swap3A_1392 = arith.constant 105 : i32
    %swap3A_1393 = arith.index_cast %swap3A_1392 : i32 to index
    %swap3A_1394 = memref.load %arg8[%swap3A_1393] : memref<128xi32, #tpu.memory_space<smem>>
    memref.store %add3A_1391, %arg8[%swap3A_1393] : memref<128xi32, #tpu.memory_space<smem>>
    %slice3A_1395 = vector.extract_strided_slice %get3A_1264 {offsets = [10], sizes = [1], strides = [1]} : vector<16xi32> to vector<1xi32>
    %squeeze3A_1396 = vector.extract %slice3A_1395[0] : i32 from vector<1xi32>
    %lt3A_1397 = arith.constant 0 : i32
    %lt3A_1398 = arith.cmpi slt, %squeeze3A_1396, %lt3A_1397 : i32
    %jit3A_1399 = arith.constant 32 : i32
    %select_n3A_1400 = arith.select %lt3A_1398, %jit3A_1399, %squeeze3A_1396 : i32
    %mul3A_1401 = arith.constant 8 : i32
    %mul3A_1402 = arith.muli %mul3A_1401, %select_n3A_1400 : i32
    %add3A_1403 = arith.constant 2 : i32
    %add3A_1404 = arith.addi %mul3A_1402, %add3A_1403 : i32
    %swap3A_1405 = arith.constant 106 : i32
    %swap3A_1406 = arith.index_cast %swap3A_1405 : i32 to index
    %swap3A_1407 = memref.load %arg8[%swap3A_1406] : memref<128xi32, #tpu.memory_space<smem>>
    memref.store %add3A_1404, %arg8[%swap3A_1406] : memref<128xi32, #tpu.memory_space<smem>>
    %slice3A_1408 = vector.extract_strided_slice %get3A_1264 {offsets = [11], sizes = [1], strides = [1]} : vector<16xi32> to vector<1xi32>
    %squeeze3A_1409 = vector.extract %slice3A_1408[0] : i32 from vector<1xi32>
    %lt3A_1410 = arith.constant 0 : i32
    %lt3A_1411 = arith.cmpi slt, %squeeze3A_1409, %lt3A_1410 : i32
    %jit3A_1412 = arith.constant 32 : i32
    %select_n3A_1413 = arith.select %lt3A_1411, %jit3A_1412, %squeeze3A_1409 : i32
    %mul3A_1414 = arith.constant 8 : i32
    %mul3A_1415 = arith.muli %mul3A_1414, %select_n3A_1413 : i32
    %add3A_1416 = arith.constant 3 : i32
    %add3A_1417 = arith.addi %mul3A_1415, %add3A_1416 : i32
    %swap3A_1418 = arith.constant 107 : i32
    %swap3A_1419 = arith.index_cast %swap3A_1418 : i32 to index
    %swap3A_1420 = memref.load %arg8[%swap3A_1419] : memref<128xi32, #tpu.memory_space<smem>>
    memref.store %add3A_1417, %arg8[%swap3A_1419] : memref<128xi32, #tpu.memory_space<smem>>
    %slice3A_1421 = vector.extract_strided_slice %get3A_1264 {offsets = [12], sizes = [1], strides = [1]} : vector<16xi32> to vector<1xi32>
    %squeeze3A_1422 = vector.extract %slice3A_1421[0] : i32 from vector<1xi32>
    %lt3A_1423 = arith.constant 0 : i32
    %lt3A_1424 = arith.cmpi slt, %squeeze3A_1422, %lt3A_1423 : i32
    %jit3A_1425 = arith.constant 32 : i32
    %select_n3A_1426 = arith.select %lt3A_1424, %jit3A_1425, %squeeze3A_1422 : i32
    %mul3A_1427 = arith.constant 8 : i32
    %mul3A_1428 = arith.muli %mul3A_1427, %select_n3A_1426 : i32
    %add3A_1429 = arith.constant 0 : i32
    %add3A_1430 = arith.addi %mul3A_1428, %add3A_1429 : i32
    %swap3A_1431 = arith.constant 108 : i32
    %swap3A_1432 = arith.index_cast %swap3A_1431 : i32 to index
    %swap3A_1433 = memref.load %arg8[%swap3A_1432] : memref<128xi32, #tpu.memory_space<smem>>
    memref.store %add3A_1430, %arg8[%swap3A_1432] : memref<128xi32, #tpu.memory_space<smem>>
    %slice3A_1434 = vector.extract_strided_slice %get3A_1264 {offsets = [13], sizes = [1], strides = [1]} : vector<16xi32> to vector<1xi32>
    %squeeze3A_1435 = vector.extract %slice3A_1434[0] : i32 from vector<1xi32>
    %lt3A_1436 = arith.constant 0 : i32
    %lt3A_1437 = arith.cmpi slt, %squeeze3A_1435, %lt3A_1436 : i32
    %jit3A_1438 = arith.constant 32 : i32
    %select_n3A_1439 = arith.select %lt3A_1437, %jit3A_1438, %squeeze3A_1435 : i32
    %mul3A_1440 = arith.constant 8 : i32
    %mul3A_1441 = arith.muli %mul3A_1440, %select_n3A_1439 : i32
    %add3A_1442 = arith.constant 1 : i32
    %add3A_1443 = arith.addi %mul3A_1441, %add3A_1442 : i32
    %swap3A_1444 = arith.constant 109 : i32
    %swap3A_1445 = arith.index_cast %swap3A_1444 : i32 to index
    %swap3A_1446 = memref.load %arg8[%swap3A_1445] : memref<128xi32, #tpu.memory_space<smem>>
    memref.store %add3A_1443, %arg8[%swap3A_1445] : memref<128xi32, #tpu.memory_space<smem>>
    %slice3A_1447 = vector.extract_strided_slice %get3A_1264 {offsets = [14], sizes = [1], strides = [1]} : vector<16xi32> to vector<1xi32>
    %squeeze3A_1448 = vector.extract %slice3A_1447[0] : i32 from vector<1xi32>
    %lt3A_1449 = arith.constant 0 : i32
    %lt3A_1450 = arith.cmpi slt, %squeeze3A_1448, %lt3A_1449 : i32
    %jit3A_1451 = arith.constant 32 : i32
    %select_n3A_1452 = arith.select %lt3A_1450, %jit3A_1451, %squeeze3A_1448 : i32
    %mul3A_1453 = arith.constant 8 : i32
    %mul3A_1454 = arith.muli %mul3A_1453, %select_n3A_1452 : i32
    %add3A_1455 = arith.constant 2 : i32
    %add3A_1456 = arith.addi %mul3A_1454, %add3A_1455 : i32
    %swap3A_1457 = arith.constant 110 : i32
    %swap3A_1458 = arith.index_cast %swap3A_1457 : i32 to index
    %swap3A_1459 = memref.load %arg8[%swap3A_1458] : memref<128xi32, #tpu.memory_space<smem>>
    memref.store %add3A_1456, %arg8[%swap3A_1458] : memref<128xi32, #tpu.memory_space<smem>>
    %slice3A_1460 = vector.extract_strided_slice %get3A_1264 {offsets = [15], sizes = [1], strides = [1]} : vector<16xi32> to vector<1xi32>
    %squeeze3A_1461 = vector.extract %slice3A_1460[0] : i32 from vector<1xi32>
    %lt3A_1462 = arith.constant 0 : i32
    %lt3A_1463 = arith.cmpi slt, %squeeze3A_1461, %lt3A_1462 : i32
    %jit3A_1464 = arith.constant 32 : i32
    %select_n3A_1465 = arith.select %lt3A_1463, %jit3A_1464, %squeeze3A_1461 : i32
    %mul3A_1466 = arith.constant 8 : i32
    %mul3A_1467 = arith.muli %mul3A_1466, %select_n3A_1465 : i32
    %add3A_1468 = arith.constant 3 : i32
    %add3A_1469 = arith.addi %mul3A_1467, %add3A_1468 : i32
    %swap3A_1470 = arith.constant 111 : i32
    %swap3A_1471 = arith.index_cast %swap3A_1470 : i32 to index
    %swap3A_1472 = memref.load %arg8[%swap3A_1471] : memref<128xi32, #tpu.memory_space<smem>>
    memref.store %add3A_1469, %arg8[%swap3A_1471] : memref<128xi32, #tpu.memory_space<smem>>
    %get3A_1473 = arith.constant 112 : index
    %get3A_1474 = tpu.vector_load %arg7[%get3A_1473] {strides = array<i32>} : memref<128xi32, #tpu.memory_space<vmem>>, vector<16xi32>,
    %get3A_1475 = vector.shape_cast %get3A_1474 : vector<16xi32> to vector<16xi32>
    %slice3A_1476 = vector.extract_strided_slice %get3A_1475 {offsets = [0], sizes = [1], strides = [1]} : vector<16xi32> to vector<1xi32>
    %squeeze3A_1477 = vector.extract %slice3A_1476[0] : i32 from vector<1xi32>
    %lt3A_1478 = arith.constant 0 : i32
    %lt3A_1479 = arith.cmpi slt, %squeeze3A_1477, %lt3A_1478 : i32
    %jit3A_1480 = arith.constant 32 : i32
    %select_n3A_1481 = arith.select %lt3A_1479, %jit3A_1480, %squeeze3A_1477 : i32
    %mul3A_1482 = arith.constant 8 : i32
    %mul3A_1483 = arith.muli %mul3A_1482, %select_n3A_1481 : i32
    %add3A_1484 = arith.constant 0 : i32
    %add3A_1485 = arith.addi %mul3A_1483, %add3A_1484 : i32
    %swap3A_1486 = arith.constant 112 : i32
    %swap3A_1487 = arith.index_cast %swap3A_1486 : i32 to index
    %swap3A_1488 = memref.load %arg8[%swap3A_1487] : memref<128xi32, #tpu.memory_space<smem>>
    memref.store %add3A_1485, %arg8[%swap3A_1487] : memref<128xi32, #tpu.memory_space<smem>>
    %slice3A_1489 = vector.extract_strided_slice %get3A_1475 {offsets = [1], sizes = [1], strides = [1]} : vector<16xi32> to vector<1xi32>
    %squeeze3A_1490 = vector.extract %slice3A_1489[0] : i32 from vector<1xi32>
    %lt3A_1491 = arith.constant 0 : i32
    %lt3A_1492 = arith.cmpi slt, %squeeze3A_1490, %lt3A_1491 : i32
    %jit3A_1493 = arith.constant 32 : i32
    %select_n3A_1494 = arith.select %lt3A_1492, %jit3A_1493, %squeeze3A_1490 : i32
    %mul3A_1495 = arith.constant 8 : i32
    %mul3A_1496 = arith.muli %mul3A_1495, %select_n3A_1494 : i32
    %add3A_1497 = arith.constant 1 : i32
    %add3A_1498 = arith.addi %mul3A_1496, %add3A_1497 : i32
    %swap3A_1499 = arith.constant 113 : i32
    %swap3A_1500 = arith.index_cast %swap3A_1499 : i32 to index
    %swap3A_1501 = memref.load %arg8[%swap3A_1500] : memref<128xi32, #tpu.memory_space<smem>>
    memref.store %add3A_1498, %arg8[%swap3A_1500] : memref<128xi32, #tpu.memory_space<smem>>
    %slice3A_1502 = vector.extract_strided_slice %get3A_1475 {offsets = [2], sizes = [1], strides = [1]} : vector<16xi32> to vector<1xi32>
    %squeeze3A_1503 = vector.extract %slice3A_1502[0] : i32 from vector<1xi32>
    %lt3A_1504 = arith.constant 0 : i32
    %lt3A_1505 = arith.cmpi slt, %squeeze3A_1503, %lt3A_1504 : i32
    %jit3A_1506 = arith.constant 32 : i32
    %select_n3A_1507 = arith.select %lt3A_1505, %jit3A_1506, %squeeze3A_1503 : i32
    %mul3A_1508 = arith.constant 8 : i32
    %mul3A_1509 = arith.muli %mul3A_1508, %select_n3A_1507 : i32
    %add3A_1510 = arith.constant 2 : i32
    %add3A_1511 = arith.addi %mul3A_1509, %add3A_1510 : i32
    %swap3A_1512 = arith.constant 114 : i32
    %swap3A_1513 = arith.index_cast %swap3A_1512 : i32 to index
    %swap3A_1514 = memref.load %arg8[%swap3A_1513] : memref<128xi32, #tpu.memory_space<smem>>
    memref.store %add3A_1511, %arg8[%swap3A_1513] : memref<128xi32, #tpu.memory_space<smem>>
    %slice3A_1515 = vector.extract_strided_slice %get3A_1475 {offsets = [3], sizes = [1], strides = [1]} : vector<16xi32> to vector<1xi32>
    %squeeze3A_1516 = vector.extract %slice3A_1515[0] : i32 from vector<1xi32>
    %lt3A_1517 = arith.constant 0 : i32
    %lt3A_1518 = arith.cmpi slt, %squeeze3A_1516, %lt3A_1517 : i32
    %jit3A_1519 = arith.constant 32 : i32
    %select_n3A_1520 = arith.select %lt3A_1518, %jit3A_1519, %squeeze3A_1516 : i32
    %mul3A_1521 = arith.constant 8 : i32
    %mul3A_1522 = arith.muli %mul3A_1521, %select_n3A_1520 : i32
    %add3A_1523 = arith.constant 3 : i32
    %add3A_1524 = arith.addi %mul3A_1522, %add3A_1523 : i32
    %swap3A_1525 = arith.constant 115 : i32
    %swap3A_1526 = arith.index_cast %swap3A_1525 : i32 to index
    %swap3A_1527 = memref.load %arg8[%swap3A_1526] : memref<128xi32, #tpu.memory_space<smem>>
    memref.store %add3A_1524, %arg8[%swap3A_1526] : memref<128xi32, #tpu.memory_space<smem>>
    %slice3A_1528 = vector.extract_strided_slice %get3A_1475 {offsets = [4], sizes = [1], strides = [1]} : vector<16xi32> to vector<1xi32>
    %squeeze3A_1529 = vector.extract %slice3A_1528[0] : i32 from vector<1xi32>
    %lt3A_1530 = arith.constant 0 : i32
    %lt3A_1531 = arith.cmpi slt, %squeeze3A_1529, %lt3A_1530 : i32
    %jit3A_1532 = arith.constant 32 : i32
    %select_n3A_1533 = arith.select %lt3A_1531, %jit3A_1532, %squeeze3A_1529 : i32
    %mul3A_1534 = arith.constant 8 : i32
    %mul3A_1535 = arith.muli %mul3A_1534, %select_n3A_1533 : i32
    %add3A_1536 = arith.constant 0 : i32
    %add3A_1537 = arith.addi %mul3A_1535, %add3A_1536 : i32
    %swap3A_1538 = arith.constant 116 : i32
    %swap3A_1539 = arith.index_cast %swap3A_1538 : i32 to index
    %swap3A_1540 = memref.load %arg8[%swap3A_1539] : memref<128xi32, #tpu.memory_space<smem>>
    memref.store %add3A_1537, %arg8[%swap3A_1539] : memref<128xi32, #tpu.memory_space<smem>>
    %slice3A_1541 = vector.extract_strided_slice %get3A_1475 {offsets = [5], sizes = [1], strides = [1]} : vector<16xi32> to vector<1xi32>
    %squeeze3A_1542 = vector.extract %slice3A_1541[0] : i32 from vector<1xi32>
    %lt3A_1543 = arith.constant 0 : i32
    %lt3A_1544 = arith.cmpi slt, %squeeze3A_1542, %lt3A_1543 : i32
    %jit3A_1545 = arith.constant 32 : i32
    %select_n3A_1546 = arith.select %lt3A_1544, %jit3A_1545, %squeeze3A_1542 : i32
    %mul3A_1547 = arith.constant 8 : i32
    %mul3A_1548 = arith.muli %mul3A_1547, %select_n3A_1546 : i32
    %add3A_1549 = arith.constant 1 : i32
    %add3A_1550 = arith.addi %mul3A_1548, %add3A_1549 : i32
    %swap3A_1551 = arith.constant 117 : i32
    %swap3A_1552 = arith.index_cast %swap3A_1551 : i32 to index
    %swap3A_1553 = memref.load %arg8[%swap3A_1552] : memref<128xi32, #tpu.memory_space<smem>>
    memref.store %add3A_1550, %arg8[%swap3A_1552] : memref<128xi32, #tpu.memory_space<smem>>
    %slice3A_1554 = vector.extract_strided_slice %get3A_1475 {offsets = [6], sizes = [1], strides = [1]} : vector<16xi32> to vector<1xi32>
    %squeeze3A_1555 = vector.extract %slice3A_1554[0] : i32 from vector<1xi32>
    %lt3A_1556 = arith.constant 0 : i32
    %lt3A_1557 = arith.cmpi slt, %squeeze3A_1555, %lt3A_1556 : i32
    %jit3A_1558 = arith.constant 32 : i32
    %select_n3A_1559 = arith.select %lt3A_1557, %jit3A_1558, %squeeze3A_1555 : i32
    %mul3A_1560 = arith.constant 8 : i32
    %mul3A_1561 = arith.muli %mul3A_1560, %select_n3A_1559 : i32
    %add3A_1562 = arith.constant 2 : i32
    %add3A_1563 = arith.addi %mul3A_1561, %add3A_1562 : i32
    %swap3A_1564 = arith.constant 118 : i32
    %swap3A_1565 = arith.index_cast %swap3A_1564 : i32 to index
    %swap3A_1566 = memref.load %arg8[%swap3A_1565] : memref<128xi32, #tpu.memory_space<smem>>
    memref.store %add3A_1563, %arg8[%swap3A_1565] : memref<128xi32, #tpu.memory_space<smem>>
    %slice3A_1567 = vector.extract_strided_slice %get3A_1475 {offsets = [7], sizes = [1], strides = [1]} : vector<16xi32> to vector<1xi32>
    %squeeze3A_1568 = vector.extract %slice3A_1567[0] : i32 from vector<1xi32>
    %lt3A_1569 = arith.constant 0 : i32
    %lt3A_1570 = arith.cmpi slt, %squeeze3A_1568, %lt3A_1569 : i32
    %jit3A_1571 = arith.constant 32 : i32
    %select_n3A_1572 = arith.select %lt3A_1570, %jit3A_1571, %squeeze3A_1568 : i32
    %mul3A_1573 = arith.constant 8 : i32
    %mul3A_1574 = arith.muli %mul3A_1573, %select_n3A_1572 : i32
    %add3A_1575 = arith.constant 3 : i32
    %add3A_1576 = arith.addi %mul3A_1574, %add3A_1575 : i32
    %swap3A_1577 = arith.constant 119 : i32
    %swap3A_1578 = arith.index_cast %swap3A_1577 : i32 to index
    %swap3A_1579 = memref.load %arg8[%swap3A_1578] : memref<128xi32, #tpu.memory_space<smem>>
    memref.store %add3A_1576, %arg8[%swap3A_1578] : memref<128xi32, #tpu.memory_space<smem>>
    %slice3A_1580 = vector.extract_strided_slice %get3A_1475 {offsets = [8], sizes = [1], strides = [1]} : vector<16xi32> to vector<1xi32>
    %squeeze3A_1581 = vector.extract %slice3A_1580[0] : i32 from vector<1xi32>
    %lt3A_1582 = arith.constant 0 : i32
    %lt3A_1583 = arith.cmpi slt, %squeeze3A_1581, %lt3A_1582 : i32
    %jit3A_1584 = arith.constant 32 : i32
    %select_n3A_1585 = arith.select %lt3A_1583, %jit3A_1584, %squeeze3A_1581 : i32
    %mul3A_1586 = arith.constant 8 : i32
    %mul3A_1587 = arith.muli %mul3A_1586, %select_n3A_1585 : i32
    %add3A_1588 = arith.constant 0 : i32
    %add3A_1589 = arith.addi %mul3A_1587, %add3A_1588 : i32
    %swap3A_1590 = arith.constant 120 : i32
    %swap3A_1591 = arith.index_cast %swap3A_1590 : i32 to index
    %swap3A_1592 = memref.load %arg8[%swap3A_1591] : memref<128xi32, #tpu.memory_space<smem>>
    memref.store %add3A_1589, %arg8[%swap3A_1591] : memref<128xi32, #tpu.memory_space<smem>>
    %slice3A_1593 = vector.extract_strided_slice %get3A_1475 {offsets = [9], sizes = [1], strides = [1]} : vector<16xi32> to vector<1xi32>
    %squeeze3A_1594 = vector.extract %slice3A_1593[0] : i32 from vector<1xi32>
    %lt3A_1595 = arith.constant 0 : i32
    %lt3A_1596 = arith.cmpi slt, %squeeze3A_1594, %lt3A_1595 : i32
    %jit3A_1597 = arith.constant 32 : i32
    %select_n3A_1598 = arith.select %lt3A_1596, %jit3A_1597, %squeeze3A_1594 : i32
    %mul3A_1599 = arith.constant 8 : i32
    %mul3A_1600 = arith.muli %mul3A_1599, %select_n3A_1598 : i32
    %add3A_1601 = arith.constant 1 : i32
    %add3A_1602 = arith.addi %mul3A_1600, %add3A_1601 : i32
    %swap3A_1603 = arith.constant 121 : i32
    %swap3A_1604 = arith.index_cast %swap3A_1603 : i32 to index
    %swap3A_1605 = memref.load %arg8[%swap3A_1604] : memref<128xi32, #tpu.memory_space<smem>>
    memref.store %add3A_1602, %arg8[%swap3A_1604] : memref<128xi32, #tpu.memory_space<smem>>
    %slice3A_1606 = vector.extract_strided_slice %get3A_1475 {offsets = [10], sizes = [1], strides = [1]} : vector<16xi32> to vector<1xi32>
    %squeeze3A_1607 = vector.extract %slice3A_1606[0] : i32 from vector<1xi32>
    %lt3A_1608 = arith.constant 0 : i32
    %lt3A_1609 = arith.cmpi slt, %squeeze3A_1607, %lt3A_1608 : i32
    %jit3A_1610 = arith.constant 32 : i32
    %select_n3A_1611 = arith.select %lt3A_1609, %jit3A_1610, %squeeze3A_1607 : i32
    %mul3A_1612 = arith.constant 8 : i32
    %mul3A_1613 = arith.muli %mul3A_1612, %select_n3A_1611 : i32
    %add3A_1614 = arith.constant 2 : i32
    %add3A_1615 = arith.addi %mul3A_1613, %add3A_1614 : i32
    %swap3A_1616 = arith.constant 122 : i32
    %swap3A_1617 = arith.index_cast %swap3A_1616 : i32 to index
    %swap3A_1618 = memref.load %arg8[%swap3A_1617] : memref<128xi32, #tpu.memory_space<smem>>
    memref.store %add3A_1615, %arg8[%swap3A_1617] : memref<128xi32, #tpu.memory_space<smem>>
    %slice3A_1619 = vector.extract_strided_slice %get3A_1475 {offsets = [11], sizes = [1], strides = [1]} : vector<16xi32> to vector<1xi32>
    %squeeze3A_1620 = vector.extract %slice3A_1619[0] : i32 from vector<1xi32>
    %lt3A_1621 = arith.constant 0 : i32
    %lt3A_1622 = arith.cmpi slt, %squeeze3A_1620, %lt3A_1621 : i32
    %jit3A_1623 = arith.constant 32 : i32
    %select_n3A_1624 = arith.select %lt3A_1622, %jit3A_1623, %squeeze3A_1620 : i32
    %mul3A_1625 = arith.constant 8 : i32
    %mul3A_1626 = arith.muli %mul3A_1625, %select_n3A_1624 : i32
    %add3A_1627 = arith.constant 3 : i32
    %add3A_1628 = arith.addi %mul3A_1626, %add3A_1627 : i32
    %swap3A_1629 = arith.constant 123 : i32
    %swap3A_1630 = arith.index_cast %swap3A_1629 : i32 to index
    %swap3A_1631 = memref.load %arg8[%swap3A_1630] : memref<128xi32, #tpu.memory_space<smem>>
    memref.store %add3A_1628, %arg8[%swap3A_1630] : memref<128xi32, #tpu.memory_space<smem>>
    %slice3A_1632 = vector.extract_strided_slice %get3A_1475 {offsets = [12], sizes = [1], strides = [1]} : vector<16xi32> to vector<1xi32>
    %squeeze3A_1633 = vector.extract %slice3A_1632[0] : i32 from vector<1xi32>
    %lt3A_1634 = arith.constant 0 : i32
    %lt3A_1635 = arith.cmpi slt, %squeeze3A_1633, %lt3A_1634 : i32
    %jit3A_1636 = arith.constant 32 : i32
    %select_n3A_1637 = arith.select %lt3A_1635, %jit3A_1636, %squeeze3A_1633 : i32
    %mul3A_1638 = arith.constant 8 : i32
    %mul3A_1639 = arith.muli %mul3A_1638, %select_n3A_1637 : i32
    %add3A_1640 = arith.constant 0 : i32
    %add3A_1641 = arith.addi %mul3A_1639, %add3A_1640 : i32
    %swap3A_1642 = arith.constant 124 : i32
    %swap3A_1643 = arith.index_cast %swap3A_1642 : i32 to index
    %swap3A_1644 = memref.load %arg8[%swap3A_1643] : memref<128xi32, #tpu.memory_space<smem>>
    memref.store %add3A_1641, %arg8[%swap3A_1643] : memref<128xi32, #tpu.memory_space<smem>>
    %slice3A_1645 = vector.extract_strided_slice %get3A_1475 {offsets = [13], sizes = [1], strides = [1]} : vector<16xi32> to vector<1xi32>
    %squeeze3A_1646 = vector.extract %slice3A_1645[0] : i32 from vector<1xi32>
    %lt3A_1647 = arith.constant 0 : i32
    %lt3A_1648 = arith.cmpi slt, %squeeze3A_1646, %lt3A_1647 : i32
    %jit3A_1649 = arith.constant 32 : i32
    %select_n3A_1650 = arith.select %lt3A_1648, %jit3A_1649, %squeeze3A_1646 : i32
    %mul3A_1651 = arith.constant 8 : i32
    %mul3A_1652 = arith.muli %mul3A_1651, %select_n3A_1650 : i32
    %add3A_1653 = arith.constant 1 : i32
    %add3A_1654 = arith.addi %mul3A_1652, %add3A_1653 : i32
    %swap3A_1655 = arith.constant 125 : i32
    %swap3A_1656 = arith.index_cast %swap3A_1655 : i32 to index
    %swap3A_1657 = memref.load %arg8[%swap3A_1656] : memref<128xi32, #tpu.memory_space<smem>>
    memref.store %add3A_1654, %arg8[%swap3A_1656] : memref<128xi32, #tpu.memory_space<smem>>
    %slice3A_1658 = vector.extract_strided_slice %get3A_1475 {offsets = [14], sizes = [1], strides = [1]} : vector<16xi32> to vector<1xi32>
    %squeeze3A_1659 = vector.extract %slice3A_1658[0] : i32 from vector<1xi32>
    %lt3A_1660 = arith.constant 0 : i32
    %lt3A_1661 = arith.cmpi slt, %squeeze3A_1659, %lt3A_1660 : i32
    %jit3A_1662 = arith.constant 32 : i32
    %select_n3A_1663 = arith.select %lt3A_1661, %jit3A_1662, %squeeze3A_1659 : i32
    %mul3A_1664 = arith.constant 8 : i32
    %mul3A_1665 = arith.muli %mul3A_1664, %select_n3A_1663 : i32
    %add3A_1666 = arith.constant 2 : i32
    %add3A_1667 = arith.addi %mul3A_1665, %add3A_1666 : i32
    %swap3A_1668 = arith.constant 126 : i32
    %swap3A_1669 = arith.index_cast %swap3A_1668 : i32 to index
    %swap3A_1670 = memref.load %arg8[%swap3A_1669] : memref<128xi32, #tpu.memory_space<smem>>
    memref.store %add3A_1667, %arg8[%swap3A_1669] : memref<128xi32, #tpu.memory_space<smem>>
    %slice3A_1671 = vector.extract_strided_slice %get3A_1475 {offsets = [15], sizes = [1], strides = [1]} : vector<16xi32> to vector<1xi32>
    %squeeze3A_1672 = vector.extract %slice3A_1671[0] : i32 from vector<1xi32>
    %lt3A_1673 = arith.constant 0 : i32
    %lt3A_1674 = arith.cmpi slt, %squeeze3A_1672, %lt3A_1673 : i32
    %jit3A_1675 = arith.constant 32 : i32
    %select_n3A_1676 = arith.select %lt3A_1674, %jit3A_1675, %squeeze3A_1672 : i32
    %mul3A_1677 = arith.constant 8 : i32
    %mul3A_1678 = arith.muli %mul3A_1677, %select_n3A_1676 : i32
    %add3A_1679 = arith.constant 3 : i32
    %add3A_1680 = arith.addi %mul3A_1678, %add3A_1679 : i32
    %swap3A_1681 = arith.constant 127 : i32
    %swap3A_1682 = arith.index_cast %swap3A_1681 : i32 to index
    %swap3A_1683 = memref.load %arg8[%swap3A_1682] : memref<128xi32, #tpu.memory_space<smem>>
    memref.store %add3A_1680, %arg8[%swap3A_1682] : memref<128xi32, #tpu.memory_space<smem>>
    %broadcast_in_dim3A = arith.constant 0.000000e+00 : f32
    %broadcast_in_dim3A_1684 = vector.broadcast %broadcast_in_dim3A : f32 to vector<16xf32>
    %swap3A_1685 = arith.constant 0 : i32
    %swap3A_1686 = arith.constant 256 : i32
    %swap3A_1687 = arith.index_cast %swap3A_1685 : i32 to index
    %swap3A_1688 = arith.index_cast %swap3A_1686 : i32 to index
    %swap3A_1689 = arith.constant 0 : index
    %swap3A_1690 = tpu.vector_load %arg5[%swap3A_1687, %swap3A_1688, %swap3A_1689] {strides = array<i32>} : memref<2x264x128xf32, #tpu.memory_space<vmem>>, vector<1x1x16xf32>,
    %swap3A_1691 = vector.shape_cast %swap3A_1690 : vector<1x1x16xf32> to vector<16xf32>
    %swap3A_1692 = vector.shape_cast %broadcast_in_dim3A_1684 : vector<16xf32> to vector<1x1x16xf32>
    tpu.vector_store %arg5[%swap3A_1687, %swap3A_1688, %swap3A_1689], %swap3A_1692 {strides = array<i32>} : memref<2x264x128xf32, #tpu.memory_space<vmem>>, vector<1x1x16xf32>,
    %swap3A_1693 = arith.constant 0 : i32
    %swap3A_1694 = arith.constant 256 : i32
    %swap3A_1695 = arith.index_cast %swap3A_1693 : i32 to index
    %swap3A_1696 = arith.index_cast %swap3A_1694 : i32 to index
    %swap3A_1697 = arith.constant 16 : index
    %swap3A_1698 = tpu.vector_load %arg5[%swap3A_1695, %swap3A_1696, %swap3A_1697] {strides = array<i32>} : memref<2x264x128xf32, #tpu.memory_space<vmem>>, vector<1x1x16xf32>,
    %swap3A_1699 = vector.shape_cast %swap3A_1698 : vector<1x1x16xf32> to vector<16xf32>
    %swap3A_1700 = vector.shape_cast %broadcast_in_dim3A_1684 : vector<16xf32> to vector<1x1x16xf32>
    tpu.vector_store %arg5[%swap3A_1695, %swap3A_1696, %swap3A_1697], %swap3A_1700 {strides = array<i32>} : memref<2x264x128xf32, #tpu.memory_space<vmem>>, vector<1x1x16xf32>,
    %swap3A_1701 = arith.constant 0 : i32
    %swap3A_1702 = arith.constant 256 : i32
    %swap3A_1703 = arith.index_cast %swap3A_1701 : i32 to index
    %swap3A_1704 = arith.index_cast %swap3A_1702 : i32 to index
    %swap3A_1705 = arith.constant 32 : index
    %swap3A_1706 = tpu.vector_load %arg5[%swap3A_1703, %swap3A_1704, %swap3A_1705] {strides = array<i32>} : memref<2x264x128xf32, #tpu.memory_space<vmem>>, vector<1x1x16xf32>,
    %swap3A_1707 = vector.shape_cast %swap3A_1706 : vector<1x1x16xf32> to vector<16xf32>
    %swap3A_1708 = vector.shape_cast %broadcast_in_dim3A_1684 : vector<16xf32> to vector<1x1x16xf32>
    tpu.vector_store %arg5[%swap3A_1703, %swap3A_1704, %swap3A_1705], %swap3A_1708 {strides = array<i32>} : memref<2x264x128xf32, #tpu.memory_space<vmem>>, vector<1x1x16xf32>,
    %swap3A_1709 = arith.constant 0 : i32
    %swap3A_1710 = arith.constant 256 : i32
    %swap3A_1711 = arith.index_cast %swap3A_1709 : i32 to index
    %swap3A_1712 = arith.index_cast %swap3A_1710 : i32 to index
    %swap3A_1713 = arith.constant 48 : index
    %swap3A_1714 = tpu.vector_load %arg5[%swap3A_1711, %swap3A_1712, %swap3A_1713] {strides = array<i32>} : memref<2x264x128xf32, #tpu.memory_space<vmem>>, vector<1x1x16xf32>,
    %swap3A_1715 = vector.shape_cast %swap3A_1714 : vector<1x1x16xf32> to vector<16xf32>
    %swap3A_1716 = vector.shape_cast %broadcast_in_dim3A_1684 : vector<16xf32> to vector<1x1x16xf32>
    tpu.vector_store %arg5[%swap3A_1711, %swap3A_1712, %swap3A_1713], %swap3A_1716 {strides = array<i32>} : memref<2x264x128xf32, #tpu.memory_space<vmem>>, vector<1x1x16xf32>,
    %swap3A_1717 = arith.constant 0 : i32
    %swap3A_1718 = arith.constant 256 : i32
    %swap3A_1719 = arith.index_cast %swap3A_1717 : i32 to index
    %swap3A_1720 = arith.index_cast %swap3A_1718 : i32 to index
    %swap3A_1721 = arith.constant 64 : index
    %swap3A_1722 = tpu.vector_load %arg5[%swap3A_1719, %swap3A_1720, %swap3A_1721] {strides = array<i32>} : memref<2x264x128xf32, #tpu.memory_space<vmem>>, vector<1x1x16xf32>,
    %swap3A_1723 = vector.shape_cast %swap3A_1722 : vector<1x1x16xf32> to vector<16xf32>
    %swap3A_1724 = vector.shape_cast %broadcast_in_dim3A_1684 : vector<16xf32> to vector<1x1x16xf32>
    tpu.vector_store %arg5[%swap3A_1719, %swap3A_1720, %swap3A_1721], %swap3A_1724 {strides = array<i32>} : memref<2x264x128xf32, #tpu.memory_space<vmem>>, vector<1x1x16xf32>,
    %swap3A_1725 = arith.constant 0 : i32
    %swap3A_1726 = arith.constant 256 : i32
    %swap3A_1727 = arith.index_cast %swap3A_1725 : i32 to index
    %swap3A_1728 = arith.index_cast %swap3A_1726 : i32 to index
    %swap3A_1729 = arith.constant 80 : index
    %swap3A_1730 = tpu.vector_load %arg5[%swap3A_1727, %swap3A_1728, %swap3A_1729] {strides = array<i32>} : memref<2x264x128xf32, #tpu.memory_space<vmem>>, vector<1x1x16xf32>,
    %swap3A_1731 = vector.shape_cast %swap3A_1730 : vector<1x1x16xf32> to vector<16xf32>
    %swap3A_1732 = vector.shape_cast %broadcast_in_dim3A_1684 : vector<16xf32> to vector<1x1x16xf32>
    tpu.vector_store %arg5[%swap3A_1727, %swap3A_1728, %swap3A_1729], %swap3A_1732 {strides = array<i32>} : memref<2x264x128xf32, #tpu.memory_space<vmem>>, vector<1x1x16xf32>,
    %swap3A_1733 = arith.constant 0 : i32
    %swap3A_1734 = arith.constant 256 : i32
    %swap3A_1735 = arith.index_cast %swap3A_1733 : i32 to index
    %swap3A_1736 = arith.index_cast %swap3A_1734 : i32 to index
    %swap3A_1737 = arith.constant 96 : index
    %swap3A_1738 = tpu.vector_load %arg5[%swap3A_1735, %swap3A_1736, %swap3A_1737] {strides = array<i32>} : memref<2x264x128xf32, #tpu.memory_space<vmem>>, vector<1x1x16xf32>,
    %swap3A_1739 = vector.shape_cast %swap3A_1738 : vector<1x1x16xf32> to vector<16xf32>
    %swap3A_1740 = vector.shape_cast %broadcast_in_dim3A_1684 : vector<16xf32> to vector<1x1x16xf32>
    tpu.vector_store %arg5[%swap3A_1735, %swap3A_1736, %swap3A_1737], %swap3A_1740 {strides = array<i32>} : memref<2x264x128xf32, #tpu.memory_space<vmem>>, vector<1x1x16xf32>,
    %swap3A_1741 = arith.constant 0 : i32
    %swap3A_1742 = arith.constant 256 : i32
    %swap3A_1743 = arith.index_cast %swap3A_1741 : i32 to index
    %swap3A_1744 = arith.index_cast %swap3A_1742 : i32 to index
    %swap3A_1745 = arith.constant 112 : index
    %swap3A_1746 = tpu.vector_load %arg5[%swap3A_1743, %swap3A_1744, %swap3A_1745] {strides = array<i32>} : memref<2x264x128xf32, #tpu.memory_space<vmem>>, vector<1x1x16xf32>,
    %swap3A_1747 = vector.shape_cast %swap3A_1746 : vector<1x1x16xf32> to vector<16xf32>
    %swap3A_1748 = vector.shape_cast %broadcast_in_dim3A_1684 : vector<16xf32> to vector<1x1x16xf32>
    tpu.vector_store %arg5[%swap3A_1743, %swap3A_1744, %swap3A_1745], %swap3A_1748 {strides = array<i32>} : memref<2x264x128xf32, #tpu.memory_space<vmem>>, vector<1x1x16xf32>,
    %swap3A_1749 = arith.constant 0 : i32
    %swap3A_1750 = arith.constant 257 : i32
    %swap3A_1751 = arith.index_cast %swap3A_1749 : i32 to index
    %swap3A_1752 = arith.index_cast %swap3A_1750 : i32 to index
    %swap3A_1753 = arith.constant 0 : index
    %swap3A_1754 = tpu.vector_load %arg5[%swap3A_1751, %swap3A_1752, %swap3A_1753] {strides = array<i32>} : memref<2x264x128xf32, #tpu.memory_space<vmem>>, vector<1x1x16xf32>,
    %swap3A_1755 = vector.shape_cast %swap3A_1754 : vector<1x1x16xf32> to vector<16xf32>
    %swap3A_1756 = vector.shape_cast %broadcast_in_dim3A_1684 : vector<16xf32> to vector<1x1x16xf32>
    tpu.vector_store %arg5[%swap3A_1751, %swap3A_1752, %swap3A_1753], %swap3A_1756 {strides = array<i32>} : memref<2x264x128xf32, #tpu.memory_space<vmem>>, vector<1x1x16xf32>,
    %swap3A_1757 = arith.constant 0 : i32
    %swap3A_1758 = arith.constant 257 : i32
    %swap3A_1759 = arith.index_cast %swap3A_1757 : i32 to index
    %swap3A_1760 = arith.index_cast %swap3A_1758 : i32 to index
    %swap3A_1761 = arith.constant 16 : index
    %swap3A_1762 = tpu.vector_load %arg5[%swap3A_1759, %swap3A_1760, %swap3A_1761] {strides = array<i32>} : memref<2x264x128xf32, #tpu.memory_space<vmem>>, vector<1x1x16xf32>,
    %swap3A_1763 = vector.shape_cast %swap3A_1762 : vector<1x1x16xf32> to vector<16xf32>
    %swap3A_1764 = vector.shape_cast %broadcast_in_dim3A_1684 : vector<16xf32> to vector<1x1x16xf32>
    tpu.vector_store %arg5[%swap3A_1759, %swap3A_1760, %swap3A_1761], %swap3A_1764 {strides = array<i32>} : memref<2x264x128xf32, #tpu.memory_space<vmem>>, vector<1x1x16xf32>,
    %swap3A_1765 = arith.constant 0 : i32
    %swap3A_1766 = arith.constant 257 : i32
    %swap3A_1767 = arith.index_cast %swap3A_1765 : i32 to index
    %swap3A_1768 = arith.index_cast %swap3A_1766 : i32 to index
    %swap3A_1769 = arith.constant 32 : index
    %swap3A_1770 = tpu.vector_load %arg5[%swap3A_1767, %swap3A_1768, %swap3A_1769] {strides = array<i32>} : memref<2x264x128xf32, #tpu.memory_space<vmem>>, vector<1x1x16xf32>,
    %swap3A_1771 = vector.shape_cast %swap3A_1770 : vector<1x1x16xf32> to vector<16xf32>
    %swap3A_1772 = vector.shape_cast %broadcast_in_dim3A_1684 : vector<16xf32> to vector<1x1x16xf32>
    tpu.vector_store %arg5[%swap3A_1767, %swap3A_1768, %swap3A_1769], %swap3A_1772 {strides = array<i32>} : memref<2x264x128xf32, #tpu.memory_space<vmem>>, vector<1x1x16xf32>,
    %swap3A_1773 = arith.constant 0 : i32
    %swap3A_1774 = arith.constant 257 : i32
    %swap3A_1775 = arith.index_cast %swap3A_1773 : i32 to index
    %swap3A_1776 = arith.index_cast %swap3A_1774 : i32 to index
    %swap3A_1777 = arith.constant 48 : index
    %swap3A_1778 = tpu.vector_load %arg5[%swap3A_1775, %swap3A_1776, %swap3A_1777] {strides = array<i32>} : memref<2x264x128xf32, #tpu.memory_space<vmem>>, vector<1x1x16xf32>,
    %swap3A_1779 = vector.shape_cast %swap3A_1778 : vector<1x1x16xf32> to vector<16xf32>
    %swap3A_1780 = vector.shape_cast %broadcast_in_dim3A_1684 : vector<16xf32> to vector<1x1x16xf32>
    tpu.vector_store %arg5[%swap3A_1775, %swap3A_1776, %swap3A_1777], %swap3A_1780 {strides = array<i32>} : memref<2x264x128xf32, #tpu.memory_space<vmem>>, vector<1x1x16xf32>,
    %swap3A_1781 = arith.constant 0 : i32
    %swap3A_1782 = arith.constant 257 : i32
    %swap3A_1783 = arith.index_cast %swap3A_1781 : i32 to index
    %swap3A_1784 = arith.index_cast %swap3A_1782 : i32 to index
    %swap3A_1785 = arith.constant 64 : index
    %swap3A_1786 = tpu.vector_load %arg5[%swap3A_1783, %swap3A_1784, %swap3A_1785] {strides = array<i32>} : memref<2x264x128xf32, #tpu.memory_space<vmem>>, vector<1x1x16xf32>,
    %swap3A_1787 = vector.shape_cast %swap3A_1786 : vector<1x1x16xf32> to vector<16xf32>
    %swap3A_1788 = vector.shape_cast %broadcast_in_dim3A_1684 : vector<16xf32> to vector<1x1x16xf32>
    tpu.vector_store %arg5[%swap3A_1783, %swap3A_1784, %swap3A_1785], %swap3A_1788 {strides = array<i32>} : memref<2x264x128xf32, #tpu.memory_space<vmem>>, vector<1x1x16xf32>,
    %swap3A_1789 = arith.constant 0 : i32
    %swap3A_1790 = arith.constant 257 : i32
    %swap3A_1791 = arith.index_cast %swap3A_1789 : i32 to index
    %swap3A_1792 = arith.index_cast %swap3A_1790 : i32 to index
    %swap3A_1793 = arith.constant 80 : index
    %swap3A_1794 = tpu.vector_load %arg5[%swap3A_1791, %swap3A_1792, %swap3A_1793] {strides = array<i32>} : memref<2x264x128xf32, #tpu.memory_space<vmem>>, vector<1x1x16xf32>,
    %swap3A_1795 = vector.shape_cast %swap3A_1794 : vector<1x1x16xf32> to vector<16xf32>
    %swap3A_1796 = vector.shape_cast %broadcast_in_dim3A_1684 : vector<16xf32> to vector<1x1x16xf32>
    tpu.vector_store %arg5[%swap3A_1791, %swap3A_1792, %swap3A_1793], %swap3A_1796 {strides = array<i32>} : memref<2x264x128xf32, #tpu.memory_space<vmem>>, vector<1x1x16xf32>,
    %swap3A_1797 = arith.constant 0 : i32
    %swap3A_1798 = arith.constant 257 : i32
    %swap3A_1799 = arith.index_cast %swap3A_1797 : i32 to index
    %swap3A_1800 = arith.index_cast %swap3A_1798 : i32 to index
    %swap3A_1801 = arith.constant 96 : index
    %swap3A_1802 = tpu.vector_load %arg5[%swap3A_1799, %swap3A_1800, %swap3A_1801] {strides = array<i32>} : memref<2x264x128xf32, #tpu.memory_space<vmem>>, vector<1x1x16xf32>,
    %swap3A_1803 = vector.shape_cast %swap3A_1802 : vector<1x1x16xf32> to vector<16xf32>
    %swap3A_1804 = vector.shape_cast %broadcast_in_dim3A_1684 : vector<16xf32> to vector<1x1x16xf32>
    tpu.vector_store %arg5[%swap3A_1799, %swap3A_1800, %swap3A_1801], %swap3A_1804 {strides = array<i32>} : memref<2x264x128xf32, #tpu.memory_space<vmem>>, vector<1x1x16xf32>,
    %swap3A_1805 = arith.constant 0 : i32
    %swap3A_1806 = arith.constant 257 : i32
    %swap3A_1807 = arith.index_cast %swap3A_1805 : i32 to index
    %swap3A_1808 = arith.index_cast %swap3A_1806 : i32 to index
    %swap3A_1809 = arith.constant 112 : index
    %swap3A_1810 = tpu.vector_load %arg5[%swap3A_1807, %swap3A_1808, %swap3A_1809] {strides = array<i32>} : memref<2x264x128xf32, #tpu.memory_space<vmem>>, vector<1x1x16xf32>,
    %swap3A_1811 = vector.shape_cast %swap3A_1810 : vector<1x1x16xf32> to vector<16xf32>
    %swap3A_1812 = vector.shape_cast %broadcast_in_dim3A_1684 : vector<16xf32> to vector<1x1x16xf32>
    tpu.vector_store %arg5[%swap3A_1807, %swap3A_1808, %swap3A_1809], %swap3A_1812 {strides = array<i32>} : memref<2x264x128xf32, #tpu.memory_space<vmem>>, vector<1x1x16xf32>,
    %swap3A_1813 = arith.constant 0 : i32
    %swap3A_1814 = arith.constant 258 : i32
    %swap3A_1815 = arith.index_cast %swap3A_1813 : i32 to index
    %swap3A_1816 = arith.index_cast %swap3A_1814 : i32 to index
    %swap3A_1817 = arith.constant 0 : index
    %swap3A_1818 = tpu.vector_load %arg5[%swap3A_1815, %swap3A_1816, %swap3A_1817] {strides = array<i32>} : memref<2x264x128xf32, #tpu.memory_space<vmem>>, vector<1x1x16xf32>,
    %swap3A_1819 = vector.shape_cast %swap3A_1818 : vector<1x1x16xf32> to vector<16xf32>
    %swap3A_1820 = vector.shape_cast %broadcast_in_dim3A_1684 : vector<16xf32> to vector<1x1x16xf32>
    tpu.vector_store %arg5[%swap3A_1815, %swap3A_1816, %swap3A_1817], %swap3A_1820 {strides = array<i32>} : memref<2x264x128xf32, #tpu.memory_space<vmem>>, vector<1x1x16xf32>,
    %swap3A_1821 = arith.constant 0 : i32
    %swap3A_1822 = arith.constant 258 : i32
    %swap3A_1823 = arith.index_cast %swap3A_1821 : i32 to index
    %swap3A_1824 = arith.index_cast %swap3A_1822 : i32 to index
    %swap3A_1825 = arith.constant 16 : index
    %swap3A_1826 = tpu.vector_load %arg5[%swap3A_1823, %swap3A_1824, %swap3A_1825] {strides = array<i32>} : memref<2x264x128xf32, #tpu.memory_space<vmem>>, vector<1x1x16xf32>,
    %swap3A_1827 = vector.shape_cast %swap3A_1826 : vector<1x1x16xf32> to vector<16xf32>
    %swap3A_1828 = vector.shape_cast %broadcast_in_dim3A_1684 : vector<16xf32> to vector<1x1x16xf32>
    tpu.vector_store %arg5[%swap3A_1823, %swap3A_1824, %swap3A_1825], %swap3A_1828 {strides = array<i32>} : memref<2x264x128xf32, #tpu.memory_space<vmem>>, vector<1x1x16xf32>,
    %swap3A_1829 = arith.constant 0 : i32
    %swap3A_1830 = arith.constant 258 : i32
    %swap3A_1831 = arith.index_cast %swap3A_1829 : i32 to index
    %swap3A_1832 = arith.index_cast %swap3A_1830 : i32 to index
    %swap3A_1833 = arith.constant 32 : index
    %swap3A_1834 = tpu.vector_load %arg5[%swap3A_1831, %swap3A_1832, %swap3A_1833] {strides = array<i32>} : memref<2x264x128xf32, #tpu.memory_space<vmem>>, vector<1x1x16xf32>,
    %swap3A_1835 = vector.shape_cast %swap3A_1834 : vector<1x1x16xf32> to vector<16xf32>
    %swap3A_1836 = vector.shape_cast %broadcast_in_dim3A_1684 : vector<16xf32> to vector<1x1x16xf32>
    tpu.vector_store %arg5[%swap3A_1831, %swap3A_1832, %swap3A_1833], %swap3A_1836 {strides = array<i32>} : memref<2x264x128xf32, #tpu.memory_space<vmem>>, vector<1x1x16xf32>,
    %swap3A_1837 = arith.constant 0 : i32
    %swap3A_1838 = arith.constant 258 : i32
    %swap3A_1839 = arith.index_cast %swap3A_1837 : i32 to index
    %swap3A_1840 = arith.index_cast %swap3A_1838 : i32 to index
    %swap3A_1841 = arith.constant 48 : index
    %swap3A_1842 = tpu.vector_load %arg5[%swap3A_1839, %swap3A_1840, %swap3A_1841] {strides = array<i32>} : memref<2x264x128xf32, #tpu.memory_space<vmem>>, vector<1x1x16xf32>,
    %swap3A_1843 = vector.shape_cast %swap3A_1842 : vector<1x1x16xf32> to vector<16xf32>
    %swap3A_1844 = vector.shape_cast %broadcast_in_dim3A_1684 : vector<16xf32> to vector<1x1x16xf32>
    tpu.vector_store %arg5[%swap3A_1839, %swap3A_1840, %swap3A_1841], %swap3A_1844 {strides = array<i32>} : memref<2x264x128xf32, #tpu.memory_space<vmem>>, vector<1x1x16xf32>,
    %swap3A_1845 = arith.constant 0 : i32
    %swap3A_1846 = arith.constant 258 : i32
    %swap3A_1847 = arith.index_cast %swap3A_1845 : i32 to index
    %swap3A_1848 = arith.index_cast %swap3A_1846 : i32 to index
    %swap3A_1849 = arith.constant 64 : index
    %swap3A_1850 = tpu.vector_load %arg5[%swap3A_1847, %swap3A_1848, %swap3A_1849] {strides = array<i32>} : memref<2x264x128xf32, #tpu.memory_space<vmem>>, vector<1x1x16xf32>,
    %swap3A_1851 = vector.shape_cast %swap3A_1850 : vector<1x1x16xf32> to vector<16xf32>
    %swap3A_1852 = vector.shape_cast %broadcast_in_dim3A_1684 : vector<16xf32> to vector<1x1x16xf32>
    tpu.vector_store %arg5[%swap3A_1847, %swap3A_1848, %swap3A_1849], %swap3A_1852 {strides = array<i32>} : memref<2x264x128xf32, #tpu.memory_space<vmem>>, vector<1x1x16xf32>,
    %swap3A_1853 = arith.constant 0 : i32
    %swap3A_1854 = arith.constant 258 : i32
    %swap3A_1855 = arith.index_cast %swap3A_1853 : i32 to index
    %swap3A_1856 = arith.index_cast %swap3A_1854 : i32 to index
    %swap3A_1857 = arith.constant 80 : index
    %swap3A_1858 = tpu.vector_load %arg5[%swap3A_1855, %swap3A_1856, %swap3A_1857] {strides = array<i32>} : memref<2x264x128xf32, #tpu.memory_space<vmem>>, vector<1x1x16xf32>,
    %swap3A_1859 = vector.shape_cast %swap3A_1858 : vector<1x1x16xf32> to vector<16xf32>
    %swap3A_1860 = vector.shape_cast %broadcast_in_dim3A_1684 : vector<16xf32> to vector<1x1x16xf32>
    tpu.vector_store %arg5[%swap3A_1855, %swap3A_1856, %swap3A_1857], %swap3A_1860 {strides = array<i32>} : memref<2x264x128xf32, #tpu.memory_space<vmem>>, vector<1x1x16xf32>,
    %swap3A_1861 = arith.constant 0 : i32
    %swap3A_1862 = arith.constant 258 : i32
    %swap3A_1863 = arith.index_cast %swap3A_1861 : i32 to index
    %swap3A_1864 = arith.index_cast %swap3A_1862 : i32 to index
    %swap3A_1865 = arith.constant 96 : index
    %swap3A_1866 = tpu.vector_load %arg5[%swap3A_1863, %swap3A_1864, %swap3A_1865] {strides = array<i32>} : memref<2x264x128xf32, #tpu.memory_space<vmem>>, vector<1x1x16xf32>,
    %swap3A_1867 = vector.shape_cast %swap3A_1866 : vector<1x1x16xf32> to vector<16xf32>
    %swap3A_1868 = vector.shape_cast %broadcast_in_dim3A_1684 : vector<16xf32> to vector<1x1x16xf32>
    tpu.vector_store %arg5[%swap3A_1863, %swap3A_1864, %swap3A_1865], %swap3A_1868 {strides = array<i32>} : memref<2x264x128xf32, #tpu.memory_space<vmem>>, vector<1x1x16xf32>,
    %swap3A_1869 = arith.constant 0 : i32
    %swap3A_1870 = arith.constant 258 : i32
    %swap3A_1871 = arith.index_cast %swap3A_1869 : i32 to index
    %swap3A_1872 = arith.index_cast %swap3A_1870 : i32 to index
    %swap3A_1873 = arith.constant 112 : index
    %swap3A_1874 = tpu.vector_load %arg5[%swap3A_1871, %swap3A_1872, %swap3A_1873] {strides = array<i32>} : memref<2x264x128xf32, #tpu.memory_space<vmem>>, vector<1x1x16xf32>,
    %swap3A_1875 = vector.shape_cast %swap3A_1874 : vector<1x1x16xf32> to vector<16xf32>
    %swap3A_1876 = vector.shape_cast %broadcast_in_dim3A_1684 : vector<16xf32> to vector<1x1x16xf32>
    tpu.vector_store %arg5[%swap3A_1871, %swap3A_1872, %swap3A_1873], %swap3A_1876 {strides = array<i32>} : memref<2x264x128xf32, #tpu.memory_space<vmem>>, vector<1x1x16xf32>,
    %swap3A_1877 = arith.constant 0 : i32
    %swap3A_1878 = arith.constant 259 : i32
    %swap3A_1879 = arith.index_cast %swap3A_1877 : i32 to index
    %swap3A_1880 = arith.index_cast %swap3A_1878 : i32 to index
    %swap3A_1881 = arith.constant 0 : index
    %swap3A_1882 = tpu.vector_load %arg5[%swap3A_1879, %swap3A_1880, %swap3A_1881] {strides = array<i32>} : memref<2x264x128xf32, #tpu.memory_space<vmem>>, vector<1x1x16xf32>,
    %swap3A_1883 = vector.shape_cast %swap3A_1882 : vector<1x1x16xf32> to vector<16xf32>
    %swap3A_1884 = vector.shape_cast %broadcast_in_dim3A_1684 : vector<16xf32> to vector<1x1x16xf32>
    tpu.vector_store %arg5[%swap3A_1879, %swap3A_1880, %swap3A_1881], %swap3A_1884 {strides = array<i32>} : memref<2x264x128xf32, #tpu.memory_space<vmem>>, vector<1x1x16xf32>,
    %swap3A_1885 = arith.constant 0 : i32
    %swap3A_1886 = arith.constant 259 : i32
    %swap3A_1887 = arith.index_cast %swap3A_1885 : i32 to index
    %swap3A_1888 = arith.index_cast %swap3A_1886 : i32 to index
    %swap3A_1889 = arith.constant 16 : index
    %swap3A_1890 = tpu.vector_load %arg5[%swap3A_1887, %swap3A_1888, %swap3A_1889] {strides = array<i32>} : memref<2x264x128xf32, #tpu.memory_space<vmem>>, vector<1x1x16xf32>,
    %swap3A_1891 = vector.shape_cast %swap3A_1890 : vector<1x1x16xf32> to vector<16xf32>
    %swap3A_1892 = vector.shape_cast %broadcast_in_dim3A_1684 : vector<16xf32> to vector<1x1x16xf32>
    tpu.vector_store %arg5[%swap3A_1887, %swap3A_1888, %swap3A_1889], %swap3A_1892 {strides = array<i32>} : memref<2x264x128xf32, #tpu.memory_space<vmem>>, vector<1x1x16xf32>,
    %swap3A_1893 = arith.constant 0 : i32
    %swap3A_1894 = arith.constant 259 : i32
    %swap3A_1895 = arith.index_cast %swap3A_1893 : i32 to index
    %swap3A_1896 = arith.index_cast %swap3A_1894 : i32 to index
    %swap3A_1897 = arith.constant 32 : index
    %swap3A_1898 = tpu.vector_load %arg5[%swap3A_1895, %swap3A_1896, %swap3A_1897] {strides = array<i32>} : memref<2x264x128xf32, #tpu.memory_space<vmem>>, vector<1x1x16xf32>,
    %swap3A_1899 = vector.shape_cast %swap3A_1898 : vector<1x1x16xf32> to vector<16xf32>
    %swap3A_1900 = vector.shape_cast %broadcast_in_dim3A_1684 : vector<16xf32> to vector<1x1x16xf32>
    tpu.vector_store %arg5[%swap3A_1895, %swap3A_1896, %swap3A_1897], %swap3A_1900 {strides = array<i32>} : memref<2x264x128xf32, #tpu.memory_space<vmem>>, vector<1x1x16xf32>,
    %swap3A_1901 = arith.constant 0 : i32
    %swap3A_1902 = arith.constant 259 : i32
    %swap3A_1903 = arith.index_cast %swap3A_1901 : i32 to index
    %swap3A_1904 = arith.index_cast %swap3A_1902 : i32 to index
    %swap3A_1905 = arith.constant 48 : index
    %swap3A_1906 = tpu.vector_load %arg5[%swap3A_1903, %swap3A_1904, %swap3A_1905] {strides = array<i32>} : memref<2x264x128xf32, #tpu.memory_space<vmem>>, vector<1x1x16xf32>,
    %swap3A_1907 = vector.shape_cast %swap3A_1906 : vector<1x1x16xf32> to vector<16xf32>
    %swap3A_1908 = vector.shape_cast %broadcast_in_dim3A_1684 : vector<16xf32> to vector<1x1x16xf32>
    tpu.vector_store %arg5[%swap3A_1903, %swap3A_1904, %swap3A_1905], %swap3A_1908 {strides = array<i32>} : memref<2x264x128xf32, #tpu.memory_space<vmem>>, vector<1x1x16xf32>,
    %swap3A_1909 = arith.constant 0 : i32
    %swap3A_1910 = arith.constant 259 : i32
    %swap3A_1911 = arith.index_cast %swap3A_1909 : i32 to index
    %swap3A_1912 = arith.index_cast %swap3A_1910 : i32 to index
    %swap3A_1913 = arith.constant 64 : index
    %swap3A_1914 = tpu.vector_load %arg5[%swap3A_1911, %swap3A_1912, %swap3A_1913] {strides = array<i32>} : memref<2x264x128xf32, #tpu.memory_space<vmem>>, vector<1x1x16xf32>,
    %swap3A_1915 = vector.shape_cast %swap3A_1914 : vector<1x1x16xf32> to vector<16xf32>
    %swap3A_1916 = vector.shape_cast %broadcast_in_dim3A_1684 : vector<16xf32> to vector<1x1x16xf32>
    tpu.vector_store %arg5[%swap3A_1911, %swap3A_1912, %swap3A_1913], %swap3A_1916 {strides = array<i32>} : memref<2x264x128xf32, #tpu.memory_space<vmem>>, vector<1x1x16xf32>,
    %swap3A_1917 = arith.constant 0 : i32
    %swap3A_1918 = arith.constant 259 : i32
    %swap3A_1919 = arith.index_cast %swap3A_1917 : i32 to index
    %swap3A_1920 = arith.index_cast %swap3A_1918 : i32 to index
    %swap3A_1921 = arith.constant 80 : index
    %swap3A_1922 = tpu.vector_load %arg5[%swap3A_1919, %swap3A_1920, %swap3A_1921] {strides = array<i32>} : memref<2x264x128xf32, #tpu.memory_space<vmem>>, vector<1x1x16xf32>,
    %swap3A_1923 = vector.shape_cast %swap3A_1922 : vector<1x1x16xf32> to vector<16xf32>
    %swap3A_1924 = vector.shape_cast %broadcast_in_dim3A_1684 : vector<16xf32> to vector<1x1x16xf32>
    tpu.vector_store %arg5[%swap3A_1919, %swap3A_1920, %swap3A_1921], %swap3A_1924 {strides = array<i32>} : memref<2x264x128xf32, #tpu.memory_space<vmem>>, vector<1x1x16xf32>,
    %swap3A_1925 = arith.constant 0 : i32
    %swap3A_1926 = arith.constant 259 : i32
    %swap3A_1927 = arith.index_cast %swap3A_1925 : i32 to index
    %swap3A_1928 = arith.index_cast %swap3A_1926 : i32 to index
    %swap3A_1929 = arith.constant 96 : index
    %swap3A_1930 = tpu.vector_load %arg5[%swap3A_1927, %swap3A_1928, %swap3A_1929] {strides = array<i32>} : memref<2x264x128xf32, #tpu.memory_space<vmem>>, vector<1x1x16xf32>,
    %swap3A_1931 = vector.shape_cast %swap3A_1930 : vector<1x1x16xf32> to vector<16xf32>
    %swap3A_1932 = vector.shape_cast %broadcast_in_dim3A_1684 : vector<16xf32> to vector<1x1x16xf32>
    tpu.vector_store %arg5[%swap3A_1927, %swap3A_1928, %swap3A_1929], %swap3A_1932 {strides = array<i32>} : memref<2x264x128xf32, #tpu.memory_space<vmem>>, vector<1x1x16xf32>,
    %swap3A_1933 = arith.constant 0 : i32
    %swap3A_1934 = arith.constant 259 : i32
    %swap3A_1935 = arith.index_cast %swap3A_1933 : i32 to index
    %swap3A_1936 = arith.index_cast %swap3A_1934 : i32 to index
    %swap3A_1937 = arith.constant 112 : index
    %swap3A_1938 = tpu.vector_load %arg5[%swap3A_1935, %swap3A_1936, %swap3A_1937] {strides = array<i32>} : memref<2x264x128xf32, #tpu.memory_space<vmem>>, vector<1x1x16xf32>,
    %swap3A_1939 = vector.shape_cast %swap3A_1938 : vector<1x1x16xf32> to vector<16xf32>
    %swap3A_1940 = vector.shape_cast %broadcast_in_dim3A_1684 : vector<16xf32> to vector<1x1x16xf32>
    tpu.vector_store %arg5[%swap3A_1935, %swap3A_1936, %swap3A_1937], %swap3A_1940 {strides = array<i32>} : memref<2x264x128xf32, #tpu.memory_space<vmem>>, vector<1x1x16xf32>,
    %swap3A_1941 = arith.constant 0 : i32
    %swap3A_1942 = arith.constant 260 : i32
    %swap3A_1943 = arith.index_cast %swap3A_1941 : i32 to index
    %swap3A_1944 = arith.index_cast %swap3A_1942 : i32 to index
    %swap3A_1945 = arith.constant 0 : index
    %swap3A_1946 = tpu.vector_load %arg5[%swap3A_1943, %swap3A_1944, %swap3A_1945] {strides = array<i32>} : memref<2x264x128xf32, #tpu.memory_space<vmem>>, vector<1x1x16xf32>,
    %swap3A_1947 = vector.shape_cast %swap3A_1946 : vector<1x1x16xf32> to vector<16xf32>
    %swap3A_1948 = vector.shape_cast %broadcast_in_dim3A_1684 : vector<16xf32> to vector<1x1x16xf32>
    tpu.vector_store %arg5[%swap3A_1943, %swap3A_1944, %swap3A_1945], %swap3A_1948 {strides = array<i32>} : memref<2x264x128xf32, #tpu.memory_space<vmem>>, vector<1x1x16xf32>,
    %swap3A_1949 = arith.constant 0 : i32
    %swap3A_1950 = arith.constant 260 : i32
    %swap3A_1951 = arith.index_cast %swap3A_1949 : i32 to index
    %swap3A_1952 = arith.index_cast %swap3A_1950 : i32 to index
    %swap3A_1953 = arith.constant 16 : index
    %swap3A_1954 = tpu.vector_load %arg5[%swap3A_1951, %swap3A_1952, %swap3A_1953] {strides = array<i32>} : memref<2x264x128xf32, #tpu.memory_space<vmem>>, vector<1x1x16xf32>,
    %swap3A_1955 = vector.shape_cast %swap3A_1954 : vector<1x1x16xf32> to vector<16xf32>
    %swap3A_1956 = vector.shape_cast %broadcast_in_dim3A_1684 : vector<16xf32> to vector<1x1x16xf32>
    tpu.vector_store %arg5[%swap3A_1951, %swap3A_1952, %swap3A_1953], %swap3A_1956 {strides = array<i32>} : memref<2x264x128xf32, #tpu.memory_space<vmem>>, vector<1x1x16xf32>,
    %swap3A_1957 = arith.constant 0 : i32
    %swap3A_1958 = arith.constant 260 : i32
    %swap3A_1959 = arith.index_cast %swap3A_1957 : i32 to index
    %swap3A_1960 = arith.index_cast %swap3A_1958 : i32 to index
    %swap3A_1961 = arith.constant 32 : index
    %swap3A_1962 = tpu.vector_load %arg5[%swap3A_1959, %swap3A_1960, %swap3A_1961] {strides = array<i32>} : memref<2x264x128xf32, #tpu.memory_space<vmem>>, vector<1x1x16xf32>,
    %swap3A_1963 = vector.shape_cast %swap3A_1962 : vector<1x1x16xf32> to vector<16xf32>
    %swap3A_1964 = vector.shape_cast %broadcast_in_dim3A_1684 : vector<16xf32> to vector<1x1x16xf32>
    tpu.vector_store %arg5[%swap3A_1959, %swap3A_1960, %swap3A_1961], %swap3A_1964 {strides = array<i32>} : memref<2x264x128xf32, #tpu.memory_space<vmem>>, vector<1x1x16xf32>,
    %swap3A_1965 = arith.constant 0 : i32
    %swap3A_1966 = arith.constant 260 : i32
    %swap3A_1967 = arith.index_cast %swap3A_1965 : i32 to index
    %swap3A_1968 = arith.index_cast %swap3A_1966 : i32 to index
    %swap3A_1969 = arith.constant 48 : index
    %swap3A_1970 = tpu.vector_load %arg5[%swap3A_1967, %swap3A_1968, %swap3A_1969] {strides = array<i32>} : memref<2x264x128xf32, #tpu.memory_space<vmem>>, vector<1x1x16xf32>,
    %swap3A_1971 = vector.shape_cast %swap3A_1970 : vector<1x1x16xf32> to vector<16xf32>
    %swap3A_1972 = vector.shape_cast %broadcast_in_dim3A_1684 : vector<16xf32> to vector<1x1x16xf32>
    tpu.vector_store %arg5[%swap3A_1967, %swap3A_1968, %swap3A_1969], %swap3A_1972 {strides = array<i32>} : memref<2x264x128xf32, #tpu.memory_space<vmem>>, vector<1x1x16xf32>,
    %swap3A_1973 = arith.constant 0 : i32
    %swap3A_1974 = arith.constant 260 : i32
    %swap3A_1975 = arith.index_cast %swap3A_1973 : i32 to index
    %swap3A_1976 = arith.index_cast %swap3A_1974 : i32 to index
    %swap3A_1977 = arith.constant 64 : index
    %swap3A_1978 = tpu.vector_load %arg5[%swap3A_1975, %swap3A_1976, %swap3A_1977] {strides = array<i32>} : memref<2x264x128xf32, #tpu.memory_space<vmem>>, vector<1x1x16xf32>,
    %swap3A_1979 = vector.shape_cast %swap3A_1978 : vector<1x1x16xf32> to vector<16xf32>
    %swap3A_1980 = vector.shape_cast %broadcast_in_dim3A_1684 : vector<16xf32> to vector<1x1x16xf32>
    tpu.vector_store %arg5[%swap3A_1975, %swap3A_1976, %swap3A_1977], %swap3A_1980 {strides = array<i32>} : memref<2x264x128xf32, #tpu.memory_space<vmem>>, vector<1x1x16xf32>,
    %swap3A_1981 = arith.constant 0 : i32
    %swap3A_1982 = arith.constant 260 : i32
    %swap3A_1983 = arith.index_cast %swap3A_1981 : i32 to index
    %swap3A_1984 = arith.index_cast %swap3A_1982 : i32 to index
    %swap3A_1985 = arith.constant 80 : index
    %swap3A_1986 = tpu.vector_load %arg5[%swap3A_1983, %swap3A_1984, %swap3A_1985] {strides = array<i32>} : memref<2x264x128xf32, #tpu.memory_space<vmem>>, vector<1x1x16xf32>,
    %swap3A_1987 = vector.shape_cast %swap3A_1986 : vector<1x1x16xf32> to vector<16xf32>
    %swap3A_1988 = vector.shape_cast %broadcast_in_dim3A_1684 : vector<16xf32> to vector<1x1x16xf32>
    tpu.vector_store %arg5[%swap3A_1983, %swap3A_1984, %swap3A_1985], %swap3A_1988 {strides = array<i32>} : memref<2x264x128xf32, #tpu.memory_space<vmem>>, vector<1x1x16xf32>,
    %swap3A_1989 = arith.constant 0 : i32
    %swap3A_1990 = arith.constant 260 : i32
    %swap3A_1991 = arith.index_cast %swap3A_1989 : i32 to index
    %swap3A_1992 = arith.index_cast %swap3A_1990 : i32 to index
    %swap3A_1993 = arith.constant 96 : index
    %swap3A_1994 = tpu.vector_load %arg5[%swap3A_1991, %swap3A_1992, %swap3A_1993] {strides = array<i32>} : memref<2x264x128xf32, #tpu.memory_space<vmem>>, vector<1x1x16xf32>,
    %swap3A_1995 = vector.shape_cast %swap3A_1994 : vector<1x1x16xf32> to vector<16xf32>
    %swap3A_1996 = vector.shape_cast %broadcast_in_dim3A_1684 : vector<16xf32> to vector<1x1x16xf32>
    tpu.vector_store %arg5[%swap3A_1991, %swap3A_1992, %swap3A_1993], %swap3A_1996 {strides = array<i32>} : memref<2x264x128xf32, #tpu.memory_space<vmem>>, vector<1x1x16xf32>,
    %swap3A_1997 = arith.constant 0 : i32
    %swap3A_1998 = arith.constant 260 : i32
    %swap3A_1999 = arith.index_cast %swap3A_1997 : i32 to index
    %swap3A_2000 = arith.index_cast %swap3A_1998 : i32 to index
    %swap3A_2001 = arith.constant 112 : index
    %swap3A_2002 = tpu.vector_load %arg5[%swap3A_1999, %swap3A_2000, %swap3A_2001] {strides = array<i32>} : memref<2x264x128xf32, #tpu.memory_space<vmem>>, vector<1x1x16xf32>,
    %swap3A_2003 = vector.shape_cast %swap3A_2002 : vector<1x1x16xf32> to vector<16xf32>
    %swap3A_2004 = vector.shape_cast %broadcast_in_dim3A_1684 : vector<16xf32> to vector<1x1x16xf32>
    tpu.vector_store %arg5[%swap3A_1999, %swap3A_2000, %swap3A_2001], %swap3A_2004 {strides = array<i32>} : memref<2x264x128xf32, #tpu.memory_space<vmem>>, vector<1x1x16xf32>,
    %swap3A_2005 = arith.constant 0 : i32
    %swap3A_2006 = arith.constant 261 : i32
    %swap3A_2007 = arith.index_cast %swap3A_2005 : i32 to index
    %swap3A_2008 = arith.index_cast %swap3A_2006 : i32 to index
    %swap3A_2009 = arith.constant 0 : index
    %swap3A_2010 = tpu.vector_load %arg5[%swap3A_2007, %swap3A_2008, %swap3A_2009] {strides = array<i32>} : memref<2x264x128xf32, #tpu.memory_space<vmem>>, vector<1x1x16xf32>,
    %swap3A_2011 = vector.shape_cast %swap3A_2010 : vector<1x1x16xf32> to vector<16xf32>
    %swap3A_2012 = vector.shape_cast %broadcast_in_dim3A_1684 : vector<16xf32> to vector<1x1x16xf32>
    tpu.vector_store %arg5[%swap3A_2007, %swap3A_2008, %swap3A_2009], %swap3A_2012 {strides = array<i32>} : memref<2x264x128xf32, #tpu.memory_space<vmem>>, vector<1x1x16xf32>,
    %swap3A_2013 = arith.constant 0 : i32
    %swap3A_2014 = arith.constant 261 : i32
    %swap3A_2015 = arith.index_cast %swap3A_2013 : i32 to index
    %swap3A_2016 = arith.index_cast %swap3A_2014 : i32 to index
    %swap3A_2017 = arith.constant 16 : index
    %swap3A_2018 = tpu.vector_load %arg5[%swap3A_2015, %swap3A_2016, %swap3A_2017] {strides = array<i32>} : memref<2x264x128xf32, #tpu.memory_space<vmem>>, vector<1x1x16xf32>,
    %swap3A_2019 = vector.shape_cast %swap3A_2018 : vector<1x1x16xf32> to vector<16xf32>
    %swap3A_2020 = vector.shape_cast %broadcast_in_dim3A_1684 : vector<16xf32> to vector<1x1x16xf32>
    tpu.vector_store %arg5[%swap3A_2015, %swap3A_2016, %swap3A_2017], %swap3A_2020 {strides = array<i32>} : memref<2x264x128xf32, #tpu.memory_space<vmem>>, vector<1x1x16xf32>,
    %swap3A_2021 = arith.constant 0 : i32
    %swap3A_2022 = arith.constant 261 : i32
    %swap3A_2023 = arith.index_cast %swap3A_2021 : i32 to index
    %swap3A_2024 = arith.index_cast %swap3A_2022 : i32 to index
    %swap3A_2025 = arith.constant 32 : index
    %swap3A_2026 = tpu.vector_load %arg5[%swap3A_2023, %swap3A_2024, %swap3A_2025] {strides = array<i32>} : memref<2x264x128xf32, #tpu.memory_space<vmem>>, vector<1x1x16xf32>,
    %swap3A_2027 = vector.shape_cast %swap3A_2026 : vector<1x1x16xf32> to vector<16xf32>
    %swap3A_2028 = vector.shape_cast %broadcast_in_dim3A_1684 : vector<16xf32> to vector<1x1x16xf32>
    tpu.vector_store %arg5[%swap3A_2023, %swap3A_2024, %swap3A_2025], %swap3A_2028 {strides = array<i32>} : memref<2x264x128xf32, #tpu.memory_space<vmem>>, vector<1x1x16xf32>,
    %swap3A_2029 = arith.constant 0 : i32
    %swap3A_2030 = arith.constant 261 : i32
    %swap3A_2031 = arith.index_cast %swap3A_2029 : i32 to index
    %swap3A_2032 = arith.index_cast %swap3A_2030 : i32 to index
    %swap3A_2033 = arith.constant 48 : index
    %swap3A_2034 = tpu.vector_load %arg5[%swap3A_2031, %swap3A_2032, %swap3A_2033] {strides = array<i32>} : memref<2x264x128xf32, #tpu.memory_space<vmem>>, vector<1x1x16xf32>,
    %swap3A_2035 = vector.shape_cast %swap3A_2034 : vector<1x1x16xf32> to vector<16xf32>
    %swap3A_2036 = vector.shape_cast %broadcast_in_dim3A_1684 : vector<16xf32> to vector<1x1x16xf32>
    tpu.vector_store %arg5[%swap3A_2031, %swap3A_2032, %swap3A_2033], %swap3A_2036 {strides = array<i32>} : memref<2x264x128xf32, #tpu.memory_space<vmem>>, vector<1x1x16xf32>,
    %swap3A_2037 = arith.constant 0 : i32
    %swap3A_2038 = arith.constant 261 : i32
    %swap3A_2039 = arith.index_cast %swap3A_2037 : i32 to index
    %swap3A_2040 = arith.index_cast %swap3A_2038 : i32 to index
    %swap3A_2041 = arith.constant 64 : index
    %swap3A_2042 = tpu.vector_load %arg5[%swap3A_2039, %swap3A_2040, %swap3A_2041] {strides = array<i32>} : memref<2x264x128xf32, #tpu.memory_space<vmem>>, vector<1x1x16xf32>,
    %swap3A_2043 = vector.shape_cast %swap3A_2042 : vector<1x1x16xf32> to vector<16xf32>
    %swap3A_2044 = vector.shape_cast %broadcast_in_dim3A_1684 : vector<16xf32> to vector<1x1x16xf32>
    tpu.vector_store %arg5[%swap3A_2039, %swap3A_2040, %swap3A_2041], %swap3A_2044 {strides = array<i32>} : memref<2x264x128xf32, #tpu.memory_space<vmem>>, vector<1x1x16xf32>,
    %swap3A_2045 = arith.constant 0 : i32
    %swap3A_2046 = arith.constant 261 : i32
    %swap3A_2047 = arith.index_cast %swap3A_2045 : i32 to index
    %swap3A_2048 = arith.index_cast %swap3A_2046 : i32 to index
    %swap3A_2049 = arith.constant 80 : index
    %swap3A_2050 = tpu.vector_load %arg5[%swap3A_2047, %swap3A_2048, %swap3A_2049] {strides = array<i32>} : memref<2x264x128xf32, #tpu.memory_space<vmem>>, vector<1x1x16xf32>,
    %swap3A_2051 = vector.shape_cast %swap3A_2050 : vector<1x1x16xf32> to vector<16xf32>
    %swap3A_2052 = vector.shape_cast %broadcast_in_dim3A_1684 : vector<16xf32> to vector<1x1x16xf32>
    tpu.vector_store %arg5[%swap3A_2047, %swap3A_2048, %swap3A_2049], %swap3A_2052 {strides = array<i32>} : memref<2x264x128xf32, #tpu.memory_space<vmem>>, vector<1x1x16xf32>,
    %swap3A_2053 = arith.constant 0 : i32
    %swap3A_2054 = arith.constant 261 : i32
    %swap3A_2055 = arith.index_cast %swap3A_2053 : i32 to index
    %swap3A_2056 = arith.index_cast %swap3A_2054 : i32 to index
    %swap3A_2057 = arith.constant 96 : index
    %swap3A_2058 = tpu.vector_load %arg5[%swap3A_2055, %swap3A_2056, %swap3A_2057] {strides = array<i32>} : memref<2x264x128xf32, #tpu.memory_space<vmem>>, vector<1x1x16xf32>,
    %swap3A_2059 = vector.shape_cast %swap3A_2058 : vector<1x1x16xf32> to vector<16xf32>
    %swap3A_2060 = vector.shape_cast %broadcast_in_dim3A_1684 : vector<16xf32> to vector<1x1x16xf32>
    tpu.vector_store %arg5[%swap3A_2055, %swap3A_2056, %swap3A_2057], %swap3A_2060 {strides = array<i32>} : memref<2x264x128xf32, #tpu.memory_space<vmem>>, vector<1x1x16xf32>,
    %swap3A_2061 = arith.constant 0 : i32
    %swap3A_2062 = arith.constant 261 : i32
    %swap3A_2063 = arith.index_cast %swap3A_2061 : i32 to index
    %swap3A_2064 = arith.index_cast %swap3A_2062 : i32 to index
    %swap3A_2065 = arith.constant 112 : index
    %swap3A_2066 = tpu.vector_load %arg5[%swap3A_2063, %swap3A_2064, %swap3A_2065] {strides = array<i32>} : memref<2x264x128xf32, #tpu.memory_space<vmem>>, vector<1x1x16xf32>,
    %swap3A_2067 = vector.shape_cast %swap3A_2066 : vector<1x1x16xf32> to vector<16xf32>
    %swap3A_2068 = vector.shape_cast %broadcast_in_dim3A_1684 : vector<16xf32> to vector<1x1x16xf32>
    tpu.vector_store %arg5[%swap3A_2063, %swap3A_2064, %swap3A_2065], %swap3A_2068 {strides = array<i32>} : memref<2x264x128xf32, #tpu.memory_space<vmem>>, vector<1x1x16xf32>,
    %swap3A_2069 = arith.constant 0 : i32
    %swap3A_2070 = arith.constant 262 : i32
    %swap3A_2071 = arith.index_cast %swap3A_2069 : i32 to index
    %swap3A_2072 = arith.index_cast %swap3A_2070 : i32 to index
    %swap3A_2073 = arith.constant 0 : index
    %swap3A_2074 = tpu.vector_load %arg5[%swap3A_2071, %swap3A_2072, %swap3A_2073] {strides = array<i32>} : memref<2x264x128xf32, #tpu.memory_space<vmem>>, vector<1x1x16xf32>,
    %swap3A_2075 = vector.shape_cast %swap3A_2074 : vector<1x1x16xf32> to vector<16xf32>
    %swap3A_2076 = vector.shape_cast %broadcast_in_dim3A_1684 : vector<16xf32> to vector<1x1x16xf32>
    tpu.vector_store %arg5[%swap3A_2071, %swap3A_2072, %swap3A_2073], %swap3A_2076 {strides = array<i32>} : memref<2x264x128xf32, #tpu.memory_space<vmem>>, vector<1x1x16xf32>,
    %swap3A_2077 = arith.constant 0 : i32
    %swap3A_2078 = arith.constant 262 : i32
    %swap3A_2079 = arith.index_cast %swap3A_2077 : i32 to index
    %swap3A_2080 = arith.index_cast %swap3A_2078 : i32 to index
    %swap3A_2081 = arith.constant 16 : index
    %swap3A_2082 = tpu.vector_load %arg5[%swap3A_2079, %swap3A_2080, %swap3A_2081] {strides = array<i32>} : memref<2x264x128xf32, #tpu.memory_space<vmem>>, vector<1x1x16xf32>,
    %swap3A_2083 = vector.shape_cast %swap3A_2082 : vector<1x1x16xf32> to vector<16xf32>
    %swap3A_2084 = vector.shape_cast %broadcast_in_dim3A_1684 : vector<16xf32> to vector<1x1x16xf32>
    tpu.vector_store %arg5[%swap3A_2079, %swap3A_2080, %swap3A_2081], %swap3A_2084 {strides = array<i32>} : memref<2x264x128xf32, #tpu.memory_space<vmem>>, vector<1x1x16xf32>,
    %swap3A_2085 = arith.constant 0 : i32
    %swap3A_2086 = arith.constant 262 : i32
    %swap3A_2087 = arith.index_cast %swap3A_2085 : i32 to index
    %swap3A_2088 = arith.index_cast %swap3A_2086 : i32 to index
    %swap3A_2089 = arith.constant 32 : index
    %swap3A_2090 = tpu.vector_load %arg5[%swap3A_2087, %swap3A_2088, %swap3A_2089] {strides = array<i32>} : memref<2x264x128xf32, #tpu.memory_space<vmem>>, vector<1x1x16xf32>,
    %swap3A_2091 = vector.shape_cast %swap3A_2090 : vector<1x1x16xf32> to vector<16xf32>
    %swap3A_2092 = vector.shape_cast %broadcast_in_dim3A_1684 : vector<16xf32> to vector<1x1x16xf32>
    tpu.vector_store %arg5[%swap3A_2087, %swap3A_2088, %swap3A_2089], %swap3A_2092 {strides = array<i32>} : memref<2x264x128xf32, #tpu.memory_space<vmem>>, vector<1x1x16xf32>,
    %swap3A_2093 = arith.constant 0 : i32
    %swap3A_2094 = arith.constant 262 : i32
    %swap3A_2095 = arith.index_cast %swap3A_2093 : i32 to index
    %swap3A_2096 = arith.index_cast %swap3A_2094 : i32 to index
    %swap3A_2097 = arith.constant 48 : index
    %swap3A_2098 = tpu.vector_load %arg5[%swap3A_2095, %swap3A_2096, %swap3A_2097] {strides = array<i32>} : memref<2x264x128xf32, #tpu.memory_space<vmem>>, vector<1x1x16xf32>,
    %swap3A_2099 = vector.shape_cast %swap3A_2098 : vector<1x1x16xf32> to vector<16xf32>
    %swap3A_2100 = vector.shape_cast %broadcast_in_dim3A_1684 : vector<16xf32> to vector<1x1x16xf32>
    tpu.vector_store %arg5[%swap3A_2095, %swap3A_2096, %swap3A_2097], %swap3A_2100 {strides = array<i32>} : memref<2x264x128xf32, #tpu.memory_space<vmem>>, vector<1x1x16xf32>,
    %swap3A_2101 = arith.constant 0 : i32
    %swap3A_2102 = arith.constant 262 : i32
    %swap3A_2103 = arith.index_cast %swap3A_2101 : i32 to index
    %swap3A_2104 = arith.index_cast %swap3A_2102 : i32 to index
    %swap3A_2105 = arith.constant 64 : index
    %swap3A_2106 = tpu.vector_load %arg5[%swap3A_2103, %swap3A_2104, %swap3A_2105] {strides = array<i32>} : memref<2x264x128xf32, #tpu.memory_space<vmem>>, vector<1x1x16xf32>,
    %swap3A_2107 = vector.shape_cast %swap3A_2106 : vector<1x1x16xf32> to vector<16xf32>
    %swap3A_2108 = vector.shape_cast %broadcast_in_dim3A_1684 : vector<16xf32> to vector<1x1x16xf32>
    tpu.vector_store %arg5[%swap3A_2103, %swap3A_2104, %swap3A_2105], %swap3A_2108 {strides = array<i32>} : memref<2x264x128xf32, #tpu.memory_space<vmem>>, vector<1x1x16xf32>,
    %swap3A_2109 = arith.constant 0 : i32
    %swap3A_2110 = arith.constant 262 : i32
    %swap3A_2111 = arith.index_cast %swap3A_2109 : i32 to index
    %swap3A_2112 = arith.index_cast %swap3A_2110 : i32 to index
    %swap3A_2113 = arith.constant 80 : index
    %swap3A_2114 = tpu.vector_load %arg5[%swap3A_2111, %swap3A_2112, %swap3A_2113] {strides = array<i32>} : memref<2x264x128xf32, #tpu.memory_space<vmem>>, vector<1x1x16xf32>,
    %swap3A_2115 = vector.shape_cast %swap3A_2114 : vector<1x1x16xf32> to vector<16xf32>
    %swap3A_2116 = vector.shape_cast %broadcast_in_dim3A_1684 : vector<16xf32> to vector<1x1x16xf32>
    tpu.vector_store %arg5[%swap3A_2111, %swap3A_2112, %swap3A_2113], %swap3A_2116 {strides = array<i32>} : memref<2x264x128xf32, #tpu.memory_space<vmem>>, vector<1x1x16xf32>,
    %swap3A_2117 = arith.constant 0 : i32
    %swap3A_2118 = arith.constant 262 : i32
    %swap3A_2119 = arith.index_cast %swap3A_2117 : i32 to index
    %swap3A_2120 = arith.index_cast %swap3A_2118 : i32 to index
    %swap3A_2121 = arith.constant 96 : index
    %swap3A_2122 = tpu.vector_load %arg5[%swap3A_2119, %swap3A_2120, %swap3A_2121] {strides = array<i32>} : memref<2x264x128xf32, #tpu.memory_space<vmem>>, vector<1x1x16xf32>,
    %swap3A_2123 = vector.shape_cast %swap3A_2122 : vector<1x1x16xf32> to vector<16xf32>
    %swap3A_2124 = vector.shape_cast %broadcast_in_dim3A_1684 : vector<16xf32> to vector<1x1x16xf32>
    tpu.vector_store %arg5[%swap3A_2119, %swap3A_2120, %swap3A_2121], %swap3A_2124 {strides = array<i32>} : memref<2x264x128xf32, #tpu.memory_space<vmem>>, vector<1x1x16xf32>,
    %swap3A_2125 = arith.constant 0 : i32
    %swap3A_2126 = arith.constant 262 : i32
    %swap3A_2127 = arith.index_cast %swap3A_2125 : i32 to index
    %swap3A_2128 = arith.index_cast %swap3A_2126 : i32 to index
    %swap3A_2129 = arith.constant 112 : index
    %swap3A_2130 = tpu.vector_load %arg5[%swap3A_2127, %swap3A_2128, %swap3A_2129] {strides = array<i32>} : memref<2x264x128xf32, #tpu.memory_space<vmem>>, vector<1x1x16xf32>,
    %swap3A_2131 = vector.shape_cast %swap3A_2130 : vector<1x1x16xf32> to vector<16xf32>
    %swap3A_2132 = vector.shape_cast %broadcast_in_dim3A_1684 : vector<16xf32> to vector<1x1x16xf32>
    tpu.vector_store %arg5[%swap3A_2127, %swap3A_2128, %swap3A_2129], %swap3A_2132 {strides = array<i32>} : memref<2x264x128xf32, #tpu.memory_space<vmem>>, vector<1x1x16xf32>,
    %swap3A_2133 = arith.constant 0 : i32
    %swap3A_2134 = arith.constant 263 : i32
    %swap3A_2135 = arith.index_cast %swap3A_2133 : i32 to index
    %swap3A_2136 = arith.index_cast %swap3A_2134 : i32 to index
    %swap3A_2137 = arith.constant 0 : index
    %swap3A_2138 = tpu.vector_load %arg5[%swap3A_2135, %swap3A_2136, %swap3A_2137] {strides = array<i32>} : memref<2x264x128xf32, #tpu.memory_space<vmem>>, vector<1x1x16xf32>,
    %swap3A_2139 = vector.shape_cast %swap3A_2138 : vector<1x1x16xf32> to vector<16xf32>
    %swap3A_2140 = vector.shape_cast %broadcast_in_dim3A_1684 : vector<16xf32> to vector<1x1x16xf32>
    tpu.vector_store %arg5[%swap3A_2135, %swap3A_2136, %swap3A_2137], %swap3A_2140 {strides = array<i32>} : memref<2x264x128xf32, #tpu.memory_space<vmem>>, vector<1x1x16xf32>,
    %swap3A_2141 = arith.constant 0 : i32
    %swap3A_2142 = arith.constant 263 : i32
    %swap3A_2143 = arith.index_cast %swap3A_2141 : i32 to index
    %swap3A_2144 = arith.index_cast %swap3A_2142 : i32 to index
    %swap3A_2145 = arith.constant 16 : index
    %swap3A_2146 = tpu.vector_load %arg5[%swap3A_2143, %swap3A_2144, %swap3A_2145] {strides = array<i32>} : memref<2x264x128xf32, #tpu.memory_space<vmem>>, vector<1x1x16xf32>,
    %swap3A_2147 = vector.shape_cast %swap3A_2146 : vector<1x1x16xf32> to vector<16xf32>
    %swap3A_2148 = vector.shape_cast %broadcast_in_dim3A_1684 : vector<16xf32> to vector<1x1x16xf32>
    tpu.vector_store %arg5[%swap3A_2143, %swap3A_2144, %swap3A_2145], %swap3A_2148 {strides = array<i32>} : memref<2x264x128xf32, #tpu.memory_space<vmem>>, vector<1x1x16xf32>,
    %swap3A_2149 = arith.constant 0 : i32
    %swap3A_2150 = arith.constant 263 : i32
    %swap3A_2151 = arith.index_cast %swap3A_2149 : i32 to index
    %swap3A_2152 = arith.index_cast %swap3A_2150 : i32 to index
    %swap3A_2153 = arith.constant 32 : index
    %swap3A_2154 = tpu.vector_load %arg5[%swap3A_2151, %swap3A_2152, %swap3A_2153] {strides = array<i32>} : memref<2x264x128xf32, #tpu.memory_space<vmem>>, vector<1x1x16xf32>,
    %swap3A_2155 = vector.shape_cast %swap3A_2154 : vector<1x1x16xf32> to vector<16xf32>
    %swap3A_2156 = vector.shape_cast %broadcast_in_dim3A_1684 : vector<16xf32> to vector<1x1x16xf32>
    tpu.vector_store %arg5[%swap3A_2151, %swap3A_2152, %swap3A_2153], %swap3A_2156 {strides = array<i32>} : memref<2x264x128xf32, #tpu.memory_space<vmem>>, vector<1x1x16xf32>,
    %swap3A_2157 = arith.constant 0 : i32
    %swap3A_2158 = arith.constant 263 : i32
    %swap3A_2159 = arith.index_cast %swap3A_2157 : i32 to index
    %swap3A_2160 = arith.index_cast %swap3A_2158 : i32 to index
    %swap3A_2161 = arith.constant 48 : index
    %swap3A_2162 = tpu.vector_load %arg5[%swap3A_2159, %swap3A_2160, %swap3A_2161] {strides = array<i32>} : memref<2x264x128xf32, #tpu.memory_space<vmem>>, vector<1x1x16xf32>,
    %swap3A_2163 = vector.shape_cast %swap3A_2162 : vector<1x1x16xf32> to vector<16xf32>
    %swap3A_2164 = vector.shape_cast %broadcast_in_dim3A_1684 : vector<16xf32> to vector<1x1x16xf32>
    tpu.vector_store %arg5[%swap3A_2159, %swap3A_2160, %swap3A_2161], %swap3A_2164 {strides = array<i32>} : memref<2x264x128xf32, #tpu.memory_space<vmem>>, vector<1x1x16xf32>,
    %swap3A_2165 = arith.constant 0 : i32
    %swap3A_2166 = arith.constant 263 : i32
    %swap3A_2167 = arith.index_cast %swap3A_2165 : i32 to index
    %swap3A_2168 = arith.index_cast %swap3A_2166 : i32 to index
    %swap3A_2169 = arith.constant 64 : index
    %swap3A_2170 = tpu.vector_load %arg5[%swap3A_2167, %swap3A_2168, %swap3A_2169] {strides = array<i32>} : memref<2x264x128xf32, #tpu.memory_space<vmem>>, vector<1x1x16xf32>,
    %swap3A_2171 = vector.shape_cast %swap3A_2170 : vector<1x1x16xf32> to vector<16xf32>
    %swap3A_2172 = vector.shape_cast %broadcast_in_dim3A_1684 : vector<16xf32> to vector<1x1x16xf32>
    tpu.vector_store %arg5[%swap3A_2167, %swap3A_2168, %swap3A_2169], %swap3A_2172 {strides = array<i32>} : memref<2x264x128xf32, #tpu.memory_space<vmem>>, vector<1x1x16xf32>,
    %swap3A_2173 = arith.constant 0 : i32
    %swap3A_2174 = arith.constant 263 : i32
    %swap3A_2175 = arith.index_cast %swap3A_2173 : i32 to index
    %swap3A_2176 = arith.index_cast %swap3A_2174 : i32 to index
    %swap3A_2177 = arith.constant 80 : index
    %swap3A_2178 = tpu.vector_load %arg5[%swap3A_2175, %swap3A_2176, %swap3A_2177] {strides = array<i32>} : memref<2x264x128xf32, #tpu.memory_space<vmem>>, vector<1x1x16xf32>,
    %swap3A_2179 = vector.shape_cast %swap3A_2178 : vector<1x1x16xf32> to vector<16xf32>
    %swap3A_2180 = vector.shape_cast %broadcast_in_dim3A_1684 : vector<16xf32> to vector<1x1x16xf32>
    tpu.vector_store %arg5[%swap3A_2175, %swap3A_2176, %swap3A_2177], %swap3A_2180 {strides = array<i32>} : memref<2x264x128xf32, #tpu.memory_space<vmem>>, vector<1x1x16xf32>,
    %swap3A_2181 = arith.constant 0 : i32
    %swap3A_2182 = arith.constant 263 : i32
    %swap3A_2183 = arith.index_cast %swap3A_2181 : i32 to index
    %swap3A_2184 = arith.index_cast %swap3A_2182 : i32 to index
    %swap3A_2185 = arith.constant 96 : index
    %swap3A_2186 = tpu.vector_load %arg5[%swap3A_2183, %swap3A_2184, %swap3A_2185] {strides = array<i32>} : memref<2x264x128xf32, #tpu.memory_space<vmem>>, vector<1x1x16xf32>,
    %swap3A_2187 = vector.shape_cast %swap3A_2186 : vector<1x1x16xf32> to vector<16xf32>
    %swap3A_2188 = vector.shape_cast %broadcast_in_dim3A_1684 : vector<16xf32> to vector<1x1x16xf32>
    tpu.vector_store %arg5[%swap3A_2183, %swap3A_2184, %swap3A_2185], %swap3A_2188 {strides = array<i32>} : memref<2x264x128xf32, #tpu.memory_space<vmem>>, vector<1x1x16xf32>,
    %swap3A_2189 = arith.constant 0 : i32
    %swap3A_2190 = arith.constant 263 : i32
    %swap3A_2191 = arith.index_cast %swap3A_2189 : i32 to index
    %swap3A_2192 = arith.index_cast %swap3A_2190 : i32 to index
    %swap3A_2193 = arith.constant 112 : index
    %swap3A_2194 = tpu.vector_load %arg5[%swap3A_2191, %swap3A_2192, %swap3A_2193] {strides = array<i32>} : memref<2x264x128xf32, #tpu.memory_space<vmem>>, vector<1x1x16xf32>,
    %swap3A_2195 = vector.shape_cast %swap3A_2194 : vector<1x1x16xf32> to vector<16xf32>
    %swap3A_2196 = vector.shape_cast %broadcast_in_dim3A_1684 : vector<16xf32> to vector<1x1x16xf32>
    tpu.vector_store %arg5[%swap3A_2191, %swap3A_2192, %swap3A_2193], %swap3A_2196 {strides = array<i32>} : memref<2x264x128xf32, #tpu.memory_space<vmem>>, vector<1x1x16xf32>,
    %swap3A_2197 = arith.constant 1 : i32
    %swap3A_2198 = arith.constant 256 : i32
    %swap3A_2199 = arith.index_cast %swap3A_2197 : i32 to index
    %swap3A_2200 = arith.index_cast %swap3A_2198 : i32 to index
    %swap3A_2201 = arith.constant 0 : index
    %swap3A_2202 = tpu.vector_load %arg5[%swap3A_2199, %swap3A_2200, %swap3A_2201] {strides = array<i32>} : memref<2x264x128xf32, #tpu.memory_space<vmem>>, vector<1x1x16xf32>,
    %swap3A_2203 = vector.shape_cast %swap3A_2202 : vector<1x1x16xf32> to vector<16xf32>
    %swap3A_2204 = vector.shape_cast %broadcast_in_dim3A_1684 : vector<16xf32> to vector<1x1x16xf32>
    tpu.vector_store %arg5[%swap3A_2199, %swap3A_2200, %swap3A_2201], %swap3A_2204 {strides = array<i32>} : memref<2x264x128xf32, #tpu.memory_space<vmem>>, vector<1x1x16xf32>,
    %swap3A_2205 = arith.constant 1 : i32
    %swap3A_2206 = arith.constant 256 : i32
    %swap3A_2207 = arith.index_cast %swap3A_2205 : i32 to index
    %swap3A_2208 = arith.index_cast %swap3A_2206 : i32 to index
    %swap3A_2209 = arith.constant 16 : index
    %swap3A_2210 = tpu.vector_load %arg5[%swap3A_2207, %swap3A_2208, %swap3A_2209] {strides = array<i32>} : memref<2x264x128xf32, #tpu.memory_space<vmem>>, vector<1x1x16xf32>,
    %swap3A_2211 = vector.shape_cast %swap3A_2210 : vector<1x1x16xf32> to vector<16xf32>
    %swap3A_2212 = vector.shape_cast %broadcast_in_dim3A_1684 : vector<16xf32> to vector<1x1x16xf32>
    tpu.vector_store %arg5[%swap3A_2207, %swap3A_2208, %swap3A_2209], %swap3A_2212 {strides = array<i32>} : memref<2x264x128xf32, #tpu.memory_space<vmem>>, vector<1x1x16xf32>,
    %swap3A_2213 = arith.constant 1 : i32
    %swap3A_2214 = arith.constant 256 : i32
    %swap3A_2215 = arith.index_cast %swap3A_2213 : i32 to index
    %swap3A_2216 = arith.index_cast %swap3A_2214 : i32 to index
    %swap3A_2217 = arith.constant 32 : index
    %swap3A_2218 = tpu.vector_load %arg5[%swap3A_2215, %swap3A_2216, %swap3A_2217] {strides = array<i32>} : memref<2x264x128xf32, #tpu.memory_space<vmem>>, vector<1x1x16xf32>,
    %swap3A_2219 = vector.shape_cast %swap3A_2218 : vector<1x1x16xf32> to vector<16xf32>
    %swap3A_2220 = vector.shape_cast %broadcast_in_dim3A_1684 : vector<16xf32> to vector<1x1x16xf32>
    tpu.vector_store %arg5[%swap3A_2215, %swap3A_2216, %swap3A_2217], %swap3A_2220 {strides = array<i32>} : memref<2x264x128xf32, #tpu.memory_space<vmem>>, vector<1x1x16xf32>,
    %swap3A_2221 = arith.constant 1 : i32
    %swap3A_2222 = arith.constant 256 : i32
    %swap3A_2223 = arith.index_cast %swap3A_2221 : i32 to index
    %swap3A_2224 = arith.index_cast %swap3A_2222 : i32 to index
    %swap3A_2225 = arith.constant 48 : index
    %swap3A_2226 = tpu.vector_load %arg5[%swap3A_2223, %swap3A_2224, %swap3A_2225] {strides = array<i32>} : memref<2x264x128xf32, #tpu.memory_space<vmem>>, vector<1x1x16xf32>,
    %swap3A_2227 = vector.shape_cast %swap3A_2226 : vector<1x1x16xf32> to vector<16xf32>
    %swap3A_2228 = vector.shape_cast %broadcast_in_dim3A_1684 : vector<16xf32> to vector<1x1x16xf32>
    tpu.vector_store %arg5[%swap3A_2223, %swap3A_2224, %swap3A_2225], %swap3A_2228 {strides = array<i32>} : memref<2x264x128xf32, #tpu.memory_space<vmem>>, vector<1x1x16xf32>,
    %swap3A_2229 = arith.constant 1 : i32
    %swap3A_2230 = arith.constant 256 : i32
    %swap3A_2231 = arith.index_cast %swap3A_2229 : i32 to index
    %swap3A_2232 = arith.index_cast %swap3A_2230 : i32 to index
    %swap3A_2233 = arith.constant 64 : index
    %swap3A_2234 = tpu.vector_load %arg5[%swap3A_2231, %swap3A_2232, %swap3A_2233] {strides = array<i32>} : memref<2x264x128xf32, #tpu.memory_space<vmem>>, vector<1x1x16xf32>,
    %swap3A_2235 = vector.shape_cast %swap3A_2234 : vector<1x1x16xf32> to vector<16xf32>
    %swap3A_2236 = vector.shape_cast %broadcast_in_dim3A_1684 : vector<16xf32> to vector<1x1x16xf32>
    tpu.vector_store %arg5[%swap3A_2231, %swap3A_2232, %swap3A_2233], %swap3A_2236 {strides = array<i32>} : memref<2x264x128xf32, #tpu.memory_space<vmem>>, vector<1x1x16xf32>,
    %swap3A_2237 = arith.constant 1 : i32
    %swap3A_2238 = arith.constant 256 : i32
    %swap3A_2239 = arith.index_cast %swap3A_2237 : i32 to index
    %swap3A_2240 = arith.index_cast %swap3A_2238 : i32 to index
    %swap3A_2241 = arith.constant 80 : index
    %swap3A_2242 = tpu.vector_load %arg5[%swap3A_2239, %swap3A_2240, %swap3A_2241] {strides = array<i32>} : memref<2x264x128xf32, #tpu.memory_space<vmem>>, vector<1x1x16xf32>,
    %swap3A_2243 = vector.shape_cast %swap3A_2242 : vector<1x1x16xf32> to vector<16xf32>
    %swap3A_2244 = vector.shape_cast %broadcast_in_dim3A_1684 : vector<16xf32> to vector<1x1x16xf32>
    tpu.vector_store %arg5[%swap3A_2239, %swap3A_2240, %swap3A_2241], %swap3A_2244 {strides = array<i32>} : memref<2x264x128xf32, #tpu.memory_space<vmem>>, vector<1x1x16xf32>,
    %swap3A_2245 = arith.constant 1 : i32
    %swap3A_2246 = arith.constant 256 : i32
    %swap3A_2247 = arith.index_cast %swap3A_2245 : i32 to index
    %swap3A_2248 = arith.index_cast %swap3A_2246 : i32 to index
    %swap3A_2249 = arith.constant 96 : index
    %swap3A_2250 = tpu.vector_load %arg5[%swap3A_2247, %swap3A_2248, %swap3A_2249] {strides = array<i32>} : memref<2x264x128xf32, #tpu.memory_space<vmem>>, vector<1x1x16xf32>,
    %swap3A_2251 = vector.shape_cast %swap3A_2250 : vector<1x1x16xf32> to vector<16xf32>
    %swap3A_2252 = vector.shape_cast %broadcast_in_dim3A_1684 : vector<16xf32> to vector<1x1x16xf32>
    tpu.vector_store %arg5[%swap3A_2247, %swap3A_2248, %swap3A_2249], %swap3A_2252 {strides = array<i32>} : memref<2x264x128xf32, #tpu.memory_space<vmem>>, vector<1x1x16xf32>,
    %swap3A_2253 = arith.constant 1 : i32
    %swap3A_2254 = arith.constant 256 : i32
    %swap3A_2255 = arith.index_cast %swap3A_2253 : i32 to index
    %swap3A_2256 = arith.index_cast %swap3A_2254 : i32 to index
    %swap3A_2257 = arith.constant 112 : index
    %swap3A_2258 = tpu.vector_load %arg5[%swap3A_2255, %swap3A_2256, %swap3A_2257] {strides = array<i32>} : memref<2x264x128xf32, #tpu.memory_space<vmem>>, vector<1x1x16xf32>,
    %swap3A_2259 = vector.shape_cast %swap3A_2258 : vector<1x1x16xf32> to vector<16xf32>
    %swap3A_2260 = vector.shape_cast %broadcast_in_dim3A_1684 : vector<16xf32> to vector<1x1x16xf32>
    tpu.vector_store %arg5[%swap3A_2255, %swap3A_2256, %swap3A_2257], %swap3A_2260 {strides = array<i32>} : memref<2x264x128xf32, #tpu.memory_space<vmem>>, vector<1x1x16xf32>,
    %swap3A_2261 = arith.constant 1 : i32
    %swap3A_2262 = arith.constant 257 : i32
    %swap3A_2263 = arith.index_cast %swap3A_2261 : i32 to index
    %swap3A_2264 = arith.index_cast %swap3A_2262 : i32 to index
    %swap3A_2265 = arith.constant 0 : index
    %swap3A_2266 = tpu.vector_load %arg5[%swap3A_2263, %swap3A_2264, %swap3A_2265] {strides = array<i32>} : memref<2x264x128xf32, #tpu.memory_space<vmem>>, vector<1x1x16xf32>,
    %swap3A_2267 = vector.shape_cast %swap3A_2266 : vector<1x1x16xf32> to vector<16xf32>
    %swap3A_2268 = vector.shape_cast %broadcast_in_dim3A_1684 : vector<16xf32> to vector<1x1x16xf32>
    tpu.vector_store %arg5[%swap3A_2263, %swap3A_2264, %swap3A_2265], %swap3A_2268 {strides = array<i32>} : memref<2x264x128xf32, #tpu.memory_space<vmem>>, vector<1x1x16xf32>,
    %swap3A_2269 = arith.constant 1 : i32
    %swap3A_2270 = arith.constant 257 : i32
    %swap3A_2271 = arith.index_cast %swap3A_2269 : i32 to index
    %swap3A_2272 = arith.index_cast %swap3A_2270 : i32 to index
    %swap3A_2273 = arith.constant 16 : index
    %swap3A_2274 = tpu.vector_load %arg5[%swap3A_2271, %swap3A_2272, %swap3A_2273] {strides = array<i32>} : memref<2x264x128xf32, #tpu.memory_space<vmem>>, vector<1x1x16xf32>,
    %swap3A_2275 = vector.shape_cast %swap3A_2274 : vector<1x1x16xf32> to vector<16xf32>
    %swap3A_2276 = vector.shape_cast %broadcast_in_dim3A_1684 : vector<16xf32> to vector<1x1x16xf32>
    tpu.vector_store %arg5[%swap3A_2271, %swap3A_2272, %swap3A_2273], %swap3A_2276 {strides = array<i32>} : memref<2x264x128xf32, #tpu.memory_space<vmem>>, vector<1x1x16xf32>,
    %swap3A_2277 = arith.constant 1 : i32
    %swap3A_2278 = arith.constant 257 : i32
    %swap3A_2279 = arith.index_cast %swap3A_2277 : i32 to index
    %swap3A_2280 = arith.index_cast %swap3A_2278 : i32 to index
    %swap3A_2281 = arith.constant 32 : index
    %swap3A_2282 = tpu.vector_load %arg5[%swap3A_2279, %swap3A_2280, %swap3A_2281] {strides = array<i32>} : memref<2x264x128xf32, #tpu.memory_space<vmem>>, vector<1x1x16xf32>,
    %swap3A_2283 = vector.shape_cast %swap3A_2282 : vector<1x1x16xf32> to vector<16xf32>
    %swap3A_2284 = vector.shape_cast %broadcast_in_dim3A_1684 : vector<16xf32> to vector<1x1x16xf32>
    tpu.vector_store %arg5[%swap3A_2279, %swap3A_2280, %swap3A_2281], %swap3A_2284 {strides = array<i32>} : memref<2x264x128xf32, #tpu.memory_space<vmem>>, vector<1x1x16xf32>,
    %swap3A_2285 = arith.constant 1 : i32
    %swap3A_2286 = arith.constant 257 : i32
    %swap3A_2287 = arith.index_cast %swap3A_2285 : i32 to index
    %swap3A_2288 = arith.index_cast %swap3A_2286 : i32 to index
    %swap3A_2289 = arith.constant 48 : index
    %swap3A_2290 = tpu.vector_load %arg5[%swap3A_2287, %swap3A_2288, %swap3A_2289] {strides = array<i32>} : memref<2x264x128xf32, #tpu.memory_space<vmem>>, vector<1x1x16xf32>,
    %swap3A_2291 = vector.shape_cast %swap3A_2290 : vector<1x1x16xf32> to vector<16xf32>
    %swap3A_2292 = vector.shape_cast %broadcast_in_dim3A_1684 : vector<16xf32> to vector<1x1x16xf32>
    tpu.vector_store %arg5[%swap3A_2287, %swap3A_2288, %swap3A_2289], %swap3A_2292 {strides = array<i32>} : memref<2x264x128xf32, #tpu.memory_space<vmem>>, vector<1x1x16xf32>,
    %swap3A_2293 = arith.constant 1 : i32
    %swap3A_2294 = arith.constant 257 : i32
    %swap3A_2295 = arith.index_cast %swap3A_2293 : i32 to index
    %swap3A_2296 = arith.index_cast %swap3A_2294 : i32 to index
    %swap3A_2297 = arith.constant 64 : index
    %swap3A_2298 = tpu.vector_load %arg5[%swap3A_2295, %swap3A_2296, %swap3A_2297] {strides = array<i32>} : memref<2x264x128xf32, #tpu.memory_space<vmem>>, vector<1x1x16xf32>,
    %swap3A_2299 = vector.shape_cast %swap3A_2298 : vector<1x1x16xf32> to vector<16xf32>
    %swap3A_2300 = vector.shape_cast %broadcast_in_dim3A_1684 : vector<16xf32> to vector<1x1x16xf32>
    tpu.vector_store %arg5[%swap3A_2295, %swap3A_2296, %swap3A_2297], %swap3A_2300 {strides = array<i32>} : memref<2x264x128xf32, #tpu.memory_space<vmem>>, vector<1x1x16xf32>,
    %swap3A_2301 = arith.constant 1 : i32
    %swap3A_2302 = arith.constant 257 : i32
    %swap3A_2303 = arith.index_cast %swap3A_2301 : i32 to index
    %swap3A_2304 = arith.index_cast %swap3A_2302 : i32 to index
    %swap3A_2305 = arith.constant 80 : index
    %swap3A_2306 = tpu.vector_load %arg5[%swap3A_2303, %swap3A_2304, %swap3A_2305] {strides = array<i32>} : memref<2x264x128xf32, #tpu.memory_space<vmem>>, vector<1x1x16xf32>,
    %swap3A_2307 = vector.shape_cast %swap3A_2306 : vector<1x1x16xf32> to vector<16xf32>
    %swap3A_2308 = vector.shape_cast %broadcast_in_dim3A_1684 : vector<16xf32> to vector<1x1x16xf32>
    tpu.vector_store %arg5[%swap3A_2303, %swap3A_2304, %swap3A_2305], %swap3A_2308 {strides = array<i32>} : memref<2x264x128xf32, #tpu.memory_space<vmem>>, vector<1x1x16xf32>,
    %swap3A_2309 = arith.constant 1 : i32
    %swap3A_2310 = arith.constant 257 : i32
    %swap3A_2311 = arith.index_cast %swap3A_2309 : i32 to index
    %swap3A_2312 = arith.index_cast %swap3A_2310 : i32 to index
    %swap3A_2313 = arith.constant 96 : index
    %swap3A_2314 = tpu.vector_load %arg5[%swap3A_2311, %swap3A_2312, %swap3A_2313] {strides = array<i32>} : memref<2x264x128xf32, #tpu.memory_space<vmem>>, vector<1x1x16xf32>,
    %swap3A_2315 = vector.shape_cast %swap3A_2314 : vector<1x1x16xf32> to vector<16xf32>
    %swap3A_2316 = vector.shape_cast %broadcast_in_dim3A_1684 : vector<16xf32> to vector<1x1x16xf32>
    tpu.vector_store %arg5[%swap3A_2311, %swap3A_2312, %swap3A_2313], %swap3A_2316 {strides = array<i32>} : memref<2x264x128xf32, #tpu.memory_space<vmem>>, vector<1x1x16xf32>,
    %swap3A_2317 = arith.constant 1 : i32
    %swap3A_2318 = arith.constant 257 : i32
    %swap3A_2319 = arith.index_cast %swap3A_2317 : i32 to index
    %swap3A_2320 = arith.index_cast %swap3A_2318 : i32 to index
    %swap3A_2321 = arith.constant 112 : index
    %swap3A_2322 = tpu.vector_load %arg5[%swap3A_2319, %swap3A_2320, %swap3A_2321] {strides = array<i32>} : memref<2x264x128xf32, #tpu.memory_space<vmem>>, vector<1x1x16xf32>,
    %swap3A_2323 = vector.shape_cast %swap3A_2322 : vector<1x1x16xf32> to vector<16xf32>
    %swap3A_2324 = vector.shape_cast %broadcast_in_dim3A_1684 : vector<16xf32> to vector<1x1x16xf32>
    tpu.vector_store %arg5[%swap3A_2319, %swap3A_2320, %swap3A_2321], %swap3A_2324 {strides = array<i32>} : memref<2x264x128xf32, #tpu.memory_space<vmem>>, vector<1x1x16xf32>,
    %swap3A_2325 = arith.constant 1 : i32
    %swap3A_2326 = arith.constant 258 : i32
    %swap3A_2327 = arith.index_cast %swap3A_2325 : i32 to index
    %swap3A_2328 = arith.index_cast %swap3A_2326 : i32 to index
    %swap3A_2329 = arith.constant 0 : index
    %swap3A_2330 = tpu.vector_load %arg5[%swap3A_2327, %swap3A_2328, %swap3A_2329] {strides = array<i32>} : memref<2x264x128xf32, #tpu.memory_space<vmem>>, vector<1x1x16xf32>,
    %swap3A_2331 = vector.shape_cast %swap3A_2330 : vector<1x1x16xf32> to vector<16xf32>
    %swap3A_2332 = vector.shape_cast %broadcast_in_dim3A_1684 : vector<16xf32> to vector<1x1x16xf32>
    tpu.vector_store %arg5[%swap3A_2327, %swap3A_2328, %swap3A_2329], %swap3A_2332 {strides = array<i32>} : memref<2x264x128xf32, #tpu.memory_space<vmem>>, vector<1x1x16xf32>,
    %swap3A_2333 = arith.constant 1 : i32
    %swap3A_2334 = arith.constant 258 : i32
    %swap3A_2335 = arith.index_cast %swap3A_2333 : i32 to index
    %swap3A_2336 = arith.index_cast %swap3A_2334 : i32 to index
    %swap3A_2337 = arith.constant 16 : index
    %swap3A_2338 = tpu.vector_load %arg5[%swap3A_2335, %swap3A_2336, %swap3A_2337] {strides = array<i32>} : memref<2x264x128xf32, #tpu.memory_space<vmem>>, vector<1x1x16xf32>,
    %swap3A_2339 = vector.shape_cast %swap3A_2338 : vector<1x1x16xf32> to vector<16xf32>
    %swap3A_2340 = vector.shape_cast %broadcast_in_dim3A_1684 : vector<16xf32> to vector<1x1x16xf32>
    tpu.vector_store %arg5[%swap3A_2335, %swap3A_2336, %swap3A_2337], %swap3A_2340 {strides = array<i32>} : memref<2x264x128xf32, #tpu.memory_space<vmem>>, vector<1x1x16xf32>,
    %swap3A_2341 = arith.constant 1 : i32
    %swap3A_2342 = arith.constant 258 : i32
    %swap3A_2343 = arith.index_cast %swap3A_2341 : i32 to index
    %swap3A_2344 = arith.index_cast %swap3A_2342 : i32 to index
    %swap3A_2345 = arith.constant 32 : index
    %swap3A_2346 = tpu.vector_load %arg5[%swap3A_2343, %swap3A_2344, %swap3A_2345] {strides = array<i32>} : memref<2x264x128xf32, #tpu.memory_space<vmem>>, vector<1x1x16xf32>,
    %swap3A_2347 = vector.shape_cast %swap3A_2346 : vector<1x1x16xf32> to vector<16xf32>
    %swap3A_2348 = vector.shape_cast %broadcast_in_dim3A_1684 : vector<16xf32> to vector<1x1x16xf32>
    tpu.vector_store %arg5[%swap3A_2343, %swap3A_2344, %swap3A_2345], %swap3A_2348 {strides = array<i32>} : memref<2x264x128xf32, #tpu.memory_space<vmem>>, vector<1x1x16xf32>,
    %swap3A_2349 = arith.constant 1 : i32
    %swap3A_2350 = arith.constant 258 : i32
    %swap3A_2351 = arith.index_cast %swap3A_2349 : i32 to index
    %swap3A_2352 = arith.index_cast %swap3A_2350 : i32 to index
    %swap3A_2353 = arith.constant 48 : index
    %swap3A_2354 = tpu.vector_load %arg5[%swap3A_2351, %swap3A_2352, %swap3A_2353] {strides = array<i32>} : memref<2x264x128xf32, #tpu.memory_space<vmem>>, vector<1x1x16xf32>,
    %swap3A_2355 = vector.shape_cast %swap3A_2354 : vector<1x1x16xf32> to vector<16xf32>
    %swap3A_2356 = vector.shape_cast %broadcast_in_dim3A_1684 : vector<16xf32> to vector<1x1x16xf32>
    tpu.vector_store %arg5[%swap3A_2351, %swap3A_2352, %swap3A_2353], %swap3A_2356 {strides = array<i32>} : memref<2x264x128xf32, #tpu.memory_space<vmem>>, vector<1x1x16xf32>,
    %swap3A_2357 = arith.constant 1 : i32
    %swap3A_2358 = arith.constant 258 : i32
    %swap3A_2359 = arith.index_cast %swap3A_2357 : i32 to index
    %swap3A_2360 = arith.index_cast %swap3A_2358 : i32 to index
    %swap3A_2361 = arith.constant 64 : index
    %swap3A_2362 = tpu.vector_load %arg5[%swap3A_2359, %swap3A_2360, %swap3A_2361] {strides = array<i32>} : memref<2x264x128xf32, #tpu.memory_space<vmem>>, vector<1x1x16xf32>,
    %swap3A_2363 = vector.shape_cast %swap3A_2362 : vector<1x1x16xf32> to vector<16xf32>
    %swap3A_2364 = vector.shape_cast %broadcast_in_dim3A_1684 : vector<16xf32> to vector<1x1x16xf32>
    tpu.vector_store %arg5[%swap3A_2359, %swap3A_2360, %swap3A_2361], %swap3A_2364 {strides = array<i32>} : memref<2x264x128xf32, #tpu.memory_space<vmem>>, vector<1x1x16xf32>,
    %swap3A_2365 = arith.constant 1 : i32
    %swap3A_2366 = arith.constant 258 : i32
    %swap3A_2367 = arith.index_cast %swap3A_2365 : i32 to index
    %swap3A_2368 = arith.index_cast %swap3A_2366 : i32 to index
    %swap3A_2369 = arith.constant 80 : index
    %swap3A_2370 = tpu.vector_load %arg5[%swap3A_2367, %swap3A_2368, %swap3A_2369] {strides = array<i32>} : memref<2x264x128xf32, #tpu.memory_space<vmem>>, vector<1x1x16xf32>,
    %swap3A_2371 = vector.shape_cast %swap3A_2370 : vector<1x1x16xf32> to vector<16xf32>
    %swap3A_2372 = vector.shape_cast %broadcast_in_dim3A_1684 : vector<16xf32> to vector<1x1x16xf32>
    tpu.vector_store %arg5[%swap3A_2367, %swap3A_2368, %swap3A_2369], %swap3A_2372 {strides = array<i32>} : memref<2x264x128xf32, #tpu.memory_space<vmem>>, vector<1x1x16xf32>,
    %swap3A_2373 = arith.constant 1 : i32
    %swap3A_2374 = arith.constant 258 : i32
    %swap3A_2375 = arith.index_cast %swap3A_2373 : i32 to index
    %swap3A_2376 = arith.index_cast %swap3A_2374 : i32 to index
    %swap3A_2377 = arith.constant 96 : index
    %swap3A_2378 = tpu.vector_load %arg5[%swap3A_2375, %swap3A_2376, %swap3A_2377] {strides = array<i32>} : memref<2x264x128xf32, #tpu.memory_space<vmem>>, vector<1x1x16xf32>,
    %swap3A_2379 = vector.shape_cast %swap3A_2378 : vector<1x1x16xf32> to vector<16xf32>
    %swap3A_2380 = vector.shape_cast %broadcast_in_dim3A_1684 : vector<16xf32> to vector<1x1x16xf32>
    tpu.vector_store %arg5[%swap3A_2375, %swap3A_2376, %swap3A_2377], %swap3A_2380 {strides = array<i32>} : memref<2x264x128xf32, #tpu.memory_space<vmem>>, vector<1x1x16xf32>,
    %swap3A_2381 = arith.constant 1 : i32
    %swap3A_2382 = arith.constant 258 : i32
    %swap3A_2383 = arith.index_cast %swap3A_2381 : i32 to index
    %swap3A_2384 = arith.index_cast %swap3A_2382 : i32 to index
    %swap3A_2385 = arith.constant 112 : index
    %swap3A_2386 = tpu.vector_load %arg5[%swap3A_2383, %swap3A_2384, %swap3A_2385] {strides = array<i32>} : memref<2x264x128xf32, #tpu.memory_space<vmem>>, vector<1x1x16xf32>,
    %swap3A_2387 = vector.shape_cast %swap3A_2386 : vector<1x1x16xf32> to vector<16xf32>
    %swap3A_2388 = vector.shape_cast %broadcast_in_dim3A_1684 : vector<16xf32> to vector<1x1x16xf32>
    tpu.vector_store %arg5[%swap3A_2383, %swap3A_2384, %swap3A_2385], %swap3A_2388 {strides = array<i32>} : memref<2x264x128xf32, #tpu.memory_space<vmem>>, vector<1x1x16xf32>,
    %swap3A_2389 = arith.constant 1 : i32
    %swap3A_2390 = arith.constant 259 : i32
    %swap3A_2391 = arith.index_cast %swap3A_2389 : i32 to index
    %swap3A_2392 = arith.index_cast %swap3A_2390 : i32 to index
    %swap3A_2393 = arith.constant 0 : index
    %swap3A_2394 = tpu.vector_load %arg5[%swap3A_2391, %swap3A_2392, %swap3A_2393] {strides = array<i32>} : memref<2x264x128xf32, #tpu.memory_space<vmem>>, vector<1x1x16xf32>,
    %swap3A_2395 = vector.shape_cast %swap3A_2394 : vector<1x1x16xf32> to vector<16xf32>
    %swap3A_2396 = vector.shape_cast %broadcast_in_dim3A_1684 : vector<16xf32> to vector<1x1x16xf32>
    tpu.vector_store %arg5[%swap3A_2391, %swap3A_2392, %swap3A_2393], %swap3A_2396 {strides = array<i32>} : memref<2x264x128xf32, #tpu.memory_space<vmem>>, vector<1x1x16xf32>,
    %swap3A_2397 = arith.constant 1 : i32
    %swap3A_2398 = arith.constant 259 : i32
    %swap3A_2399 = arith.index_cast %swap3A_2397 : i32 to index
    %swap3A_2400 = arith.index_cast %swap3A_2398 : i32 to index
    %swap3A_2401 = arith.constant 16 : index
    %swap3A_2402 = tpu.vector_load %arg5[%swap3A_2399, %swap3A_2400, %swap3A_2401] {strides = array<i32>} : memref<2x264x128xf32, #tpu.memory_space<vmem>>, vector<1x1x16xf32>,
    %swap3A_2403 = vector.shape_cast %swap3A_2402 : vector<1x1x16xf32> to vector<16xf32>
    %swap3A_2404 = vector.shape_cast %broadcast_in_dim3A_1684 : vector<16xf32> to vector<1x1x16xf32>
    tpu.vector_store %arg5[%swap3A_2399, %swap3A_2400, %swap3A_2401], %swap3A_2404 {strides = array<i32>} : memref<2x264x128xf32, #tpu.memory_space<vmem>>, vector<1x1x16xf32>,
    %swap3A_2405 = arith.constant 1 : i32
    %swap3A_2406 = arith.constant 259 : i32
    %swap3A_2407 = arith.index_cast %swap3A_2405 : i32 to index
    %swap3A_2408 = arith.index_cast %swap3A_2406 : i32 to index
    %swap3A_2409 = arith.constant 32 : index
    %swap3A_2410 = tpu.vector_load %arg5[%swap3A_2407, %swap3A_2408, %swap3A_2409] {strides = array<i32>} : memref<2x264x128xf32, #tpu.memory_space<vmem>>, vector<1x1x16xf32>,
    %swap3A_2411 = vector.shape_cast %swap3A_2410 : vector<1x1x16xf32> to vector<16xf32>
    %swap3A_2412 = vector.shape_cast %broadcast_in_dim3A_1684 : vector<16xf32> to vector<1x1x16xf32>
    tpu.vector_store %arg5[%swap3A_2407, %swap3A_2408, %swap3A_2409], %swap3A_2412 {strides = array<i32>} : memref<2x264x128xf32, #tpu.memory_space<vmem>>, vector<1x1x16xf32>,
    %swap3A_2413 = arith.constant 1 : i32
    %swap3A_2414 = arith.constant 259 : i32
    %swap3A_2415 = arith.index_cast %swap3A_2413 : i32 to index
    %swap3A_2416 = arith.index_cast %swap3A_2414 : i32 to index
    %swap3A_2417 = arith.constant 48 : index
    %swap3A_2418 = tpu.vector_load %arg5[%swap3A_2415, %swap3A_2416, %swap3A_2417] {strides = array<i32>} : memref<2x264x128xf32, #tpu.memory_space<vmem>>, vector<1x1x16xf32>,
    %swap3A_2419 = vector.shape_cast %swap3A_2418 : vector<1x1x16xf32> to vector<16xf32>
    %swap3A_2420 = vector.shape_cast %broadcast_in_dim3A_1684 : vector<16xf32> to vector<1x1x16xf32>
    tpu.vector_store %arg5[%swap3A_2415, %swap3A_2416, %swap3A_2417], %swap3A_2420 {strides = array<i32>} : memref<2x264x128xf32, #tpu.memory_space<vmem>>, vector<1x1x16xf32>,
    %swap3A_2421 = arith.constant 1 : i32
    %swap3A_2422 = arith.constant 259 : i32
    %swap3A_2423 = arith.index_cast %swap3A_2421 : i32 to index
    %swap3A_2424 = arith.index_cast %swap3A_2422 : i32 to index
    %swap3A_2425 = arith.constant 64 : index
    %swap3A_2426 = tpu.vector_load %arg5[%swap3A_2423, %swap3A_2424, %swap3A_2425] {strides = array<i32>} : memref<2x264x128xf32, #tpu.memory_space<vmem>>, vector<1x1x16xf32>,
    %swap3A_2427 = vector.shape_cast %swap3A_2426 : vector<1x1x16xf32> to vector<16xf32>
    %swap3A_2428 = vector.shape_cast %broadcast_in_dim3A_1684 : vector<16xf32> to vector<1x1x16xf32>
    tpu.vector_store %arg5[%swap3A_2423, %swap3A_2424, %swap3A_2425], %swap3A_2428 {strides = array<i32>} : memref<2x264x128xf32, #tpu.memory_space<vmem>>, vector<1x1x16xf32>,
    %swap3A_2429 = arith.constant 1 : i32
    %swap3A_2430 = arith.constant 259 : i32
    %swap3A_2431 = arith.index_cast %swap3A_2429 : i32 to index
    %swap3A_2432 = arith.index_cast %swap3A_2430 : i32 to index
    %swap3A_2433 = arith.constant 80 : index
    %swap3A_2434 = tpu.vector_load %arg5[%swap3A_2431, %swap3A_2432, %swap3A_2433] {strides = array<i32>} : memref<2x264x128xf32, #tpu.memory_space<vmem>>, vector<1x1x16xf32>,
    %swap3A_2435 = vector.shape_cast %swap3A_2434 : vector<1x1x16xf32> to vector<16xf32>
    %swap3A_2436 = vector.shape_cast %broadcast_in_dim3A_1684 : vector<16xf32> to vector<1x1x16xf32>
    tpu.vector_store %arg5[%swap3A_2431, %swap3A_2432, %swap3A_2433], %swap3A_2436 {strides = array<i32>} : memref<2x264x128xf32, #tpu.memory_space<vmem>>, vector<1x1x16xf32>,
    %swap3A_2437 = arith.constant 1 : i32
    %swap3A_2438 = arith.constant 259 : i32
    %swap3A_2439 = arith.index_cast %swap3A_2437 : i32 to index
    %swap3A_2440 = arith.index_cast %swap3A_2438 : i32 to index
    %swap3A_2441 = arith.constant 96 : index
    %swap3A_2442 = tpu.vector_load %arg5[%swap3A_2439, %swap3A_2440, %swap3A_2441] {strides = array<i32>} : memref<2x264x128xf32, #tpu.memory_space<vmem>>, vector<1x1x16xf32>,
    %swap3A_2443 = vector.shape_cast %swap3A_2442 : vector<1x1x16xf32> to vector<16xf32>
    %swap3A_2444 = vector.shape_cast %broadcast_in_dim3A_1684 : vector<16xf32> to vector<1x1x16xf32>
    tpu.vector_store %arg5[%swap3A_2439, %swap3A_2440, %swap3A_2441], %swap3A_2444 {strides = array<i32>} : memref<2x264x128xf32, #tpu.memory_space<vmem>>, vector<1x1x16xf32>,
    %swap3A_2445 = arith.constant 1 : i32
    %swap3A_2446 = arith.constant 259 : i32
    %swap3A_2447 = arith.index_cast %swap3A_2445 : i32 to index
    %swap3A_2448 = arith.index_cast %swap3A_2446 : i32 to index
    %swap3A_2449 = arith.constant 112 : index
    %swap3A_2450 = tpu.vector_load %arg5[%swap3A_2447, %swap3A_2448, %swap3A_2449] {strides = array<i32>} : memref<2x264x128xf32, #tpu.memory_space<vmem>>, vector<1x1x16xf32>,
    %swap3A_2451 = vector.shape_cast %swap3A_2450 : vector<1x1x16xf32> to vector<16xf32>
    %swap3A_2452 = vector.shape_cast %broadcast_in_dim3A_1684 : vector<16xf32> to vector<1x1x16xf32>
    tpu.vector_store %arg5[%swap3A_2447, %swap3A_2448, %swap3A_2449], %swap3A_2452 {strides = array<i32>} : memref<2x264x128xf32, #tpu.memory_space<vmem>>, vector<1x1x16xf32>,
    %swap3A_2453 = arith.constant 1 : i32
    %swap3A_2454 = arith.constant 260 : i32
    %swap3A_2455 = arith.index_cast %swap3A_2453 : i32 to index
    %swap3A_2456 = arith.index_cast %swap3A_2454 : i32 to index
    %swap3A_2457 = arith.constant 0 : index
    %swap3A_2458 = tpu.vector_load %arg5[%swap3A_2455, %swap3A_2456, %swap3A_2457] {strides = array<i32>} : memref<2x264x128xf32, #tpu.memory_space<vmem>>, vector<1x1x16xf32>,
    %swap3A_2459 = vector.shape_cast %swap3A_2458 : vector<1x1x16xf32> to vector<16xf32>
    %swap3A_2460 = vector.shape_cast %broadcast_in_dim3A_1684 : vector<16xf32> to vector<1x1x16xf32>
    tpu.vector_store %arg5[%swap3A_2455, %swap3A_2456, %swap3A_2457], %swap3A_2460 {strides = array<i32>} : memref<2x264x128xf32, #tpu.memory_space<vmem>>, vector<1x1x16xf32>,
    %swap3A_2461 = arith.constant 1 : i32
    %swap3A_2462 = arith.constant 260 : i32
    %swap3A_2463 = arith.index_cast %swap3A_2461 : i32 to index
    %swap3A_2464 = arith.index_cast %swap3A_2462 : i32 to index
    %swap3A_2465 = arith.constant 16 : index
    %swap3A_2466 = tpu.vector_load %arg5[%swap3A_2463, %swap3A_2464, %swap3A_2465] {strides = array<i32>} : memref<2x264x128xf32, #tpu.memory_space<vmem>>, vector<1x1x16xf32>,
    %swap3A_2467 = vector.shape_cast %swap3A_2466 : vector<1x1x16xf32> to vector<16xf32>
    %swap3A_2468 = vector.shape_cast %broadcast_in_dim3A_1684 : vector<16xf32> to vector<1x1x16xf32>
    tpu.vector_store %arg5[%swap3A_2463, %swap3A_2464, %swap3A_2465], %swap3A_2468 {strides = array<i32>} : memref<2x264x128xf32, #tpu.memory_space<vmem>>, vector<1x1x16xf32>,
    %swap3A_2469 = arith.constant 1 : i32
    %swap3A_2470 = arith.constant 260 : i32
    %swap3A_2471 = arith.index_cast %swap3A_2469 : i32 to index
    %swap3A_2472 = arith.index_cast %swap3A_2470 : i32 to index
    %swap3A_2473 = arith.constant 32 : index
    %swap3A_2474 = tpu.vector_load %arg5[%swap3A_2471, %swap3A_2472, %swap3A_2473] {strides = array<i32>} : memref<2x264x128xf32, #tpu.memory_space<vmem>>, vector<1x1x16xf32>,
    %swap3A_2475 = vector.shape_cast %swap3A_2474 : vector<1x1x16xf32> to vector<16xf32>
    %swap3A_2476 = vector.shape_cast %broadcast_in_dim3A_1684 : vector<16xf32> to vector<1x1x16xf32>
    tpu.vector_store %arg5[%swap3A_2471, %swap3A_2472, %swap3A_2473], %swap3A_2476 {strides = array<i32>} : memref<2x264x128xf32, #tpu.memory_space<vmem>>, vector<1x1x16xf32>,
    %swap3A_2477 = arith.constant 1 : i32
    %swap3A_2478 = arith.constant 260 : i32
    %swap3A_2479 = arith.index_cast %swap3A_2477 : i32 to index
    %swap3A_2480 = arith.index_cast %swap3A_2478 : i32 to index
    %swap3A_2481 = arith.constant 48 : index
    %swap3A_2482 = tpu.vector_load %arg5[%swap3A_2479, %swap3A_2480, %swap3A_2481] {strides = array<i32>} : memref<2x264x128xf32, #tpu.memory_space<vmem>>, vector<1x1x16xf32>,
    %swap3A_2483 = vector.shape_cast %swap3A_2482 : vector<1x1x16xf32> to vector<16xf32>
    %swap3A_2484 = vector.shape_cast %broadcast_in_dim3A_1684 : vector<16xf32> to vector<1x1x16xf32>
    tpu.vector_store %arg5[%swap3A_2479, %swap3A_2480, %swap3A_2481], %swap3A_2484 {strides = array<i32>} : memref<2x264x128xf32, #tpu.memory_space<vmem>>, vector<1x1x16xf32>,
    %swap3A_2485 = arith.constant 1 : i32
    %swap3A_2486 = arith.constant 260 : i32
    %swap3A_2487 = arith.index_cast %swap3A_2485 : i32 to index
    %swap3A_2488 = arith.index_cast %swap3A_2486 : i32 to index
    %swap3A_2489 = arith.constant 64 : index
    %swap3A_2490 = tpu.vector_load %arg5[%swap3A_2487, %swap3A_2488, %swap3A_2489] {strides = array<i32>} : memref<2x264x128xf32, #tpu.memory_space<vmem>>, vector<1x1x16xf32>,
    %swap3A_2491 = vector.shape_cast %swap3A_2490 : vector<1x1x16xf32> to vector<16xf32>
    %swap3A_2492 = vector.shape_cast %broadcast_in_dim3A_1684 : vector<16xf32> to vector<1x1x16xf32>
    tpu.vector_store %arg5[%swap3A_2487, %swap3A_2488, %swap3A_2489], %swap3A_2492 {strides = array<i32>} : memref<2x264x128xf32, #tpu.memory_space<vmem>>, vector<1x1x16xf32>,
    %swap3A_2493 = arith.constant 1 : i32
    %swap3A_2494 = arith.constant 260 : i32
    %swap3A_2495 = arith.index_cast %swap3A_2493 : i32 to index
    %swap3A_2496 = arith.index_cast %swap3A_2494 : i32 to index
    %swap3A_2497 = arith.constant 80 : index
    %swap3A_2498 = tpu.vector_load %arg5[%swap3A_2495, %swap3A_2496, %swap3A_2497] {strides = array<i32>} : memref<2x264x128xf32, #tpu.memory_space<vmem>>, vector<1x1x16xf32>,
    %swap3A_2499 = vector.shape_cast %swap3A_2498 : vector<1x1x16xf32> to vector<16xf32>
    %swap3A_2500 = vector.shape_cast %broadcast_in_dim3A_1684 : vector<16xf32> to vector<1x1x16xf32>
    tpu.vector_store %arg5[%swap3A_2495, %swap3A_2496, %swap3A_2497], %swap3A_2500 {strides = array<i32>} : memref<2x264x128xf32, #tpu.memory_space<vmem>>, vector<1x1x16xf32>,
    %swap3A_2501 = arith.constant 1 : i32
    %swap3A_2502 = arith.constant 260 : i32
    %swap3A_2503 = arith.index_cast %swap3A_2501 : i32 to index
    %swap3A_2504 = arith.index_cast %swap3A_2502 : i32 to index
    %swap3A_2505 = arith.constant 96 : index
    %swap3A_2506 = tpu.vector_load %arg5[%swap3A_2503, %swap3A_2504, %swap3A_2505] {strides = array<i32>} : memref<2x264x128xf32, #tpu.memory_space<vmem>>, vector<1x1x16xf32>,
    %swap3A_2507 = vector.shape_cast %swap3A_2506 : vector<1x1x16xf32> to vector<16xf32>
    %swap3A_2508 = vector.shape_cast %broadcast_in_dim3A_1684 : vector<16xf32> to vector<1x1x16xf32>
    tpu.vector_store %arg5[%swap3A_2503, %swap3A_2504, %swap3A_2505], %swap3A_2508 {strides = array<i32>} : memref<2x264x128xf32, #tpu.memory_space<vmem>>, vector<1x1x16xf32>,
    %swap3A_2509 = arith.constant 1 : i32
    %swap3A_2510 = arith.constant 260 : i32
    %swap3A_2511 = arith.index_cast %swap3A_2509 : i32 to index
    %swap3A_2512 = arith.index_cast %swap3A_2510 : i32 to index
    %swap3A_2513 = arith.constant 112 : index
    %swap3A_2514 = tpu.vector_load %arg5[%swap3A_2511, %swap3A_2512, %swap3A_2513] {strides = array<i32>} : memref<2x264x128xf32, #tpu.memory_space<vmem>>, vector<1x1x16xf32>,
    %swap3A_2515 = vector.shape_cast %swap3A_2514 : vector<1x1x16xf32> to vector<16xf32>
    %swap3A_2516 = vector.shape_cast %broadcast_in_dim3A_1684 : vector<16xf32> to vector<1x1x16xf32>
    tpu.vector_store %arg5[%swap3A_2511, %swap3A_2512, %swap3A_2513], %swap3A_2516 {strides = array<i32>} : memref<2x264x128xf32, #tpu.memory_space<vmem>>, vector<1x1x16xf32>,
    %swap3A_2517 = arith.constant 1 : i32
    %swap3A_2518 = arith.constant 261 : i32
    %swap3A_2519 = arith.index_cast %swap3A_2517 : i32 to index
    %swap3A_2520 = arith.index_cast %swap3A_2518 : i32 to index
    %swap3A_2521 = arith.constant 0 : index
    %swap3A_2522 = tpu.vector_load %arg5[%swap3A_2519, %swap3A_2520, %swap3A_2521] {strides = array<i32>} : memref<2x264x128xf32, #tpu.memory_space<vmem>>, vector<1x1x16xf32>,
    %swap3A_2523 = vector.shape_cast %swap3A_2522 : vector<1x1x16xf32> to vector<16xf32>
    %swap3A_2524 = vector.shape_cast %broadcast_in_dim3A_1684 : vector<16xf32> to vector<1x1x16xf32>
    tpu.vector_store %arg5[%swap3A_2519, %swap3A_2520, %swap3A_2521], %swap3A_2524 {strides = array<i32>} : memref<2x264x128xf32, #tpu.memory_space<vmem>>, vector<1x1x16xf32>,
    %swap3A_2525 = arith.constant 1 : i32
    %swap3A_2526 = arith.constant 261 : i32
    %swap3A_2527 = arith.index_cast %swap3A_2525 : i32 to index
    %swap3A_2528 = arith.index_cast %swap3A_2526 : i32 to index
    %swap3A_2529 = arith.constant 16 : index
    %swap3A_2530 = tpu.vector_load %arg5[%swap3A_2527, %swap3A_2528, %swap3A_2529] {strides = array<i32>} : memref<2x264x128xf32, #tpu.memory_space<vmem>>, vector<1x1x16xf32>,
    %swap3A_2531 = vector.shape_cast %swap3A_2530 : vector<1x1x16xf32> to vector<16xf32>
    %swap3A_2532 = vector.shape_cast %broadcast_in_dim3A_1684 : vector<16xf32> to vector<1x1x16xf32>
    tpu.vector_store %arg5[%swap3A_2527, %swap3A_2528, %swap3A_2529], %swap3A_2532 {strides = array<i32>} : memref<2x264x128xf32, #tpu.memory_space<vmem>>, vector<1x1x16xf32>,
    %swap3A_2533 = arith.constant 1 : i32
    %swap3A_2534 = arith.constant 261 : i32
    %swap3A_2535 = arith.index_cast %swap3A_2533 : i32 to index
    %swap3A_2536 = arith.index_cast %swap3A_2534 : i32 to index
    %swap3A_2537 = arith.constant 32 : index
    %swap3A_2538 = tpu.vector_load %arg5[%swap3A_2535, %swap3A_2536, %swap3A_2537] {strides = array<i32>} : memref<2x264x128xf32, #tpu.memory_space<vmem>>, vector<1x1x16xf32>,
    %swap3A_2539 = vector.shape_cast %swap3A_2538 : vector<1x1x16xf32> to vector<16xf32>
    %swap3A_2540 = vector.shape_cast %broadcast_in_dim3A_1684 : vector<16xf32> to vector<1x1x16xf32>
    tpu.vector_store %arg5[%swap3A_2535, %swap3A_2536, %swap3A_2537], %swap3A_2540 {strides = array<i32>} : memref<2x264x128xf32, #tpu.memory_space<vmem>>, vector<1x1x16xf32>,
    %swap3A_2541 = arith.constant 1 : i32
    %swap3A_2542 = arith.constant 261 : i32
    %swap3A_2543 = arith.index_cast %swap3A_2541 : i32 to index
    %swap3A_2544 = arith.index_cast %swap3A_2542 : i32 to index
    %swap3A_2545 = arith.constant 48 : index
    %swap3A_2546 = tpu.vector_load %arg5[%swap3A_2543, %swap3A_2544, %swap3A_2545] {strides = array<i32>} : memref<2x264x128xf32, #tpu.memory_space<vmem>>, vector<1x1x16xf32>,
    %swap3A_2547 = vector.shape_cast %swap3A_2546 : vector<1x1x16xf32> to vector<16xf32>
    %swap3A_2548 = vector.shape_cast %broadcast_in_dim3A_1684 : vector<16xf32> to vector<1x1x16xf32>
    tpu.vector_store %arg5[%swap3A_2543, %swap3A_2544, %swap3A_2545], %swap3A_2548 {strides = array<i32>} : memref<2x264x128xf32, #tpu.memory_space<vmem>>, vector<1x1x16xf32>,
    %swap3A_2549 = arith.constant 1 : i32
    %swap3A_2550 = arith.constant 261 : i32
    %swap3A_2551 = arith.index_cast %swap3A_2549 : i32 to index
    %swap3A_2552 = arith.index_cast %swap3A_2550 : i32 to index
    %swap3A_2553 = arith.constant 64 : index
    %swap3A_2554 = tpu.vector_load %arg5[%swap3A_2551, %swap3A_2552, %swap3A_2553] {strides = array<i32>} : memref<2x264x128xf32, #tpu.memory_space<vmem>>, vector<1x1x16xf32>,
    %swap3A_2555 = vector.shape_cast %swap3A_2554 : vector<1x1x16xf32> to vector<16xf32>
    %swap3A_2556 = vector.shape_cast %broadcast_in_dim3A_1684 : vector<16xf32> to vector<1x1x16xf32>
    tpu.vector_store %arg5[%swap3A_2551, %swap3A_2552, %swap3A_2553], %swap3A_2556 {strides = array<i32>} : memref<2x264x128xf32, #tpu.memory_space<vmem>>, vector<1x1x16xf32>,
    %swap3A_2557 = arith.constant 1 : i32
    %swap3A_2558 = arith.constant 261 : i32
    %swap3A_2559 = arith.index_cast %swap3A_2557 : i32 to index
    %swap3A_2560 = arith.index_cast %swap3A_2558 : i32 to index
    %swap3A_2561 = arith.constant 80 : index
    %swap3A_2562 = tpu.vector_load %arg5[%swap3A_2559, %swap3A_2560, %swap3A_2561] {strides = array<i32>} : memref<2x264x128xf32, #tpu.memory_space<vmem>>, vector<1x1x16xf32>,
    %swap3A_2563 = vector.shape_cast %swap3A_2562 : vector<1x1x16xf32> to vector<16xf32>
    %swap3A_2564 = vector.shape_cast %broadcast_in_dim3A_1684 : vector<16xf32> to vector<1x1x16xf32>
    tpu.vector_store %arg5[%swap3A_2559, %swap3A_2560, %swap3A_2561], %swap3A_2564 {strides = array<i32>} : memref<2x264x128xf32, #tpu.memory_space<vmem>>, vector<1x1x16xf32>,
    %swap3A_2565 = arith.constant 1 : i32
    %swap3A_2566 = arith.constant 261 : i32
    %swap3A_2567 = arith.index_cast %swap3A_2565 : i32 to index
    %swap3A_2568 = arith.index_cast %swap3A_2566 : i32 to index
    %swap3A_2569 = arith.constant 96 : index
    %swap3A_2570 = tpu.vector_load %arg5[%swap3A_2567, %swap3A_2568, %swap3A_2569] {strides = array<i32>} : memref<2x264x128xf32, #tpu.memory_space<vmem>>, vector<1x1x16xf32>,
    %swap3A_2571 = vector.shape_cast %swap3A_2570 : vector<1x1x16xf32> to vector<16xf32>
    %swap3A_2572 = vector.shape_cast %broadcast_in_dim3A_1684 : vector<16xf32> to vector<1x1x16xf32>
    tpu.vector_store %arg5[%swap3A_2567, %swap3A_2568, %swap3A_2569], %swap3A_2572 {strides = array<i32>} : memref<2x264x128xf32, #tpu.memory_space<vmem>>, vector<1x1x16xf32>,
    %swap3A_2573 = arith.constant 1 : i32
    %swap3A_2574 = arith.constant 261 : i32
    %swap3A_2575 = arith.index_cast %swap3A_2573 : i32 to index
    %swap3A_2576 = arith.index_cast %swap3A_2574 : i32 to index
    %swap3A_2577 = arith.constant 112 : index
    %swap3A_2578 = tpu.vector_load %arg5[%swap3A_2575, %swap3A_2576, %swap3A_2577] {strides = array<i32>} : memref<2x264x128xf32, #tpu.memory_space<vmem>>, vector<1x1x16xf32>,
    %swap3A_2579 = vector.shape_cast %swap3A_2578 : vector<1x1x16xf32> to vector<16xf32>
    %swap3A_2580 = vector.shape_cast %broadcast_in_dim3A_1684 : vector<16xf32> to vector<1x1x16xf32>
    tpu.vector_store %arg5[%swap3A_2575, %swap3A_2576, %swap3A_2577], %swap3A_2580 {strides = array<i32>} : memref<2x264x128xf32, #tpu.memory_space<vmem>>, vector<1x1x16xf32>,
    %swap3A_2581 = arith.constant 1 : i32
    %swap3A_2582 = arith.constant 262 : i32
    %swap3A_2583 = arith.index_cast %swap3A_2581 : i32 to index
    %swap3A_2584 = arith.index_cast %swap3A_2582 : i32 to index
    %swap3A_2585 = arith.constant 0 : index
    %swap3A_2586 = tpu.vector_load %arg5[%swap3A_2583, %swap3A_2584, %swap3A_2585] {strides = array<i32>} : memref<2x264x128xf32, #tpu.memory_space<vmem>>, vector<1x1x16xf32>,
    %swap3A_2587 = vector.shape_cast %swap3A_2586 : vector<1x1x16xf32> to vector<16xf32>
    %swap3A_2588 = vector.shape_cast %broadcast_in_dim3A_1684 : vector<16xf32> to vector<1x1x16xf32>
    tpu.vector_store %arg5[%swap3A_2583, %swap3A_2584, %swap3A_2585], %swap3A_2588 {strides = array<i32>} : memref<2x264x128xf32, #tpu.memory_space<vmem>>, vector<1x1x16xf32>,
    %swap3A_2589 = arith.constant 1 : i32
    %swap3A_2590 = arith.constant 262 : i32
    %swap3A_2591 = arith.index_cast %swap3A_2589 : i32 to index
    %swap3A_2592 = arith.index_cast %swap3A_2590 : i32 to index
    %swap3A_2593 = arith.constant 16 : index
    %swap3A_2594 = tpu.vector_load %arg5[%swap3A_2591, %swap3A_2592, %swap3A_2593] {strides = array<i32>} : memref<2x264x128xf32, #tpu.memory_space<vmem>>, vector<1x1x16xf32>,
    %swap3A_2595 = vector.shape_cast %swap3A_2594 : vector<1x1x16xf32> to vector<16xf32>
    %swap3A_2596 = vector.shape_cast %broadcast_in_dim3A_1684 : vector<16xf32> to vector<1x1x16xf32>
    tpu.vector_store %arg5[%swap3A_2591, %swap3A_2592, %swap3A_2593], %swap3A_2596 {strides = array<i32>} : memref<2x264x128xf32, #tpu.memory_space<vmem>>, vector<1x1x16xf32>,
    %swap3A_2597 = arith.constant 1 : i32
    %swap3A_2598 = arith.constant 262 : i32
    %swap3A_2599 = arith.index_cast %swap3A_2597 : i32 to index
    %swap3A_2600 = arith.index_cast %swap3A_2598 : i32 to index
    %swap3A_2601 = arith.constant 32 : index
    %swap3A_2602 = tpu.vector_load %arg5[%swap3A_2599, %swap3A_2600, %swap3A_2601] {strides = array<i32>} : memref<2x264x128xf32, #tpu.memory_space<vmem>>, vector<1x1x16xf32>,
    %swap3A_2603 = vector.shape_cast %swap3A_2602 : vector<1x1x16xf32> to vector<16xf32>
    %swap3A_2604 = vector.shape_cast %broadcast_in_dim3A_1684 : vector<16xf32> to vector<1x1x16xf32>
    tpu.vector_store %arg5[%swap3A_2599, %swap3A_2600, %swap3A_2601], %swap3A_2604 {strides = array<i32>} : memref<2x264x128xf32, #tpu.memory_space<vmem>>, vector<1x1x16xf32>,
    %swap3A_2605 = arith.constant 1 : i32
    %swap3A_2606 = arith.constant 262 : i32
    %swap3A_2607 = arith.index_cast %swap3A_2605 : i32 to index
    %swap3A_2608 = arith.index_cast %swap3A_2606 : i32 to index
    %swap3A_2609 = arith.constant 48 : index
    %swap3A_2610 = tpu.vector_load %arg5[%swap3A_2607, %swap3A_2608, %swap3A_2609] {strides = array<i32>} : memref<2x264x128xf32, #tpu.memory_space<vmem>>, vector<1x1x16xf32>,
    %swap3A_2611 = vector.shape_cast %swap3A_2610 : vector<1x1x16xf32> to vector<16xf32>
    %swap3A_2612 = vector.shape_cast %broadcast_in_dim3A_1684 : vector<16xf32> to vector<1x1x16xf32>
    tpu.vector_store %arg5[%swap3A_2607, %swap3A_2608, %swap3A_2609], %swap3A_2612 {strides = array<i32>} : memref<2x264x128xf32, #tpu.memory_space<vmem>>, vector<1x1x16xf32>,
    %swap3A_2613 = arith.constant 1 : i32
    %swap3A_2614 = arith.constant 262 : i32
    %swap3A_2615 = arith.index_cast %swap3A_2613 : i32 to index
    %swap3A_2616 = arith.index_cast %swap3A_2614 : i32 to index
    %swap3A_2617 = arith.constant 64 : index
    %swap3A_2618 = tpu.vector_load %arg5[%swap3A_2615, %swap3A_2616, %swap3A_2617] {strides = array<i32>} : memref<2x264x128xf32, #tpu.memory_space<vmem>>, vector<1x1x16xf32>,
    %swap3A_2619 = vector.shape_cast %swap3A_2618 : vector<1x1x16xf32> to vector<16xf32>
    %swap3A_2620 = vector.shape_cast %broadcast_in_dim3A_1684 : vector<16xf32> to vector<1x1x16xf32>
    tpu.vector_store %arg5[%swap3A_2615, %swap3A_2616, %swap3A_2617], %swap3A_2620 {strides = array<i32>} : memref<2x264x128xf32, #tpu.memory_space<vmem>>, vector<1x1x16xf32>,
    %swap3A_2621 = arith.constant 1 : i32
    %swap3A_2622 = arith.constant 262 : i32
    %swap3A_2623 = arith.index_cast %swap3A_2621 : i32 to index
    %swap3A_2624 = arith.index_cast %swap3A_2622 : i32 to index
    %swap3A_2625 = arith.constant 80 : index
    %swap3A_2626 = tpu.vector_load %arg5[%swap3A_2623, %swap3A_2624, %swap3A_2625] {strides = array<i32>} : memref<2x264x128xf32, #tpu.memory_space<vmem>>, vector<1x1x16xf32>,
    %swap3A_2627 = vector.shape_cast %swap3A_2626 : vector<1x1x16xf32> to vector<16xf32>
    %swap3A_2628 = vector.shape_cast %broadcast_in_dim3A_1684 : vector<16xf32> to vector<1x1x16xf32>
    tpu.vector_store %arg5[%swap3A_2623, %swap3A_2624, %swap3A_2625], %swap3A_2628 {strides = array<i32>} : memref<2x264x128xf32, #tpu.memory_space<vmem>>, vector<1x1x16xf32>,
    %swap3A_2629 = arith.constant 1 : i32
    %swap3A_2630 = arith.constant 262 : i32
    %swap3A_2631 = arith.index_cast %swap3A_2629 : i32 to index
    %swap3A_2632 = arith.index_cast %swap3A_2630 : i32 to index
    %swap3A_2633 = arith.constant 96 : index
    %swap3A_2634 = tpu.vector_load %arg5[%swap3A_2631, %swap3A_2632, %swap3A_2633] {strides = array<i32>} : memref<2x264x128xf32, #tpu.memory_space<vmem>>, vector<1x1x16xf32>,
    %swap3A_2635 = vector.shape_cast %swap3A_2634 : vector<1x1x16xf32> to vector<16xf32>
    %swap3A_2636 = vector.shape_cast %broadcast_in_dim3A_1684 : vector<16xf32> to vector<1x1x16xf32>
    tpu.vector_store %arg5[%swap3A_2631, %swap3A_2632, %swap3A_2633], %swap3A_2636 {strides = array<i32>} : memref<2x264x128xf32, #tpu.memory_space<vmem>>, vector<1x1x16xf32>,
    %swap3A_2637 = arith.constant 1 : i32
    %swap3A_2638 = arith.constant 262 : i32
    %swap3A_2639 = arith.index_cast %swap3A_2637 : i32 to index
    %swap3A_2640 = arith.index_cast %swap3A_2638 : i32 to index
    %swap3A_2641 = arith.constant 112 : index
    %swap3A_2642 = tpu.vector_load %arg5[%swap3A_2639, %swap3A_2640, %swap3A_2641] {strides = array<i32>} : memref<2x264x128xf32, #tpu.memory_space<vmem>>, vector<1x1x16xf32>,
    %swap3A_2643 = vector.shape_cast %swap3A_2642 : vector<1x1x16xf32> to vector<16xf32>
    %swap3A_2644 = vector.shape_cast %broadcast_in_dim3A_1684 : vector<16xf32> to vector<1x1x16xf32>
    tpu.vector_store %arg5[%swap3A_2639, %swap3A_2640, %swap3A_2641], %swap3A_2644 {strides = array<i32>} : memref<2x264x128xf32, #tpu.memory_space<vmem>>, vector<1x1x16xf32>,
    %swap3A_2645 = arith.constant 1 : i32
    %swap3A_2646 = arith.constant 263 : i32
    %swap3A_2647 = arith.index_cast %swap3A_2645 : i32 to index
    %swap3A_2648 = arith.index_cast %swap3A_2646 : i32 to index
    %swap3A_2649 = arith.constant 0 : index
    %swap3A_2650 = tpu.vector_load %arg5[%swap3A_2647, %swap3A_2648, %swap3A_2649] {strides = array<i32>} : memref<2x264x128xf32, #tpu.memory_space<vmem>>, vector<1x1x16xf32>,
    %swap3A_2651 = vector.shape_cast %swap3A_2650 : vector<1x1x16xf32> to vector<16xf32>
    %swap3A_2652 = vector.shape_cast %broadcast_in_dim3A_1684 : vector<16xf32> to vector<1x1x16xf32>
    tpu.vector_store %arg5[%swap3A_2647, %swap3A_2648, %swap3A_2649], %swap3A_2652 {strides = array<i32>} : memref<2x264x128xf32, #tpu.memory_space<vmem>>, vector<1x1x16xf32>,
    %swap3A_2653 = arith.constant 1 : i32
    %swap3A_2654 = arith.constant 263 : i32
    %swap3A_2655 = arith.index_cast %swap3A_2653 : i32 to index
    %swap3A_2656 = arith.index_cast %swap3A_2654 : i32 to index
    %swap3A_2657 = arith.constant 16 : index
    %swap3A_2658 = tpu.vector_load %arg5[%swap3A_2655, %swap3A_2656, %swap3A_2657] {strides = array<i32>} : memref<2x264x128xf32, #tpu.memory_space<vmem>>, vector<1x1x16xf32>,
    %swap3A_2659 = vector.shape_cast %swap3A_2658 : vector<1x1x16xf32> to vector<16xf32>
    %swap3A_2660 = vector.shape_cast %broadcast_in_dim3A_1684 : vector<16xf32> to vector<1x1x16xf32>
    tpu.vector_store %arg5[%swap3A_2655, %swap3A_2656, %swap3A_2657], %swap3A_2660 {strides = array<i32>} : memref<2x264x128xf32, #tpu.memory_space<vmem>>, vector<1x1x16xf32>,
    %swap3A_2661 = arith.constant 1 : i32
    %swap3A_2662 = arith.constant 263 : i32
    %swap3A_2663 = arith.index_cast %swap3A_2661 : i32 to index
    %swap3A_2664 = arith.index_cast %swap3A_2662 : i32 to index
    %swap3A_2665 = arith.constant 32 : index
    %swap3A_2666 = tpu.vector_load %arg5[%swap3A_2663, %swap3A_2664, %swap3A_2665] {strides = array<i32>} : memref<2x264x128xf32, #tpu.memory_space<vmem>>, vector<1x1x16xf32>,
    %swap3A_2667 = vector.shape_cast %swap3A_2666 : vector<1x1x16xf32> to vector<16xf32>
    %swap3A_2668 = vector.shape_cast %broadcast_in_dim3A_1684 : vector<16xf32> to vector<1x1x16xf32>
    tpu.vector_store %arg5[%swap3A_2663, %swap3A_2664, %swap3A_2665], %swap3A_2668 {strides = array<i32>} : memref<2x264x128xf32, #tpu.memory_space<vmem>>, vector<1x1x16xf32>,
    %swap3A_2669 = arith.constant 1 : i32
    %swap3A_2670 = arith.constant 263 : i32
    %swap3A_2671 = arith.index_cast %swap3A_2669 : i32 to index
    %swap3A_2672 = arith.index_cast %swap3A_2670 : i32 to index
    %swap3A_2673 = arith.constant 48 : index
    %swap3A_2674 = tpu.vector_load %arg5[%swap3A_2671, %swap3A_2672, %swap3A_2673] {strides = array<i32>} : memref<2x264x128xf32, #tpu.memory_space<vmem>>, vector<1x1x16xf32>,
    %swap3A_2675 = vector.shape_cast %swap3A_2674 : vector<1x1x16xf32> to vector<16xf32>
    %swap3A_2676 = vector.shape_cast %broadcast_in_dim3A_1684 : vector<16xf32> to vector<1x1x16xf32>
    tpu.vector_store %arg5[%swap3A_2671, %swap3A_2672, %swap3A_2673], %swap3A_2676 {strides = array<i32>} : memref<2x264x128xf32, #tpu.memory_space<vmem>>, vector<1x1x16xf32>,
    %swap3A_2677 = arith.constant 1 : i32
    %swap3A_2678 = arith.constant 263 : i32
    %swap3A_2679 = arith.index_cast %swap3A_2677 : i32 to index
    %swap3A_2680 = arith.index_cast %swap3A_2678 : i32 to index
    %swap3A_2681 = arith.constant 64 : index
    %swap3A_2682 = tpu.vector_load %arg5[%swap3A_2679, %swap3A_2680, %swap3A_2681] {strides = array<i32>} : memref<2x264x128xf32, #tpu.memory_space<vmem>>, vector<1x1x16xf32>,
    %swap3A_2683 = vector.shape_cast %swap3A_2682 : vector<1x1x16xf32> to vector<16xf32>
    %swap3A_2684 = vector.shape_cast %broadcast_in_dim3A_1684 : vector<16xf32> to vector<1x1x16xf32>
    tpu.vector_store %arg5[%swap3A_2679, %swap3A_2680, %swap3A_2681], %swap3A_2684 {strides = array<i32>} : memref<2x264x128xf32, #tpu.memory_space<vmem>>, vector<1x1x16xf32>,
    %swap3A_2685 = arith.constant 1 : i32
    %swap3A_2686 = arith.constant 263 : i32
    %swap3A_2687 = arith.index_cast %swap3A_2685 : i32 to index
    %swap3A_2688 = arith.index_cast %swap3A_2686 : i32 to index
    %swap3A_2689 = arith.constant 80 : index
    %swap3A_2690 = tpu.vector_load %arg5[%swap3A_2687, %swap3A_2688, %swap3A_2689] {strides = array<i32>} : memref<2x264x128xf32, #tpu.memory_space<vmem>>, vector<1x1x16xf32>,
    %swap3A_2691 = vector.shape_cast %swap3A_2690 : vector<1x1x16xf32> to vector<16xf32>
    %swap3A_2692 = vector.shape_cast %broadcast_in_dim3A_1684 : vector<16xf32> to vector<1x1x16xf32>
    tpu.vector_store %arg5[%swap3A_2687, %swap3A_2688, %swap3A_2689], %swap3A_2692 {strides = array<i32>} : memref<2x264x128xf32, #tpu.memory_space<vmem>>, vector<1x1x16xf32>,
    %swap3A_2693 = arith.constant 1 : i32
    %swap3A_2694 = arith.constant 263 : i32
    %swap3A_2695 = arith.index_cast %swap3A_2693 : i32 to index
    %swap3A_2696 = arith.index_cast %swap3A_2694 : i32 to index
    %swap3A_2697 = arith.constant 96 : index
    %swap3A_2698 = tpu.vector_load %arg5[%swap3A_2695, %swap3A_2696, %swap3A_2697] {strides = array<i32>} : memref<2x264x128xf32, #tpu.memory_space<vmem>>, vector<1x1x16xf32>,
    %swap3A_2699 = vector.shape_cast %swap3A_2698 : vector<1x1x16xf32> to vector<16xf32>
    %swap3A_2700 = vector.shape_cast %broadcast_in_dim3A_1684 : vector<16xf32> to vector<1x1x16xf32>
    tpu.vector_store %arg5[%swap3A_2695, %swap3A_2696, %swap3A_2697], %swap3A_2700 {strides = array<i32>} : memref<2x264x128xf32, #tpu.memory_space<vmem>>, vector<1x1x16xf32>,
    %swap3A_2701 = arith.constant 1 : i32
    %swap3A_2702 = arith.constant 263 : i32
    %swap3A_2703 = arith.index_cast %swap3A_2701 : i32 to index
    %swap3A_2704 = arith.index_cast %swap3A_2702 : i32 to index
    %swap3A_2705 = arith.constant 112 : index
    %swap3A_2706 = tpu.vector_load %arg5[%swap3A_2703, %swap3A_2704, %swap3A_2705] {strides = array<i32>} : memref<2x264x128xf32, #tpu.memory_space<vmem>>, vector<1x1x16xf32>,
    %swap3A_2707 = vector.shape_cast %swap3A_2706 : vector<1x1x16xf32> to vector<16xf32>
    %swap3A_2708 = vector.shape_cast %broadcast_in_dim3A_1684 : vector<16xf32> to vector<1x1x16xf32>
    tpu.vector_store %arg5[%swap3A_2703, %swap3A_2704, %swap3A_2705], %swap3A_2708 {strides = array<i32>} : memref<2x264x128xf32, #tpu.memory_space<vmem>>, vector<1x1x16xf32>,
    %add3A_2709 = arith.constant 0 : i32
    %add3A_2710 = arith.addi %mul3A_2, %add3A_2709 : i32
    %dma_start3A = arith.constant 0 : i32
    %dma_start3A_2711 = arith.constant 0 : i32
    %dma_start3A_2712 = arith.constant 0 : i32
    %dma_start3A_2713 = tpu.memref_slice %arg5[%dma_start3A, %dma_start3A_2711, %dma_start3A_2712] : memref<2x264x128xf32, #tpu.memory_space<vmem>> -> memref<1x256x128xf32, #tpu.memory_space<vmem>>
    %dma_start3A_2714 = tpu.memref_squeeze %dma_start3A_2713 : memref<1x256x128xf32, #tpu.memory_space<vmem>> -> memref<256x128xf32, #tpu.memory_space<vmem>>
    %dma_start3A_2715 = arith.constant 0 : i32
    %dma_start3A_2716 = arith.constant 0 : i32
    %dma_start3A_2717 = tpu.memref_slice %arg2[%add3A_2710, %dma_start3A_2715, %dma_start3A_2716] : memref<1024x256x128xf32, #tpu.memory_space<hbm>> -> memref<1x256x128xf32, #tpu.memory_space<hbm>>
    %dma_start3A_2718 = tpu.memref_squeeze %dma_start3A_2717 : memref<1x256x128xf32, #tpu.memory_space<hbm>> -> memref<256x128xf32, #tpu.memory_space<hbm>>
    %dma_start3A_2719 = arith.constant 0 : i32
    %dma_start3A_2720 = arith.constant 0 : i32
    %dma_start3A_2721 = tpu.memref_slice %arg5[%dma_start3A, %dma_start3A_2719, %dma_start3A_2720] : memref<2x264x128xf32, #tpu.memory_space<vmem>> -> memref<1x256x128xf32, #tpu.memory_space<vmem>>
    %dma_start3A_2722 = tpu.memref_squeeze %dma_start3A_2721 : memref<1x256x128xf32, #tpu.memory_space<vmem>> -> memref<256x128xf32, #tpu.memory_space<vmem>>
    %dma_start3A_2723 = arith.constant 0 : i32
    %dma_start3A_2724 = arith.constant 0 : i32
    %dma_start3A_2725 = tpu.memref_slice %arg2[%add3A_2710, %dma_start3A_2723, %dma_start3A_2724] : memref<1024x256x128xf32, #tpu.memory_space<hbm>> -> memref<1x256x128xf32, #tpu.memory_space<hbm>>
    %dma_start3A_2726 = tpu.memref_squeeze %dma_start3A_2725 : memref<1x256x128xf32, #tpu.memory_space<hbm>> -> memref<256x128xf32, #tpu.memory_space<hbm>>
    tpu.enqueue_dma source(%dma_start3A_2726 : memref<256x128xf32, #tpu.memory_space<hbm>>) target(%dma_start3A_2722 : memref<256x128xf32, #tpu.memory_space<vmem>>) target_semaphore(%arg9 : memref<!tpu.dma_semaphore, #tpu.memory_space<semaphore_mem>>)
    %scan3A = arith.constant 0 : i32
    %scan3A_2727 = arith.constant 16 : i32
    %scan3A_2728 = arith.addi %scan3A, %scan3A_2727 : i32
    %scan3A_2729 = arith.constant 1 : i32
    scf.for %scan3A_2768 = %scan3A to %scan3A_2728 step %scan3A_2729  : i32 {
      %mul3A_2769 = arith.constant 2 : i32
      %mul3A_2770 = arith.muli %scan3A_2768, %mul3A_2769 : i32
      %add3A_2771 = arith.constant 0 : i32
      %add3A_2772 = arith.addi %add3A_2771, %mul3A_2770 : i32
      %add3A_2773 = arith.constant 0 : i32
      %add3A_2774 = arith.addi %add3A_2772, %add3A_2773 : i32
      %add3A_2775 = arith.constant 1 : i32
      %add3A_2776 = arith.addi %add3A_2774, %add3A_2775 : i32
      %lt3A_2777 = arith.constant 32 : i32
      %lt3A_2778 = arith.cmpi slt, %add3A_2776, %lt3A_2777 : i32
      %convert_element_type3A = arith.extui %lt3A_2778 : i1 to i32
      %cond3A = arith.constant 0 : i32
      %cond3A_2779 = arith.cmpi ne, %convert_element_type3A, %cond3A : i32
      scf.if %cond3A_2779 {
        %add3A_2927 = arith.constant 1 : i32
        %add3A_2928 = arith.addi %add3A_2774, %add3A_2927 : i32
        %add3A_2929 = arith.addi %mul3A_2, %add3A_2928 : i32
        %dma_start3A_2930 = arith.constant 1 : i32
        %dma_start3A_2931 = arith.constant 0 : i32
        %dma_start3A_2932 = arith.constant 0 : i32
        %dma_start3A_2933 = tpu.memref_slice %arg5[%dma_start3A_2930, %dma_start3A_2931, %dma_start3A_2932] : memref<2x264x128xf32, #tpu.memory_space<vmem>> -> memref<1x256x128xf32, #tpu.memory_space<vmem>>
        %dma_start3A_2934 = tpu.memref_squeeze %dma_start3A_2933 : memref<1x256x128xf32, #tpu.memory_space<vmem>> -> memref<256x128xf32, #tpu.memory_space<vmem>>
        %dma_start3A_2935 = arith.constant 0 : i32
        %dma_start3A_2936 = arith.constant 0 : i32
        %dma_start3A_2937 = tpu.memref_slice %arg2[%add3A_2929, %dma_start3A_2935, %dma_start3A_2936] : memref<1024x256x128xf32, #tpu.memory_space<hbm>> -> memref<1x256x128xf32, #tpu.memory_space<hbm>>
        %dma_start3A_2938 = tpu.memref_squeeze %dma_start3A_2937 : memref<1x256x128xf32, #tpu.memory_space<hbm>> -> memref<256x128xf32, #tpu.memory_space<hbm>>
        %dma_start3A_2939 = arith.constant 0 : i32
        %dma_start3A_2940 = arith.constant 0 : i32
        %dma_start3A_2941 = tpu.memref_slice %arg5[%dma_start3A_2930, %dma_start3A_2939, %dma_start3A_2940] : memref<2x264x128xf32, #tpu.memory_space<vmem>> -> memref<1x256x128xf32, #tpu.memory_space<vmem>>
        %dma_start3A_2942 = tpu.memref_squeeze %dma_start3A_2941 : memref<1x256x128xf32, #tpu.memory_space<vmem>> -> memref<256x128xf32, #tpu.memory_space<vmem>>
        %dma_start3A_2943 = arith.constant 0 : i32
        %dma_start3A_2944 = arith.constant 0 : i32
        %dma_start3A_2945 = tpu.memref_slice %arg2[%add3A_2929, %dma_start3A_2943, %dma_start3A_2944] : memref<1024x256x128xf32, #tpu.memory_space<hbm>> -> memref<1x256x128xf32, #tpu.memory_space<hbm>>
        %dma_start3A_2946 = tpu.memref_squeeze %dma_start3A_2945 : memref<1x256x128xf32, #tpu.memory_space<hbm>> -> memref<256x128xf32, #tpu.memory_space<hbm>>
        tpu.enqueue_dma source(%dma_start3A_2946 : memref<256x128xf32, #tpu.memory_space<hbm>>) target(%dma_start3A_2942 : memref<256x128xf32, #tpu.memory_space<vmem>>) target_semaphore(%arg10 : memref<!tpu.dma_semaphore, #tpu.memory_space<semaphore_mem>>)
      } else {
      }
      %add3A_2780 = arith.addi %mul3A_2, %add3A_2774 : i32
      %dma_wait3A_2781 = arith.constant 0 : i32
      %dma_wait3A_2782 = arith.constant 0 : i32
      %dma_wait3A_2783 = arith.constant 0 : i32
      %dma_wait3A_2784 = tpu.memref_slice %arg5[%dma_wait3A_2781, %dma_wait3A_2782, %dma_wait3A_2783] : memref<2x264x128xf32, #tpu.memory_space<vmem>> -> memref<1x256x128xf32, #tpu.memory_space<vmem>>
      %dma_wait3A_2785 = tpu.memref_squeeze %dma_wait3A_2784 : memref<1x256x128xf32, #tpu.memory_space<vmem>> -> memref<256x128xf32, #tpu.memory_space<vmem>>
      %dma_wait3A_2786 = arith.constant 0 : i32
      %dma_wait3A_2787 = arith.constant 0 : i32
      %dma_wait3A_2788 = tpu.memref_slice %arg2[%add3A_2780, %dma_wait3A_2786, %dma_wait3A_2787] : memref<1024x256x128xf32, #tpu.memory_space<hbm>> -> memref<1x256x128xf32, #tpu.memory_space<hbm>>
      %dma_wait3A_2789 = tpu.memref_squeeze %dma_wait3A_2788 : memref<1x256x128xf32, #tpu.memory_space<hbm>> -> memref<256x128xf32, #tpu.memory_space<hbm>>
      %dma_wait3A_2790 = arith.constant 0 : i32
      %dma_wait3A_2791 = arith.constant 0 : i32
      %dma_wait3A_2792 = tpu.memref_slice %arg5[%dma_wait3A_2781, %dma_wait3A_2790, %dma_wait3A_2791] : memref<2x264x128xf32, #tpu.memory_space<vmem>> -> memref<1x256x128xf32, #tpu.memory_space<vmem>>
      %dma_wait3A_2793 = tpu.memref_squeeze %dma_wait3A_2792 : memref<1x256x128xf32, #tpu.memory_space<vmem>> -> memref<256x128xf32, #tpu.memory_space<vmem>>
      %dma_wait3A_2794 = arith.constant 0 : i32
      %dma_wait3A_2795 = arith.constant 0 : i32
      %dma_wait3A_2796 = tpu.memref_slice %arg2[%add3A_2780, %dma_wait3A_2794, %dma_wait3A_2795] : memref<1024x256x128xf32, #tpu.memory_space<hbm>> -> memref<1x256x128xf32, #tpu.memory_space<hbm>>
      %dma_wait3A_2797 = tpu.memref_squeeze %dma_wait3A_2796 : memref<1x256x128xf32, #tpu.memory_space<hbm>> -> memref<256x128xf32, #tpu.memory_space<hbm>>
      tpu.wait_dma2 semaphore(%arg9 : memref<!tpu.dma_semaphore, #tpu.memory_space<semaphore_mem>>) src(%dma_wait3A_2797 : memref<256x128xf32, #tpu.memory_space<hbm>>) dst(%dma_wait3A_2793 : memref<256x128xf32, #tpu.memory_space<vmem>>)
      %gt3A = arith.constant 0 : i32
      %gt3A_2798 = arith.cmpi sgt, %add3A_2774, %gt3A : i32
      %convert_element_type3A_2799 = arith.extui %gt3A_2798 : i1 to i32
      %cond3A_2800 = arith.constant 0 : i32
      %cond3A_2801 = arith.cmpi ne, %convert_element_type3A_2799, %cond3A_2800 : i32
      scf.if %cond3A_2801 {
        %sub3A = arith.constant 1 : i32
        %sub3A_2927 = arith.subi %add3A_2774, %sub3A : i32
        %add3A_2928 = arith.addi %mul3A_2, %sub3A_2927 : i32
        %dma_wait3A_2929 = arith.constant 0 : i32
        %dma_wait3A_2930 = arith.constant 0 : i32
        %dma_wait3A_2931 = arith.constant 0 : i32
        %dma_wait3A_2932 = tpu.memref_slice %arg6[%dma_wait3A_2929, %dma_wait3A_2930, %dma_wait3A_2931] : memref<2x128x128xf32, #tpu.memory_space<vmem>> -> memref<1x128x128xf32, #tpu.memory_space<vmem>>
        %dma_wait3A_2933 = tpu.memref_squeeze %dma_wait3A_2932 : memref<1x128x128xf32, #tpu.memory_space<vmem>> -> memref<128x128xf32, #tpu.memory_space<vmem>>
        %dma_wait3A_2934 = arith.constant 0 : i32
        %dma_wait3A_2935 = arith.constant 0 : i32
        %dma_wait3A_2936 = tpu.memref_slice %arg4[%add3A_2928, %dma_wait3A_2934, %dma_wait3A_2935] : memref<1024x256x128xf32, #tpu.memory_space<hbm>> -> memref<1x128x128xf32, #tpu.memory_space<hbm>>
        %dma_wait3A_2937 = tpu.memref_squeeze %dma_wait3A_2936 : memref<1x128x128xf32, #tpu.memory_space<hbm>> -> memref<128x128xf32, #tpu.memory_space<hbm>>
        %dma_wait3A_2938 = arith.constant 0 : i32
        %dma_wait3A_2939 = arith.constant 0 : i32
        %dma_wait3A_2940 = tpu.memref_slice %arg4[%add3A_2928, %dma_wait3A_2938, %dma_wait3A_2939] : memref<1024x256x128xf32, #tpu.memory_space<hbm>> -> memref<1x128x128xf32, #tpu.memory_space<hbm>>
        %dma_wait3A_2941 = tpu.memref_squeeze %dma_wait3A_2940 : memref<1x128x128xf32, #tpu.memory_space<hbm>> -> memref<128x128xf32, #tpu.memory_space<hbm>>
        %dma_wait3A_2942 = arith.constant 0 : i32
        %dma_wait3A_2943 = arith.constant 0 : i32
        %dma_wait3A_2944 = tpu.memref_slice %arg6[%dma_wait3A_2929, %dma_wait3A_2942, %dma_wait3A_2943] : memref<2x128x128xf32, #tpu.memory_space<vmem>> -> memref<1x128x128xf32, #tpu.memory_space<vmem>>
        %dma_wait3A_2945 = tpu.memref_squeeze %dma_wait3A_2944 : memref<1x128x128xf32, #tpu.memory_space<vmem>> -> memref<128x128xf32, #tpu.memory_space<vmem>>
        tpu.wait_dma2 semaphore(%arg11 : memref<!tpu.dma_semaphore, #tpu.memory_space<semaphore_mem>>) src(%dma_wait3A_2945 : memref<128x128xf32, #tpu.memory_space<vmem>>) dst(%dma_wait3A_2941 : memref<128x128xf32, #tpu.memory_space<hbm>>)
      } else {
      }
      %parallel_loop3A = arith.constant 0 : i32
      %parallel_loop3A_2802 = arith.constant 64 : i32
      %parallel_loop3A_2803 = arith.constant 1 : i32
      scf.for %parallel_loop3A_2927 = %parallel_loop3A to %parallel_loop3A_2802 step %parallel_loop3A_2803  : i32 {
        %parallel_loop3A_2928 = arith.constant 0 : i32
        %parallel_loop3A_2929 = arith.addi %parallel_loop3A_2928, %parallel_loop3A_2927 : i32
        %parallel_loop3A_2930 = arith.index_cast %parallel_loop3A_2929 : i32 to index
        %parallel_loop3A_2931 = memref.load %arg8[%parallel_loop3A_2930] : memref<128xi32, #tpu.memory_space<smem>>
        %parallel_loop3A_2932 = arith.constant 4 : i32
        %parallel_loop3A_2933 = arith.divsi %parallel_loop3A_2927, %parallel_loop3A_2932 : i32
        %parallel_loop3A_2934 = arith.constant 0 : i32
        %parallel_loop3A_2935 = arith.cmpi sgt, %parallel_loop3A_2927, %parallel_loop3A_2934 : i32
        %parallel_loop3A_2936 = arith.extui %parallel_loop3A_2935 : i1 to i32
        %parallel_loop3A_2937 = arith.constant 0 : i32
        %parallel_loop3A_2938 = arith.cmpi slt, %parallel_loop3A_2927, %parallel_loop3A_2937 : i32
        %parallel_loop3A_2939 = arith.extui %parallel_loop3A_2938 : i1 to i32
        %parallel_loop3A_2940 = arith.subi %parallel_loop3A_2936, %parallel_loop3A_2939 : i32
        %parallel_loop3A_2941 = arith.constant 0 : i32
        %parallel_loop3A_2942 = arith.cmpi sgt, %parallel_loop3A_2932, %parallel_loop3A_2941 : i32
        %parallel_loop3A_2943 = arith.extui %parallel_loop3A_2942 : i1 to i32
        %parallel_loop3A_2944 = arith.constant 0 : i32
        %parallel_loop3A_2945 = arith.cmpi slt, %parallel_loop3A_2932, %parallel_loop3A_2944 : i32
        %parallel_loop3A_2946 = arith.extui %parallel_loop3A_2945 : i1 to i32
        %parallel_loop3A_2947 = arith.subi %parallel_loop3A_2943, %parallel_loop3A_2946 : i32
        %parallel_loop3A_2948 = arith.cmpi ne, %parallel_loop3A_2940, %parallel_loop3A_2947 : i32
        %parallel_loop3A_2949 = arith.remsi %parallel_loop3A_2927, %parallel_loop3A_2932 : i32
        %parallel_loop3A_2950 = arith.constant 0 : i32
        %parallel_loop3A_2951 = arith.cmpi ne, %parallel_loop3A_2949, %parallel_loop3A_2950 : i32
        %parallel_loop3A_2952 = arith.andi %parallel_loop3A_2948, %parallel_loop3A_2951 : i1
        %parallel_loop3A_2953 = arith.constant 1 : i32
        %parallel_loop3A_2954 = arith.subi %parallel_loop3A_2933, %parallel_loop3A_2953 : i32
        %parallel_loop3A_2955 = arith.select %parallel_loop3A_2952, %parallel_loop3A_2954, %parallel_loop3A_2933 : i32
        %parallel_loop3A_2956 = arith.constant 4 : i32
        %parallel_loop3A_2957 = arith.muli %parallel_loop3A_2956, %parallel_loop3A_2955 : i32
        %parallel_loop3A_2958 = arith.subi %parallel_loop3A_2927, %parallel_loop3A_2957 : i32
        %parallel_loop3A_2959 = arith.constant 0 : i32
        %parallel_loop3A_2960 = arith.addi %parallel_loop3A_2931, %parallel_loop3A_2959 : i32
        %parallel_loop3A_2961 = arith.constant 8 : i32
        %parallel_loop3A_2962 = arith.muli %parallel_loop3A_2961, %parallel_loop3A_2955 : i32
        %parallel_loop3A_2963 = arith.constant 0 : i32
        %parallel_loop3A_2964 = arith.addi %parallel_loop3A_2962, %parallel_loop3A_2963 : i32
        %parallel_loop3A_2965 = arith.addi %parallel_loop3A_2964, %parallel_loop3A_2958 : i32
        %parallel_loop3A_2966 = arith.constant 0 : i32
        %parallel_loop3A_2967 = arith.index_cast %parallel_loop3A_2966 : i32 to index
        %parallel_loop3A_2968 = arith.index_cast %parallel_loop3A_2960 : i32 to index
        %parallel_loop3A_2969 = arith.constant 0 : index
        %parallel_loop3A_2970 = tpu.vector_load %arg5[%parallel_loop3A_2967, %parallel_loop3A_2968, %parallel_loop3A_2969] {strides = array<i32>} : memref<2x264x128xf32, #tpu.memory_space<vmem>>, vector<1x1x16xf32>,
        %parallel_loop3A_2971 = vector.shape_cast %parallel_loop3A_2970 : vector<1x1x16xf32> to vector<16xf32>
        %parallel_loop3A_2972 = arith.constant 0 : i32
        %parallel_loop3A_2973 = arith.index_cast %parallel_loop3A_2972 : i32 to index
        %parallel_loop3A_2974 = arith.index_cast %parallel_loop3A_2965 : i32 to index
        %parallel_loop3A_2975 = arith.constant 0 : index
        %parallel_loop3A_2976 = tpu.vector_load %arg6[%parallel_loop3A_2973, %parallel_loop3A_2974, %parallel_loop3A_2975] {strides = array<i32>} : memref<2x128x128xf32, #tpu.memory_space<vmem>>, vector<1x1x16xf32>,
        %parallel_loop3A_2977 = vector.shape_cast %parallel_loop3A_2976 : vector<1x1x16xf32> to vector<16xf32>
        %parallel_loop3A_2978 = vector.shape_cast %parallel_loop3A_2971 : vector<16xf32> to vector<1x1x16xf32>
        tpu.vector_store %arg6[%parallel_loop3A_2973, %parallel_loop3A_2974, %parallel_loop3A_2975], %parallel_loop3A_2978 {strides = array<i32>} : memref<2x128x128xf32, #tpu.memory_space<vmem>>, vector<1x1x16xf32>,
        %parallel_loop3A_2979 = arith.constant 0 : i32
        %parallel_loop3A_2980 = arith.index_cast %parallel_loop3A_2979 : i32 to index
        %parallel_loop3A_2981 = arith.index_cast %parallel_loop3A_2960 : i32 to index
        %parallel_loop3A_2982 = arith.constant 16 : index
        %parallel_loop3A_2983 = tpu.vector_load %arg5[%parallel_loop3A_2980, %parallel_loop3A_2981, %parallel_loop3A_2982] {strides = array<i32>} : memref<2x264x128xf32, #tpu.memory_space<vmem>>, vector<1x1x16xf32>,
        %parallel_loop3A_2984 = vector.shape_cast %parallel_loop3A_2983 : vector<1x1x16xf32> to vector<16xf32>
        %parallel_loop3A_2985 = arith.constant 0 : i32
        %parallel_loop3A_2986 = arith.index_cast %parallel_loop3A_2985 : i32 to index
        %parallel_loop3A_2987 = arith.index_cast %parallel_loop3A_2965 : i32 to index
        %parallel_loop3A_2988 = arith.constant 16 : index
        %parallel_loop3A_2989 = tpu.vector_load %arg6[%parallel_loop3A_2986, %parallel_loop3A_2987, %parallel_loop3A_2988] {strides = array<i32>} : memref<2x128x128xf32, #tpu.memory_space<vmem>>, vector<1x1x16xf32>,
        %parallel_loop3A_2990 = vector.shape_cast %parallel_loop3A_2989 : vector<1x1x16xf32> to vector<16xf32>
        %parallel_loop3A_2991 = vector.shape_cast %parallel_loop3A_2984 : vector<16xf32> to vector<1x1x16xf32>
        tpu.vector_store %arg6[%parallel_loop3A_2986, %parallel_loop3A_2987, %parallel_loop3A_2988], %parallel_loop3A_2991 {strides = array<i32>} : memref<2x128x128xf32, #tpu.memory_space<vmem>>, vector<1x1x16xf32>,
        %parallel_loop3A_2992 = arith.constant 0 : i32
        %parallel_loop3A_2993 = arith.index_cast %parallel_loop3A_2992 : i32 to index
        %parallel_loop3A_2994 = arith.index_cast %parallel_loop3A_2960 : i32 to index
        %parallel_loop3A_2995 = arith.constant 32 : index
        %parallel_loop3A_2996 = tpu.vector_load %arg5[%parallel_loop3A_2993, %parallel_loop3A_2994, %parallel_loop3A_2995] {strides = array<i32>} : memref<2x264x128xf32, #tpu.memory_space<vmem>>, vector<1x1x16xf32>,
        %parallel_loop3A_2997 = vector.shape_cast %parallel_loop3A_2996 : vector<1x1x16xf32> to vector<16xf32>
        %parallel_loop3A_2998 = arith.constant 0 : i32
        %parallel_loop3A_2999 = arith.index_cast %parallel_loop3A_2998 : i32 to index
        %parallel_loop3A_3000 = arith.index_cast %parallel_loop3A_2965 : i32 to index
        %parallel_loop3A_3001 = arith.constant 32 : index
        %parallel_loop3A_3002 = tpu.vector_load %arg6[%parallel_loop3A_2999, %parallel_loop3A_3000, %parallel_loop3A_3001] {strides = array<i32>} : memref<2x128x128xf32, #tpu.memory_space<vmem>>, vector<1x1x16xf32>,
        %parallel_loop3A_3003 = vector.shape_cast %parallel_loop3A_3002 : vector<1x1x16xf32> to vector<16xf32>
        %parallel_loop3A_3004 = vector.shape_cast %parallel_loop3A_2997 : vector<16xf32> to vector<1x1x16xf32>
        tpu.vector_store %arg6[%parallel_loop3A_2999, %parallel_loop3A_3000, %parallel_loop3A_3001], %parallel_loop3A_3004 {strides = array<i32>} : memref<2x128x128xf32, #tpu.memory_space<vmem>>, vector<1x1x16xf32>,
        %parallel_loop3A_3005 = arith.constant 0 : i32
        %parallel_loop3A_3006 = arith.index_cast %parallel_loop3A_3005 : i32 to index
        %parallel_loop3A_3007 = arith.index_cast %parallel_loop3A_2960 : i32 to index
        %parallel_loop3A_3008 = arith.constant 48 : index
        %parallel_loop3A_3009 = tpu.vector_load %arg5[%parallel_loop3A_3006, %parallel_loop3A_3007, %parallel_loop3A_3008] {strides = array<i32>} : memref<2x264x128xf32, #tpu.memory_space<vmem>>, vector<1x1x16xf32>,
        %parallel_loop3A_3010 = vector.shape_cast %parallel_loop3A_3009 : vector<1x1x16xf32> to vector<16xf32>
        %parallel_loop3A_3011 = arith.constant 0 : i32
        %parallel_loop3A_3012 = arith.index_cast %parallel_loop3A_3011 : i32 to index
        %parallel_loop3A_3013 = arith.index_cast %parallel_loop3A_2965 : i32 to index
        %parallel_loop3A_3014 = arith.constant 48 : index
        %parallel_loop3A_3015 = tpu.vector_load %arg6[%parallel_loop3A_3012, %parallel_loop3A_3013, %parallel_loop3A_3014] {strides = array<i32>} : memref<2x128x128xf32, #tpu.memory_space<vmem>>, vector<1x1x16xf32>,
        %parallel_loop3A_3016 = vector.shape_cast %parallel_loop3A_3015 : vector<1x1x16xf32> to vector<16xf32>
        %parallel_loop3A_3017 = vector.shape_cast %parallel_loop3A_3010 : vector<16xf32> to vector<1x1x16xf32>
        tpu.vector_store %arg6[%parallel_loop3A_3012, %parallel_loop3A_3013, %parallel_loop3A_3014], %parallel_loop3A_3017 {strides = array<i32>} : memref<2x128x128xf32, #tpu.memory_space<vmem>>, vector<1x1x16xf32>,
        %parallel_loop3A_3018 = arith.constant 0 : i32
        %parallel_loop3A_3019 = arith.index_cast %parallel_loop3A_3018 : i32 to index
        %parallel_loop3A_3020 = arith.index_cast %parallel_loop3A_2960 : i32 to index
        %parallel_loop3A_3021 = arith.constant 64 : index
        %parallel_loop3A_3022 = tpu.vector_load %arg5[%parallel_loop3A_3019, %parallel_loop3A_3020, %parallel_loop3A_3021] {strides = array<i32>} : memref<2x264x128xf32, #tpu.memory_space<vmem>>, vector<1x1x16xf32>,
        %parallel_loop3A_3023 = vector.shape_cast %parallel_loop3A_3022 : vector<1x1x16xf32> to vector<16xf32>
        %parallel_loop3A_3024 = arith.constant 0 : i32
        %parallel_loop3A_3025 = arith.index_cast %parallel_loop3A_3024 : i32 to index
        %parallel_loop3A_3026 = arith.index_cast %parallel_loop3A_2965 : i32 to index
        %parallel_loop3A_3027 = arith.constant 64 : index
        %parallel_loop3A_3028 = tpu.vector_load %arg6[%parallel_loop3A_3025, %parallel_loop3A_3026, %parallel_loop3A_3027] {strides = array<i32>} : memref<2x128x128xf32, #tpu.memory_space<vmem>>, vector<1x1x16xf32>,
        %parallel_loop3A_3029 = vector.shape_cast %parallel_loop3A_3028 : vector<1x1x16xf32> to vector<16xf32>
        %parallel_loop3A_3030 = vector.shape_cast %parallel_loop3A_3023 : vector<16xf32> to vector<1x1x16xf32>
        tpu.vector_store %arg6[%parallel_loop3A_3025, %parallel_loop3A_3026, %parallel_loop3A_3027], %parallel_loop3A_3030 {strides = array<i32>} : memref<2x128x128xf32, #tpu.memory_space<vmem>>, vector<1x1x16xf32>,
        %parallel_loop3A_3031 = arith.constant 0 : i32
        %parallel_loop3A_3032 = arith.index_cast %parallel_loop3A_3031 : i32 to index
        %parallel_loop3A_3033 = arith.index_cast %parallel_loop3A_2960 : i32 to index
        %parallel_loop3A_3034 = arith.constant 80 : index
        %parallel_loop3A_3035 = tpu.vector_load %arg5[%parallel_loop3A_3032, %parallel_loop3A_3033, %parallel_loop3A_3034] {strides = array<i32>} : memref<2x264x128xf32, #tpu.memory_space<vmem>>, vector<1x1x16xf32>,
        %parallel_loop3A_3036 = vector.shape_cast %parallel_loop3A_3035 : vector<1x1x16xf32> to vector<16xf32>
        %parallel_loop3A_3037 = arith.constant 0 : i32
        %parallel_loop3A_3038 = arith.index_cast %parallel_loop3A_3037 : i32 to index
        %parallel_loop3A_3039 = arith.index_cast %parallel_loop3A_2965 : i32 to index
        %parallel_loop3A_3040 = arith.constant 80 : index
        %parallel_loop3A_3041 = tpu.vector_load %arg6[%parallel_loop3A_3038, %parallel_loop3A_3039, %parallel_loop3A_3040] {strides = array<i32>} : memref<2x128x128xf32, #tpu.memory_space<vmem>>, vector<1x1x16xf32>,
        %parallel_loop3A_3042 = vector.shape_cast %parallel_loop3A_3041 : vector<1x1x16xf32> to vector<16xf32>
        %parallel_loop3A_3043 = vector.shape_cast %parallel_loop3A_3036 : vector<16xf32> to vector<1x1x16xf32>
        tpu.vector_store %arg6[%parallel_loop3A_3038, %parallel_loop3A_3039, %parallel_loop3A_3040], %parallel_loop3A_3043 {strides = array<i32>} : memref<2x128x128xf32, #tpu.memory_space<vmem>>, vector<1x1x16xf32>,
        %parallel_loop3A_3044 = arith.constant 0 : i32
        %parallel_loop3A_3045 = arith.index_cast %parallel_loop3A_3044 : i32 to index
        %parallel_loop3A_3046 = arith.index_cast %parallel_loop3A_2960 : i32 to index
        %parallel_loop3A_3047 = arith.constant 96 : index
        %parallel_loop3A_3048 = tpu.vector_load %arg5[%parallel_loop3A_3045, %parallel_loop3A_3046, %parallel_loop3A_3047] {strides = array<i32>} : memref<2x264x128xf32, #tpu.memory_space<vmem>>, vector<1x1x16xf32>,
        %parallel_loop3A_3049 = vector.shape_cast %parallel_loop3A_3048 : vector<1x1x16xf32> to vector<16xf32>
        %parallel_loop3A_3050 = arith.constant 0 : i32
        %parallel_loop3A_3051 = arith.index_cast %parallel_loop3A_3050 : i32 to index
        %parallel_loop3A_3052 = arith.index_cast %parallel_loop3A_2965 : i32 to index
        %parallel_loop3A_3053 = arith.constant 96 : index
        %parallel_loop3A_3054 = tpu.vector_load %arg6[%parallel_loop3A_3051, %parallel_loop3A_3052, %parallel_loop3A_3053] {strides = array<i32>} : memref<2x128x128xf32, #tpu.memory_space<vmem>>, vector<1x1x16xf32>,
        %parallel_loop3A_3055 = vector.shape_cast %parallel_loop3A_3054 : vector<1x1x16xf32> to vector<16xf32>
        %parallel_loop3A_3056 = vector.shape_cast %parallel_loop3A_3049 : vector<16xf32> to vector<1x1x16xf32>
        tpu.vector_store %arg6[%parallel_loop3A_3051, %parallel_loop3A_3052, %parallel_loop3A_3053], %parallel_loop3A_3056 {strides = array<i32>} : memref<2x128x128xf32, #tpu.memory_space<vmem>>, vector<1x1x16xf32>,
        %parallel_loop3A_3057 = arith.constant 0 : i32
        %parallel_loop3A_3058 = arith.index_cast %parallel_loop3A_3057 : i32 to index
        %parallel_loop3A_3059 = arith.index_cast %parallel_loop3A_2960 : i32 to index
        %parallel_loop3A_3060 = arith.constant 112 : index
        %parallel_loop3A_3061 = tpu.vector_load %arg5[%parallel_loop3A_3058, %parallel_loop3A_3059, %parallel_loop3A_3060] {strides = array<i32>} : memref<2x264x128xf32, #tpu.memory_space<vmem>>, vector<1x1x16xf32>,
        %parallel_loop3A_3062 = vector.shape_cast %parallel_loop3A_3061 : vector<1x1x16xf32> to vector<16xf32>
        %parallel_loop3A_3063 = arith.constant 0 : i32
        %parallel_loop3A_3064 = arith.index_cast %parallel_loop3A_3063 : i32 to index
        %parallel_loop3A_3065 = arith.index_cast %parallel_loop3A_2965 : i32 to index
        %parallel_loop3A_3066 = arith.constant 112 : index
        %parallel_loop3A_3067 = tpu.vector_load %arg6[%parallel_loop3A_3064, %parallel_loop3A_3065, %parallel_loop3A_3066] {strides = array<i32>} : memref<2x128x128xf32, #tpu.memory_space<vmem>>, vector<1x1x16xf32>,
        %parallel_loop3A_3068 = vector.shape_cast %parallel_loop3A_3067 : vector<1x1x16xf32> to vector<16xf32>
        %parallel_loop3A_3069 = vector.shape_cast %parallel_loop3A_3062 : vector<16xf32> to vector<1x1x16xf32>
        tpu.vector_store %arg6[%parallel_loop3A_3064, %parallel_loop3A_3065, %parallel_loop3A_3066], %parallel_loop3A_3069 {strides = array<i32>} : memref<2x128x128xf32, #tpu.memory_space<vmem>>, vector<1x1x16xf32>,
        %parallel_loop3A_3070 = arith.constant 4 : i32
        %parallel_loop3A_3071 = arith.addi %parallel_loop3A_2931, %parallel_loop3A_3070 : i32
        %parallel_loop3A_3072 = arith.constant 8 : i32
        %parallel_loop3A_3073 = arith.muli %parallel_loop3A_3072, %parallel_loop3A_2955 : i32
        %parallel_loop3A_3074 = arith.constant 4 : i32
        %parallel_loop3A_3075 = arith.addi %parallel_loop3A_3073, %parallel_loop3A_3074 : i32
        %parallel_loop3A_3076 = arith.addi %parallel_loop3A_3075, %parallel_loop3A_2958 : i32
        %parallel_loop3A_3077 = arith.constant 0 : i32
        %parallel_loop3A_3078 = arith.index_cast %parallel_loop3A_3077 : i32 to index
        %parallel_loop3A_3079 = arith.index_cast %parallel_loop3A_3071 : i32 to index
        %parallel_loop3A_3080 = arith.constant 0 : index
        %parallel_loop3A_3081 = tpu.vector_load %arg5[%parallel_loop3A_3078, %parallel_loop3A_3079, %parallel_loop3A_3080] {strides = array<i32>} : memref<2x264x128xf32, #tpu.memory_space<vmem>>, vector<1x1x16xf32>,
        %parallel_loop3A_3082 = vector.shape_cast %parallel_loop3A_3081 : vector<1x1x16xf32> to vector<16xf32>
        %parallel_loop3A_3083 = arith.constant 0 : i32
        %parallel_loop3A_3084 = arith.index_cast %parallel_loop3A_3083 : i32 to index
        %parallel_loop3A_3085 = arith.index_cast %parallel_loop3A_3076 : i32 to index
        %parallel_loop3A_3086 = arith.constant 0 : index
        %parallel_loop3A_3087 = tpu.vector_load %arg6[%parallel_loop3A_3084, %parallel_loop3A_3085, %parallel_loop3A_3086] {strides = array<i32>} : memref<2x128x128xf32, #tpu.memory_space<vmem>>, vector<1x1x16xf32>,
        %parallel_loop3A_3088 = vector.shape_cast %parallel_loop3A_3087 : vector<1x1x16xf32> to vector<16xf32>
        %parallel_loop3A_3089 = vector.shape_cast %parallel_loop3A_3082 : vector<16xf32> to vector<1x1x16xf32>
        tpu.vector_store %arg6[%parallel_loop3A_3084, %parallel_loop3A_3085, %parallel_loop3A_3086], %parallel_loop3A_3089 {strides = array<i32>} : memref<2x128x128xf32, #tpu.memory_space<vmem>>, vector<1x1x16xf32>,
        %parallel_loop3A_3090 = arith.constant 0 : i32
        %parallel_loop3A_3091 = arith.index_cast %parallel_loop3A_3090 : i32 to index
        %parallel_loop3A_3092 = arith.index_cast %parallel_loop3A_3071 : i32 to index
        %parallel_loop3A_3093 = arith.constant 16 : index
        %parallel_loop3A_3094 = tpu.vector_load %arg5[%parallel_loop3A_3091, %parallel_loop3A_3092, %parallel_loop3A_3093] {strides = array<i32>} : memref<2x264x128xf32, #tpu.memory_space<vmem>>, vector<1x1x16xf32>,
        %parallel_loop3A_3095 = vector.shape_cast %parallel_loop3A_3094 : vector<1x1x16xf32> to vector<16xf32>
        %parallel_loop3A_3096 = arith.constant 0 : i32
        %parallel_loop3A_3097 = arith.index_cast %parallel_loop3A_3096 : i32 to index
        %parallel_loop3A_3098 = arith.index_cast %parallel_loop3A_3076 : i32 to index
        %parallel_loop3A_3099 = arith.constant 16 : index
        %parallel_loop3A_3100 = tpu.vector_load %arg6[%parallel_loop3A_3097, %parallel_loop3A_3098, %parallel_loop3A_3099] {strides = array<i32>} : memref<2x128x128xf32, #tpu.memory_space<vmem>>, vector<1x1x16xf32>,
        %parallel_loop3A_3101 = vector.shape_cast %parallel_loop3A_3100 : vector<1x1x16xf32> to vector<16xf32>
        %parallel_loop3A_3102 = vector.shape_cast %parallel_loop3A_3095 : vector<16xf32> to vector<1x1x16xf32>
        tpu.vector_store %arg6[%parallel_loop3A_3097, %parallel_loop3A_3098, %parallel_loop3A_3099], %parallel_loop3A_3102 {strides = array<i32>} : memref<2x128x128xf32, #tpu.memory_space<vmem>>, vector<1x1x16xf32>,
        %parallel_loop3A_3103 = arith.constant 0 : i32
        %parallel_loop3A_3104 = arith.index_cast %parallel_loop3A_3103 : i32 to index
        %parallel_loop3A_3105 = arith.index_cast %parallel_loop3A_3071 : i32 to index
        %parallel_loop3A_3106 = arith.constant 32 : index
        %parallel_loop3A_3107 = tpu.vector_load %arg5[%parallel_loop3A_3104, %parallel_loop3A_3105, %parallel_loop3A_3106] {strides = array<i32>} : memref<2x264x128xf32, #tpu.memory_space<vmem>>, vector<1x1x16xf32>,
        %parallel_loop3A_3108 = vector.shape_cast %parallel_loop3A_3107 : vector<1x1x16xf32> to vector<16xf32>
        %parallel_loop3A_3109 = arith.constant 0 : i32
        %parallel_loop3A_3110 = arith.index_cast %parallel_loop3A_3109 : i32 to index
        %parallel_loop3A_3111 = arith.index_cast %parallel_loop3A_3076 : i32 to index
        %parallel_loop3A_3112 = arith.constant 32 : index
        %parallel_loop3A_3113 = tpu.vector_load %arg6[%parallel_loop3A_3110, %parallel_loop3A_3111, %parallel_loop3A_3112] {strides = array<i32>} : memref<2x128x128xf32, #tpu.memory_space<vmem>>, vector<1x1x16xf32>,
        %parallel_loop3A_3114 = vector.shape_cast %parallel_loop3A_3113 : vector<1x1x16xf32> to vector<16xf32>
        %parallel_loop3A_3115 = vector.shape_cast %parallel_loop3A_3108 : vector<16xf32> to vector<1x1x16xf32>
        tpu.vector_store %arg6[%parallel_loop3A_3110, %parallel_loop3A_3111, %parallel_loop3A_3112], %parallel_loop3A_3115 {strides = array<i32>} : memref<2x128x128xf32, #tpu.memory_space<vmem>>, vector<1x1x16xf32>,
        %parallel_loop3A_3116 = arith.constant 0 : i32
        %parallel_loop3A_3117 = arith.index_cast %parallel_loop3A_3116 : i32 to index
        %parallel_loop3A_3118 = arith.index_cast %parallel_loop3A_3071 : i32 to index
        %parallel_loop3A_3119 = arith.constant 48 : index
        %parallel_loop3A_3120 = tpu.vector_load %arg5[%parallel_loop3A_3117, %parallel_loop3A_3118, %parallel_loop3A_3119] {strides = array<i32>} : memref<2x264x128xf32, #tpu.memory_space<vmem>>, vector<1x1x16xf32>,
        %parallel_loop3A_3121 = vector.shape_cast %parallel_loop3A_3120 : vector<1x1x16xf32> to vector<16xf32>
        %parallel_loop3A_3122 = arith.constant 0 : i32
        %parallel_loop3A_3123 = arith.index_cast %parallel_loop3A_3122 : i32 to index
        %parallel_loop3A_3124 = arith.index_cast %parallel_loop3A_3076 : i32 to index
        %parallel_loop3A_3125 = arith.constant 48 : index
        %parallel_loop3A_3126 = tpu.vector_load %arg6[%parallel_loop3A_3123, %parallel_loop3A_3124, %parallel_loop3A_3125] {strides = array<i32>} : memref<2x128x128xf32, #tpu.memory_space<vmem>>, vector<1x1x16xf32>,
        %parallel_loop3A_3127 = vector.shape_cast %parallel_loop3A_3126 : vector<1x1x16xf32> to vector<16xf32>
        %parallel_loop3A_3128 = vector.shape_cast %parallel_loop3A_3121 : vector<16xf32> to vector<1x1x16xf32>
        tpu.vector_store %arg6[%parallel_loop3A_3123, %parallel_loop3A_3124, %parallel_loop3A_3125], %parallel_loop3A_3128 {strides = array<i32>} : memref<2x128x128xf32, #tpu.memory_space<vmem>>, vector<1x1x16xf32>,
        %parallel_loop3A_3129 = arith.constant 0 : i32
        %parallel_loop3A_3130 = arith.index_cast %parallel_loop3A_3129 : i32 to index
        %parallel_loop3A_3131 = arith.index_cast %parallel_loop3A_3071 : i32 to index
        %parallel_loop3A_3132 = arith.constant 64 : index
        %parallel_loop3A_3133 = tpu.vector_load %arg5[%parallel_loop3A_3130, %parallel_loop3A_3131, %parallel_loop3A_3132] {strides = array<i32>} : memref<2x264x128xf32, #tpu.memory_space<vmem>>, vector<1x1x16xf32>,
        %parallel_loop3A_3134 = vector.shape_cast %parallel_loop3A_3133 : vector<1x1x16xf32> to vector<16xf32>
        %parallel_loop3A_3135 = arith.constant 0 : i32
        %parallel_loop3A_3136 = arith.index_cast %parallel_loop3A_3135 : i32 to index
        %parallel_loop3A_3137 = arith.index_cast %parallel_loop3A_3076 : i32 to index
        %parallel_loop3A_3138 = arith.constant 64 : index
        %parallel_loop3A_3139 = tpu.vector_load %arg6[%parallel_loop3A_3136, %parallel_loop3A_3137, %parallel_loop3A_3138] {strides = array<i32>} : memref<2x128x128xf32, #tpu.memory_space<vmem>>, vector<1x1x16xf32>,
        %parallel_loop3A_3140 = vector.shape_cast %parallel_loop3A_3139 : vector<1x1x16xf32> to vector<16xf32>
        %parallel_loop3A_3141 = vector.shape_cast %parallel_loop3A_3134 : vector<16xf32> to vector<1x1x16xf32>
        tpu.vector_store %arg6[%parallel_loop3A_3136, %parallel_loop3A_3137, %parallel_loop3A_3138], %parallel_loop3A_3141 {strides = array<i32>} : memref<2x128x128xf32, #tpu.memory_space<vmem>>, vector<1x1x16xf32>,
        %parallel_loop3A_3142 = arith.constant 0 : i32
        %parallel_loop3A_3143 = arith.index_cast %parallel_loop3A_3142 : i32 to index
        %parallel_loop3A_3144 = arith.index_cast %parallel_loop3A_3071 : i32 to index
        %parallel_loop3A_3145 = arith.constant 80 : index
        %parallel_loop3A_3146 = tpu.vector_load %arg5[%parallel_loop3A_3143, %parallel_loop3A_3144, %parallel_loop3A_3145] {strides = array<i32>} : memref<2x264x128xf32, #tpu.memory_space<vmem>>, vector<1x1x16xf32>,
        %parallel_loop3A_3147 = vector.shape_cast %parallel_loop3A_3146 : vector<1x1x16xf32> to vector<16xf32>
        %parallel_loop3A_3148 = arith.constant 0 : i32
        %parallel_loop3A_3149 = arith.index_cast %parallel_loop3A_3148 : i32 to index
        %parallel_loop3A_3150 = arith.index_cast %parallel_loop3A_3076 : i32 to index
        %parallel_loop3A_3151 = arith.constant 80 : index
        %parallel_loop3A_3152 = tpu.vector_load %arg6[%parallel_loop3A_3149, %parallel_loop3A_3150, %parallel_loop3A_3151] {strides = array<i32>} : memref<2x128x128xf32, #tpu.memory_space<vmem>>, vector<1x1x16xf32>,
        %parallel_loop3A_3153 = vector.shape_cast %parallel_loop3A_3152 : vector<1x1x16xf32> to vector<16xf32>
        %parallel_loop3A_3154 = vector.shape_cast %parallel_loop3A_3147 : vector<16xf32> to vector<1x1x16xf32>
        tpu.vector_store %arg6[%parallel_loop3A_3149, %parallel_loop3A_3150, %parallel_loop3A_3151], %parallel_loop3A_3154 {strides = array<i32>} : memref<2x128x128xf32, #tpu.memory_space<vmem>>, vector<1x1x16xf32>,
        %parallel_loop3A_3155 = arith.constant 0 : i32
        %parallel_loop3A_3156 = arith.index_cast %parallel_loop3A_3155 : i32 to index
        %parallel_loop3A_3157 = arith.index_cast %parallel_loop3A_3071 : i32 to index
        %parallel_loop3A_3158 = arith.constant 96 : index
        %parallel_loop3A_3159 = tpu.vector_load %arg5[%parallel_loop3A_3156, %parallel_loop3A_3157, %parallel_loop3A_3158] {strides = array<i32>} : memref<2x264x128xf32, #tpu.memory_space<vmem>>, vector<1x1x16xf32>,
        %parallel_loop3A_3160 = vector.shape_cast %parallel_loop3A_3159 : vector<1x1x16xf32> to vector<16xf32>
        %parallel_loop3A_3161 = arith.constant 0 : i32
        %parallel_loop3A_3162 = arith.index_cast %parallel_loop3A_3161 : i32 to index
        %parallel_loop3A_3163 = arith.index_cast %parallel_loop3A_3076 : i32 to index
        %parallel_loop3A_3164 = arith.constant 96 : index
        %parallel_loop3A_3165 = tpu.vector_load %arg6[%parallel_loop3A_3162, %parallel_loop3A_3163, %parallel_loop3A_3164] {strides = array<i32>} : memref<2x128x128xf32, #tpu.memory_space<vmem>>, vector<1x1x16xf32>,
        %parallel_loop3A_3166 = vector.shape_cast %parallel_loop3A_3165 : vector<1x1x16xf32> to vector<16xf32>
        %parallel_loop3A_3167 = vector.shape_cast %parallel_loop3A_3160 : vector<16xf32> to vector<1x1x16xf32>
        tpu.vector_store %arg6[%parallel_loop3A_3162, %parallel_loop3A_3163, %parallel_loop3A_3164], %parallel_loop3A_3167 {strides = array<i32>} : memref<2x128x128xf32, #tpu.memory_space<vmem>>, vector<1x1x16xf32>,
        %parallel_loop3A_3168 = arith.constant 0 : i32
        %parallel_loop3A_3169 = arith.index_cast %parallel_loop3A_3168 : i32 to index
        %parallel_loop3A_3170 = arith.index_cast %parallel_loop3A_3071 : i32 to index
        %parallel_loop3A_3171 = arith.constant 112 : index
        %parallel_loop3A_3172 = tpu.vector_load %arg5[%parallel_loop3A_3169, %parallel_loop3A_3170, %parallel_loop3A_3171] {strides = array<i32>} : memref<2x264x128xf32, #tpu.memory_space<vmem>>, vector<1x1x16xf32>,
        %parallel_loop3A_3173 = vector.shape_cast %parallel_loop3A_3172 : vector<1x1x16xf32> to vector<16xf32>
        %parallel_loop3A_3174 = arith.constant 0 : i32
        %parallel_loop3A_3175 = arith.index_cast %parallel_loop3A_3174 : i32 to index
        %parallel_loop3A_3176 = arith.index_cast %parallel_loop3A_3076 : i32 to index
        %parallel_loop3A_3177 = arith.constant 112 : index
        %parallel_loop3A_3178 = tpu.vector_load %arg6[%parallel_loop3A_3175, %parallel_loop3A_3176, %parallel_loop3A_3177] {strides = array<i32>} : memref<2x128x128xf32, #tpu.memory_space<vmem>>, vector<1x1x16xf32>,
        %parallel_loop3A_3179 = vector.shape_cast %parallel_loop3A_3178 : vector<1x1x16xf32> to vector<16xf32>
        %parallel_loop3A_3180 = vector.shape_cast %parallel_loop3A_3173 : vector<16xf32> to vector<1x1x16xf32>
        tpu.vector_store %arg6[%parallel_loop3A_3175, %parallel_loop3A_3176, %parallel_loop3A_3177], %parallel_loop3A_3180 {strides = array<i32>} : memref<2x128x128xf32, #tpu.memory_space<vmem>>, vector<1x1x16xf32>,
      } {sc.loop_unroll_factor = 4 : i64, sc.parallel_access}
      %add3A_2804 = arith.addi %mul3A_2, %add3A_2774 : i32
      %dma_start3A_2805 = arith.constant 0 : i32
      %dma_start3A_2806 = arith.constant 0 : i32
      %dma_start3A_2807 = arith.constant 0 : i32
      %dma_start3A_2808 = tpu.memref_slice %arg6[%dma_start3A_2805, %dma_start3A_2806, %dma_start3A_2807] : memref<2x128x128xf32, #tpu.memory_space<vmem>> -> memref<1x128x128xf32, #tpu.memory_space<vmem>>
      %dma_start3A_2809 = tpu.memref_squeeze %dma_start3A_2808 : memref<1x128x128xf32, #tpu.memory_space<vmem>> -> memref<128x128xf32, #tpu.memory_space<vmem>>
      %dma_start3A_2810 = arith.constant 0 : i32
      %dma_start3A_2811 = arith.constant 0 : i32
      %dma_start3A_2812 = tpu.memref_slice %arg4[%add3A_2804, %dma_start3A_2810, %dma_start3A_2811] : memref<1024x256x128xf32, #tpu.memory_space<hbm>> -> memref<1x128x128xf32, #tpu.memory_space<hbm>>
      %dma_start3A_2813 = tpu.memref_squeeze %dma_start3A_2812 : memref<1x128x128xf32, #tpu.memory_space<hbm>> -> memref<128x128xf32, #tpu.memory_space<hbm>>
      %dma_start3A_2814 = arith.constant 0 : i32
      %dma_start3A_2815 = arith.constant 0 : i32
      %dma_start3A_2816 = tpu.memref_slice %arg4[%add3A_2804, %dma_start3A_2814, %dma_start3A_2815] : memref<1024x256x128xf32, #tpu.memory_space<hbm>> -> memref<1x128x128xf32, #tpu.memory_space<hbm>>
      %dma_start3A_2817 = tpu.memref_squeeze %dma_start3A_2816 : memref<1x128x128xf32, #tpu.memory_space<hbm>> -> memref<128x128xf32, #tpu.memory_space<hbm>>
      %dma_start3A_2818 = arith.constant 0 : i32
      %dma_start3A_2819 = arith.constant 0 : i32
      %dma_start3A_2820 = tpu.memref_slice %arg6[%dma_start3A_2805, %dma_start3A_2818, %dma_start3A_2819] : memref<2x128x128xf32, #tpu.memory_space<vmem>> -> memref<1x128x128xf32, #tpu.memory_space<vmem>>
      %dma_start3A_2821 = tpu.memref_squeeze %dma_start3A_2820 : memref<1x128x128xf32, #tpu.memory_space<vmem>> -> memref<128x128xf32, #tpu.memory_space<vmem>>
      tpu.enqueue_dma source(%dma_start3A_2821 : memref<128x128xf32, #tpu.memory_space<vmem>>) target(%dma_start3A_2817 : memref<128x128xf32, #tpu.memory_space<hbm>>) target_semaphore(%arg11 : memref<!tpu.dma_semaphore, #tpu.memory_space<semaphore_mem>>)
      %gt3A_2822 = arith.constant 0 : i32
      %gt3A_2823 = arith.cmpi sgt, %add3A_2774, %gt3A_2822 : i32
      %convert_element_type3A_2824 = arith.extui %gt3A_2823 : i1 to i32
      %cond3A_2825 = arith.constant 0 : i32
      %cond3A_2826 = arith.cmpi ne, %convert_element_type3A_2824, %cond3A_2825 : i32
      scf.if %cond3A_2826 {
        %sub3A = arith.constant 1 : i32
        %sub3A_2927 = arith.subi %add3A_2774, %sub3A : i32
        %add3A_2928 = arith.addi %mul3A_2, %sub3A_2927 : i32
        %dma_wait3A_2929 = arith.constant 1 : i32
        %dma_wait3A_2930 = arith.constant 0 : i32
        %dma_wait3A_2931 = arith.constant 0 : i32
        %dma_wait3A_2932 = tpu.memref_slice %arg6[%dma_wait3A_2929, %dma_wait3A_2930, %dma_wait3A_2931] : memref<2x128x128xf32, #tpu.memory_space<vmem>> -> memref<1x128x128xf32, #tpu.memory_space<vmem>>
        %dma_wait3A_2933 = tpu.memref_squeeze %dma_wait3A_2932 : memref<1x128x128xf32, #tpu.memory_space<vmem>> -> memref<128x128xf32, #tpu.memory_space<vmem>>
        %dma_wait3A_2934 = arith.constant 128 : i32
        %dma_wait3A_2935 = arith.constant 0 : i32
        %dma_wait3A_2936 = tpu.memref_slice %arg4[%add3A_2928, %dma_wait3A_2934, %dma_wait3A_2935] : memref<1024x256x128xf32, #tpu.memory_space<hbm>> -> memref<1x128x128xf32, #tpu.memory_space<hbm>>
        %dma_wait3A_2937 = tpu.memref_squeeze %dma_wait3A_2936 : memref<1x128x128xf32, #tpu.memory_space<hbm>> -> memref<128x128xf32, #tpu.memory_space<hbm>>
        %dma_wait3A_2938 = arith.constant 128 : i32
        %dma_wait3A_2939 = arith.constant 0 : i32
        %dma_wait3A_2940 = tpu.memref_slice %arg4[%add3A_2928, %dma_wait3A_2938, %dma_wait3A_2939] : memref<1024x256x128xf32, #tpu.memory_space<hbm>> -> memref<1x128x128xf32, #tpu.memory_space<hbm>>
        %dma_wait3A_2941 = tpu.memref_squeeze %dma_wait3A_2940 : memref<1x128x128xf32, #tpu.memory_space<hbm>> -> memref<128x128xf32, #tpu.memory_space<hbm>>
        %dma_wait3A_2942 = arith.constant 0 : i32
        %dma_wait3A_2943 = arith.constant 0 : i32
        %dma_wait3A_2944 = tpu.memref_slice %arg6[%dma_wait3A_2929, %dma_wait3A_2942, %dma_wait3A_2943] : memref<2x128x128xf32, #tpu.memory_space<vmem>> -> memref<1x128x128xf32, #tpu.memory_space<vmem>>
        %dma_wait3A_2945 = tpu.memref_squeeze %dma_wait3A_2944 : memref<1x128x128xf32, #tpu.memory_space<vmem>> -> memref<128x128xf32, #tpu.memory_space<vmem>>
        tpu.wait_dma2 semaphore(%arg12 : memref<!tpu.dma_semaphore, #tpu.memory_space<semaphore_mem>>) src(%dma_wait3A_2945 : memref<128x128xf32, #tpu.memory_space<vmem>>) dst(%dma_wait3A_2941 : memref<128x128xf32, #tpu.memory_space<hbm>>)
      } else {
      }
      %parallel_loop3A_2827 = arith.constant 0 : i32
      %parallel_loop3A_2828 = arith.constant 64 : i32
      %parallel_loop3A_2829 = arith.constant 1 : i32
      scf.for %parallel_loop3A_2927 = %parallel_loop3A_2827 to %parallel_loop3A_2828 step %parallel_loop3A_2829  : i32 {
        %parallel_loop3A_2928 = arith.constant 64 : i32
        %parallel_loop3A_2929 = arith.addi %parallel_loop3A_2928, %parallel_loop3A_2927 : i32
        %parallel_loop3A_2930 = arith.index_cast %parallel_loop3A_2929 : i32 to index
        %parallel_loop3A_2931 = memref.load %arg8[%parallel_loop3A_2930] : memref<128xi32, #tpu.memory_space<smem>>
        %parallel_loop3A_2932 = arith.constant 4 : i32
        %parallel_loop3A_2933 = arith.divsi %parallel_loop3A_2927, %parallel_loop3A_2932 : i32
        %parallel_loop3A_2934 = arith.constant 0 : i32
        %parallel_loop3A_2935 = arith.cmpi sgt, %parallel_loop3A_2927, %parallel_loop3A_2934 : i32
        %parallel_loop3A_2936 = arith.extui %parallel_loop3A_2935 : i1 to i32
        %parallel_loop3A_2937 = arith.constant 0 : i32
        %parallel_loop3A_2938 = arith.cmpi slt, %parallel_loop3A_2927, %parallel_loop3A_2937 : i32
        %parallel_loop3A_2939 = arith.extui %parallel_loop3A_2938 : i1 to i32
        %parallel_loop3A_2940 = arith.subi %parallel_loop3A_2936, %parallel_loop3A_2939 : i32
        %parallel_loop3A_2941 = arith.constant 0 : i32
        %parallel_loop3A_2942 = arith.cmpi sgt, %parallel_loop3A_2932, %parallel_loop3A_2941 : i32
        %parallel_loop3A_2943 = arith.extui %parallel_loop3A_2942 : i1 to i32
        %parallel_loop3A_2944 = arith.constant 0 : i32
        %parallel_loop3A_2945 = arith.cmpi slt, %parallel_loop3A_2932, %parallel_loop3A_2944 : i32
        %parallel_loop3A_2946 = arith.extui %parallel_loop3A_2945 : i1 to i32
        %parallel_loop3A_2947 = arith.subi %parallel_loop3A_2943, %parallel_loop3A_2946 : i32
        %parallel_loop3A_2948 = arith.cmpi ne, %parallel_loop3A_2940, %parallel_loop3A_2947 : i32
        %parallel_loop3A_2949 = arith.remsi %parallel_loop3A_2927, %parallel_loop3A_2932 : i32
        %parallel_loop3A_2950 = arith.constant 0 : i32
        %parallel_loop3A_2951 = arith.cmpi ne, %parallel_loop3A_2949, %parallel_loop3A_2950 : i32
        %parallel_loop3A_2952 = arith.andi %parallel_loop3A_2948, %parallel_loop3A_2951 : i1
        %parallel_loop3A_2953 = arith.constant 1 : i32
        %parallel_loop3A_2954 = arith.subi %parallel_loop3A_2933, %parallel_loop3A_2953 : i32
        %parallel_loop3A_2955 = arith.select %parallel_loop3A_2952, %parallel_loop3A_2954, %parallel_loop3A_2933 : i32
        %parallel_loop3A_2956 = arith.constant 4 : i32
        %parallel_loop3A_2957 = arith.muli %parallel_loop3A_2956, %parallel_loop3A_2955 : i32
        %parallel_loop3A_2958 = arith.subi %parallel_loop3A_2927, %parallel_loop3A_2957 : i32
        %parallel_loop3A_2959 = arith.constant 0 : i32
        %parallel_loop3A_2960 = arith.addi %parallel_loop3A_2931, %parallel_loop3A_2959 : i32
        %parallel_loop3A_2961 = arith.constant 8 : i32
        %parallel_loop3A_2962 = arith.muli %parallel_loop3A_2961, %parallel_loop3A_2955 : i32
        %parallel_loop3A_2963 = arith.constant 0 : i32
        %parallel_loop3A_2964 = arith.addi %parallel_loop3A_2962, %parallel_loop3A_2963 : i32
        %parallel_loop3A_2965 = arith.addi %parallel_loop3A_2964, %parallel_loop3A_2958 : i32
        %parallel_loop3A_2966 = arith.constant 0 : i32
        %parallel_loop3A_2967 = arith.index_cast %parallel_loop3A_2966 : i32 to index
        %parallel_loop3A_2968 = arith.index_cast %parallel_loop3A_2960 : i32 to index
        %parallel_loop3A_2969 = arith.constant 0 : index
        %parallel_loop3A_2970 = tpu.vector_load %arg5[%parallel_loop3A_2967, %parallel_loop3A_2968, %parallel_loop3A_2969] {strides = array<i32>} : memref<2x264x128xf32, #tpu.memory_space<vmem>>, vector<1x1x16xf32>,
        %parallel_loop3A_2971 = vector.shape_cast %parallel_loop3A_2970 : vector<1x1x16xf32> to vector<16xf32>
        %parallel_loop3A_2972 = arith.constant 1 : i32
        %parallel_loop3A_2973 = arith.index_cast %parallel_loop3A_2972 : i32 to index
        %parallel_loop3A_2974 = arith.index_cast %parallel_loop3A_2965 : i32 to index
        %parallel_loop3A_2975 = arith.constant 0 : index
        %parallel_loop3A_2976 = tpu.vector_load %arg6[%parallel_loop3A_2973, %parallel_loop3A_2974, %parallel_loop3A_2975] {strides = array<i32>} : memref<2x128x128xf32, #tpu.memory_space<vmem>>, vector<1x1x16xf32>,
        %parallel_loop3A_2977 = vector.shape_cast %parallel_loop3A_2976 : vector<1x1x16xf32> to vector<16xf32>
        %parallel_loop3A_2978 = vector.shape_cast %parallel_loop3A_2971 : vector<16xf32> to vector<1x1x16xf32>
        tpu.vector_store %arg6[%parallel_loop3A_2973, %parallel_loop3A_2974, %parallel_loop3A_2975], %parallel_loop3A_2978 {strides = array<i32>} : memref<2x128x128xf32, #tpu.memory_space<vmem>>, vector<1x1x16xf32>,
        %parallel_loop3A_2979 = arith.constant 0 : i32
        %parallel_loop3A_2980 = arith.index_cast %parallel_loop3A_2979 : i32 to index
        %parallel_loop3A_2981 = arith.index_cast %parallel_loop3A_2960 : i32 to index
        %parallel_loop3A_2982 = arith.constant 16 : index
        %parallel_loop3A_2983 = tpu.vector_load %arg5[%parallel_loop3A_2980, %parallel_loop3A_2981, %parallel_loop3A_2982] {strides = array<i32>} : memref<2x264x128xf32, #tpu.memory_space<vmem>>, vector<1x1x16xf32>,
        %parallel_loop3A_2984 = vector.shape_cast %parallel_loop3A_2983 : vector<1x1x16xf32> to vector<16xf32>
        %parallel_loop3A_2985 = arith.constant 1 : i32
        %parallel_loop3A_2986 = arith.index_cast %parallel_loop3A_2985 : i32 to index
        %parallel_loop3A_2987 = arith.index_cast %parallel_loop3A_2965 : i32 to index
        %parallel_loop3A_2988 = arith.constant 16 : index
        %parallel_loop3A_2989 = tpu.vector_load %arg6[%parallel_loop3A_2986, %parallel_loop3A_2987, %parallel_loop3A_2988] {strides = array<i32>} : memref<2x128x128xf32, #tpu.memory_space<vmem>>, vector<1x1x16xf32>,
        %parallel_loop3A_2990 = vector.shape_cast %parallel_loop3A_2989 : vector<1x1x16xf32> to vector<16xf32>
        %parallel_loop3A_2991 = vector.shape_cast %parallel_loop3A_2984 : vector<16xf32> to vector<1x1x16xf32>
        tpu.vector_store %arg6[%parallel_loop3A_2986, %parallel_loop3A_2987, %parallel_loop3A_2988], %parallel_loop3A_2991 {strides = array<i32>} : memref<2x128x128xf32, #tpu.memory_space<vmem>>, vector<1x1x16xf32>,
        %parallel_loop3A_2992 = arith.constant 0 : i32
        %parallel_loop3A_2993 = arith.index_cast %parallel_loop3A_2992 : i32 to index
        %parallel_loop3A_2994 = arith.index_cast %parallel_loop3A_2960 : i32 to index
        %parallel_loop3A_2995 = arith.constant 32 : index
        %parallel_loop3A_2996 = tpu.vector_load %arg5[%parallel_loop3A_2993, %parallel_loop3A_2994, %parallel_loop3A_2995] {strides = array<i32>} : memref<2x264x128xf32, #tpu.memory_space<vmem>>, vector<1x1x16xf32>,
        %parallel_loop3A_2997 = vector.shape_cast %parallel_loop3A_2996 : vector<1x1x16xf32> to vector<16xf32>
        %parallel_loop3A_2998 = arith.constant 1 : i32
        %parallel_loop3A_2999 = arith.index_cast %parallel_loop3A_2998 : i32 to index
        %parallel_loop3A_3000 = arith.index_cast %parallel_loop3A_2965 : i32 to index
        %parallel_loop3A_3001 = arith.constant 32 : index
        %parallel_loop3A_3002 = tpu.vector_load %arg6[%parallel_loop3A_2999, %parallel_loop3A_3000, %parallel_loop3A_3001] {strides = array<i32>} : memref<2x128x128xf32, #tpu.memory_space<vmem>>, vector<1x1x16xf32>,
        %parallel_loop3A_3003 = vector.shape_cast %parallel_loop3A_3002 : vector<1x1x16xf32> to vector<16xf32>
        %parallel_loop3A_3004 = vector.shape_cast %parallel_loop3A_2997 : vector<16xf32> to vector<1x1x16xf32>
        tpu.vector_store %arg6[%parallel_loop3A_2999, %parallel_loop3A_3000, %parallel_loop3A_3001], %parallel_loop3A_3004 {strides = array<i32>} : memref<2x128x128xf32, #tpu.memory_space<vmem>>, vector<1x1x16xf32>,
        %parallel_loop3A_3005 = arith.constant 0 : i32
        %parallel_loop3A_3006 = arith.index_cast %parallel_loop3A_3005 : i32 to index
        %parallel_loop3A_3007 = arith.index_cast %parallel_loop3A_2960 : i32 to index
        %parallel_loop3A_3008 = arith.constant 48 : index
        %parallel_loop3A_3009 = tpu.vector_load %arg5[%parallel_loop3A_3006, %parallel_loop3A_3007, %parallel_loop3A_3008] {strides = array<i32>} : memref<2x264x128xf32, #tpu.memory_space<vmem>>, vector<1x1x16xf32>,
        %parallel_loop3A_3010 = vector.shape_cast %parallel_loop3A_3009 : vector<1x1x16xf32> to vector<16xf32>
        %parallel_loop3A_3011 = arith.constant 1 : i32
        %parallel_loop3A_3012 = arith.index_cast %parallel_loop3A_3011 : i32 to index
        %parallel_loop3A_3013 = arith.index_cast %parallel_loop3A_2965 : i32 to index
        %parallel_loop3A_3014 = arith.constant 48 : index
        %parallel_loop3A_3015 = tpu.vector_load %arg6[%parallel_loop3A_3012, %parallel_loop3A_3013, %parallel_loop3A_3014] {strides = array<i32>} : memref<2x128x128xf32, #tpu.memory_space<vmem>>, vector<1x1x16xf32>,
        %parallel_loop3A_3016 = vector.shape_cast %parallel_loop3A_3015 : vector<1x1x16xf32> to vector<16xf32>
        %parallel_loop3A_3017 = vector.shape_cast %parallel_loop3A_3010 : vector<16xf32> to vector<1x1x16xf32>
        tpu.vector_store %arg6[%parallel_loop3A_3012, %parallel_loop3A_3013, %parallel_loop3A_3014], %parallel_loop3A_3017 {strides = array<i32>} : memref<2x128x128xf32, #tpu.memory_space<vmem>>, vector<1x1x16xf32>,
        %parallel_loop3A_3018 = arith.constant 0 : i32
        %parallel_loop3A_3019 = arith.index_cast %parallel_loop3A_3018 : i32 to index
        %parallel_loop3A_3020 = arith.index_cast %parallel_loop3A_2960 : i32 to index
        %parallel_loop3A_3021 = arith.constant 64 : index
        %parallel_loop3A_3022 = tpu.vector_load %arg5[%parallel_loop3A_3019, %parallel_loop3A_3020, %parallel_loop3A_3021] {strides = array<i32>} : memref<2x264x128xf32, #tpu.memory_space<vmem>>, vector<1x1x16xf32>,
        %parallel_loop3A_3023 = vector.shape_cast %parallel_loop3A_3022 : vector<1x1x16xf32> to vector<16xf32>
        %parallel_loop3A_3024 = arith.constant 1 : i32
        %parallel_loop3A_3025 = arith.index_cast %parallel_loop3A_3024 : i32 to index
        %parallel_loop3A_3026 = arith.index_cast %parallel_loop3A_2965 : i32 to index
        %parallel_loop3A_3027 = arith.constant 64 : index
        %parallel_loop3A_3028 = tpu.vector_load %arg6[%parallel_loop3A_3025, %parallel_loop3A_3026, %parallel_loop3A_3027] {strides = array<i32>} : memref<2x128x128xf32, #tpu.memory_space<vmem>>, vector<1x1x16xf32>,
        %parallel_loop3A_3029 = vector.shape_cast %parallel_loop3A_3028 : vector<1x1x16xf32> to vector<16xf32>
        %parallel_loop3A_3030 = vector.shape_cast %parallel_loop3A_3023 : vector<16xf32> to vector<1x1x16xf32>
        tpu.vector_store %arg6[%parallel_loop3A_3025, %parallel_loop3A_3026, %parallel_loop3A_3027], %parallel_loop3A_3030 {strides = array<i32>} : memref<2x128x128xf32, #tpu.memory_space<vmem>>, vector<1x1x16xf32>,
        %parallel_loop3A_3031 = arith.constant 0 : i32
        %parallel_loop3A_3032 = arith.index_cast %parallel_loop3A_3031 : i32 to index
        %parallel_loop3A_3033 = arith.index_cast %parallel_loop3A_2960 : i32 to index
        %parallel_loop3A_3034 = arith.constant 80 : index
        %parallel_loop3A_3035 = tpu.vector_load %arg5[%parallel_loop3A_3032, %parallel_loop3A_3033, %parallel_loop3A_3034] {strides = array<i32>} : memref<2x264x128xf32, #tpu.memory_space<vmem>>, vector<1x1x16xf32>,
        %parallel_loop3A_3036 = vector.shape_cast %parallel_loop3A_3035 : vector<1x1x16xf32> to vector<16xf32>
        %parallel_loop3A_3037 = arith.constant 1 : i32
        %parallel_loop3A_3038 = arith.index_cast %parallel_loop3A_3037 : i32 to index
        %parallel_loop3A_3039 = arith.index_cast %parallel_loop3A_2965 : i32 to index
        %parallel_loop3A_3040 = arith.constant 80 : index
        %parallel_loop3A_3041 = tpu.vector_load %arg6[%parallel_loop3A_3038, %parallel_loop3A_3039, %parallel_loop3A_3040] {strides = array<i32>} : memref<2x128x128xf32, #tpu.memory_space<vmem>>, vector<1x1x16xf32>,
        %parallel_loop3A_3042 = vector.shape_cast %parallel_loop3A_3041 : vector<1x1x16xf32> to vector<16xf32>
        %parallel_loop3A_3043 = vector.shape_cast %parallel_loop3A_3036 : vector<16xf32> to vector<1x1x16xf32>
        tpu.vector_store %arg6[%parallel_loop3A_3038, %parallel_loop3A_3039, %parallel_loop3A_3040], %parallel_loop3A_3043 {strides = array<i32>} : memref<2x128x128xf32, #tpu.memory_space<vmem>>, vector<1x1x16xf32>,
        %parallel_loop3A_3044 = arith.constant 0 : i32
        %parallel_loop3A_3045 = arith.index_cast %parallel_loop3A_3044 : i32 to index
        %parallel_loop3A_3046 = arith.index_cast %parallel_loop3A_2960 : i32 to index
        %parallel_loop3A_3047 = arith.constant 96 : index
        %parallel_loop3A_3048 = tpu.vector_load %arg5[%parallel_loop3A_3045, %parallel_loop3A_3046, %parallel_loop3A_3047] {strides = array<i32>} : memref<2x264x128xf32, #tpu.memory_space<vmem>>, vector<1x1x16xf32>,
        %parallel_loop3A_3049 = vector.shape_cast %parallel_loop3A_3048 : vector<1x1x16xf32> to vector<16xf32>
        %parallel_loop3A_3050 = arith.constant 1 : i32
        %parallel_loop3A_3051 = arith.index_cast %parallel_loop3A_3050 : i32 to index
        %parallel_loop3A_3052 = arith.index_cast %parallel_loop3A_2965 : i32 to index
        %parallel_loop3A_3053 = arith.constant 96 : index
        %parallel_loop3A_3054 = tpu.vector_load %arg6[%parallel_loop3A_3051, %parallel_loop3A_3052, %parallel_loop3A_3053] {strides = array<i32>} : memref<2x128x128xf32, #tpu.memory_space<vmem>>, vector<1x1x16xf32>,
        %parallel_loop3A_3055 = vector.shape_cast %parallel_loop3A_3054 : vector<1x1x16xf32> to vector<16xf32>
        %parallel_loop3A_3056 = vector.shape_cast %parallel_loop3A_3049 : vector<16xf32> to vector<1x1x16xf32>
        tpu.vector_store %arg6[%parallel_loop3A_3051, %parallel_loop3A_3052, %parallel_loop3A_3053], %parallel_loop3A_3056 {strides = array<i32>} : memref<2x128x128xf32, #tpu.memory_space<vmem>>, vector<1x1x16xf32>,
        %parallel_loop3A_3057 = arith.constant 0 : i32
        %parallel_loop3A_3058 = arith.index_cast %parallel_loop3A_3057 : i32 to index
        %parallel_loop3A_3059 = arith.index_cast %parallel_loop3A_2960 : i32 to index
        %parallel_loop3A_3060 = arith.constant 112 : index
        %parallel_loop3A_3061 = tpu.vector_load %arg5[%parallel_loop3A_3058, %parallel_loop3A_3059, %parallel_loop3A_3060] {strides = array<i32>} : memref<2x264x128xf32, #tpu.memory_space<vmem>>, vector<1x1x16xf32>,
        %parallel_loop3A_3062 = vector.shape_cast %parallel_loop3A_3061 : vector<1x1x16xf32> to vector<16xf32>
        %parallel_loop3A_3063 = arith.constant 1 : i32
        %parallel_loop3A_3064 = arith.index_cast %parallel_loop3A_3063 : i32 to index
        %parallel_loop3A_3065 = arith.index_cast %parallel_loop3A_2965 : i32 to index
        %parallel_loop3A_3066 = arith.constant 112 : index
        %parallel_loop3A_3067 = tpu.vector_load %arg6[%parallel_loop3A_3064, %parallel_loop3A_3065, %parallel_loop3A_3066] {strides = array<i32>} : memref<2x128x128xf32, #tpu.memory_space<vmem>>, vector<1x1x16xf32>,
        %parallel_loop3A_3068 = vector.shape_cast %parallel_loop3A_3067 : vector<1x1x16xf32> to vector<16xf32>
        %parallel_loop3A_3069 = vector.shape_cast %parallel_loop3A_3062 : vector<16xf32> to vector<1x1x16xf32>
        tpu.vector_store %arg6[%parallel_loop3A_3064, %parallel_loop3A_3065, %parallel_loop3A_3066], %parallel_loop3A_3069 {strides = array<i32>} : memref<2x128x128xf32, #tpu.memory_space<vmem>>, vector<1x1x16xf32>,
        %parallel_loop3A_3070 = arith.constant 4 : i32
        %parallel_loop3A_3071 = arith.addi %parallel_loop3A_2931, %parallel_loop3A_3070 : i32
        %parallel_loop3A_3072 = arith.constant 8 : i32
        %parallel_loop3A_3073 = arith.muli %parallel_loop3A_3072, %parallel_loop3A_2955 : i32
        %parallel_loop3A_3074 = arith.constant 4 : i32
        %parallel_loop3A_3075 = arith.addi %parallel_loop3A_3073, %parallel_loop3A_3074 : i32
        %parallel_loop3A_3076 = arith.addi %parallel_loop3A_3075, %parallel_loop3A_2958 : i32
        %parallel_loop3A_3077 = arith.constant 0 : i32
        %parallel_loop3A_3078 = arith.index_cast %parallel_loop3A_3077 : i32 to index
        %parallel_loop3A_3079 = arith.index_cast %parallel_loop3A_3071 : i32 to index
        %parallel_loop3A_3080 = arith.constant 0 : index
        %parallel_loop3A_3081 = tpu.vector_load %arg5[%parallel_loop3A_3078, %parallel_loop3A_3079, %parallel_loop3A_3080] {strides = array<i32>} : memref<2x264x128xf32, #tpu.memory_space<vmem>>, vector<1x1x16xf32>,
        %parallel_loop3A_3082 = vector.shape_cast %parallel_loop3A_3081 : vector<1x1x16xf32> to vector<16xf32>
        %parallel_loop3A_3083 = arith.constant 1 : i32
        %parallel_loop3A_3084 = arith.index_cast %parallel_loop3A_3083 : i32 to index
        %parallel_loop3A_3085 = arith.index_cast %parallel_loop3A_3076 : i32 to index
        %parallel_loop3A_3086 = arith.constant 0 : index
        %parallel_loop3A_3087 = tpu.vector_load %arg6[%parallel_loop3A_3084, %parallel_loop3A_3085, %parallel_loop3A_3086] {strides = array<i32>} : memref<2x128x128xf32, #tpu.memory_space<vmem>>, vector<1x1x16xf32>,
        %parallel_loop3A_3088 = vector.shape_cast %parallel_loop3A_3087 : vector<1x1x16xf32> to vector<16xf32>
        %parallel_loop3A_3089 = vector.shape_cast %parallel_loop3A_3082 : vector<16xf32> to vector<1x1x16xf32>
        tpu.vector_store %arg6[%parallel_loop3A_3084, %parallel_loop3A_3085, %parallel_loop3A_3086], %parallel_loop3A_3089 {strides = array<i32>} : memref<2x128x128xf32, #tpu.memory_space<vmem>>, vector<1x1x16xf32>,
        %parallel_loop3A_3090 = arith.constant 0 : i32
        %parallel_loop3A_3091 = arith.index_cast %parallel_loop3A_3090 : i32 to index
        %parallel_loop3A_3092 = arith.index_cast %parallel_loop3A_3071 : i32 to index
        %parallel_loop3A_3093 = arith.constant 16 : index
        %parallel_loop3A_3094 = tpu.vector_load %arg5[%parallel_loop3A_3091, %parallel_loop3A_3092, %parallel_loop3A_3093] {strides = array<i32>} : memref<2x264x128xf32, #tpu.memory_space<vmem>>, vector<1x1x16xf32>,
        %parallel_loop3A_3095 = vector.shape_cast %parallel_loop3A_3094 : vector<1x1x16xf32> to vector<16xf32>
        %parallel_loop3A_3096 = arith.constant 1 : i32
        %parallel_loop3A_3097 = arith.index_cast %parallel_loop3A_3096 : i32 to index
        %parallel_loop3A_3098 = arith.index_cast %parallel_loop3A_3076 : i32 to index
        %parallel_loop3A_3099 = arith.constant 16 : index
        %parallel_loop3A_3100 = tpu.vector_load %arg6[%parallel_loop3A_3097, %parallel_loop3A_3098, %parallel_loop3A_3099] {strides = array<i32>} : memref<2x128x128xf32, #tpu.memory_space<vmem>>, vector<1x1x16xf32>,
        %parallel_loop3A_3101 = vector.shape_cast %parallel_loop3A_3100 : vector<1x1x16xf32> to vector<16xf32>
        %parallel_loop3A_3102 = vector.shape_cast %parallel_loop3A_3095 : vector<16xf32> to vector<1x1x16xf32>
        tpu.vector_store %arg6[%parallel_loop3A_3097, %parallel_loop3A_3098, %parallel_loop3A_3099], %parallel_loop3A_3102 {strides = array<i32>} : memref<2x128x128xf32, #tpu.memory_space<vmem>>, vector<1x1x16xf32>,
        %parallel_loop3A_3103 = arith.constant 0 : i32
        %parallel_loop3A_3104 = arith.index_cast %parallel_loop3A_3103 : i32 to index
        %parallel_loop3A_3105 = arith.index_cast %parallel_loop3A_3071 : i32 to index
        %parallel_loop3A_3106 = arith.constant 32 : index
        %parallel_loop3A_3107 = tpu.vector_load %arg5[%parallel_loop3A_3104, %parallel_loop3A_3105, %parallel_loop3A_3106] {strides = array<i32>} : memref<2x264x128xf32, #tpu.memory_space<vmem>>, vector<1x1x16xf32>,
        %parallel_loop3A_3108 = vector.shape_cast %parallel_loop3A_3107 : vector<1x1x16xf32> to vector<16xf32>
        %parallel_loop3A_3109 = arith.constant 1 : i32
        %parallel_loop3A_3110 = arith.index_cast %parallel_loop3A_3109 : i32 to index
        %parallel_loop3A_3111 = arith.index_cast %parallel_loop3A_3076 : i32 to index
        %parallel_loop3A_3112 = arith.constant 32 : index
        %parallel_loop3A_3113 = tpu.vector_load %arg6[%parallel_loop3A_3110, %parallel_loop3A_3111, %parallel_loop3A_3112] {strides = array<i32>} : memref<2x128x128xf32, #tpu.memory_space<vmem>>, vector<1x1x16xf32>,
        %parallel_loop3A_3114 = vector.shape_cast %parallel_loop3A_3113 : vector<1x1x16xf32> to vector<16xf32>
        %parallel_loop3A_3115 = vector.shape_cast %parallel_loop3A_3108 : vector<16xf32> to vector<1x1x16xf32>
        tpu.vector_store %arg6[%parallel_loop3A_3110, %parallel_loop3A_3111, %parallel_loop3A_3112], %parallel_loop3A_3115 {strides = array<i32>} : memref<2x128x128xf32, #tpu.memory_space<vmem>>, vector<1x1x16xf32>,
        %parallel_loop3A_3116 = arith.constant 0 : i32
        %parallel_loop3A_3117 = arith.index_cast %parallel_loop3A_3116 : i32 to index
        %parallel_loop3A_3118 = arith.index_cast %parallel_loop3A_3071 : i32 to index
        %parallel_loop3A_3119 = arith.constant 48 : index
        %parallel_loop3A_3120 = tpu.vector_load %arg5[%parallel_loop3A_3117, %parallel_loop3A_3118, %parallel_loop3A_3119] {strides = array<i32>} : memref<2x264x128xf32, #tpu.memory_space<vmem>>, vector<1x1x16xf32>,
        %parallel_loop3A_3121 = vector.shape_cast %parallel_loop3A_3120 : vector<1x1x16xf32> to vector<16xf32>
        %parallel_loop3A_3122 = arith.constant 1 : i32
        %parallel_loop3A_3123 = arith.index_cast %parallel_loop3A_3122 : i32 to index
        %parallel_loop3A_3124 = arith.index_cast %parallel_loop3A_3076 : i32 to index
        %parallel_loop3A_3125 = arith.constant 48 : index
        %parallel_loop3A_3126 = tpu.vector_load %arg6[%parallel_loop3A_3123, %parallel_loop3A_3124, %parallel_loop3A_3125] {strides = array<i32>} : memref<2x128x128xf32, #tpu.memory_space<vmem>>, vector<1x1x16xf32>,
        %parallel_loop3A_3127 = vector.shape_cast %parallel_loop3A_3126 : vector<1x1x16xf32> to vector<16xf32>
        %parallel_loop3A_3128 = vector.shape_cast %parallel_loop3A_3121 : vector<16xf32> to vector<1x1x16xf32>
        tpu.vector_store %arg6[%parallel_loop3A_3123, %parallel_loop3A_3124, %parallel_loop3A_3125], %parallel_loop3A_3128 {strides = array<i32>} : memref<2x128x128xf32, #tpu.memory_space<vmem>>, vector<1x1x16xf32>,
        %parallel_loop3A_3129 = arith.constant 0 : i32
        %parallel_loop3A_3130 = arith.index_cast %parallel_loop3A_3129 : i32 to index
        %parallel_loop3A_3131 = arith.index_cast %parallel_loop3A_3071 : i32 to index
        %parallel_loop3A_3132 = arith.constant 64 : index
        %parallel_loop3A_3133 = tpu.vector_load %arg5[%parallel_loop3A_3130, %parallel_loop3A_3131, %parallel_loop3A_3132] {strides = array<i32>} : memref<2x264x128xf32, #tpu.memory_space<vmem>>, vector<1x1x16xf32>,
        %parallel_loop3A_3134 = vector.shape_cast %parallel_loop3A_3133 : vector<1x1x16xf32> to vector<16xf32>
        %parallel_loop3A_3135 = arith.constant 1 : i32
        %parallel_loop3A_3136 = arith.index_cast %parallel_loop3A_3135 : i32 to index
        %parallel_loop3A_3137 = arith.index_cast %parallel_loop3A_3076 : i32 to index
        %parallel_loop3A_3138 = arith.constant 64 : index
        %parallel_loop3A_3139 = tpu.vector_load %arg6[%parallel_loop3A_3136, %parallel_loop3A_3137, %parallel_loop3A_3138] {strides = array<i32>} : memref<2x128x128xf32, #tpu.memory_space<vmem>>, vector<1x1x16xf32>,
        %parallel_loop3A_3140 = vector.shape_cast %parallel_loop3A_3139 : vector<1x1x16xf32> to vector<16xf32>
        %parallel_loop3A_3141 = vector.shape_cast %parallel_loop3A_3134 : vector<16xf32> to vector<1x1x16xf32>
        tpu.vector_store %arg6[%parallel_loop3A_3136, %parallel_loop3A_3137, %parallel_loop3A_3138], %parallel_loop3A_3141 {strides = array<i32>} : memref<2x128x128xf32, #tpu.memory_space<vmem>>, vector<1x1x16xf32>,
        %parallel_loop3A_3142 = arith.constant 0 : i32
        %parallel_loop3A_3143 = arith.index_cast %parallel_loop3A_3142 : i32 to index
        %parallel_loop3A_3144 = arith.index_cast %parallel_loop3A_3071 : i32 to index
        %parallel_loop3A_3145 = arith.constant 80 : index
        %parallel_loop3A_3146 = tpu.vector_load %arg5[%parallel_loop3A_3143, %parallel_loop3A_3144, %parallel_loop3A_3145] {strides = array<i32>} : memref<2x264x128xf32, #tpu.memory_space<vmem>>, vector<1x1x16xf32>,
        %parallel_loop3A_3147 = vector.shape_cast %parallel_loop3A_3146 : vector<1x1x16xf32> to vector<16xf32>
        %parallel_loop3A_3148 = arith.constant 1 : i32
        %parallel_loop3A_3149 = arith.index_cast %parallel_loop3A_3148 : i32 to index
        %parallel_loop3A_3150 = arith.index_cast %parallel_loop3A_3076 : i32 to index
        %parallel_loop3A_3151 = arith.constant 80 : index
        %parallel_loop3A_3152 = tpu.vector_load %arg6[%parallel_loop3A_3149, %parallel_loop3A_3150, %parallel_loop3A_3151] {strides = array<i32>} : memref<2x128x128xf32, #tpu.memory_space<vmem>>, vector<1x1x16xf32>,
        %parallel_loop3A_3153 = vector.shape_cast %parallel_loop3A_3152 : vector<1x1x16xf32> to vector<16xf32>
        %parallel_loop3A_3154 = vector.shape_cast %parallel_loop3A_3147 : vector<16xf32> to vector<1x1x16xf32>
        tpu.vector_store %arg6[%parallel_loop3A_3149, %parallel_loop3A_3150, %parallel_loop3A_3151], %parallel_loop3A_3154 {strides = array<i32>} : memref<2x128x128xf32, #tpu.memory_space<vmem>>, vector<1x1x16xf32>,
        %parallel_loop3A_3155 = arith.constant 0 : i32
        %parallel_loop3A_3156 = arith.index_cast %parallel_loop3A_3155 : i32 to index
        %parallel_loop3A_3157 = arith.index_cast %parallel_loop3A_3071 : i32 to index
        %parallel_loop3A_3158 = arith.constant 96 : index
        %parallel_loop3A_3159 = tpu.vector_load %arg5[%parallel_loop3A_3156, %parallel_loop3A_3157, %parallel_loop3A_3158] {strides = array<i32>} : memref<2x264x128xf32, #tpu.memory_space<vmem>>, vector<1x1x16xf32>,
        %parallel_loop3A_3160 = vector.shape_cast %parallel_loop3A_3159 : vector<1x1x16xf32> to vector<16xf32>
        %parallel_loop3A_3161 = arith.constant 1 : i32
        %parallel_loop3A_3162 = arith.index_cast %parallel_loop3A_3161 : i32 to index
        %parallel_loop3A_3163 = arith.index_cast %parallel_loop3A_3076 : i32 to index
        %parallel_loop3A_3164 = arith.constant 96 : index
        %parallel_loop3A_3165 = tpu.vector_load %arg6[%parallel_loop3A_3162, %parallel_loop3A_3163, %parallel_loop3A_3164] {strides = array<i32>} : memref<2x128x128xf32, #tpu.memory_space<vmem>>, vector<1x1x16xf32>,
        %parallel_loop3A_3166 = vector.shape_cast %parallel_loop3A_3165 : vector<1x1x16xf32> to vector<16xf32>
        %parallel_loop3A_3167 = vector.shape_cast %parallel_loop3A_3160 : vector<16xf32> to vector<1x1x16xf32>
        tpu.vector_store %arg6[%parallel_loop3A_3162, %parallel_loop3A_3163, %parallel_loop3A_3164], %parallel_loop3A_3167 {strides = array<i32>} : memref<2x128x128xf32, #tpu.memory_space<vmem>>, vector<1x1x16xf32>,
        %parallel_loop3A_3168 = arith.constant 0 : i32
        %parallel_loop3A_3169 = arith.index_cast %parallel_loop3A_3168 : i32 to index
        %parallel_loop3A_3170 = arith.index_cast %parallel_loop3A_3071 : i32 to index
        %parallel_loop3A_3171 = arith.constant 112 : index
        %parallel_loop3A_3172 = tpu.vector_load %arg5[%parallel_loop3A_3169, %parallel_loop3A_3170, %parallel_loop3A_3171] {strides = array<i32>} : memref<2x264x128xf32, #tpu.memory_space<vmem>>, vector<1x1x16xf32>,
        %parallel_loop3A_3173 = vector.shape_cast %parallel_loop3A_3172 : vector<1x1x16xf32> to vector<16xf32>
        %parallel_loop3A_3174 = arith.constant 1 : i32
        %parallel_loop3A_3175 = arith.index_cast %parallel_loop3A_3174 : i32 to index
        %parallel_loop3A_3176 = arith.index_cast %parallel_loop3A_3076 : i32 to index
        %parallel_loop3A_3177 = arith.constant 112 : index
        %parallel_loop3A_3178 = tpu.vector_load %arg6[%parallel_loop3A_3175, %parallel_loop3A_3176, %parallel_loop3A_3177] {strides = array<i32>} : memref<2x128x128xf32, #tpu.memory_space<vmem>>, vector<1x1x16xf32>,
        %parallel_loop3A_3179 = vector.shape_cast %parallel_loop3A_3178 : vector<1x1x16xf32> to vector<16xf32>
        %parallel_loop3A_3180 = vector.shape_cast %parallel_loop3A_3173 : vector<16xf32> to vector<1x1x16xf32>
        tpu.vector_store %arg6[%parallel_loop3A_3175, %parallel_loop3A_3176, %parallel_loop3A_3177], %parallel_loop3A_3180 {strides = array<i32>} : memref<2x128x128xf32, #tpu.memory_space<vmem>>, vector<1x1x16xf32>,
      } {sc.loop_unroll_factor = 4 : i64, sc.parallel_access}
      %add3A_2830 = arith.addi %mul3A_2, %add3A_2774 : i32
      %dma_start3A_2831 = arith.constant 1 : i32
      %dma_start3A_2832 = arith.constant 0 : i32
      %dma_start3A_2833 = arith.constant 0 : i32
      %dma_start3A_2834 = tpu.memref_slice %arg6[%dma_start3A_2831, %dma_start3A_2832, %dma_start3A_2833] : memref<2x128x128xf32, #tpu.memory_space<vmem>> -> memref<1x128x128xf32, #tpu.memory_space<vmem>>
      %dma_start3A_2835 = tpu.memref_squeeze %dma_start3A_2834 : memref<1x128x128xf32, #tpu.memory_space<vmem>> -> memref<128x128xf32, #tpu.memory_space<vmem>>
      %dma_start3A_2836 = arith.constant 128 : i32
      %dma_start3A_2837 = arith.constant 0 : i32
      %dma_start3A_2838 = tpu.memref_slice %arg4[%add3A_2830, %dma_start3A_2836, %dma_start3A_2837] : memref<1024x256x128xf32, #tpu.memory_space<hbm>> -> memref<1x128x128xf32, #tpu.memory_space<hbm>>
      %dma_start3A_2839 = tpu.memref_squeeze %dma_start3A_2838 : memref<1x128x128xf32, #tpu.memory_space<hbm>> -> memref<128x128xf32, #tpu.memory_space<hbm>>
      %dma_start3A_2840 = arith.constant 128 : i32
      %dma_start3A_2841 = arith.constant 0 : i32
      %dma_start3A_2842 = tpu.memref_slice %arg4[%add3A_2830, %dma_start3A_2840, %dma_start3A_2841] : memref<1024x256x128xf32, #tpu.memory_space<hbm>> -> memref<1x128x128xf32, #tpu.memory_space<hbm>>
      %dma_start3A_2843 = tpu.memref_squeeze %dma_start3A_2842 : memref<1x128x128xf32, #tpu.memory_space<hbm>> -> memref<128x128xf32, #tpu.memory_space<hbm>>
      %dma_start3A_2844 = arith.constant 0 : i32
      %dma_start3A_2845 = arith.constant 0 : i32
      %dma_start3A_2846 = tpu.memref_slice %arg6[%dma_start3A_2831, %dma_start3A_2844, %dma_start3A_2845] : memref<2x128x128xf32, #tpu.memory_space<vmem>> -> memref<1x128x128xf32, #tpu.memory_space<vmem>>
      %dma_start3A_2847 = tpu.memref_squeeze %dma_start3A_2846 : memref<1x128x128xf32, #tpu.memory_space<vmem>> -> memref<128x128xf32, #tpu.memory_space<vmem>>
      tpu.enqueue_dma source(%dma_start3A_2847 : memref<128x128xf32, #tpu.memory_space<vmem>>) target(%dma_start3A_2843 : memref<128x128xf32, #tpu.memory_space<hbm>>) target_semaphore(%arg12 : memref<!tpu.dma_semaphore, #tpu.memory_space<semaphore_mem>>)
      %add3A_2848 = arith.constant 1 : i32
      %add3A_2849 = arith.addi %add3A_2772, %add3A_2848 : i32
      %add3A_2850 = arith.constant 1 : i32
      %add3A_2851 = arith.addi %add3A_2849, %add3A_2850 : i32
      %lt3A_2852 = arith.constant 32 : i32
      %lt3A_2853 = arith.cmpi slt, %add3A_2851, %lt3A_2852 : i32
      %convert_element_type3A_2854 = arith.extui %lt3A_2853 : i1 to i32
      %cond3A_2855 = arith.constant 0 : i32
      %cond3A_2856 = arith.cmpi ne, %convert_element_type3A_2854, %cond3A_2855 : i32
      scf.if %cond3A_2856 {
        %add3A_2927 = arith.constant 1 : i32
        %add3A_2928 = arith.addi %add3A_2849, %add3A_2927 : i32
        %add3A_2929 = arith.addi %mul3A_2, %add3A_2928 : i32
        %dma_start3A_2930 = arith.constant 0 : i32
        %dma_start3A_2931 = arith.constant 0 : i32
        %dma_start3A_2932 = arith.constant 0 : i32
        %dma_start3A_2933 = tpu.memref_slice %arg5[%dma_start3A_2930, %dma_start3A_2931, %dma_start3A_2932] : memref<2x264x128xf32, #tpu.memory_space<vmem>> -> memref<1x256x128xf32, #tpu.memory_space<vmem>>
        %dma_start3A_2934 = tpu.memref_squeeze %dma_start3A_2933 : memref<1x256x128xf32, #tpu.memory_space<vmem>> -> memref<256x128xf32, #tpu.memory_space<vmem>>
        %dma_start3A_2935 = arith.constant 0 : i32
        %dma_start3A_2936 = arith.constant 0 : i32
        %dma_start3A_2937 = tpu.memref_slice %arg2[%add3A_2929, %dma_start3A_2935, %dma_start3A_2936] : memref<1024x256x128xf32, #tpu.memory_space<hbm>> -> memref<1x256x128xf32, #tpu.memory_space<hbm>>
        %dma_start3A_2938 = tpu.memref_squeeze %dma_start3A_2937 : memref<1x256x128xf32, #tpu.memory_space<hbm>> -> memref<256x128xf32, #tpu.memory_space<hbm>>
        %dma_start3A_2939 = arith.constant 0 : i32
        %dma_start3A_2940 = arith.constant 0 : i32
        %dma_start3A_2941 = tpu.memref_slice %arg5[%dma_start3A_2930, %dma_start3A_2939, %dma_start3A_2940] : memref<2x264x128xf32, #tpu.memory_space<vmem>> -> memref<1x256x128xf32, #tpu.memory_space<vmem>>
        %dma_start3A_2942 = tpu.memref_squeeze %dma_start3A_2941 : memref<1x256x128xf32, #tpu.memory_space<vmem>> -> memref<256x128xf32, #tpu.memory_space<vmem>>
        %dma_start3A_2943 = arith.constant 0 : i32
        %dma_start3A_2944 = arith.constant 0 : i32
        %dma_start3A_2945 = tpu.memref_slice %arg2[%add3A_2929, %dma_start3A_2943, %dma_start3A_2944] : memref<1024x256x128xf32, #tpu.memory_space<hbm>> -> memref<1x256x128xf32, #tpu.memory_space<hbm>>
        %dma_start3A_2946 = tpu.memref_squeeze %dma_start3A_2945 : memref<1x256x128xf32, #tpu.memory_space<hbm>> -> memref<256x128xf32, #tpu.memory_space<hbm>>
        tpu.enqueue_dma source(%dma_start3A_2946 : memref<256x128xf32, #tpu.memory_space<hbm>>) target(%dma_start3A_2942 : memref<256x128xf32, #tpu.memory_space<vmem>>) target_semaphore(%arg9 : memref<!tpu.dma_semaphore, #tpu.memory_space<semaphore_mem>>)
      } else {
      }
      %add3A_2857 = arith.addi %mul3A_2, %add3A_2849 : i32
      %dma_wait3A_2858 = arith.constant 1 : i32
      %dma_wait3A_2859 = arith.constant 0 : i32
      %dma_wait3A_2860 = arith.constant 0 : i32
      %dma_wait3A_2861 = tpu.memref_slice %arg5[%dma_wait3A_2858, %dma_wait3A_2859, %dma_wait3A_2860] : memref<2x264x128xf32, #tpu.memory_space<vmem>> -> memref<1x256x128xf32, #tpu.memory_space<vmem>>
      %dma_wait3A_2862 = tpu.memref_squeeze %dma_wait3A_2861 : memref<1x256x128xf32, #tpu.memory_space<vmem>> -> memref<256x128xf32, #tpu.memory_space<vmem>>
      %dma_wait3A_2863 = arith.constant 0 : i32
      %dma_wait3A_2864 = arith.constant 0 : i32
      %dma_wait3A_2865 = tpu.memref_slice %arg2[%add3A_2857, %dma_wait3A_2863, %dma_wait3A_2864] : memref<1024x256x128xf32, #tpu.memory_space<hbm>> -> memref<1x256x128xf32, #tpu.memory_space<hbm>>
      %dma_wait3A_2866 = tpu.memref_squeeze %dma_wait3A_2865 : memref<1x256x128xf32, #tpu.memory_space<hbm>> -> memref<256x128xf32, #tpu.memory_space<hbm>>
      %dma_wait3A_2867 = arith.constant 0 : i32
      %dma_wait3A_2868 = arith.constant 0 : i32
      %dma_wait3A_2869 = tpu.memref_slice %arg5[%dma_wait3A_2858, %dma_wait3A_2867, %dma_wait3A_2868] : memref<2x264x128xf32, #tpu.memory_space<vmem>> -> memref<1x256x128xf32, #tpu.memory_space<vmem>>
      %dma_wait3A_2870 = tpu.memref_squeeze %dma_wait3A_2869 : memref<1x256x128xf32, #tpu.memory_space<vmem>> -> memref<256x128xf32, #tpu.memory_space<vmem>>
      %dma_wait3A_2871 = arith.constant 0 : i32
      %dma_wait3A_2872 = arith.constant 0 : i32
      %dma_wait3A_2873 = tpu.memref_slice %arg2[%add3A_2857, %dma_wait3A_2871, %dma_wait3A_2872] : memref<1024x256x128xf32, #tpu.memory_space<hbm>> -> memref<1x256x128xf32, #tpu.memory_space<hbm>>
      %dma_wait3A_2874 = tpu.memref_squeeze %dma_wait3A_2873 : memref<1x256x128xf32, #tpu.memory_space<hbm>> -> memref<256x128xf32, #tpu.memory_space<hbm>>
      tpu.wait_dma2 semaphore(%arg10 : memref<!tpu.dma_semaphore, #tpu.memory_space<semaphore_mem>>) src(%dma_wait3A_2874 : memref<256x128xf32, #tpu.memory_space<hbm>>) dst(%dma_wait3A_2870 : memref<256x128xf32, #tpu.memory_space<vmem>>)
      %gt3A_2875 = arith.constant 0 : i32
      %gt3A_2876 = arith.cmpi sgt, %add3A_2849, %gt3A_2875 : i32
      %convert_element_type3A_2877 = arith.extui %gt3A_2876 : i1 to i32
      %cond3A_2878 = arith.constant 0 : i32
      %cond3A_2879 = arith.cmpi ne, %convert_element_type3A_2877, %cond3A_2878 : i32
      scf.if %cond3A_2879 {
        %sub3A = arith.constant 1 : i32
        %sub3A_2927 = arith.subi %add3A_2849, %sub3A : i32
        %add3A_2928 = arith.addi %mul3A_2, %sub3A_2927 : i32
        %dma_wait3A_2929 = arith.constant 0 : i32
        %dma_wait3A_2930 = arith.constant 0 : i32
        %dma_wait3A_2931 = arith.constant 0 : i32
        %dma_wait3A_2932 = tpu.memref_slice %arg6[%dma_wait3A_2929, %dma_wait3A_2930, %dma_wait3A_2931] : memref<2x128x128xf32, #tpu.memory_space<vmem>> -> memref<1x128x128xf32, #tpu.memory_space<vmem>>
        %dma_wait3A_2933 = tpu.memref_squeeze %dma_wait3A_2932 : memref<1x128x128xf32, #tpu.memory_space<vmem>> -> memref<128x128xf32, #tpu.memory_space<vmem>>
        %dma_wait3A_2934 = arith.constant 0 : i32
        %dma_wait3A_2935 = arith.constant 0 : i32
        %dma_wait3A_2936 = tpu.memref_slice %arg4[%add3A_2928, %dma_wait3A_2934, %dma_wait3A_2935] : memref<1024x256x128xf32, #tpu.memory_space<hbm>> -> memref<1x128x128xf32, #tpu.memory_space<hbm>>
        %dma_wait3A_2937 = tpu.memref_squeeze %dma_wait3A_2936 : memref<1x128x128xf32, #tpu.memory_space<hbm>> -> memref<128x128xf32, #tpu.memory_space<hbm>>
        %dma_wait3A_2938 = arith.constant 0 : i32
        %dma_wait3A_2939 = arith.constant 0 : i32
        %dma_wait3A_2940 = tpu.memref_slice %arg4[%add3A_2928, %dma_wait3A_2938, %dma_wait3A_2939] : memref<1024x256x128xf32, #tpu.memory_space<hbm>> -> memref<1x128x128xf32, #tpu.memory_space<hbm>>
        %dma_wait3A_2941 = tpu.memref_squeeze %dma_wait3A_2940 : memref<1x128x128xf32, #tpu.memory_space<hbm>> -> memref<128x128xf32, #tpu.memory_space<hbm>>
        %dma_wait3A_2942 = arith.constant 0 : i32
        %dma_wait3A_2943 = arith.constant 0 : i32
        %dma_wait3A_2944 = tpu.memref_slice %arg6[%dma_wait3A_2929, %dma_wait3A_2942, %dma_wait3A_2943] : memref<2x128x128xf32, #tpu.memory_space<vmem>> -> memref<1x128x128xf32, #tpu.memory_space<vmem>>
        %dma_wait3A_2945 = tpu.memref_squeeze %dma_wait3A_2944 : memref<1x128x128xf32, #tpu.memory_space<vmem>> -> memref<128x128xf32, #tpu.memory_space<vmem>>
        tpu.wait_dma2 semaphore(%arg11 : memref<!tpu.dma_semaphore, #tpu.memory_space<semaphore_mem>>) src(%dma_wait3A_2945 : memref<128x128xf32, #tpu.memory_space<vmem>>) dst(%dma_wait3A_2941 : memref<128x128xf32, #tpu.memory_space<hbm>>)
      } else {
      }
      %parallel_loop3A_2880 = arith.constant 0 : i32
      %parallel_loop3A_2881 = arith.constant 64 : i32
      %parallel_loop3A_2882 = arith.constant 1 : i32
      scf.for %parallel_loop3A_2927 = %parallel_loop3A_2880 to %parallel_loop3A_2881 step %parallel_loop3A_2882  : i32 {
        %parallel_loop3A_2928 = arith.constant 0 : i32
        %parallel_loop3A_2929 = arith.addi %parallel_loop3A_2928, %parallel_loop3A_2927 : i32
        %parallel_loop3A_2930 = arith.index_cast %parallel_loop3A_2929 : i32 to index
        %parallel_loop3A_2931 = memref.load %arg8[%parallel_loop3A_2930] : memref<128xi32, #tpu.memory_space<smem>>
        %parallel_loop3A_2932 = arith.constant 4 : i32
        %parallel_loop3A_2933 = arith.divsi %parallel_loop3A_2927, %parallel_loop3A_2932 : i32
        %parallel_loop3A_2934 = arith.constant 0 : i32
        %parallel_loop3A_2935 = arith.cmpi sgt, %parallel_loop3A_2927, %parallel_loop3A_2934 : i32
        %parallel_loop3A_2936 = arith.extui %parallel_loop3A_2935 : i1 to i32
        %parallel_loop3A_2937 = arith.constant 0 : i32
        %parallel_loop3A_2938 = arith.cmpi slt, %parallel_loop3A_2927, %parallel_loop3A_2937 : i32
        %parallel_loop3A_2939 = arith.extui %parallel_loop3A_2938 : i1 to i32
        %parallel_loop3A_2940 = arith.subi %parallel_loop3A_2936, %parallel_loop3A_2939 : i32
        %parallel_loop3A_2941 = arith.constant 0 : i32
        %parallel_loop3A_2942 = arith.cmpi sgt, %parallel_loop3A_2932, %parallel_loop3A_2941 : i32
        %parallel_loop3A_2943 = arith.extui %parallel_loop3A_2942 : i1 to i32
        %parallel_loop3A_2944 = arith.constant 0 : i32
        %parallel_loop3A_2945 = arith.cmpi slt, %parallel_loop3A_2932, %parallel_loop3A_2944 : i32
        %parallel_loop3A_2946 = arith.extui %parallel_loop3A_2945 : i1 to i32
        %parallel_loop3A_2947 = arith.subi %parallel_loop3A_2943, %parallel_loop3A_2946 : i32
        %parallel_loop3A_2948 = arith.cmpi ne, %parallel_loop3A_2940, %parallel_loop3A_2947 : i32
        %parallel_loop3A_2949 = arith.remsi %parallel_loop3A_2927, %parallel_loop3A_2932 : i32
        %parallel_loop3A_2950 = arith.constant 0 : i32
        %parallel_loop3A_2951 = arith.cmpi ne, %parallel_loop3A_2949, %parallel_loop3A_2950 : i32
        %parallel_loop3A_2952 = arith.andi %parallel_loop3A_2948, %parallel_loop3A_2951 : i1
        %parallel_loop3A_2953 = arith.constant 1 : i32
        %parallel_loop3A_2954 = arith.subi %parallel_loop3A_2933, %parallel_loop3A_2953 : i32
        %parallel_loop3A_2955 = arith.select %parallel_loop3A_2952, %parallel_loop3A_2954, %parallel_loop3A_2933 : i32
        %parallel_loop3A_2956 = arith.constant 4 : i32
        %parallel_loop3A_2957 = arith.muli %parallel_loop3A_2956, %parallel_loop3A_2955 : i32
        %parallel_loop3A_2958 = arith.subi %parallel_loop3A_2927, %parallel_loop3A_2957 : i32
        %parallel_loop3A_2959 = arith.constant 0 : i32
        %parallel_loop3A_2960 = arith.addi %parallel_loop3A_2931, %parallel_loop3A_2959 : i32
        %parallel_loop3A_2961 = arith.constant 8 : i32
        %parallel_loop3A_2962 = arith.muli %parallel_loop3A_2961, %parallel_loop3A_2955 : i32
        %parallel_loop3A_2963 = arith.constant 0 : i32
        %parallel_loop3A_2964 = arith.addi %parallel_loop3A_2962, %parallel_loop3A_2963 : i32
        %parallel_loop3A_2965 = arith.addi %parallel_loop3A_2964, %parallel_loop3A_2958 : i32
        %parallel_loop3A_2966 = arith.constant 1 : i32
        %parallel_loop3A_2967 = arith.index_cast %parallel_loop3A_2966 : i32 to index
        %parallel_loop3A_2968 = arith.index_cast %parallel_loop3A_2960 : i32 to index
        %parallel_loop3A_2969 = arith.constant 0 : index
        %parallel_loop3A_2970 = tpu.vector_load %arg5[%parallel_loop3A_2967, %parallel_loop3A_2968, %parallel_loop3A_2969] {strides = array<i32>} : memref<2x264x128xf32, #tpu.memory_space<vmem>>, vector<1x1x16xf32>,
        %parallel_loop3A_2971 = vector.shape_cast %parallel_loop3A_2970 : vector<1x1x16xf32> to vector<16xf32>
        %parallel_loop3A_2972 = arith.constant 0 : i32
        %parallel_loop3A_2973 = arith.index_cast %parallel_loop3A_2972 : i32 to index
        %parallel_loop3A_2974 = arith.index_cast %parallel_loop3A_2965 : i32 to index
        %parallel_loop3A_2975 = arith.constant 0 : index
        %parallel_loop3A_2976 = tpu.vector_load %arg6[%parallel_loop3A_2973, %parallel_loop3A_2974, %parallel_loop3A_2975] {strides = array<i32>} : memref<2x128x128xf32, #tpu.memory_space<vmem>>, vector<1x1x16xf32>,
        %parallel_loop3A_2977 = vector.shape_cast %parallel_loop3A_2976 : vector<1x1x16xf32> to vector<16xf32>
        %parallel_loop3A_2978 = vector.shape_cast %parallel_loop3A_2971 : vector<16xf32> to vector<1x1x16xf32>
        tpu.vector_store %arg6[%parallel_loop3A_2973, %parallel_loop3A_2974, %parallel_loop3A_2975], %parallel_loop3A_2978 {strides = array<i32>} : memref<2x128x128xf32, #tpu.memory_space<vmem>>, vector<1x1x16xf32>,
        %parallel_loop3A_2979 = arith.constant 1 : i32
        %parallel_loop3A_2980 = arith.index_cast %parallel_loop3A_2979 : i32 to index
        %parallel_loop3A_2981 = arith.index_cast %parallel_loop3A_2960 : i32 to index
        %parallel_loop3A_2982 = arith.constant 16 : index
        %parallel_loop3A_2983 = tpu.vector_load %arg5[%parallel_loop3A_2980, %parallel_loop3A_2981, %parallel_loop3A_2982] {strides = array<i32>} : memref<2x264x128xf32, #tpu.memory_space<vmem>>, vector<1x1x16xf32>,
        %parallel_loop3A_2984 = vector.shape_cast %parallel_loop3A_2983 : vector<1x1x16xf32> to vector<16xf32>
        %parallel_loop3A_2985 = arith.constant 0 : i32
        %parallel_loop3A_2986 = arith.index_cast %parallel_loop3A_2985 : i32 to index
        %parallel_loop3A_2987 = arith.index_cast %parallel_loop3A_2965 : i32 to index
        %parallel_loop3A_2988 = arith.constant 16 : index
        %parallel_loop3A_2989 = tpu.vector_load %arg6[%parallel_loop3A_2986, %parallel_loop3A_2987, %parallel_loop3A_2988] {strides = array<i32>} : memref<2x128x128xf32, #tpu.memory_space<vmem>>, vector<1x1x16xf32>,
        %parallel_loop3A_2990 = vector.shape_cast %parallel_loop3A_2989 : vector<1x1x16xf32> to vector<16xf32>
        %parallel_loop3A_2991 = vector.shape_cast %parallel_loop3A_2984 : vector<16xf32> to vector<1x1x16xf32>
        tpu.vector_store %arg6[%parallel_loop3A_2986, %parallel_loop3A_2987, %parallel_loop3A_2988], %parallel_loop3A_2991 {strides = array<i32>} : memref<2x128x128xf32, #tpu.memory_space<vmem>>, vector<1x1x16xf32>,
        %parallel_loop3A_2992 = arith.constant 1 : i32
        %parallel_loop3A_2993 = arith.index_cast %parallel_loop3A_2992 : i32 to index
        %parallel_loop3A_2994 = arith.index_cast %parallel_loop3A_2960 : i32 to index
        %parallel_loop3A_2995 = arith.constant 32 : index
        %parallel_loop3A_2996 = tpu.vector_load %arg5[%parallel_loop3A_2993, %parallel_loop3A_2994, %parallel_loop3A_2995] {strides = array<i32>} : memref<2x264x128xf32, #tpu.memory_space<vmem>>, vector<1x1x16xf32>,
        %parallel_loop3A_2997 = vector.shape_cast %parallel_loop3A_2996 : vector<1x1x16xf32> to vector<16xf32>
        %parallel_loop3A_2998 = arith.constant 0 : i32
        %parallel_loop3A_2999 = arith.index_cast %parallel_loop3A_2998 : i32 to index
        %parallel_loop3A_3000 = arith.index_cast %parallel_loop3A_2965 : i32 to index
        %parallel_loop3A_3001 = arith.constant 32 : index
        %parallel_loop3A_3002 = tpu.vector_load %arg6[%parallel_loop3A_2999, %parallel_loop3A_3000, %parallel_loop3A_3001] {strides = array<i32>} : memref<2x128x128xf32, #tpu.memory_space<vmem>>, vector<1x1x16xf32>,
        %parallel_loop3A_3003 = vector.shape_cast %parallel_loop3A_3002 : vector<1x1x16xf32> to vector<16xf32>
        %parallel_loop3A_3004 = vector.shape_cast %parallel_loop3A_2997 : vector<16xf32> to vector<1x1x16xf32>
        tpu.vector_store %arg6[%parallel_loop3A_2999, %parallel_loop3A_3000, %parallel_loop3A_3001], %parallel_loop3A_3004 {strides = array<i32>} : memref<2x128x128xf32, #tpu.memory_space<vmem>>, vector<1x1x16xf32>,
        %parallel_loop3A_3005 = arith.constant 1 : i32
        %parallel_loop3A_3006 = arith.index_cast %parallel_loop3A_3005 : i32 to index
        %parallel_loop3A_3007 = arith.index_cast %parallel_loop3A_2960 : i32 to index
        %parallel_loop3A_3008 = arith.constant 48 : index
        %parallel_loop3A_3009 = tpu.vector_load %arg5[%parallel_loop3A_3006, %parallel_loop3A_3007, %parallel_loop3A_3008] {strides = array<i32>} : memref<2x264x128xf32, #tpu.memory_space<vmem>>, vector<1x1x16xf32>,
        %parallel_loop3A_3010 = vector.shape_cast %parallel_loop3A_3009 : vector<1x1x16xf32> to vector<16xf32>
        %parallel_loop3A_3011 = arith.constant 0 : i32
        %parallel_loop3A_3012 = arith.index_cast %parallel_loop3A_3011 : i32 to index
        %parallel_loop3A_3013 = arith.index_cast %parallel_loop3A_2965 : i32 to index
        %parallel_loop3A_3014 = arith.constant 48 : index
        %parallel_loop3A_3015 = tpu.vector_load %arg6[%parallel_loop3A_3012, %parallel_loop3A_3013, %parallel_loop3A_3014] {strides = array<i32>} : memref<2x128x128xf32, #tpu.memory_space<vmem>>, vector<1x1x16xf32>,
        %parallel_loop3A_3016 = vector.shape_cast %parallel_loop3A_3015 : vector<1x1x16xf32> to vector<16xf32>
        %parallel_loop3A_3017 = vector.shape_cast %parallel_loop3A_3010 : vector<16xf32> to vector<1x1x16xf32>
        tpu.vector_store %arg6[%parallel_loop3A_3012, %parallel_loop3A_3013, %parallel_loop3A_3014], %parallel_loop3A_3017 {strides = array<i32>} : memref<2x128x128xf32, #tpu.memory_space<vmem>>, vector<1x1x16xf32>,
        %parallel_loop3A_3018 = arith.constant 1 : i32
        %parallel_loop3A_3019 = arith.index_cast %parallel_loop3A_3018 : i32 to index
        %parallel_loop3A_3020 = arith.index_cast %parallel_loop3A_2960 : i32 to index
        %parallel_loop3A_3021 = arith.constant 64 : index
        %parallel_loop3A_3022 = tpu.vector_load %arg5[%parallel_loop3A_3019, %parallel_loop3A_3020, %parallel_loop3A_3021] {strides = array<i32>} : memref<2x264x128xf32, #tpu.memory_space<vmem>>, vector<1x1x16xf32>,
        %parallel_loop3A_3023 = vector.shape_cast %parallel_loop3A_3022 : vector<1x1x16xf32> to vector<16xf32>
        %parallel_loop3A_3024 = arith.constant 0 : i32
        %parallel_loop3A_3025 = arith.index_cast %parallel_loop3A_3024 : i32 to index
        %parallel_loop3A_3026 = arith.index_cast %parallel_loop3A_2965 : i32 to index
        %parallel_loop3A_3027 = arith.constant 64 : index
        %parallel_loop3A_3028 = tpu.vector_load %arg6[%parallel_loop3A_3025, %parallel_loop3A_3026, %parallel_loop3A_3027] {strides = array<i32>} : memref<2x128x128xf32, #tpu.memory_space<vmem>>, vector<1x1x16xf32>,
        %parallel_loop3A_3029 = vector.shape_cast %parallel_loop3A_3028 : vector<1x1x16xf32> to vector<16xf32>
        %parallel_loop3A_3030 = vector.shape_cast %parallel_loop3A_3023 : vector<16xf32> to vector<1x1x16xf32>
        tpu.vector_store %arg6[%parallel_loop3A_3025, %parallel_loop3A_3026, %parallel_loop3A_3027], %parallel_loop3A_3030 {strides = array<i32>} : memref<2x128x128xf32, #tpu.memory_space<vmem>>, vector<1x1x16xf32>,
        %parallel_loop3A_3031 = arith.constant 1 : i32
        %parallel_loop3A_3032 = arith.index_cast %parallel_loop3A_3031 : i32 to index
        %parallel_loop3A_3033 = arith.index_cast %parallel_loop3A_2960 : i32 to index
        %parallel_loop3A_3034 = arith.constant 80 : index
        %parallel_loop3A_3035 = tpu.vector_load %arg5[%parallel_loop3A_3032, %parallel_loop3A_3033, %parallel_loop3A_3034] {strides = array<i32>} : memref<2x264x128xf32, #tpu.memory_space<vmem>>, vector<1x1x16xf32>,
        %parallel_loop3A_3036 = vector.shape_cast %parallel_loop3A_3035 : vector<1x1x16xf32> to vector<16xf32>
        %parallel_loop3A_3037 = arith.constant 0 : i32
        %parallel_loop3A_3038 = arith.index_cast %parallel_loop3A_3037 : i32 to index
        %parallel_loop3A_3039 = arith.index_cast %parallel_loop3A_2965 : i32 to index
        %parallel_loop3A_3040 = arith.constant 80 : index
        %parallel_loop3A_3041 = tpu.vector_load %arg6[%parallel_loop3A_3038, %parallel_loop3A_3039, %parallel_loop3A_3040] {strides = array<i32>} : memref<2x128x128xf32, #tpu.memory_space<vmem>>, vector<1x1x16xf32>,
        %parallel_loop3A_3042 = vector.shape_cast %parallel_loop3A_3041 : vector<1x1x16xf32> to vector<16xf32>
        %parallel_loop3A_3043 = vector.shape_cast %parallel_loop3A_3036 : vector<16xf32> to vector<1x1x16xf32>
        tpu.vector_store %arg6[%parallel_loop3A_3038, %parallel_loop3A_3039, %parallel_loop3A_3040], %parallel_loop3A_3043 {strides = array<i32>} : memref<2x128x128xf32, #tpu.memory_space<vmem>>, vector<1x1x16xf32>,
        %parallel_loop3A_3044 = arith.constant 1 : i32
        %parallel_loop3A_3045 = arith.index_cast %parallel_loop3A_3044 : i32 to index
        %parallel_loop3A_3046 = arith.index_cast %parallel_loop3A_2960 : i32 to index
        %parallel_loop3A_3047 = arith.constant 96 : index
        %parallel_loop3A_3048 = tpu.vector_load %arg5[%parallel_loop3A_3045, %parallel_loop3A_3046, %parallel_loop3A_3047] {strides = array<i32>} : memref<2x264x128xf32, #tpu.memory_space<vmem>>, vector<1x1x16xf32>,
        %parallel_loop3A_3049 = vector.shape_cast %parallel_loop3A_3048 : vector<1x1x16xf32> to vector<16xf32>
        %parallel_loop3A_3050 = arith.constant 0 : i32
        %parallel_loop3A_3051 = arith.index_cast %parallel_loop3A_3050 : i32 to index
        %parallel_loop3A_3052 = arith.index_cast %parallel_loop3A_2965 : i32 to index
        %parallel_loop3A_3053 = arith.constant 96 : index
        %parallel_loop3A_3054 = tpu.vector_load %arg6[%parallel_loop3A_3051, %parallel_loop3A_3052, %parallel_loop3A_3053] {strides = array<i32>} : memref<2x128x128xf32, #tpu.memory_space<vmem>>, vector<1x1x16xf32>,
        %parallel_loop3A_3055 = vector.shape_cast %parallel_loop3A_3054 : vector<1x1x16xf32> to vector<16xf32>
        %parallel_loop3A_3056 = vector.shape_cast %parallel_loop3A_3049 : vector<16xf32> to vector<1x1x16xf32>
        tpu.vector_store %arg6[%parallel_loop3A_3051, %parallel_loop3A_3052, %parallel_loop3A_3053], %parallel_loop3A_3056 {strides = array<i32>} : memref<2x128x128xf32, #tpu.memory_space<vmem>>, vector<1x1x16xf32>,
        %parallel_loop3A_3057 = arith.constant 1 : i32
        %parallel_loop3A_3058 = arith.index_cast %parallel_loop3A_3057 : i32 to index
        %parallel_loop3A_3059 = arith.index_cast %parallel_loop3A_2960 : i32 to index
        %parallel_loop3A_3060 = arith.constant 112 : index
        %parallel_loop3A_3061 = tpu.vector_load %arg5[%parallel_loop3A_3058, %parallel_loop3A_3059, %parallel_loop3A_3060] {strides = array<i32>} : memref<2x264x128xf32, #tpu.memory_space<vmem>>, vector<1x1x16xf32>,
        %parallel_loop3A_3062 = vector.shape_cast %parallel_loop3A_3061 : vector<1x1x16xf32> to vector<16xf32>
        %parallel_loop3A_3063 = arith.constant 0 : i32
        %parallel_loop3A_3064 = arith.index_cast %parallel_loop3A_3063 : i32 to index
        %parallel_loop3A_3065 = arith.index_cast %parallel_loop3A_2965 : i32 to index
        %parallel_loop3A_3066 = arith.constant 112 : index
        %parallel_loop3A_3067 = tpu.vector_load %arg6[%parallel_loop3A_3064, %parallel_loop3A_3065, %parallel_loop3A_3066] {strides = array<i32>} : memref<2x128x128xf32, #tpu.memory_space<vmem>>, vector<1x1x16xf32>,
        %parallel_loop3A_3068 = vector.shape_cast %parallel_loop3A_3067 : vector<1x1x16xf32> to vector<16xf32>
        %parallel_loop3A_3069 = vector.shape_cast %parallel_loop3A_3062 : vector<16xf32> to vector<1x1x16xf32>
        tpu.vector_store %arg6[%parallel_loop3A_3064, %parallel_loop3A_3065, %parallel_loop3A_3066], %parallel_loop3A_3069 {strides = array<i32>} : memref<2x128x128xf32, #tpu.memory_space<vmem>>, vector<1x1x16xf32>,
        %parallel_loop3A_3070 = arith.constant 4 : i32
        %parallel_loop3A_3071 = arith.addi %parallel_loop3A_2931, %parallel_loop3A_3070 : i32
        %parallel_loop3A_3072 = arith.constant 8 : i32
        %parallel_loop3A_3073 = arith.muli %parallel_loop3A_3072, %parallel_loop3A_2955 : i32
        %parallel_loop3A_3074 = arith.constant 4 : i32
        %parallel_loop3A_3075 = arith.addi %parallel_loop3A_3073, %parallel_loop3A_3074 : i32
        %parallel_loop3A_3076 = arith.addi %parallel_loop3A_3075, %parallel_loop3A_2958 : i32
        %parallel_loop3A_3077 = arith.constant 1 : i32
        %parallel_loop3A_3078 = arith.index_cast %parallel_loop3A_3077 : i32 to index
        %parallel_loop3A_3079 = arith.index_cast %parallel_loop3A_3071 : i32 to index
        %parallel_loop3A_3080 = arith.constant 0 : index
        %parallel_loop3A_3081 = tpu.vector_load %arg5[%parallel_loop3A_3078, %parallel_loop3A_3079, %parallel_loop3A_3080] {strides = array<i32>} : memref<2x264x128xf32, #tpu.memory_space<vmem>>, vector<1x1x16xf32>,
        %parallel_loop3A_3082 = vector.shape_cast %parallel_loop3A_3081 : vector<1x1x16xf32> to vector<16xf32>
        %parallel_loop3A_3083 = arith.constant 0 : i32
        %parallel_loop3A_3084 = arith.index_cast %parallel_loop3A_3083 : i32 to index
        %parallel_loop3A_3085 = arith.index_cast %parallel_loop3A_3076 : i32 to index
        %parallel_loop3A_3086 = arith.constant 0 : index
        %parallel_loop3A_3087 = tpu.vector_load %arg6[%parallel_loop3A_3084, %parallel_loop3A_3085, %parallel_loop3A_3086] {strides = array<i32>} : memref<2x128x128xf32, #tpu.memory_space<vmem>>, vector<1x1x16xf32>,
        %parallel_loop3A_3088 = vector.shape_cast %parallel_loop3A_3087 : vector<1x1x16xf32> to vector<16xf32>
        %parallel_loop3A_3089 = vector.shape_cast %parallel_loop3A_3082 : vector<16xf32> to vector<1x1x16xf32>
        tpu.vector_store %arg6[%parallel_loop3A_3084, %parallel_loop3A_3085, %parallel_loop3A_3086], %parallel_loop3A_3089 {strides = array<i32>} : memref<2x128x128xf32, #tpu.memory_space<vmem>>, vector<1x1x16xf32>,
        %parallel_loop3A_3090 = arith.constant 1 : i32
        %parallel_loop3A_3091 = arith.index_cast %parallel_loop3A_3090 : i32 to index
        %parallel_loop3A_3092 = arith.index_cast %parallel_loop3A_3071 : i32 to index
        %parallel_loop3A_3093 = arith.constant 16 : index
        %parallel_loop3A_3094 = tpu.vector_load %arg5[%parallel_loop3A_3091, %parallel_loop3A_3092, %parallel_loop3A_3093] {strides = array<i32>} : memref<2x264x128xf32, #tpu.memory_space<vmem>>, vector<1x1x16xf32>,
        %parallel_loop3A_3095 = vector.shape_cast %parallel_loop3A_3094 : vector<1x1x16xf32> to vector<16xf32>
        %parallel_loop3A_3096 = arith.constant 0 : i32
        %parallel_loop3A_3097 = arith.index_cast %parallel_loop3A_3096 : i32 to index
        %parallel_loop3A_3098 = arith.index_cast %parallel_loop3A_3076 : i32 to index
        %parallel_loop3A_3099 = arith.constant 16 : index
        %parallel_loop3A_3100 = tpu.vector_load %arg6[%parallel_loop3A_3097, %parallel_loop3A_3098, %parallel_loop3A_3099] {strides = array<i32>} : memref<2x128x128xf32, #tpu.memory_space<vmem>>, vector<1x1x16xf32>,
        %parallel_loop3A_3101 = vector.shape_cast %parallel_loop3A_3100 : vector<1x1x16xf32> to vector<16xf32>
        %parallel_loop3A_3102 = vector.shape_cast %parallel_loop3A_3095 : vector<16xf32> to vector<1x1x16xf32>
        tpu.vector_store %arg6[%parallel_loop3A_3097, %parallel_loop3A_3098, %parallel_loop3A_3099], %parallel_loop3A_3102 {strides = array<i32>} : memref<2x128x128xf32, #tpu.memory_space<vmem>>, vector<1x1x16xf32>,
        %parallel_loop3A_3103 = arith.constant 1 : i32
        %parallel_loop3A_3104 = arith.index_cast %parallel_loop3A_3103 : i32 to index
        %parallel_loop3A_3105 = arith.index_cast %parallel_loop3A_3071 : i32 to index
        %parallel_loop3A_3106 = arith.constant 32 : index
        %parallel_loop3A_3107 = tpu.vector_load %arg5[%parallel_loop3A_3104, %parallel_loop3A_3105, %parallel_loop3A_3106] {strides = array<i32>} : memref<2x264x128xf32, #tpu.memory_space<vmem>>, vector<1x1x16xf32>,
        %parallel_loop3A_3108 = vector.shape_cast %parallel_loop3A_3107 : vector<1x1x16xf32> to vector<16xf32>
        %parallel_loop3A_3109 = arith.constant 0 : i32
        %parallel_loop3A_3110 = arith.index_cast %parallel_loop3A_3109 : i32 to index
        %parallel_loop3A_3111 = arith.index_cast %parallel_loop3A_3076 : i32 to index
        %parallel_loop3A_3112 = arith.constant 32 : index
        %parallel_loop3A_3113 = tpu.vector_load %arg6[%parallel_loop3A_3110, %parallel_loop3A_3111, %parallel_loop3A_3112] {strides = array<i32>} : memref<2x128x128xf32, #tpu.memory_space<vmem>>, vector<1x1x16xf32>,
        %parallel_loop3A_3114 = vector.shape_cast %parallel_loop3A_3113 : vector<1x1x16xf32> to vector<16xf32>
        %parallel_loop3A_3115 = vector.shape_cast %parallel_loop3A_3108 : vector<16xf32> to vector<1x1x16xf32>
        tpu.vector_store %arg6[%parallel_loop3A_3110, %parallel_loop3A_3111, %parallel_loop3A_3112], %parallel_loop3A_3115 {strides = array<i32>} : memref<2x128x128xf32, #tpu.memory_space<vmem>>, vector<1x1x16xf32>,
        %parallel_loop3A_3116 = arith.constant 1 : i32
        %parallel_loop3A_3117 = arith.index_cast %parallel_loop3A_3116 : i32 to index
        %parallel_loop3A_3118 = arith.index_cast %parallel_loop3A_3071 : i32 to index
        %parallel_loop3A_3119 = arith.constant 48 : index
        %parallel_loop3A_3120 = tpu.vector_load %arg5[%parallel_loop3A_3117, %parallel_loop3A_3118, %parallel_loop3A_3119] {strides = array<i32>} : memref<2x264x128xf32, #tpu.memory_space<vmem>>, vector<1x1x16xf32>,
        %parallel_loop3A_3121 = vector.shape_cast %parallel_loop3A_3120 : vector<1x1x16xf32> to vector<16xf32>
        %parallel_loop3A_3122 = arith.constant 0 : i32
        %parallel_loop3A_3123 = arith.index_cast %parallel_loop3A_3122 : i32 to index
        %parallel_loop3A_3124 = arith.index_cast %parallel_loop3A_3076 : i32 to index
        %parallel_loop3A_3125 = arith.constant 48 : index
        %parallel_loop3A_3126 = tpu.vector_load %arg6[%parallel_loop3A_3123, %parallel_loop3A_3124, %parallel_loop3A_3125] {strides = array<i32>} : memref<2x128x128xf32, #tpu.memory_space<vmem>>, vector<1x1x16xf32>,
        %parallel_loop3A_3127 = vector.shape_cast %parallel_loop3A_3126 : vector<1x1x16xf32> to vector<16xf32>
        %parallel_loop3A_3128 = vector.shape_cast %parallel_loop3A_3121 : vector<16xf32> to vector<1x1x16xf32>
        tpu.vector_store %arg6[%parallel_loop3A_3123, %parallel_loop3A_3124, %parallel_loop3A_3125], %parallel_loop3A_3128 {strides = array<i32>} : memref<2x128x128xf32, #tpu.memory_space<vmem>>, vector<1x1x16xf32>,
        %parallel_loop3A_3129 = arith.constant 1 : i32
        %parallel_loop3A_3130 = arith.index_cast %parallel_loop3A_3129 : i32 to index
        %parallel_loop3A_3131 = arith.index_cast %parallel_loop3A_3071 : i32 to index
        %parallel_loop3A_3132 = arith.constant 64 : index
        %parallel_loop3A_3133 = tpu.vector_load %arg5[%parallel_loop3A_3130, %parallel_loop3A_3131, %parallel_loop3A_3132] {strides = array<i32>} : memref<2x264x128xf32, #tpu.memory_space<vmem>>, vector<1x1x16xf32>,
        %parallel_loop3A_3134 = vector.shape_cast %parallel_loop3A_3133 : vector<1x1x16xf32> to vector<16xf32>
        %parallel_loop3A_3135 = arith.constant 0 : i32
        %parallel_loop3A_3136 = arith.index_cast %parallel_loop3A_3135 : i32 to index
        %parallel_loop3A_3137 = arith.index_cast %parallel_loop3A_3076 : i32 to index
        %parallel_loop3A_3138 = arith.constant 64 : index
        %parallel_loop3A_3139 = tpu.vector_load %arg6[%parallel_loop3A_3136, %parallel_loop3A_3137, %parallel_loop3A_3138] {strides = array<i32>} : memref<2x128x128xf32, #tpu.memory_space<vmem>>, vector<1x1x16xf32>,
        %parallel_loop3A_3140 = vector.shape_cast %parallel_loop3A_3139 : vector<1x1x16xf32> to vector<16xf32>
        %parallel_loop3A_3141 = vector.shape_cast %parallel_loop3A_3134 : vector<16xf32> to vector<1x1x16xf32>
        tpu.vector_store %arg6[%parallel_loop3A_3136, %parallel_loop3A_3137, %parallel_loop3A_3138], %parallel_loop3A_3141 {strides = array<i32>} : memref<2x128x128xf32, #tpu.memory_space<vmem>>, vector<1x1x16xf32>,
        %parallel_loop3A_3142 = arith.constant 1 : i32
        %parallel_loop3A_3143 = arith.index_cast %parallel_loop3A_3142 : i32 to index
        %parallel_loop3A_3144 = arith.index_cast %parallel_loop3A_3071 : i32 to index
        %parallel_loop3A_3145 = arith.constant 80 : index
        %parallel_loop3A_3146 = tpu.vector_load %arg5[%parallel_loop3A_3143, %parallel_loop3A_3144, %parallel_loop3A_3145] {strides = array<i32>} : memref<2x264x128xf32, #tpu.memory_space<vmem>>, vector<1x1x16xf32>,
        %parallel_loop3A_3147 = vector.shape_cast %parallel_loop3A_3146 : vector<1x1x16xf32> to vector<16xf32>
        %parallel_loop3A_3148 = arith.constant 0 : i32
        %parallel_loop3A_3149 = arith.index_cast %parallel_loop3A_3148 : i32 to index
        %parallel_loop3A_3150 = arith.index_cast %parallel_loop3A_3076 : i32 to index
        %parallel_loop3A_3151 = arith.constant 80 : index
        %parallel_loop3A_3152 = tpu.vector_load %arg6[%parallel_loop3A_3149, %parallel_loop3A_3150, %parallel_loop3A_3151] {strides = array<i32>} : memref<2x128x128xf32, #tpu.memory_space<vmem>>, vector<1x1x16xf32>,
        %parallel_loop3A_3153 = vector.shape_cast %parallel_loop3A_3152 : vector<1x1x16xf32> to vector<16xf32>
        %parallel_loop3A_3154 = vector.shape_cast %parallel_loop3A_3147 : vector<16xf32> to vector<1x1x16xf32>
        tpu.vector_store %arg6[%parallel_loop3A_3149, %parallel_loop3A_3150, %parallel_loop3A_3151], %parallel_loop3A_3154 {strides = array<i32>} : memref<2x128x128xf32, #tpu.memory_space<vmem>>, vector<1x1x16xf32>,
        %parallel_loop3A_3155 = arith.constant 1 : i32
        %parallel_loop3A_3156 = arith.index_cast %parallel_loop3A_3155 : i32 to index
        %parallel_loop3A_3157 = arith.index_cast %parallel_loop3A_3071 : i32 to index
        %parallel_loop3A_3158 = arith.constant 96 : index
        %parallel_loop3A_3159 = tpu.vector_load %arg5[%parallel_loop3A_3156, %parallel_loop3A_3157, %parallel_loop3A_3158] {strides = array<i32>} : memref<2x264x128xf32, #tpu.memory_space<vmem>>, vector<1x1x16xf32>,
        %parallel_loop3A_3160 = vector.shape_cast %parallel_loop3A_3159 : vector<1x1x16xf32> to vector<16xf32>
        %parallel_loop3A_3161 = arith.constant 0 : i32
        %parallel_loop3A_3162 = arith.index_cast %parallel_loop3A_3161 : i32 to index
        %parallel_loop3A_3163 = arith.index_cast %parallel_loop3A_3076 : i32 to index
        %parallel_loop3A_3164 = arith.constant 96 : index
        %parallel_loop3A_3165 = tpu.vector_load %arg6[%parallel_loop3A_3162, %parallel_loop3A_3163, %parallel_loop3A_3164] {strides = array<i32>} : memref<2x128x128xf32, #tpu.memory_space<vmem>>, vector<1x1x16xf32>,
        %parallel_loop3A_3166 = vector.shape_cast %parallel_loop3A_3165 : vector<1x1x16xf32> to vector<16xf32>
        %parallel_loop3A_3167 = vector.shape_cast %parallel_loop3A_3160 : vector<16xf32> to vector<1x1x16xf32>
        tpu.vector_store %arg6[%parallel_loop3A_3162, %parallel_loop3A_3163, %parallel_loop3A_3164], %parallel_loop3A_3167 {strides = array<i32>} : memref<2x128x128xf32, #tpu.memory_space<vmem>>, vector<1x1x16xf32>,
        %parallel_loop3A_3168 = arith.constant 1 : i32
        %parallel_loop3A_3169 = arith.index_cast %parallel_loop3A_3168 : i32 to index
        %parallel_loop3A_3170 = arith.index_cast %parallel_loop3A_3071 : i32 to index
        %parallel_loop3A_3171 = arith.constant 112 : index
        %parallel_loop3A_3172 = tpu.vector_load %arg5[%parallel_loop3A_3169, %parallel_loop3A_3170, %parallel_loop3A_3171] {strides = array<i32>} : memref<2x264x128xf32, #tpu.memory_space<vmem>>, vector<1x1x16xf32>,
        %parallel_loop3A_3173 = vector.shape_cast %parallel_loop3A_3172 : vector<1x1x16xf32> to vector<16xf32>
        %parallel_loop3A_3174 = arith.constant 0 : i32
        %parallel_loop3A_3175 = arith.index_cast %parallel_loop3A_3174 : i32 to index
        %parallel_loop3A_3176 = arith.index_cast %parallel_loop3A_3076 : i32 to index
        %parallel_loop3A_3177 = arith.constant 112 : index
        %parallel_loop3A_3178 = tpu.vector_load %arg6[%parallel_loop3A_3175, %parallel_loop3A_3176, %parallel_loop3A_3177] {strides = array<i32>} : memref<2x128x128xf32, #tpu.memory_space<vmem>>, vector<1x1x16xf32>,
        %parallel_loop3A_3179 = vector.shape_cast %parallel_loop3A_3178 : vector<1x1x16xf32> to vector<16xf32>
        %parallel_loop3A_3180 = vector.shape_cast %parallel_loop3A_3173 : vector<16xf32> to vector<1x1x16xf32>
        tpu.vector_store %arg6[%parallel_loop3A_3175, %parallel_loop3A_3176, %parallel_loop3A_3177], %parallel_loop3A_3180 {strides = array<i32>} : memref<2x128x128xf32, #tpu.memory_space<vmem>>, vector<1x1x16xf32>,
      } {sc.loop_unroll_factor = 4 : i64, sc.parallel_access}
      %add3A_2883 = arith.addi %mul3A_2, %add3A_2849 : i32
      %dma_start3A_2884 = arith.constant 0 : i32
      %dma_start3A_2885 = arith.constant 0 : i32
      %dma_start3A_2886 = arith.constant 0 : i32
      %dma_start3A_2887 = tpu.memref_slice %arg6[%dma_start3A_2884, %dma_start3A_2885, %dma_start3A_2886] : memref<2x128x128xf32, #tpu.memory_space<vmem>> -> memref<1x128x128xf32, #tpu.memory_space<vmem>>
      %dma_start3A_2888 = tpu.memref_squeeze %dma_start3A_2887 : memref<1x128x128xf32, #tpu.memory_space<vmem>> -> memref<128x128xf32, #tpu.memory_space<vmem>>
      %dma_start3A_2889 = arith.constant 0 : i32
      %dma_start3A_2890 = arith.constant 0 : i32
      %dma_start3A_2891 = tpu.memref_slice %arg4[%add3A_2883, %dma_start3A_2889, %dma_start3A_2890] : memref<1024x256x128xf32, #tpu.memory_space<hbm>> -> memref<1x128x128xf32, #tpu.memory_space<hbm>>
      %dma_start3A_2892 = tpu.memref_squeeze %dma_start3A_2891 : memref<1x128x128xf32, #tpu.memory_space<hbm>> -> memref<128x128xf32, #tpu.memory_space<hbm>>
      %dma_start3A_2893 = arith.constant 0 : i32
      %dma_start3A_2894 = arith.constant 0 : i32
      %dma_start3A_2895 = tpu.memref_slice %arg4[%add3A_2883, %dma_start3A_2893, %dma_start3A_2894] : memref<1024x256x128xf32, #tpu.memory_space<hbm>> -> memref<1x128x128xf32, #tpu.memory_space<hbm>>
      %dma_start3A_2896 = tpu.memref_squeeze %dma_start3A_2895 : memref<1x128x128xf32, #tpu.memory_space<hbm>> -> memref<128x128xf32, #tpu.memory_space<hbm>>
      %dma_start3A_2897 = arith.constant 0 : i32
      %dma_start3A_2898 = arith.constant 0 : i32
      %dma_start3A_2899 = tpu.memref_slice %arg6[%dma_start3A_2884, %dma_start3A_2897, %dma_start3A_2898] : memref<2x128x128xf32, #tpu.memory_space<vmem>> -> memref<1x128x128xf32, #tpu.memory_space<vmem>>
      %dma_start3A_2900 = tpu.memref_squeeze %dma_start3A_2899 : memref<1x128x128xf32, #tpu.memory_space<vmem>> -> memref<128x128xf32, #tpu.memory_space<vmem>>
      tpu.enqueue_dma source(%dma_start3A_2900 : memref<128x128xf32, #tpu.memory_space<vmem>>) target(%dma_start3A_2896 : memref<128x128xf32, #tpu.memory_space<hbm>>) target_semaphore(%arg11 : memref<!tpu.dma_semaphore, #tpu.memory_space<semaphore_mem>>)
      %gt3A_2901 = arith.constant 0 : i32
      %gt3A_2902 = arith.cmpi sgt, %add3A_2849, %gt3A_2901 : i32
      %convert_element_type3A_2903 = arith.extui %gt3A_2902 : i1 to i32
      %cond3A_2904 = arith.constant 0 : i32
      %cond3A_2905 = arith.cmpi ne, %convert_element_type3A_2903, %cond3A_2904 : i32
      scf.if %cond3A_2905 {
        %sub3A = arith.constant 1 : i32
        %sub3A_2927 = arith.subi %add3A_2849, %sub3A : i32
        %add3A_2928 = arith.addi %mul3A_2, %sub3A_2927 : i32
        %dma_wait3A_2929 = arith.constant 1 : i32
        %dma_wait3A_2930 = arith.constant 0 : i32
        %dma_wait3A_2931 = arith.constant 0 : i32
        %dma_wait3A_2932 = tpu.memref_slice %arg6[%dma_wait3A_2929, %dma_wait3A_2930, %dma_wait3A_2931] : memref<2x128x128xf32, #tpu.memory_space<vmem>> -> memref<1x128x128xf32, #tpu.memory_space<vmem>>
        %dma_wait3A_2933 = tpu.memref_squeeze %dma_wait3A_2932 : memref<1x128x128xf32, #tpu.memory_space<vmem>> -> memref<128x128xf32, #tpu.memory_space<vmem>>
        %dma_wait3A_2934 = arith.constant 128 : i32
        %dma_wait3A_2935 = arith.constant 0 : i32
        %dma_wait3A_2936 = tpu.memref_slice %arg4[%add3A_2928, %dma_wait3A_2934, %dma_wait3A_2935] : memref<1024x256x128xf32, #tpu.memory_space<hbm>> -> memref<1x128x128xf32, #tpu.memory_space<hbm>>
        %dma_wait3A_2937 = tpu.memref_squeeze %dma_wait3A_2936 : memref<1x128x128xf32, #tpu.memory_space<hbm>> -> memref<128x128xf32, #tpu.memory_space<hbm>>
        %dma_wait3A_2938 = arith.constant 128 : i32
        %dma_wait3A_2939 = arith.constant 0 : i32
        %dma_wait3A_2940 = tpu.memref_slice %arg4[%add3A_2928, %dma_wait3A_2938, %dma_wait3A_2939] : memref<1024x256x128xf32, #tpu.memory_space<hbm>> -> memref<1x128x128xf32, #tpu.memory_space<hbm>>
        %dma_wait3A_2941 = tpu.memref_squeeze %dma_wait3A_2940 : memref<1x128x128xf32, #tpu.memory_space<hbm>> -> memref<128x128xf32, #tpu.memory_space<hbm>>
        %dma_wait3A_2942 = arith.constant 0 : i32
        %dma_wait3A_2943 = arith.constant 0 : i32
        %dma_wait3A_2944 = tpu.memref_slice %arg6[%dma_wait3A_2929, %dma_wait3A_2942, %dma_wait3A_2943] : memref<2x128x128xf32, #tpu.memory_space<vmem>> -> memref<1x128x128xf32, #tpu.memory_space<vmem>>
        %dma_wait3A_2945 = tpu.memref_squeeze %dma_wait3A_2944 : memref<1x128x128xf32, #tpu.memory_space<vmem>> -> memref<128x128xf32, #tpu.memory_space<vmem>>
        tpu.wait_dma2 semaphore(%arg12 : memref<!tpu.dma_semaphore, #tpu.memory_space<semaphore_mem>>) src(%dma_wait3A_2945 : memref<128x128xf32, #tpu.memory_space<vmem>>) dst(%dma_wait3A_2941 : memref<128x128xf32, #tpu.memory_space<hbm>>)
      } else {
      }
      %parallel_loop3A_2906 = arith.constant 0 : i32
      %parallel_loop3A_2907 = arith.constant 64 : i32
      %parallel_loop3A_2908 = arith.constant 1 : i32
      scf.for %parallel_loop3A_2927 = %parallel_loop3A_2906 to %parallel_loop3A_2907 step %parallel_loop3A_2908  : i32 {
        %parallel_loop3A_2928 = arith.constant 64 : i32
        %parallel_loop3A_2929 = arith.addi %parallel_loop3A_2928, %parallel_loop3A_2927 : i32
        %parallel_loop3A_2930 = arith.index_cast %parallel_loop3A_2929 : i32 to index
        %parallel_loop3A_2931 = memref.load %arg8[%parallel_loop3A_2930] : memref<128xi32, #tpu.memory_space<smem>>
        %parallel_loop3A_2932 = arith.constant 4 : i32
        %parallel_loop3A_2933 = arith.divsi %parallel_loop3A_2927, %parallel_loop3A_2932 : i32
        %parallel_loop3A_2934 = arith.constant 0 : i32
        %parallel_loop3A_2935 = arith.cmpi sgt, %parallel_loop3A_2927, %parallel_loop3A_2934 : i32
        %parallel_loop3A_2936 = arith.extui %parallel_loop3A_2935 : i1 to i32
        %parallel_loop3A_2937 = arith.constant 0 : i32
        %parallel_loop3A_2938 = arith.cmpi slt, %parallel_loop3A_2927, %parallel_loop3A_2937 : i32
        %parallel_loop3A_2939 = arith.extui %parallel_loop3A_2938 : i1 to i32
        %parallel_loop3A_2940 = arith.subi %parallel_loop3A_2936, %parallel_loop3A_2939 : i32
        %parallel_loop3A_2941 = arith.constant 0 : i32
        %parallel_loop3A_2942 = arith.cmpi sgt, %parallel_loop3A_2932, %parallel_loop3A_2941 : i32
        %parallel_loop3A_2943 = arith.extui %parallel_loop3A_2942 : i1 to i32
        %parallel_loop3A_2944 = arith.constant 0 : i32
        %parallel_loop3A_2945 = arith.cmpi slt, %parallel_loop3A_2932, %parallel_loop3A_2944 : i32
        %parallel_loop3A_2946 = arith.extui %parallel_loop3A_2945 : i1 to i32
        %parallel_loop3A_2947 = arith.subi %parallel_loop3A_2943, %parallel_loop3A_2946 : i32
        %parallel_loop3A_2948 = arith.cmpi ne, %parallel_loop3A_2940, %parallel_loop3A_2947 : i32
        %parallel_loop3A_2949 = arith.remsi %parallel_loop3A_2927, %parallel_loop3A_2932 : i32
        %parallel_loop3A_2950 = arith.constant 0 : i32
        %parallel_loop3A_2951 = arith.cmpi ne, %parallel_loop3A_2949, %parallel_loop3A_2950 : i32
        %parallel_loop3A_2952 = arith.andi %parallel_loop3A_2948, %parallel_loop3A_2951 : i1
        %parallel_loop3A_2953 = arith.constant 1 : i32
        %parallel_loop3A_2954 = arith.subi %parallel_loop3A_2933, %parallel_loop3A_2953 : i32
        %parallel_loop3A_2955 = arith.select %parallel_loop3A_2952, %parallel_loop3A_2954, %parallel_loop3A_2933 : i32
        %parallel_loop3A_2956 = arith.constant 4 : i32
        %parallel_loop3A_2957 = arith.muli %parallel_loop3A_2956, %parallel_loop3A_2955 : i32
        %parallel_loop3A_2958 = arith.subi %parallel_loop3A_2927, %parallel_loop3A_2957 : i32
        %parallel_loop3A_2959 = arith.constant 0 : i32
        %parallel_loop3A_2960 = arith.addi %parallel_loop3A_2931, %parallel_loop3A_2959 : i32
        %parallel_loop3A_2961 = arith.constant 8 : i32
        %parallel_loop3A_2962 = arith.muli %parallel_loop3A_2961, %parallel_loop3A_2955 : i32
        %parallel_loop3A_2963 = arith.constant 0 : i32
        %parallel_loop3A_2964 = arith.addi %parallel_loop3A_2962, %parallel_loop3A_2963 : i32
        %parallel_loop3A_2965 = arith.addi %parallel_loop3A_2964, %parallel_loop3A_2958 : i32
        %parallel_loop3A_2966 = arith.constant 1 : i32
        %parallel_loop3A_2967 = arith.index_cast %parallel_loop3A_2966 : i32 to index
        %parallel_loop3A_2968 = arith.index_cast %parallel_loop3A_2960 : i32 to index
        %parallel_loop3A_2969 = arith.constant 0 : index
        %parallel_loop3A_2970 = tpu.vector_load %arg5[%parallel_loop3A_2967, %parallel_loop3A_2968, %parallel_loop3A_2969] {strides = array<i32>} : memref<2x264x128xf32, #tpu.memory_space<vmem>>, vector<1x1x16xf32>,
        %parallel_loop3A_2971 = vector.shape_cast %parallel_loop3A_2970 : vector<1x1x16xf32> to vector<16xf32>
        %parallel_loop3A_2972 = arith.constant 1 : i32
        %parallel_loop3A_2973 = arith.index_cast %parallel_loop3A_2972 : i32 to index
        %parallel_loop3A_2974 = arith.index_cast %parallel_loop3A_2965 : i32 to index
        %parallel_loop3A_2975 = arith.constant 0 : index
        %parallel_loop3A_2976 = tpu.vector_load %arg6[%parallel_loop3A_2973, %parallel_loop3A_2974, %parallel_loop3A_2975] {strides = array<i32>} : memref<2x128x128xf32, #tpu.memory_space<vmem>>, vector<1x1x16xf32>,
        %parallel_loop3A_2977 = vector.shape_cast %parallel_loop3A_2976 : vector<1x1x16xf32> to vector<16xf32>
        %parallel_loop3A_2978 = vector.shape_cast %parallel_loop3A_2971 : vector<16xf32> to vector<1x1x16xf32>
        tpu.vector_store %arg6[%parallel_loop3A_2973, %parallel_loop3A_2974, %parallel_loop3A_2975], %parallel_loop3A_2978 {strides = array<i32>} : memref<2x128x128xf32, #tpu.memory_space<vmem>>, vector<1x1x16xf32>,
        %parallel_loop3A_2979 = arith.constant 1 : i32
        %parallel_loop3A_2980 = arith.index_cast %parallel_loop3A_2979 : i32 to index
        %parallel_loop3A_2981 = arith.index_cast %parallel_loop3A_2960 : i32 to index
        %parallel_loop3A_2982 = arith.constant 16 : index
        %parallel_loop3A_2983 = tpu.vector_load %arg5[%parallel_loop3A_2980, %parallel_loop3A_2981, %parallel_loop3A_2982] {strides = array<i32>} : memref<2x264x128xf32, #tpu.memory_space<vmem>>, vector<1x1x16xf32>,
        %parallel_loop3A_2984 = vector.shape_cast %parallel_loop3A_2983 : vector<1x1x16xf32> to vector<16xf32>
        %parallel_loop3A_2985 = arith.constant 1 : i32
        %parallel_loop3A_2986 = arith.index_cast %parallel_loop3A_2985 : i32 to index
        %parallel_loop3A_2987 = arith.index_cast %parallel_loop3A_2965 : i32 to index
        %parallel_loop3A_2988 = arith.constant 16 : index
        %parallel_loop3A_2989 = tpu.vector_load %arg6[%parallel_loop3A_2986, %parallel_loop3A_2987, %parallel_loop3A_2988] {strides = array<i32>} : memref<2x128x128xf32, #tpu.memory_space<vmem>>, vector<1x1x16xf32>,
        %parallel_loop3A_2990 = vector.shape_cast %parallel_loop3A_2989 : vector<1x1x16xf32> to vector<16xf32>
        %parallel_loop3A_2991 = vector.shape_cast %parallel_loop3A_2984 : vector<16xf32> to vector<1x1x16xf32>
        tpu.vector_store %arg6[%parallel_loop3A_2986, %parallel_loop3A_2987, %parallel_loop3A_2988], %parallel_loop3A_2991 {strides = array<i32>} : memref<2x128x128xf32, #tpu.memory_space<vmem>>, vector<1x1x16xf32>,
        %parallel_loop3A_2992 = arith.constant 1 : i32
        %parallel_loop3A_2993 = arith.index_cast %parallel_loop3A_2992 : i32 to index
        %parallel_loop3A_2994 = arith.index_cast %parallel_loop3A_2960 : i32 to index
        %parallel_loop3A_2995 = arith.constant 32 : index
        %parallel_loop3A_2996 = tpu.vector_load %arg5[%parallel_loop3A_2993, %parallel_loop3A_2994, %parallel_loop3A_2995] {strides = array<i32>} : memref<2x264x128xf32, #tpu.memory_space<vmem>>, vector<1x1x16xf32>,
        %parallel_loop3A_2997 = vector.shape_cast %parallel_loop3A_2996 : vector<1x1x16xf32> to vector<16xf32>
        %parallel_loop3A_2998 = arith.constant 1 : i32
        %parallel_loop3A_2999 = arith.index_cast %parallel_loop3A_2998 : i32 to index
        %parallel_loop3A_3000 = arith.index_cast %parallel_loop3A_2965 : i32 to index
        %parallel_loop3A_3001 = arith.constant 32 : index
        %parallel_loop3A_3002 = tpu.vector_load %arg6[%parallel_loop3A_2999, %parallel_loop3A_3000, %parallel_loop3A_3001] {strides = array<i32>} : memref<2x128x128xf32, #tpu.memory_space<vmem>>, vector<1x1x16xf32>,
        %parallel_loop3A_3003 = vector.shape_cast %parallel_loop3A_3002 : vector<1x1x16xf32> to vector<16xf32>
        %parallel_loop3A_3004 = vector.shape_cast %parallel_loop3A_2997 : vector<16xf32> to vector<1x1x16xf32>
        tpu.vector_store %arg6[%parallel_loop3A_2999, %parallel_loop3A_3000, %parallel_loop3A_3001], %parallel_loop3A_3004 {strides = array<i32>} : memref<2x128x128xf32, #tpu.memory_space<vmem>>, vector<1x1x16xf32>,
        %parallel_loop3A_3005 = arith.constant 1 : i32
        %parallel_loop3A_3006 = arith.index_cast %parallel_loop3A_3005 : i32 to index
        %parallel_loop3A_3007 = arith.index_cast %parallel_loop3A_2960 : i32 to index
        %parallel_loop3A_3008 = arith.constant 48 : index
        %parallel_loop3A_3009 = tpu.vector_load %arg5[%parallel_loop3A_3006, %parallel_loop3A_3007, %parallel_loop3A_3008] {strides = array<i32>} : memref<2x264x128xf32, #tpu.memory_space<vmem>>, vector<1x1x16xf32>,
        %parallel_loop3A_3010 = vector.shape_cast %parallel_loop3A_3009 : vector<1x1x16xf32> to vector<16xf32>
        %parallel_loop3A_3011 = arith.constant 1 : i32
        %parallel_loop3A_3012 = arith.index_cast %parallel_loop3A_3011 : i32 to index
        %parallel_loop3A_3013 = arith.index_cast %parallel_loop3A_2965 : i32 to index
        %parallel_loop3A_3014 = arith.constant 48 : index
        %parallel_loop3A_3015 = tpu.vector_load %arg6[%parallel_loop3A_3012, %parallel_loop3A_3013, %parallel_loop3A_3014] {strides = array<i32>} : memref<2x128x128xf32, #tpu.memory_space<vmem>>, vector<1x1x16xf32>,
        %parallel_loop3A_3016 = vector.shape_cast %parallel_loop3A_3015 : vector<1x1x16xf32> to vector<16xf32>
        %parallel_loop3A_3017 = vector.shape_cast %parallel_loop3A_3010 : vector<16xf32> to vector<1x1x16xf32>
        tpu.vector_store %arg6[%parallel_loop3A_3012, %parallel_loop3A_3013, %parallel_loop3A_3014], %parallel_loop3A_3017 {strides = array<i32>} : memref<2x128x128xf32, #tpu.memory_space<vmem>>, vector<1x1x16xf32>,
        %parallel_loop3A_3018 = arith.constant 1 : i32
        %parallel_loop3A_3019 = arith.index_cast %parallel_loop3A_3018 : i32 to index
        %parallel_loop3A_3020 = arith.index_cast %parallel_loop3A_2960 : i32 to index
        %parallel_loop3A_3021 = arith.constant 64 : index
        %parallel_loop3A_3022 = tpu.vector_load %arg5[%parallel_loop3A_3019, %parallel_loop3A_3020, %parallel_loop3A_3021] {strides = array<i32>} : memref<2x264x128xf32, #tpu.memory_space<vmem>>, vector<1x1x16xf32>,
        %parallel_loop3A_3023 = vector.shape_cast %parallel_loop3A_3022 : vector<1x1x16xf32> to vector<16xf32>
        %parallel_loop3A_3024 = arith.constant 1 : i32
        %parallel_loop3A_3025 = arith.index_cast %parallel_loop3A_3024 : i32 to index
        %parallel_loop3A_3026 = arith.index_cast %parallel_loop3A_2965 : i32 to index
        %parallel_loop3A_3027 = arith.constant 64 : index
        %parallel_loop3A_3028 = tpu.vector_load %arg6[%parallel_loop3A_3025, %parallel_loop3A_3026, %parallel_loop3A_3027] {strides = array<i32>} : memref<2x128x128xf32, #tpu.memory_space<vmem>>, vector<1x1x16xf32>,
        %parallel_loop3A_3029 = vector.shape_cast %parallel_loop3A_3028 : vector<1x1x16xf32> to vector<16xf32>
        %parallel_loop3A_3030 = vector.shape_cast %parallel_loop3A_3023 : vector<16xf32> to vector<1x1x16xf32>
        tpu.vector_store %arg6[%parallel_loop3A_3025, %parallel_loop3A_3026, %parallel_loop3A_3027], %parallel_loop3A_3030 {strides = array<i32>} : memref<2x128x128xf32, #tpu.memory_space<vmem>>, vector<1x1x16xf32>,
        %parallel_loop3A_3031 = arith.constant 1 : i32
        %parallel_loop3A_3032 = arith.index_cast %parallel_loop3A_3031 : i32 to index
        %parallel_loop3A_3033 = arith.index_cast %parallel_loop3A_2960 : i32 to index
        %parallel_loop3A_3034 = arith.constant 80 : index
        %parallel_loop3A_3035 = tpu.vector_load %arg5[%parallel_loop3A_3032, %parallel_loop3A_3033, %parallel_loop3A_3034] {strides = array<i32>} : memref<2x264x128xf32, #tpu.memory_space<vmem>>, vector<1x1x16xf32>,
        %parallel_loop3A_3036 = vector.shape_cast %parallel_loop3A_3035 : vector<1x1x16xf32> to vector<16xf32>
        %parallel_loop3A_3037 = arith.constant 1 : i32
        %parallel_loop3A_3038 = arith.index_cast %parallel_loop3A_3037 : i32 to index
        %parallel_loop3A_3039 = arith.index_cast %parallel_loop3A_2965 : i32 to index
        %parallel_loop3A_3040 = arith.constant 80 : index
        %parallel_loop3A_3041 = tpu.vector_load %arg6[%parallel_loop3A_3038, %parallel_loop3A_3039, %parallel_loop3A_3040] {strides = array<i32>} : memref<2x128x128xf32, #tpu.memory_space<vmem>>, vector<1x1x16xf32>,
        %parallel_loop3A_3042 = vector.shape_cast %parallel_loop3A_3041 : vector<1x1x16xf32> to vector<16xf32>
        %parallel_loop3A_3043 = vector.shape_cast %parallel_loop3A_3036 : vector<16xf32> to vector<1x1x16xf32>
        tpu.vector_store %arg6[%parallel_loop3A_3038, %parallel_loop3A_3039, %parallel_loop3A_3040], %parallel_loop3A_3043 {strides = array<i32>} : memref<2x128x128xf32, #tpu.memory_space<vmem>>, vector<1x1x16xf32>,
        %parallel_loop3A_3044 = arith.constant 1 : i32
        %parallel_loop3A_3045 = arith.index_cast %parallel_loop3A_3044 : i32 to index
        %parallel_loop3A_3046 = arith.index_cast %parallel_loop3A_2960 : i32 to index
        %parallel_loop3A_3047 = arith.constant 96 : index
        %parallel_loop3A_3048 = tpu.vector_load %arg5[%parallel_loop3A_3045, %parallel_loop3A_3046, %parallel_loop3A_3047] {strides = array<i32>} : memref<2x264x128xf32, #tpu.memory_space<vmem>>, vector<1x1x16xf32>,
        %parallel_loop3A_3049 = vector.shape_cast %parallel_loop3A_3048 : vector<1x1x16xf32> to vector<16xf32>
        %parallel_loop3A_3050 = arith.constant 1 : i32
        %parallel_loop3A_3051 = arith.index_cast %parallel_loop3A_3050 : i32 to index
        %parallel_loop3A_3052 = arith.index_cast %parallel_loop3A_2965 : i32 to index
        %parallel_loop3A_3053 = arith.constant 96 : index
        %parallel_loop3A_3054 = tpu.vector_load %arg6[%parallel_loop3A_3051, %parallel_loop3A_3052, %parallel_loop3A_3053] {strides = array<i32>} : memref<2x128x128xf32, #tpu.memory_space<vmem>>, vector<1x1x16xf32>,
        %parallel_loop3A_3055 = vector.shape_cast %parallel_loop3A_3054 : vector<1x1x16xf32> to vector<16xf32>
        %parallel_loop3A_3056 = vector.shape_cast %parallel_loop3A_3049 : vector<16xf32> to vector<1x1x16xf32>
        tpu.vector_store %arg6[%parallel_loop3A_3051, %parallel_loop3A_3052, %parallel_loop3A_3053], %parallel_loop3A_3056 {strides = array<i32>} : memref<2x128x128xf32, #tpu.memory_space<vmem>>, vector<1x1x16xf32>,
        %parallel_loop3A_3057 = arith.constant 1 : i32
        %parallel_loop3A_3058 = arith.index_cast %parallel_loop3A_3057 : i32 to index
        %parallel_loop3A_3059 = arith.index_cast %parallel_loop3A_2960 : i32 to index
        %parallel_loop3A_3060 = arith.constant 112 : index
        %parallel_loop3A_3061 = tpu.vector_load %arg5[%parallel_loop3A_3058, %parallel_loop3A_3059, %parallel_loop3A_3060] {strides = array<i32>} : memref<2x264x128xf32, #tpu.memory_space<vmem>>, vector<1x1x16xf32>,
        %parallel_loop3A_3062 = vector.shape_cast %parallel_loop3A_3061 : vector<1x1x16xf32> to vector<16xf32>
        %parallel_loop3A_3063 = arith.constant 1 : i32
        %parallel_loop3A_3064 = arith.index_cast %parallel_loop3A_3063 : i32 to index
        %parallel_loop3A_3065 = arith.index_cast %parallel_loop3A_2965 : i32 to index
        %parallel_loop3A_3066 = arith.constant 112 : index
        %parallel_loop3A_3067 = tpu.vector_load %arg6[%parallel_loop3A_3064, %parallel_loop3A_3065, %parallel_loop3A_3066] {strides = array<i32>} : memref<2x128x128xf32, #tpu.memory_space<vmem>>, vector<1x1x16xf32>,
        %parallel_loop3A_3068 = vector.shape_cast %parallel_loop3A_3067 : vector<1x1x16xf32> to vector<16xf32>
        %parallel_loop3A_3069 = vector.shape_cast %parallel_loop3A_3062 : vector<16xf32> to vector<1x1x16xf32>
        tpu.vector_store %arg6[%parallel_loop3A_3064, %parallel_loop3A_3065, %parallel_loop3A_3066], %parallel_loop3A_3069 {strides = array<i32>} : memref<2x128x128xf32, #tpu.memory_space<vmem>>, vector<1x1x16xf32>,
        %parallel_loop3A_3070 = arith.constant 4 : i32
        %parallel_loop3A_3071 = arith.addi %parallel_loop3A_2931, %parallel_loop3A_3070 : i32
        %parallel_loop3A_3072 = arith.constant 8 : i32
        %parallel_loop3A_3073 = arith.muli %parallel_loop3A_3072, %parallel_loop3A_2955 : i32
        %parallel_loop3A_3074 = arith.constant 4 : i32
        %parallel_loop3A_3075 = arith.addi %parallel_loop3A_3073, %parallel_loop3A_3074 : i32
        %parallel_loop3A_3076 = arith.addi %parallel_loop3A_3075, %parallel_loop3A_2958 : i32
        %parallel_loop3A_3077 = arith.constant 1 : i32
        %parallel_loop3A_3078 = arith.index_cast %parallel_loop3A_3077 : i32 to index
        %parallel_loop3A_3079 = arith.index_cast %parallel_loop3A_3071 : i32 to index
        %parallel_loop3A_3080 = arith.constant 0 : index
        %parallel_loop3A_3081 = tpu.vector_load %arg5[%parallel_loop3A_3078, %parallel_loop3A_3079, %parallel_loop3A_3080] {strides = array<i32>} : memref<2x264x128xf32, #tpu.memory_space<vmem>>, vector<1x1x16xf32>,
        %parallel_loop3A_3082 = vector.shape_cast %parallel_loop3A_3081 : vector<1x1x16xf32> to vector<16xf32>
        %parallel_loop3A_3083 = arith.constant 1 : i32
        %parallel_loop3A_3084 = arith.index_cast %parallel_loop3A_3083 : i32 to index
        %parallel_loop3A_3085 = arith.index_cast %parallel_loop3A_3076 : i32 to index
        %parallel_loop3A_3086 = arith.constant 0 : index
        %parallel_loop3A_3087 = tpu.vector_load %arg6[%parallel_loop3A_3084, %parallel_loop3A_3085, %parallel_loop3A_3086] {strides = array<i32>} : memref<2x128x128xf32, #tpu.memory_space<vmem>>, vector<1x1x16xf32>,
        %parallel_loop3A_3088 = vector.shape_cast %parallel_loop3A_3087 : vector<1x1x16xf32> to vector<16xf32>
        %parallel_loop3A_3089 = vector.shape_cast %parallel_loop3A_3082 : vector<16xf32> to vector<1x1x16xf32>
        tpu.vector_store %arg6[%parallel_loop3A_3084, %parallel_loop3A_3085, %parallel_loop3A_3086], %parallel_loop3A_3089 {strides = array<i32>} : memref<2x128x128xf32, #tpu.memory_space<vmem>>, vector<1x1x16xf32>,
        %parallel_loop3A_3090 = arith.constant 1 : i32
        %parallel_loop3A_3091 = arith.index_cast %parallel_loop3A_3090 : i32 to index
        %parallel_loop3A_3092 = arith.index_cast %parallel_loop3A_3071 : i32 to index
        %parallel_loop3A_3093 = arith.constant 16 : index
        %parallel_loop3A_3094 = tpu.vector_load %arg5[%parallel_loop3A_3091, %parallel_loop3A_3092, %parallel_loop3A_3093] {strides = array<i32>} : memref<2x264x128xf32, #tpu.memory_space<vmem>>, vector<1x1x16xf32>,
        %parallel_loop3A_3095 = vector.shape_cast %parallel_loop3A_3094 : vector<1x1x16xf32> to vector<16xf32>
        %parallel_loop3A_3096 = arith.constant 1 : i32
        %parallel_loop3A_3097 = arith.index_cast %parallel_loop3A_3096 : i32 to index
        %parallel_loop3A_3098 = arith.index_cast %parallel_loop3A_3076 : i32 to index
        %parallel_loop3A_3099 = arith.constant 16 : index
        %parallel_loop3A_3100 = tpu.vector_load %arg6[%parallel_loop3A_3097, %parallel_loop3A_3098, %parallel_loop3A_3099] {strides = array<i32>} : memref<2x128x128xf32, #tpu.memory_space<vmem>>, vector<1x1x16xf32>,
        %parallel_loop3A_3101 = vector.shape_cast %parallel_loop3A_3100 : vector<1x1x16xf32> to vector<16xf32>
        %parallel_loop3A_3102 = vector.shape_cast %parallel_loop3A_3095 : vector<16xf32> to vector<1x1x16xf32>
        tpu.vector_store %arg6[%parallel_loop3A_3097, %parallel_loop3A_3098, %parallel_loop3A_3099], %parallel_loop3A_3102 {strides = array<i32>} : memref<2x128x128xf32, #tpu.memory_space<vmem>>, vector<1x1x16xf32>,
        %parallel_loop3A_3103 = arith.constant 1 : i32
        %parallel_loop3A_3104 = arith.index_cast %parallel_loop3A_3103 : i32 to index
        %parallel_loop3A_3105 = arith.index_cast %parallel_loop3A_3071 : i32 to index
        %parallel_loop3A_3106 = arith.constant 32 : index
        %parallel_loop3A_3107 = tpu.vector_load %arg5[%parallel_loop3A_3104, %parallel_loop3A_3105, %parallel_loop3A_3106] {strides = array<i32>} : memref<2x264x128xf32, #tpu.memory_space<vmem>>, vector<1x1x16xf32>,
        %parallel_loop3A_3108 = vector.shape_cast %parallel_loop3A_3107 : vector<1x1x16xf32> to vector<16xf32>
        %parallel_loop3A_3109 = arith.constant 1 : i32
        %parallel_loop3A_3110 = arith.index_cast %parallel_loop3A_3109 : i32 to index
        %parallel_loop3A_3111 = arith.index_cast %parallel_loop3A_3076 : i32 to index
        %parallel_loop3A_3112 = arith.constant 32 : index
        %parallel_loop3A_3113 = tpu.vector_load %arg6[%parallel_loop3A_3110, %parallel_loop3A_3111, %parallel_loop3A_3112] {strides = array<i32>} : memref<2x128x128xf32, #tpu.memory_space<vmem>>, vector<1x1x16xf32>,
        %parallel_loop3A_3114 = vector.shape_cast %parallel_loop3A_3113 : vector<1x1x16xf32> to vector<16xf32>
        %parallel_loop3A_3115 = vector.shape_cast %parallel_loop3A_3108 : vector<16xf32> to vector<1x1x16xf32>
        tpu.vector_store %arg6[%parallel_loop3A_3110, %parallel_loop3A_3111, %parallel_loop3A_3112], %parallel_loop3A_3115 {strides = array<i32>} : memref<2x128x128xf32, #tpu.memory_space<vmem>>, vector<1x1x16xf32>,
        %parallel_loop3A_3116 = arith.constant 1 : i32
        %parallel_loop3A_3117 = arith.index_cast %parallel_loop3A_3116 : i32 to index
        %parallel_loop3A_3118 = arith.index_cast %parallel_loop3A_3071 : i32 to index
        %parallel_loop3A_3119 = arith.constant 48 : index
        %parallel_loop3A_3120 = tpu.vector_load %arg5[%parallel_loop3A_3117, %parallel_loop3A_3118, %parallel_loop3A_3119] {strides = array<i32>} : memref<2x264x128xf32, #tpu.memory_space<vmem>>, vector<1x1x16xf32>,
        %parallel_loop3A_3121 = vector.shape_cast %parallel_loop3A_3120 : vector<1x1x16xf32> to vector<16xf32>
        %parallel_loop3A_3122 = arith.constant 1 : i32
        %parallel_loop3A_3123 = arith.index_cast %parallel_loop3A_3122 : i32 to index
        %parallel_loop3A_3124 = arith.index_cast %parallel_loop3A_3076 : i32 to index
        %parallel_loop3A_3125 = arith.constant 48 : index
        %parallel_loop3A_3126 = tpu.vector_load %arg6[%parallel_loop3A_3123, %parallel_loop3A_3124, %parallel_loop3A_3125] {strides = array<i32>} : memref<2x128x128xf32, #tpu.memory_space<vmem>>, vector<1x1x16xf32>,
        %parallel_loop3A_3127 = vector.shape_cast %parallel_loop3A_3126 : vector<1x1x16xf32> to vector<16xf32>
        %parallel_loop3A_3128 = vector.shape_cast %parallel_loop3A_3121 : vector<16xf32> to vector<1x1x16xf32>
        tpu.vector_store %arg6[%parallel_loop3A_3123, %parallel_loop3A_3124, %parallel_loop3A_3125], %parallel_loop3A_3128 {strides = array<i32>} : memref<2x128x128xf32, #tpu.memory_space<vmem>>, vector<1x1x16xf32>,
        %parallel_loop3A_3129 = arith.constant 1 : i32
        %parallel_loop3A_3130 = arith.index_cast %parallel_loop3A_3129 : i32 to index
        %parallel_loop3A_3131 = arith.index_cast %parallel_loop3A_3071 : i32 to index
        %parallel_loop3A_3132 = arith.constant 64 : index
        %parallel_loop3A_3133 = tpu.vector_load %arg5[%parallel_loop3A_3130, %parallel_loop3A_3131, %parallel_loop3A_3132] {strides = array<i32>} : memref<2x264x128xf32, #tpu.memory_space<vmem>>, vector<1x1x16xf32>,
        %parallel_loop3A_3134 = vector.shape_cast %parallel_loop3A_3133 : vector<1x1x16xf32> to vector<16xf32>
        %parallel_loop3A_3135 = arith.constant 1 : i32
        %parallel_loop3A_3136 = arith.index_cast %parallel_loop3A_3135 : i32 to index
        %parallel_loop3A_3137 = arith.index_cast %parallel_loop3A_3076 : i32 to index
        %parallel_loop3A_3138 = arith.constant 64 : index
        %parallel_loop3A_3139 = tpu.vector_load %arg6[%parallel_loop3A_3136, %parallel_loop3A_3137, %parallel_loop3A_3138] {strides = array<i32>} : memref<2x128x128xf32, #tpu.memory_space<vmem>>, vector<1x1x16xf32>,
        %parallel_loop3A_3140 = vector.shape_cast %parallel_loop3A_3139 : vector<1x1x16xf32> to vector<16xf32>
        %parallel_loop3A_3141 = vector.shape_cast %parallel_loop3A_3134 : vector<16xf32> to vector<1x1x16xf32>
        tpu.vector_store %arg6[%parallel_loop3A_3136, %parallel_loop3A_3137, %parallel_loop3A_3138], %parallel_loop3A_3141 {strides = array<i32>} : memref<2x128x128xf32, #tpu.memory_space<vmem>>, vector<1x1x16xf32>,
        %parallel_loop3A_3142 = arith.constant 1 : i32
        %parallel_loop3A_3143 = arith.index_cast %parallel_loop3A_3142 : i32 to index
        %parallel_loop3A_3144 = arith.index_cast %parallel_loop3A_3071 : i32 to index
        %parallel_loop3A_3145 = arith.constant 80 : index
        %parallel_loop3A_3146 = tpu.vector_load %arg5[%parallel_loop3A_3143, %parallel_loop3A_3144, %parallel_loop3A_3145] {strides = array<i32>} : memref<2x264x128xf32, #tpu.memory_space<vmem>>, vector<1x1x16xf32>,
        %parallel_loop3A_3147 = vector.shape_cast %parallel_loop3A_3146 : vector<1x1x16xf32> to vector<16xf32>
        %parallel_loop3A_3148 = arith.constant 1 : i32
        %parallel_loop3A_3149 = arith.index_cast %parallel_loop3A_3148 : i32 to index
        %parallel_loop3A_3150 = arith.index_cast %parallel_loop3A_3076 : i32 to index
        %parallel_loop3A_3151 = arith.constant 80 : index
        %parallel_loop3A_3152 = tpu.vector_load %arg6[%parallel_loop3A_3149, %parallel_loop3A_3150, %parallel_loop3A_3151] {strides = array<i32>} : memref<2x128x128xf32, #tpu.memory_space<vmem>>, vector<1x1x16xf32>,
        %parallel_loop3A_3153 = vector.shape_cast %parallel_loop3A_3152 : vector<1x1x16xf32> to vector<16xf32>
        %parallel_loop3A_3154 = vector.shape_cast %parallel_loop3A_3147 : vector<16xf32> to vector<1x1x16xf32>
        tpu.vector_store %arg6[%parallel_loop3A_3149, %parallel_loop3A_3150, %parallel_loop3A_3151], %parallel_loop3A_3154 {strides = array<i32>} : memref<2x128x128xf32, #tpu.memory_space<vmem>>, vector<1x1x16xf32>,
        %parallel_loop3A_3155 = arith.constant 1 : i32
        %parallel_loop3A_3156 = arith.index_cast %parallel_loop3A_3155 : i32 to index
        %parallel_loop3A_3157 = arith.index_cast %parallel_loop3A_3071 : i32 to index
        %parallel_loop3A_3158 = arith.constant 96 : index
        %parallel_loop3A_3159 = tpu.vector_load %arg5[%parallel_loop3A_3156, %parallel_loop3A_3157, %parallel_loop3A_3158] {strides = array<i32>} : memref<2x264x128xf32, #tpu.memory_space<vmem>>, vector<1x1x16xf32>,
        %parallel_loop3A_3160 = vector.shape_cast %parallel_loop3A_3159 : vector<1x1x16xf32> to vector<16xf32>
        %parallel_loop3A_3161 = arith.constant 1 : i32
        %parallel_loop3A_3162 = arith.index_cast %parallel_loop3A_3161 : i32 to index
        %parallel_loop3A_3163 = arith.index_cast %parallel_loop3A_3076 : i32 to index
        %parallel_loop3A_3164 = arith.constant 96 : index
        %parallel_loop3A_3165 = tpu.vector_load %arg6[%parallel_loop3A_3162, %parallel_loop3A_3163, %parallel_loop3A_3164] {strides = array<i32>} : memref<2x128x128xf32, #tpu.memory_space<vmem>>, vector<1x1x16xf32>,
        %parallel_loop3A_3166 = vector.shape_cast %parallel_loop3A_3165 : vector<1x1x16xf32> to vector<16xf32>
        %parallel_loop3A_3167 = vector.shape_cast %parallel_loop3A_3160 : vector<16xf32> to vector<1x1x16xf32>
        tpu.vector_store %arg6[%parallel_loop3A_3162, %parallel_loop3A_3163, %parallel_loop3A_3164], %parallel_loop3A_3167 {strides = array<i32>} : memref<2x128x128xf32, #tpu.memory_space<vmem>>, vector<1x1x16xf32>,
        %parallel_loop3A_3168 = arith.constant 1 : i32
        %parallel_loop3A_3169 = arith.index_cast %parallel_loop3A_3168 : i32 to index
        %parallel_loop3A_3170 = arith.index_cast %parallel_loop3A_3071 : i32 to index
        %parallel_loop3A_3171 = arith.constant 112 : index
        %parallel_loop3A_3172 = tpu.vector_load %arg5[%parallel_loop3A_3169, %parallel_loop3A_3170, %parallel_loop3A_3171] {strides = array<i32>} : memref<2x264x128xf32, #tpu.memory_space<vmem>>, vector<1x1x16xf32>,
        %parallel_loop3A_3173 = vector.shape_cast %parallel_loop3A_3172 : vector<1x1x16xf32> to vector<16xf32>
        %parallel_loop3A_3174 = arith.constant 1 : i32
        %parallel_loop3A_3175 = arith.index_cast %parallel_loop3A_3174 : i32 to index
        %parallel_loop3A_3176 = arith.index_cast %parallel_loop3A_3076 : i32 to index
        %parallel_loop3A_3177 = arith.constant 112 : index
        %parallel_loop3A_3178 = tpu.vector_load %arg6[%parallel_loop3A_3175, %parallel_loop3A_3176, %parallel_loop3A_3177] {strides = array<i32>} : memref<2x128x128xf32, #tpu.memory_space<vmem>>, vector<1x1x16xf32>,
        %parallel_loop3A_3179 = vector.shape_cast %parallel_loop3A_3178 : vector<1x1x16xf32> to vector<16xf32>
        %parallel_loop3A_3180 = vector.shape_cast %parallel_loop3A_3173 : vector<16xf32> to vector<1x1x16xf32>
        tpu.vector_store %arg6[%parallel_loop3A_3175, %parallel_loop3A_3176, %parallel_loop3A_3177], %parallel_loop3A_3180 {strides = array<i32>} : memref<2x128x128xf32, #tpu.memory_space<vmem>>, vector<1x1x16xf32>,
      } {sc.loop_unroll_factor = 4 : i64, sc.parallel_access}
      %add3A_2909 = arith.addi %mul3A_2, %add3A_2849 : i32
      %dma_start3A_2910 = arith.constant 1 : i32
      %dma_start3A_2911 = arith.constant 0 : i32
      %dma_start3A_2912 = arith.constant 0 : i32
      %dma_start3A_2913 = tpu.memref_slice %arg6[%dma_start3A_2910, %dma_start3A_2911, %dma_start3A_2912] : memref<2x128x128xf32, #tpu.memory_space<vmem>> -> memref<1x128x128xf32, #tpu.memory_space<vmem>>
      %dma_start3A_2914 = tpu.memref_squeeze %dma_start3A_2913 : memref<1x128x128xf32, #tpu.memory_space<vmem>> -> memref<128x128xf32, #tpu.memory_space<vmem>>
      %dma_start3A_2915 = arith.constant 128 : i32
      %dma_start3A_2916 = arith.constant 0 : i32
      %dma_start3A_2917 = tpu.memref_slice %arg4[%add3A_2909, %dma_start3A_2915, %dma_start3A_2916] : memref<1024x256x128xf32, #tpu.memory_space<hbm>> -> memref<1x128x128xf32, #tpu.memory_space<hbm>>
      %dma_start3A_2918 = tpu.memref_squeeze %dma_start3A_2917 : memref<1x128x128xf32, #tpu.memory_space<hbm>> -> memref<128x128xf32, #tpu.memory_space<hbm>>
      %dma_start3A_2919 = arith.constant 128 : i32
      %dma_start3A_2920 = arith.constant 0 : i32
      %dma_start3A_2921 = tpu.memref_slice %arg4[%add3A_2909, %dma_start3A_2919, %dma_start3A_2920] : memref<1024x256x128xf32, #tpu.memory_space<hbm>> -> memref<1x128x128xf32, #tpu.memory_space<hbm>>
      %dma_start3A_2922 = tpu.memref_squeeze %dma_start3A_2921 : memref<1x128x128xf32, #tpu.memory_space<hbm>> -> memref<128x128xf32, #tpu.memory_space<hbm>>
      %dma_start3A_2923 = arith.constant 0 : i32
      %dma_start3A_2924 = arith.constant 0 : i32
      %dma_start3A_2925 = tpu.memref_slice %arg6[%dma_start3A_2910, %dma_start3A_2923, %dma_start3A_2924] : memref<2x128x128xf32, #tpu.memory_space<vmem>> -> memref<1x128x128xf32, #tpu.memory_space<vmem>>
      %dma_start3A_2926 = tpu.memref_squeeze %dma_start3A_2925 : memref<1x128x128xf32, #tpu.memory_space<vmem>> -> memref<128x128xf32, #tpu.memory_space<vmem>>
      tpu.enqueue_dma source(%dma_start3A_2926 : memref<128x128xf32, #tpu.memory_space<vmem>>) target(%dma_start3A_2922 : memref<128x128xf32, #tpu.memory_space<hbm>>) target_semaphore(%arg12 : memref<!tpu.dma_semaphore, #tpu.memory_space<semaphore_mem>>)
    }
    %scan3A_2730 = arith.constant 16 : i32
    %add3A_2731 = arith.constant 31 : i32
    %add3A_2732 = arith.addi %mul3A_2, %add3A_2731 : i32
    %dma_wait3A = arith.constant 0 : i32
    %dma_wait3A_2733 = arith.constant 0 : i32
    %dma_wait3A_2734 = arith.constant 0 : i32
    %dma_wait3A_2735 = tpu.memref_slice %arg6[%dma_wait3A, %dma_wait3A_2733, %dma_wait3A_2734] : memref<2x128x128xf32, #tpu.memory_space<vmem>> -> memref<1x128x128xf32, #tpu.memory_space<vmem>>
    %dma_wait3A_2736 = tpu.memref_squeeze %dma_wait3A_2735 : memref<1x128x128xf32, #tpu.memory_space<vmem>> -> memref<128x128xf32, #tpu.memory_space<vmem>>
    %dma_wait3A_2737 = arith.constant 0 : i32
    %dma_wait3A_2738 = arith.constant 0 : i32
    %dma_wait3A_2739 = tpu.memref_slice %arg4[%add3A_2732, %dma_wait3A_2737, %dma_wait3A_2738] : memref<1024x256x128xf32, #tpu.memory_space<hbm>> -> memref<1x128x128xf32, #tpu.memory_space<hbm>>
    %dma_wait3A_2740 = tpu.memref_squeeze %dma_wait3A_2739 : memref<1x128x128xf32, #tpu.memory_space<hbm>> -> memref<128x128xf32, #tpu.memory_space<hbm>>
    %dma_wait3A_2741 = arith.constant 0 : i32
    %dma_wait3A_2742 = arith.constant 0 : i32
    %dma_wait3A_2743 = tpu.memref_slice %arg4[%add3A_2732, %dma_wait3A_2741, %dma_wait3A_2742] : memref<1024x256x128xf32, #tpu.memory_space<hbm>> -> memref<1x128x128xf32, #tpu.memory_space<hbm>>
    %dma_wait3A_2744 = tpu.memref_squeeze %dma_wait3A_2743 : memref<1x128x128xf32, #tpu.memory_space<hbm>> -> memref<128x128xf32, #tpu.memory_space<hbm>>
    %dma_wait3A_2745 = arith.constant 0 : i32
    %dma_wait3A_2746 = arith.constant 0 : i32
    %dma_wait3A_2747 = tpu.memref_slice %arg6[%dma_wait3A, %dma_wait3A_2745, %dma_wait3A_2746] : memref<2x128x128xf32, #tpu.memory_space<vmem>> -> memref<1x128x128xf32, #tpu.memory_space<vmem>>
    %dma_wait3A_2748 = tpu.memref_squeeze %dma_wait3A_2747 : memref<1x128x128xf32, #tpu.memory_space<vmem>> -> memref<128x128xf32, #tpu.memory_space<vmem>>
    tpu.wait_dma2 semaphore(%arg11 : memref<!tpu.dma_semaphore, #tpu.memory_space<semaphore_mem>>) src(%dma_wait3A_2748 : memref<128x128xf32, #tpu.memory_space<vmem>>) dst(%dma_wait3A_2744 : memref<128x128xf32, #tpu.memory_space<hbm>>)
    %add3A_2749 = arith.constant 31 : i32
    %add3A_2750 = arith.addi %mul3A_2, %add3A_2749 : i32
    %dma_wait3A_2751 = arith.constant 1 : i32
    %dma_wait3A_2752 = arith.constant 0 : i32
    %dma_wait3A_2753 = arith.constant 0 : i32
    %dma_wait3A_2754 = tpu.memref_slice %arg6[%dma_wait3A_2751, %dma_wait3A_2752, %dma_wait3A_2753] : memref<2x128x128xf32, #tpu.memory_space<vmem>> -> memref<1x128x128xf32, #tpu.memory_space<vmem>>
    %dma_wait3A_2755 = tpu.memref_squeeze %dma_wait3A_2754 : memref<1x128x128xf32, #tpu.memory_space<vmem>> -> memref<128x128xf32, #tpu.memory_space<vmem>>
    %dma_wait3A_2756 = arith.constant 128 : i32
    %dma_wait3A_2757 = arith.constant 0 : i32
    %dma_wait3A_2758 = tpu.memref_slice %arg4[%add3A_2750, %dma_wait3A_2756, %dma_wait3A_2757] : memref<1024x256x128xf32, #tpu.memory_space<hbm>> -> memref<1x128x128xf32, #tpu.memory_space<hbm>>
    %dma_wait3A_2759 = tpu.memref_squeeze %dma_wait3A_2758 : memref<1x128x128xf32, #tpu.memory_space<hbm>> -> memref<128x128xf32, #tpu.memory_space<hbm>>
    %dma_wait3A_2760 = arith.constant 128 : i32
    %dma_wait3A_2761 = arith.constant 0 : i32
    %dma_wait3A_2762 = tpu.memref_slice %arg4[%add3A_2750, %dma_wait3A_2760, %dma_wait3A_2761] : memref<1024x256x128xf32, #tpu.memory_space<hbm>> -> memref<1x128x128xf32, #tpu.memory_space<hbm>>
    %dma_wait3A_2763 = tpu.memref_squeeze %dma_wait3A_2762 : memref<1x128x128xf32, #tpu.memory_space<hbm>> -> memref<128x128xf32, #tpu.memory_space<hbm>>
    %dma_wait3A_2764 = arith.constant 0 : i32
    %dma_wait3A_2765 = arith.constant 0 : i32
    %dma_wait3A_2766 = tpu.memref_slice %arg6[%dma_wait3A_2751, %dma_wait3A_2764, %dma_wait3A_2765] : memref<2x128x128xf32, #tpu.memory_space<vmem>> -> memref<1x128x128xf32, #tpu.memory_space<vmem>>
    %dma_wait3A_2767 = tpu.memref_squeeze %dma_wait3A_2766 : memref<1x128x128xf32, #tpu.memory_space<vmem>> -> memref<128x128xf32, #tpu.memory_space<vmem>>
    tpu.wait_dma2 semaphore(%arg12 : memref<!tpu.dma_semaphore, #tpu.memory_space<semaphore_mem>>) src(%dma_wait3A_2767 : memref<128x128xf32, #tpu.memory_space<vmem>>) dst(%dma_wait3A_2763 : memref<128x128xf32, #tpu.memory_space<hbm>>)
    return
  }
}

</mosaic_0001>

<sc_bundles>
// kernel: kernel.3.cloned.1.call-start
scs
__scs_entry_jumppad:
0x0: {  	(pc) =	sbr.rel $0x88, $3  }
0x1: {  	(tag) =	ssettag $0x0;
	lr =	simm.s32 $0x1  }
0x2: {  	[smem:$0x3F9F] =	sst lr;
	_ =	strace $0xD0000000  }
0x3: {  	_ = 	snop  }
0x4: {  	_ = 	snop  }
0x5: {  	_ = 	snop  }
0x6: {  	_ = 	snop  }
0x7: {  	_ = 	snop  }
__scs_overlays_trampoline_lowered:
0x8: {  	[smem:$0x3FAE] =	sst s0  }
0x9: {  	[smem:$0x3FAF] =	sst s1  }
0xa: {  	[smem:$0x3FB0] =	sst s2  }
0xb: {  	[smem:$0x3FB1] =	sst s3  }
0xc: {  	[smem:$0x3FB2] =	sst s4  }
0xd: {  	[smem:$0x3FB3] =	sst s5  }
0xe: {  	[smem:$0x3FB4] =	sst s6  }
0xf: {  	[smem:$0x3FB5] =	sst s7  }
0x10: {  	[smem:$0x3FB6] =	sst s8  }
0x11: {  	[smem:$0x3FB7] =	sst s9;
	s0 =	simm.s32 @!p0 $0x0  }
0x12: {  	s1 =	sld [smem:$0x3F9D];
	s0 =	simm.s32 @p0 $0x1  }
0x13: {  	[smem:$0x3FB8] =	sst s0;
	s0 =	simm.s32 @!p1 $0x0  }
0x14: {  	s2 =	sld [smem:$0x3F9C];
	s0 =	simm.s32 @p1 $0x1  }
0x15: {  	[smem:$0x3FB9] =	sst s0;
	s0 =	simm.s32 @!p2 $0x0  }
0x16: {  	s3 =	sld [smem:$0x3FDB];
	s0 =	simm.s32 @p2 $0x1  }
0x17: {  	s4 =	simm.s32 $0x1BF5;
	[smem:$0x3FBB] =	sst s0  }
0x18: {  	s0 =	sld [smem:$0x3F9E];
	_ =	swait.ge [sflag:s4], $0x0  }
0x19: {  	s7 =	sld [smem:$0x3F9F]  }
0x1a: {  	s8 =	sadd.s32 $0xFFFFE003, lr  }
0x1b: {  	s9 =	sadd.s32 $0xFFFFFEF7, lr;
	s5 =	simm.s32 $0xFFFFFFFF;
	p2 =	slt.u32 s8, $0xFFFFF086  }
0x1c: {  	p1 =	slt.u32 s9, $0xF7A;
	s5 =	simm.s32 @!p2 $0x0  }
0x1d: {  	s5 =	simm.s32 @p1 $0x1;
	p0 =	seq.s32 s7, s2  }
0x1e: {  	s7 =	smul.u32 @!p0 $0xF7A, s2;
	p2 =	seq.s32 @!p0 s5, $0x0  }
0x1f: {  	s9 =	smul.u32 $0xF7A, s1;
	s8 =	simm.s32 @!p0 $0x1BF5;
	p2 =	por !p2, p0  }
0x20: {  	[sflag:s8] =	ssyncset.s32 @!p0 $0xFFFFF086;
	s6 =	sadd.s32 @!p0 s3, s7;
	s7 =	simm.s32 @!p0 $0x108  }
0x21: {  	s3 =	sadd.s32 s3, s9;
	s6 =	sadd.s32 @!p0 $0x88, s6;
	s7 =	simm.s32 @p2 $0x1082  }
0x22: {  	[simem:s7], [sflag:s8] =	dma.local @!p0 [hbm:s6], $0xF7A  }
0x23: {  	s9 =	sor.u32 $0xD0000000, s2;
	s6 =	simm.s32 $0x108;
	_ =	swait.ge @!p0 [sflag:s8], $0x0  }
0x24: {  	s3 =	sadd.s32 $0x88, s3;
	s6 =	simm.s32 @!p1 $0x1082;
	[sflag:s4] =	ssyncset.s32 $0xFFFFF086  }
0x25: {  	[simem:s6], [sflag:s4] =	dma.local [hbm:s3], $0xF7A  }
0x26: {  	[smem:$0x3F9F] =	sst s1;
	(tag) =	ssettag s2;
	_ =	strace s9  }
0x27: {  	s1 =	sld [smem:$0x3FAF]  }
0x28: {  	s2 =	sld [smem:$0x3FB0]  }
0x29: {  	s4 =	sld [smem:$0x3FB2]  }
0x2a: {  	p0 =	seq.s32 s5, $0x0;
	s5 =	sld [smem:$0x3FB3]  }
0x2b: {  	s6 =	sld [smem:$0x3FB4]  }
0x2c: {  	s7 =	sld [smem:$0x3FB5]  }
0x2d: {  	s3 =	simm.s32 $0x108;
	s8 =	sld [smem:$0x3FB6]  }
0x2e: {  	s3 =	simm.s32 @!p0 $0x1082;
	s9 =	sld [smem:$0x3FB7]  }
0x2f: {  	lr =	sadd.s32 s0, s3;
	s0 =	sld [smem:$0x3FAE]  }
0x30: {  	s3 =	sld [smem:$0x3FB1]  }
0x31: {  	[smem:$0x3FBA] =	sst s10  }
0x32: {  	s10 =	sld [smem:$0x3FB8];
	_ =	sdelay $0x3  }
0x33: {  	p0 =	seq.s32 s10, $0x1;
	s10 =	sld [smem:$0x3FBA];
	_ =	sdelay $0x3  }
0x34: {  	[smem:$0x3FBA] =	sst s10  }
0x35: {  	s10 =	sld [smem:$0x3FB9];
	_ =	sdelay $0x3  }
0x36: {  	p1 =	seq.s32 s10, $0x1;
	s10 =	sld [smem:$0x3FBA];
	_ =	sdelay $0x3  }
0x37: {  	[smem:$0x3FBA] =	sst s10  }
0x38: {  	s10 =	sld [smem:$0x3FBB]  }
0x39: {  	_ = 	snop;
	(pc) =	sbr.ind lr, $3  }
0x3a: {  	_ = 	snop  }
0x3b: {  	_ = 	snop  }
0x3c: {  	p2 =	seq.s32 s10, $0x1;
	s10 =	sld [smem:$0x3FBA]  }
0x3d: {  	_ =	shalt  }
0x3e: {  	_ =	shalt  }
0x3f: {  	_ =	shalt  }
0x40: {  	_ =	shalt  }
0x41: {  	_ =	shalt  }
0x42: {  	_ =	shalt  }
0x43: {  	_ =	shalt  }
0x44: {  	_ =	shalt  }
0x45: {  	_ =	shalt  }
0x46: {  	_ =	shalt  }
0x47: {  	_ =	shalt  }
0x48: {  	_ =	shalt  }
0x49: {  	_ =	shalt  }
0x4a: {  	_ =	shalt  }
0x4b: {  	_ =	shalt  }
0x4c: {  	_ =	shalt  }
0x4d: {  	_ =	shalt  }
0x4e: {  	_ =	shalt  }
0x4f: {  	_ =	shalt  }
0x50: {  	_ =	shalt  }
0x51: {  	_ =	shalt  }
0x52: {  	_ =	shalt  }
0x53: {  	_ =	shalt  }
0x54: {  	_ =	shalt  }
0x55: {  	_ =	shalt  }
0x56: {  	_ =	shalt  }
0x57: {  	_ =	shalt  }
0x58: {  	_ =	shalt  }
0x59: {  	_ =	shalt  }
0x5a: {  	_ =	shalt  }
0x5b: {  	_ =	shalt  }
0x5c: {  	_ =	shalt  }
0x5d: {  	_ =	shalt  }
0x5e: {  	_ =	shalt  }
0x5f: {  	_ =	shalt  }
0x60: {  	_ =	shalt  }
0x61: {  	_ =	shalt  }
0x62: {  	_ =	shalt  }
0x63: {  	_ =	shalt  }
0x64: {  	_ =	shalt  }
0x65: {  	_ =	shalt  }
0x66: {  	_ =	shalt  }
0x67: {  	_ =	shalt  }
0x68: {  	_ =	shalt  }
0x69: {  	_ =	shalt  }
0x6a: {  	_ =	shalt  }
0x6b: {  	_ =	shalt  }
0x6c: {  	_ =	shalt  }
0x6d: {  	_ =	shalt  }
0x6e: {  	_ =	shalt  }
0x6f: {  	_ =	shalt  }
0x70: {  	_ =	shalt  }
0x71: {  	_ =	shalt  }
0x72: {  	_ =	shalt  }
0x73: {  	_ =	shalt  }
0x74: {  	_ =	shalt  }
0x75: {  	_ =	shalt  }
0x76: {  	_ =	shalt  }
0x77: {  	_ =	shalt  }
0x78: {  	_ =	shalt  }
0x79: {  	_ =	shalt  }
0x7a: {  	_ =	shalt  }
0x7b: {  	_ =	shalt  }
0x7c: {  	_ =	shalt  }
0x7d: {  	_ =	shalt  }
0x7e: {  	_ =	shalt  }
0x7f: {  	_ =	shalt  }
0x80: {  	_ =	shalt  }
0x81: {  	_ =	shalt  }
0x82: {  	_ =	shalt  }
0x83: {  	_ =	shalt  }
0x84: {  	_ =	shalt  }
0x85: {  	_ =	shalt  }
0x86: {  	_ =	shalt  }
0x87: {  	_ =	shalt  }
.Lfunc_end0:
.L_simem_size_0:
called_computation_lowered:
.L_overlay_start_0:
0x88: {  	s2 =	sld [smem:$0x3FD9]  }
0x89: {  	s3 =	sld [smem:$0x3FFE];
	_ =	sdelay $0x1  }
0x8a: {  	s1 =	srdreg.scid  }
0x8b: {  	s0 =	sand.u32 $0x1, s1  }
0x8c: {  	s17 =	sshll.u32 s0, $0xA;
	s2 =	sadd.s32 s3, s2  }
0x8d: {  	s2 =	sadd.s32 s2, s17  }
0x8e: {  	[smem:$0x3FC6] =	sst s2  }
0x8f: {  	_ = 	snop  }
0x90: {  	s2 =	sld [smem:$0x3FC9]  }
0x91: {  	s18 =	sld [smem:$0x3FD0];
	(tm) =	ssettm $0x1  }
0x92: {  	s4 =	sld [smem:$0x3FFB];
	_ =	sdelay $0x3  }
0x93: {  	_ =	strace s4  }
0x94: {  	s4 =	sld [smem:$0x3FFC];
	_ =	sdelay $0x3  }
0x95: {  	_ =	strace s4  }
0x96: {  	s4 =	sld [smem:$0x3FFD];
	_ =	sdelay $0x3  }
0x97: {  	_ =	strace s4  }
0x98: {  	_ =	strace $0x8FFFFFFF  }
0x99: {  	s19 =	sld [smem:$0x3FDB];
	_ =	sdelay $0x1  }
0x9a: {  	s5 =	simm.s32 $_scs_section_size  }
0x9b: {  	s6 =	simm.s32 $_size__tile_overlayer_lowered;
	s7 =	simm.s32 $_tile_overlayer_lowered  }
0x9c: {  	s22 =	simm.s32 $0x1BFF;
	s21 =	sshll.u32 s7, $0x1;
	s4 =	sadd.s32 s5, s19  }
0x9d: {  	s8 =	simm.s32 $0x0;
	s20 =	sshll.u32 s6, $0x1;
	s6 =	sadd.s32 s21, s4  }
0x9e: {  	[timem:s8], [sflag:s22] =	dma.local [hbm:s6], s20  }
0x9f: {  	_ =	swait.ge [sflag:s22], s20  }
0xa0: {  	s5 =	ssub.s32 $0x0, s20;
	[sflag:s22] =	ssyncset.done $0x0  }
0xa1: {  	[sflag:s22] =	ssyncadd.s32 s5;
	_ =	sdelay $0x1  }
0xa2: {  	s23 =	simm.s32 $0x1B8B  }
0xa3: {  	_ =	swait.ge [sflag:s23], $0x1  }
0xa4: {  	[sflag:s23] =	ssyncset.done $0x0  }
0xa5: {  	s25 =	simm.s32 $0x1B8E;
	s24 =	sld [smem:$0x3FFE];
	[sflag:s23] =	ssyncadd.s32 $0xFFFFFFFF  }
0xa6: {  	s26 =	simm.s32 $execute0_lowered;
	[smem:$0x3FD2] =	sst s25  }
0xa7: {  	s6 =	sshll.u32 s26, $0x1;
	_ =	strace $0x80000046;
	[dreg:$0x1] =	wrdreg $0xFFFFFFFF  }
0xa8: {  	s28 =	simm.s32 $_size_execute0_lowered;
	s4 =	sadd.s32 s4, s6;
	[dreg:$0x0] =	wrdreg $0x0  }
0xa9: {  	s6 =	sshll.u32 s28, $0x1;
	[dreg:$0x2] =	wrdreg s4  }
0xaa: {  	[dreg:$0x3] =	wrdreg s6  }
0xab: {  	[dreg:$0x4] =	wrdreg $0xC0  }
0xac: {  	_ =	task [dreg:s8], $0x5FFFF  }
0xad: {  	[dreg:$0x1] =	wrdreg $0xFFFFFFFF  }
0xae: {  	[dreg:$0x0] =	wrdreg $0x60  }
0xaf: {  	[dreg:$0x2] =	wrdreg s2  }
0xb0: {  	[dreg:$0x3] =	wrdreg s24  }
0xb1: {  	[dreg:$0x4] =	wrdreg s18  }
0xb2: {  	[dreg:$0x5] =	wrdreg $0x9  }
0xb3: {  	_ =	task.clear_ibuf [dreg:s8], $0x6FFFF;
	_ =	strace $0x90000046  }
0xb4: {  	s29 =	simm.s32 $0x9;
	_ =	strace $0x80000048  }
0xb5: {  	_ =	swait.ge [sflag:s29], $0x1  }
0xb6: {  	[sflag:s29] =	ssyncadd.s32 $0xFFFFFFFF  }
0xb7: {  	_ =	strace $0x90000048  }
0xb8: {  	_ =	sfence  }
0xb9: {  	s30 =	sld [smem:$0x0];
	_ =	sdelay $0x2  }
0xba: {  	s31 =	sshll.u32 s1, $0xD;
	s1 =	sshrl.u32 s1, $0x2  }
0xbb: {  	s3 =	sand.u32 $0x4000, s31;
	s1 =	sadd.s32 s1, s30  }
0xbc: {  	s0 =	sor.u32 s3, s0;
	s1 =	sshll.u32 s1, $0x11  }
0xbd: {  	s0 =	sor.u32 s1, s0  }
0xbe: {  	s0 =	sadd.s32 $0x8F2B, s0  }
0xbf: {  	[sflag:s0] =	ssyncadd.remote.s32 $0x1  }
0xc0: {  	_ =	sfence.sel $0xFFFF  }
0xc1: {  	[dreg:$0x0] =	wrdreg $0xFFFFFFFF;
	(pc) =	sbr.abs _section_cstart, $3  }
0xc2: {  	[dreg:$0x1] =	wrdreg $0xFFFFFFFF  }
0xc3: {  	_ =	task.clear_ibuf [dreg:s8], $0x2FFFF;
	_ =	strace $0x9FFFFFFF  }
0xc4: {  	(tm) =	ssettm $0x7FFFFFFF  }
0xc5: {  	_ =	shalt  }
tec
execute0_lowered:
.L_overlay_start_1:
0x0: {  	(tag) =	ssettag $0x1  }
0x1: {  	s1 =	rddreg [dreg:$0x0]  }
0x2: {  	s0 =	rddreg [dreg:$0x1]  }
0x3: {  	s3 =	rddreg [dreg:$0x2];
	s2 =	srdreg.scid  }
0x4: {  	s5 =	stileid.u32;
	s4 =	simm.s32 $0x0;
	s13 =	simm.s32 $0x8400  }
0x5: {  	s14 =	simm.s32 $0x1;
	s15 =	simm.s32 $0x10800;
	s16 =	simm.s32 $0x14800  }
0x6: {  	s17 =	simm.s32 $0x3;
	s18 =	simm.s32 $0x4;
	s2 =	sand.u32 $0x1, s2  }
0x7: {  	s5 =	sshll.u32 s5, $0x6;
	[smem:$0x7FF] =	sst s4;
	s6 =	sshll.u32 s2, $0x5  }
0x8: {  	s0 =	sadd.s32 $0x400, s0;
	s2 =	ssub.s32 $0x2, s2;
	s5 =	sor.u32 s6, s5  }
0x9: {  	_ =	strace $0x80000047;
	s29 =	sshrl.u32 s2, $0x1;
	s7 =	sshll.u32 s5, $0xC  }
0xa: {  	[dreg:$0x4] =	wrdreg s0;
	s30 =	ssub.s32 s2, s29;
	s31 =	sadd.s32 s1, s7  }
0xb: {  	s19 =	simm.s32 $0x0;
	s0 =	smax.u32 s30, $0x1;
	[dreg:$0x5] =	wrdreg s31  }
0xc: {  	v0 =	vimm.f32 $0.0e+00;
	s8 =	sadd.s32 $0x800, s3;
	s9 =	sor.u32 $0x2, s5;
	[dreg:$0x6] =	wrdreg s0  }
.LBB2_1:
0xd: {  	s0 =	rddreg [dreg:$0x4];
	s2 =	simm.s32 $0x18800;
	s22 =	simm.s32 $0x5  }
0xe: {  	[tilespmem:s2], [sflag:$0x5] =	stream.linear.gather [hbm4b:s0+s4], $0x80, $0x38;
	[tilespmem:$0x18880] =	vst v63  }
0xf: {  	_ =	swait.ge [sflag:s22], $0x80  }
0x10: {  	[sflag:s22] =	ssyncset.done $0x0  }
0x11: {  	[sflag:s22] =	ssyncadd.s32 $0xFFFFFF80  }
0x12: {  	v1 =	vld [tilespmem:$0x18800];
	_ =	sdelay $0x4  }
0x13: {  	(v2sf) =	vpush v1, $0x0;
	_ =	sdelay $0x1  }
0x14: {  	(v2sf) =	vpush v1, $0x1  }
0x15: {  	(v2sf) =	vpush v1, $0x2;
	_ =	sdelay $0x1  }
0x16: {  	(v2sf) =	vpush v1, $0x3  }
0x17: {  	(v2sf) =	vpush v1, $0x4;
	_ =	sdelay $0x1  }
0x18: {  	(v2sf) =	vpush v1, $0x5  }
0x19: {  	(v2sf) =	vpush v1, $0x6;
	_ =	sdelay $0x5  }
0x1a: {  	s23 =	spop (v2sf)  }
0x1b: {  	p0 =	slt.s32 s23, $0x0;
	s0 =	sshll.u32 s23, $0x3  }
0x1c: {  	s24 =	spop (v2sf);
	s0 =	simm.s32 @p0 $0x100  }
0x1d: {  	s6 =	sshll.u32 s24, $0x3;
	p0 =	slt.s32 s24, $0x0;
	s25 =	spop (v2sf)  }
0x1e: {  	s2 =	sor.u32 $0x1, s6;
	[smem:$0x0] =	sst s0;
	s26 =	sshll.u32 s25, $0x3  }
0x1f: {  	s28 =	spop (v2sf);
	s2 =	simm.s32 @p0 $0x101;
	p0 =	slt.s32 s25, $0x0  }
0x20: {  	s0 =	sor.u32 $0x2, s26;
	s29 =	sshll.u32 s28, $0x3;
	s30 =	spop (v2sf)  }
0x21: {  	[smem:$0x1] =	sst s2;
	s0 =	simm.s32 @p0 $0x102;
	p0 =	slt.s32 s28, $0x0  }
0x22: {  	s31 =	spop (v2sf);
	[smem:$0x2] =	sst s0;
	s0 =	sor.u32 $0x3, s29  }
0x23: {  	s7 =	spop (v2sf);
	s0 =	simm.s32 @p0 $0x103  }
0x24: {  	p0 =	slt.s32 s30, $0x0;
	[smem:$0x3] =	sst s0;
	s0 =	sshll.u32 s30, $0x3  }
0x25: {  	s6 =	sshll.u32 s31, $0x3;
	s10 =	sshll.u32 s7, $0x3;
	s0 =	simm.s32 @p0 $0x100  }
0x26: {  	p0 =	slt.s32 s31, $0x0;
	[smem:$0x4] =	sst s0;
	s0 =	sor.u32 $0x1, s6  }
0x27: {  	s2 =	sor.u32 $0x2, s10;
	s0 =	simm.s32 @p0 $0x101;
	p0 =	slt.s32 s7, $0x0  }
0x28: {  	[smem:$0x5] =	sst s0;
	s2 =	simm.s32 @p0 $0x102  }
0x29: {  	[smem:$0x6] =	sst s2  }
0x2a: {  	(v2sf) =	vpush v1, $0x7  }
0x2b: {  	(v2sf) =	vpush v1, $0x8  }
0x2c: {  	(v2sf) =	vpush v1, $0x9;
	_ =	sdelay $0x1  }
0x2d: {  	(v2sf) =	vpush v1, $0xA;
	_ =	sdelay $0x1  }
0x2e: {  	(v2sf) =	vpush v1, $0xB;
	_ =	sdelay $0x1  }
0x2f: {  	(v2sf) =	vpush v1, $0xC  }
0x30: {  	(v2sf) =	vpush v1, $0xD;
	_ =	sdelay $0x1  }
0x31: {  	(v2sf) =	vpush v1, $0xE  }
0x32: {  	v2 =	vld [tilespmem:$0x18810];
	_ =	sdelay $0x2  }
0x33: {  	s11 =	spop (v2sf)  }
0x34: {  	(v2sf) =	vpush v1, $0xF;
	s12 =	sshll.u32 s11, $0x3;
	p0 =	slt.s32 s11, $0x0;
	s20 =	spop (v2sf)  }
0x35: {  	(v2sf) =	vpush v2, $0x0;
	s0 =	sor.u32 $0x3, s12;
	s2 =	sshll.u32 s20, $0x3;
	s21 =	spop (v2sf)  }
0x36: {  	(v2sf) =	vpush v2, $0x1;
	s0 =	simm.s32 @p0 $0x103;
	p0 =	slt.s32 s20, $0x0;
	s22 =	sshll.u32 s21, $0x3  }
0x37: {  	s23 =	spop (v2sf);
	[smem:$0x7] =	sst s0;
	s2 =	simm.s32 @p0 $0x100  }
0x38: {  	(v2sf) =	vpush v2, $0x2;
	p0 =	slt.s32 s21, $0x0;
	s0 =	sor.u32 $0x1, s22;
	s24 =	sshll.u32 s23, $0x3  }
0x39: {  	s25 =	spop (v2sf);
	[smem:$0x8] =	sst s2;
	s0 =	simm.s32 @p0 $0x101  }
0x3a: {  	(v2sf) =	vpush v2, $0x3;
	p0 =	slt.s32 s23, $0x0;
	s2 =	sor.u32 $0x2, s24;
	s26 =	sshll.u32 s25, $0x3  }
0x3b: {  	s28 =	spop (v2sf);
	[smem:$0x9] =	sst s0;
	s2 =	simm.s32 @p0 $0x102  }
0x3c: {  	(v2sf) =	vpush v2, $0x4;
	p0 =	slt.s32 s25, $0x0;
	s0 =	sor.u32 $0x3, s26;
	s29 =	spop (v2sf)  }
0x3d: {  	(v2sf) =	vpush v2, $0x5;
	[smem:$0xA] =	sst s2;
	s0 =	simm.s32 @p0 $0x103;
	p0 =	slt.s32 s28, $0x0  }
0x3e: {  	s2 =	sshll.u32 s28, $0x3;
	s30 =	sshll.u32 s29, $0x3;
	s31 =	spop (v2sf)  }
0x3f: {  	(v2sf) =	vpush v2, $0x6;
	[smem:$0xB] =	sst s0;
	s2 =	simm.s32 @p0 $0x100;
	p0 =	slt.s32 s29, $0x0  }
0x40: {  	s0 =	sor.u32 $0x1, s30;
	s7 =	sshll.u32 s31, $0x3;
	[smem:$0xC] =	sst s2  }
0x41: {  	s0 =	simm.s32 @p0 $0x101;
	p0 =	slt.s32 s31, $0x0;
	s2 =	sor.u32 $0x2, s7  }
0x42: {  	[smem:$0xD] =	sst s0;
	s2 =	simm.s32 @p0 $0x102  }
0x43: {  	[smem:$0xE] =	sst s2;
	s10 =	spop (v2sf)  }
0x44: {  	(v2sf) =	vpush v2, $0x7;
	s11 =	sshll.u32 s10, $0x3;
	p0 =	slt.s32 s10, $0x0;
	s12 =	spop (v2sf)  }
0x45: {  	(v2sf) =	vpush v2, $0x8;
	s0 =	sor.u32 $0x3, s11;
	s2 =	sshll.u32 s12, $0x3;
	s20 =	spop (v2sf)  }
0x46: {  	(v2sf) =	vpush v2, $0x9;
	s0 =	simm.s32 @p0 $0x103;
	p0 =	slt.s32 s12, $0x0;
	s21 =	sshll.u32 s20, $0x3  }
0x47: {  	s22 =	spop (v2sf);
	[smem:$0xF] =	sst s0;
	s2 =	simm.s32 @p0 $0x100  }
0x48: {  	(v2sf) =	vpush v2, $0xA;
	p0 =	slt.s32 s20, $0x0;
	s0 =	sor.u32 $0x1, s21;
	s23 =	sshll.u32 s22, $0x3  }
0x49: {  	s24 =	spop (v2sf);
	[smem:$0x10] =	sst s2;
	s0 =	simm.s32 @p0 $0x101  }
0x4a: {  	(v2sf) =	vpush v2, $0xB;
	p0 =	slt.s32 s22, $0x0;
	s2 =	sor.u32 $0x2, s23;
	s25 =	sshll.u32 s24, $0x3  }
0x4b: {  	s26 =	spop (v2sf);
	[smem:$0x11] =	sst s0;
	s2 =	simm.s32 @p0 $0x102  }
0x4c: {  	(v2sf) =	vpush v2, $0xC;
	p0 =	slt.s32 s24, $0x0;
	s0 =	sor.u32 $0x3, s25;
	s28 =	spop (v2sf)  }
0x4d: {  	(v2sf) =	vpush v2, $0xD;
	[smem:$0x12] =	sst s2;
	s0 =	simm.s32 @p0 $0x103;
	p0 =	slt.s32 s26, $0x0  }
0x4e: {  	s2 =	sshll.u32 s26, $0x3;
	s29 =	sshll.u32 s28, $0x3;
	s30 =	spop (v2sf)  }
0x4f: {  	(v2sf) =	vpush v2, $0xE;
	[smem:$0x13] =	sst s0;
	s2 =	simm.s32 @p0 $0x100;
	p0 =	slt.s32 s28, $0x0  }
0x50: {  	v1 =	vld [tilespmem:$0x18820];
	s0 =	sor.u32 $0x1, s29;
	s31 =	sshll.u32 s30, $0x3;
	[smem:$0x14] =	sst s2  }
0x51: {  	s0 =	simm.s32 @p0 $0x101;
	p0 =	slt.s32 s30, $0x0;
	s2 =	sor.u32 $0x2, s31  }
0x52: {  	[smem:$0x15] =	sst s0;
	s2 =	simm.s32 @p0 $0x102  }
0x53: {  	[smem:$0x16] =	sst s2;
	s7 =	spop (v2sf)  }
0x54: {  	(v2sf) =	vpush v2, $0xF;
	s10 =	sshll.u32 s7, $0x3;
	p0 =	slt.s32 s7, $0x0;
	s11 =	spop (v2sf)  }
0x55: {  	(v2sf) =	vpush v1, $0x0;
	s0 =	sor.u32 $0x3, s10;
	s2 =	sshll.u32 s11, $0x3;
	s12 =	spop (v2sf)  }
0x56: {  	(v2sf) =	vpush v1, $0x1;
	s0 =	simm.s32 @p0 $0x103;
	p0 =	slt.s32 s11, $0x0;
	s20 =	sshll.u32 s12, $0x3  }
0x57: {  	s21 =	spop (v2sf);
	[smem:$0x17] =	sst s0;
	s2 =	simm.s32 @p0 $0x100  }
0x58: {  	(v2sf) =	vpush v1, $0x2;
	p0 =	slt.s32 s12, $0x0;
	s0 =	sor.u32 $0x1, s20;
	s22 =	sshll.u32 s21, $0x3  }
0x59: {  	s23 =	spop (v2sf);
	[smem:$0x18] =	sst s2;
	s0 =	simm.s32 @p0 $0x101  }
0x5a: {  	(v2sf) =	vpush v1, $0x3;
	p0 =	slt.s32 s21, $0x0;
	s2 =	sor.u32 $0x2, s22;
	s24 =	sshll.u32 s23, $0x3  }
0x5b: {  	s25 =	spop (v2sf);
	[smem:$0x19] =	sst s0;
	s2 =	simm.s32 @p0 $0x102  }
0x5c: {  	(v2sf) =	vpush v1, $0x4;
	p0 =	slt.s32 s23, $0x0;
	s0 =	sor.u32 $0x3, s24;
	s26 =	spop (v2sf)  }
0x5d: {  	(v2sf) =	vpush v1, $0x5;
	[smem:$0x1A] =	sst s2;
	s0 =	simm.s32 @p0 $0x103;
	p0 =	slt.s32 s25, $0x0  }
0x5e: {  	s2 =	sshll.u32 s25, $0x3;
	s28 =	sshll.u32 s26, $0x3;
	s29 =	spop (v2sf)  }
0x5f: {  	(v2sf) =	vpush v1, $0x6;
	[smem:$0x1B] =	sst s0;
	s2 =	simm.s32 @p0 $0x100;
	p0 =	slt.s32 s26, $0x0  }
0x60: {  	s0 =	sor.u32 $0x1, s28;
	s30 =	sshll.u32 s29, $0x3;
	[smem:$0x1C] =	sst s2  }
0x61: {  	s0 =	simm.s32 @p0 $0x101;
	p0 =	slt.s32 s29, $0x0;
	s2 =	sor.u32 $0x2, s30  }
0x62: {  	[smem:$0x1D] =	sst s0;
	s2 =	simm.s32 @p0 $0x102  }
0x63: {  	[smem:$0x1E] =	sst s2;
	s31 =	spop (v2sf)  }
0x64: {  	(v2sf) =	vpush v1, $0x7;
	s7 =	sshll.u32 s31, $0x3;
	p0 =	slt.s32 s31, $0x0;
	s10 =	spop (v2sf)  }
0x65: {  	(v2sf) =	vpush v1, $0x8;
	s0 =	sor.u32 $0x3, s7;
	s2 =	sshll.u32 s10, $0x3;
	s11 =	spop (v2sf)  }
0x66: {  	(v2sf) =	vpush v1, $0x9;
	s0 =	simm.s32 @p0 $0x103;
	p0 =	slt.s32 s10, $0x0;
	s12 =	sshll.u32 s11, $0x3  }
0x67: {  	s20 =	spop (v2sf);
	[smem:$0x1F] =	sst s0;
	s2 =	simm.s32 @p0 $0x100  }
0x68: {  	(v2sf) =	vpush v1, $0xA;
	p0 =	slt.s32 s11, $0x0;
	s0 =	sor.u32 $0x1, s12;
	s21 =	sshll.u32 s20, $0x3  }
0x69: {  	s22 =	spop (v2sf);
	[smem:$0x20] =	sst s2;
	s0 =	simm.s32 @p0 $0x101  }
0x6a: {  	(v2sf) =	vpush v1, $0xB;
	p0 =	slt.s32 s20, $0x0;
	s2 =	sor.u32 $0x2, s21;
	s23 =	sshll.u32 s22, $0x3  }
0x6b: {  	s24 =	spop (v2sf);
	[smem:$0x21] =	sst s0;
	s2 =	simm.s32 @p0 $0x102  }
0x6c: {  	(v2sf) =	vpush v1, $0xC;
	p0 =	slt.s32 s22, $0x0;
	s0 =	sor.u32 $0x3, s23;
	s25 =	spop (v2sf)  }
0x6d: {  	(v2sf) =	vpush v1, $0xD;
	[smem:$0x22] =	sst s2;
	s0 =	simm.s32 @p0 $0x103;
	p0 =	slt.s32 s24, $0x0  }
0x6e: {  	s2 =	sshll.u32 s24, $0x3;
	s26 =	sshll.u32 s25, $0x3;
	s28 =	spop (v2sf)  }
0x6f: {  	(v2sf) =	vpush v1, $0xE;
	[smem:$0x23] =	sst s0;
	s2 =	simm.s32 @p0 $0x100;
	p0 =	slt.s32 s25, $0x0  }
0x70: {  	v2 =	vld [tilespmem:$0x18830];
	s0 =	sor.u32 $0x1, s26;
	s29 =	sshll.u32 s28, $0x3;
	[smem:$0x24] =	sst s2  }
0x71: {  	s0 =	simm.s32 @p0 $0x101;
	p0 =	slt.s32 s28, $0x0;
	s2 =	sor.u32 $0x2, s29  }
0x72: {  	[smem:$0x25] =	sst s0;
	s2 =	simm.s32 @p0 $0x102  }
0x73: {  	[smem:$0x26] =	sst s2;
	s30 =	spop (v2sf)  }
0x74: {  	(v2sf) =	vpush v1, $0xF;
	s31 =	sshll.u32 s30, $0x3;
	p0 =	slt.s32 s30, $0x0;
	s6 =	spop (v2sf)  }
0x75: {  	(v2sf) =	vpush v2, $0x0;
	s0 =	sor.u32 $0x3, s31;
	s2 =	sshll.u32 s6, $0x3;
	s7 =	spop (v2sf)  }
0x76: {  	(v2sf) =	vpush v2, $0x1;
	s0 =	simm.s32 @p0 $0x103;
	p0 =	slt.s32 s6, $0x0;
	s10 =	sshll.u32 s7, $0x3  }
0x77: {  	s11 =	spop (v2sf);
	[smem:$0x27] =	sst s0;
	s2 =	simm.s32 @p0 $0x100  }
0x78: {  	(v2sf) =	vpush v2, $0x2;
	p0 =	slt.s32 s7, $0x0;
	s0 =	sor.u32 $0x1, s10;
	s12 =	sshll.u32 s11, $0x3  }
0x79: {  	s20 =	spop (v2sf);
	[smem:$0x28] =	sst s2;
	s0 =	simm.s32 @p0 $0x101  }
0x7a: {  	(v2sf) =	vpush v2, $0x3;
	p0 =	slt.s32 s11, $0x0;
	s2 =	sor.u32 $0x2, s12;
	s21 =	sshll.u32 s20, $0x3  }
0x7b: {  	s22 =	spop (v2sf);
	[smem:$0x29] =	sst s0;
	s2 =	simm.s32 @p0 $0x102  }
0x7c: {  	(v2sf) =	vpush v2, $0x4;
	p0 =	slt.s32 s20, $0x0;
	s0 =	sor.u32 $0x3, s21;
	s23 =	spop (v2sf)  }
0x7d: {  	(v2sf) =	vpush v2, $0x5;
	[smem:$0x2A] =	sst s2;
	s0 =	simm.s32 @p0 $0x103;
	p0 =	slt.s32 s22, $0x0  }
0x7e: {  	s2 =	sshll.u32 s22, $0x3;
	s24 =	sshll.u32 s23, $0x3;
	s25 =	spop (v2sf)  }
0x7f: {  	(v2sf) =	vpush v2, $0x6;
	[smem:$0x2B] =	sst s0;
	s2 =	simm.s32 @p0 $0x100;
	p0 =	slt.s32 s23, $0x0  }
0x80: {  	s0 =	sor.u32 $0x1, s24;
	s26 =	sshll.u32 s25, $0x3;
	[smem:$0x2C] =	sst s2  }
0x81: {  	s0 =	simm.s32 @p0 $0x101;
	p0 =	slt.s32 s25, $0x0;
	s2 =	sor.u32 $0x2, s26  }
0x82: {  	[smem:$0x2D] =	sst s0;
	s2 =	simm.s32 @p0 $0x102  }
0x83: {  	[smem:$0x2E] =	sst s2;
	s28 =	spop (v2sf)  }
0x84: {  	(v2sf) =	vpush v2, $0x7;
	s29 =	sshll.u32 s28, $0x3;
	p0 =	slt.s32 s28, $0x0;
	s30 =	spop (v2sf)  }
0x85: {  	(v2sf) =	vpush v2, $0x8;
	s0 =	sor.u32 $0x3, s29;
	s2 =	sshll.u32 s30, $0x3;
	s31 =	spop (v2sf)  }
0x86: {  	(v2sf) =	vpush v2, $0x9;
	s0 =	simm.s32 @p0 $0x103;
	p0 =	slt.s32 s30, $0x0;
	s7 =	sshll.u32 s31, $0x3  }
0x87: {  	s10 =	spop (v2sf);
	[smem:$0x2F] =	sst s0;
	s2 =	simm.s32 @p0 $0x100  }
0x88: {  	(v2sf) =	vpush v2, $0xA;
	p0 =	slt.s32 s31, $0x0;
	s0 =	sor.u32 $0x1, s7;
	s11 =	sshll.u32 s10, $0x3  }
0x89: {  	s12 =	spop (v2sf);
	[smem:$0x30] =	sst s2;
	s0 =	simm.s32 @p0 $0x101  }
0x8a: {  	(v2sf) =	vpush v2, $0xB;
	p0 =	slt.s32 s10, $0x0;
	s2 =	sor.u32 $0x2, s11;
	s20 =	sshll.u32 s12, $0x3  }
0x8b: {  	s21 =	spop (v2sf);
	[smem:$0x31] =	sst s0;
	s2 =	simm.s32 @p0 $0x102  }
0x8c: {  	(v2sf) =	vpush v2, $0xC;
	p0 =	slt.s32 s12, $0x0;
	s0 =	sor.u32 $0x3, s20;
	s22 =	spop (v2sf)  }
0x8d: {  	(v2sf) =	vpush v2, $0xD;
	[smem:$0x32] =	sst s2;
	s0 =	simm.s32 @p0 $0x103;
	p0 =	slt.s32 s21, $0x0  }
0x8e: {  	s2 =	sshll.u32 s21, $0x3;
	s23 =	sshll.u32 s22, $0x3;
	s24 =	spop (v2sf)  }
0x8f: {  	(v2sf) =	vpush v2, $0xE;
	[smem:$0x33] =	sst s0;
	s2 =	simm.s32 @p0 $0x100;
	p0 =	slt.s32 s22, $0x0  }
0x90: {  	v3 =	vld [tilespmem:$0x18840];
	s0 =	sor.u32 $0x1, s23;
	s25 =	sshll.u32 s24, $0x3;
	[smem:$0x34] =	sst s2  }
0x91: {  	s0 =	simm.s32 @p0 $0x101;
	p0 =	slt.s32 s24, $0x0;
	s2 =	sor.u32 $0x2, s25  }
0x92: {  	[smem:$0x35] =	sst s0;
	s2 =	simm.s32 @p0 $0x102  }
0x93: {  	[smem:$0x36] =	sst s2;
	s26 =	spop (v2sf)  }
0x94: {  	(v2sf) =	vpush v2, $0xF;
	s28 =	sshll.u32 s26, $0x3;
	p0 =	slt.s32 s26, $0x0;
	s29 =	spop (v2sf)  }
0x95: {  	(v2sf) =	vpush v3, $0x0;
	s0 =	sor.u32 $0x3, s28;
	s2 =	sshll.u32 s29, $0x3;
	s30 =	spop (v2sf)  }
0x96: {  	[tilespmem:$0x8000] =	vst v0;
	(v2sf) =	vpush v3, $0x1;
	s0 =	simm.s32 @p0 $0x103;
	p0 =	slt.s32 s29, $0x0;
	s31 =	sshll.u32 s30, $0x3  }
0x97: {  	[tilespmem:$0x8010] =	vst v0;
	s7 =	spop (v2sf);
	[smem:$0x37] =	sst s0;
	s2 =	simm.s32 @p0 $0x100  }
0x98: {  	[tilespmem:$0x8020] =	vst v0;
	(v2sf) =	vpush v3, $0x2;
	p0 =	slt.s32 s30, $0x0;
	s0 =	sor.u32 $0x1, s31;
	s10 =	sshll.u32 s7, $0x3  }
0x99: {  	[tilespmem:$0x8030] =	vst v0;
	s11 =	spop (v2sf);
	[smem:$0x38] =	sst s2;
	s0 =	simm.s32 @p0 $0x101  }
0x9a: {  	[tilespmem:$0x8040] =	vst v0;
	(v2sf) =	vpush v3, $0x3;
	p0 =	slt.s32 s7, $0x0;
	s2 =	sor.u32 $0x2, s10;
	s12 =	sshll.u32 s11, $0x3  }
0x9b: {  	[tilespmem:$0x8050] =	vst v0;
	s20 =	spop (v2sf);
	[smem:$0x39] =	sst s0;
	s2 =	simm.s32 @p0 $0x102  }
0x9c: {  	[tilespmem:$0x8060] =	vst v0;
	(v2sf) =	vpush v3, $0x4;
	p0 =	slt.s32 s11, $0x0;
	s0 =	sor.u32 $0x3, s12;
	s21 =	spop (v2sf)  }
0x9d: {  	[tilespmem:$0x8070] =	vst v0;
	(v2sf) =	vpush v3, $0x5;
	[smem:$0x3A] =	sst s2;
	s0 =	simm.s32 @p0 $0x103;
	p0 =	slt.s32 s20, $0x0  }
0x9e: {  	[tilespmem:$0x8080] =	vst v0;
	s2 =	sshll.u32 s20, $0x3;
	s22 =	sshll.u32 s21, $0x3;
	s23 =	spop (v2sf)  }
0x9f: {  	[tilespmem:$0x8090] =	vst v0;
	(v2sf) =	vpush v3, $0x6;
	[smem:$0x3B] =	sst s0;
	s2 =	simm.s32 @p0 $0x100;
	p0 =	slt.s32 s21, $0x0  }
0xa0: {  	[tilespmem:$0x80A0] =	vst v0;
	s0 =	sor.u32 $0x1, s22;
	s24 =	sshll.u32 s23, $0x3;
	[smem:$0x3C] =	sst s2  }
0xa1: {  	[tilespmem:$0x80B0] =	vst v0;
	s0 =	simm.s32 @p0 $0x101;
	p0 =	slt.s32 s23, $0x0;
	s2 =	sor.u32 $0x2, s24  }
0xa2: {  	[tilespmem:$0x80C0] =	vst v0;
	[smem:$0x3D] =	sst s0;
	s2 =	simm.s32 @p0 $0x102  }
0xa3: {  	[tilespmem:$0x80D0] =	vst v0;
	[smem:$0x3E] =	sst s2;
	s25 =	spop (v2sf)  }
0xa4: {  	[tilespmem:$0x80E0] =	vst v0;
	(v2sf) =	vpush v3, $0x7;
	s26 =	sshll.u32 s25, $0x3;
	p0 =	slt.s32 s25, $0x0;
	s28 =	spop (v2sf)  }
0xa5: {  	[tilespmem:$0x80F0] =	vst v0;
	(v2sf) =	vpush v3, $0x8;
	s0 =	sor.u32 $0x3, s26;
	s2 =	sshll.u32 s28, $0x3;
	s29 =	spop (v2sf)  }
0xa6: {  	[tilespmem:$0x8100] =	vst v0;
	(v2sf) =	vpush v3, $0x9;
	s0 =	simm.s32 @p0 $0x103;
	p0 =	slt.s32 s28, $0x0;
	s30 =	sshll.u32 s29, $0x3  }
0xa7: {  	[tilespmem:$0x8110] =	vst v0;
	s31 =	spop (v2sf);
	[smem:$0x3F] =	sst s0;
	s2 =	simm.s32 @p0 $0x100  }
0xa8: {  	[tilespmem:$0x8120] =	vst v0;
	(v2sf) =	vpush v3, $0xA;
	p0 =	slt.s32 s29, $0x0;
	s0 =	sor.u32 $0x1, s30;
	s7 =	sshll.u32 s31, $0x3  }
0xa9: {  	[tilespmem:$0x8130] =	vst v0;
	s10 =	spop (v2sf);
	[smem:$0x40] =	sst s2;
	s0 =	simm.s32 @p0 $0x101  }
0xaa: {  	[tilespmem:$0x8140] =	vst v0;
	(v2sf) =	vpush v3, $0xB;
	p0 =	slt.s32 s31, $0x0;
	s2 =	sor.u32 $0x2, s7;
	s11 =	sshll.u32 s10, $0x3  }
0xab: {  	[tilespmem:$0x8150] =	vst v0;
	s12 =	spop (v2sf);
	[smem:$0x41] =	sst s0;
	s2 =	simm.s32 @p0 $0x102  }
0xac: {  	[tilespmem:$0x8160] =	vst v0;
	(v2sf) =	vpush v3, $0xC;
	p0 =	slt.s32 s10, $0x0;
	s0 =	sor.u32 $0x3, s11;
	s20 =	spop (v2sf)  }
0xad: {  	[tilespmem:$0x8170] =	vst v0;
	(v2sf) =	vpush v3, $0xD;
	[smem:$0x42] =	sst s2;
	s0 =	simm.s32 @p0 $0x103;
	p0 =	slt.s32 s12, $0x0  }
0xae: {  	[tilespmem:$0x8180] =	vst v0;
	s2 =	sshll.u32 s12, $0x3;
	s21 =	sshll.u32 s20, $0x3;
	s22 =	spop (v2sf)  }
0xaf: {  	[tilespmem:$0x8190] =	vst v0;
	(v2sf) =	vpush v3, $0xE;
	[smem:$0x43] =	sst s0;
	s2 =	simm.s32 @p0 $0x100;
	p0 =	slt.s32 s20, $0x0  }
0xb0: {  	[tilespmem:$0x81A0] =	vst v0;
	v1 =	vld [tilespmem:$0x18850];
	s0 =	sor.u32 $0x1, s21;
	s23 =	sshll.u32 s22, $0x3;
	[smem:$0x44] =	sst s2  }
0xb1: {  	[tilespmem:$0x81B0] =	vst v0;
	s0 =	simm.s32 @p0 $0x101;
	p0 =	slt.s32 s22, $0x0;
	s2 =	sor.u32 $0x2, s23  }
0xb2: {  	[tilespmem:$0x81C0] =	vst v0;
	[smem:$0x45] =	sst s0;
	s2 =	simm.s32 @p0 $0x102  }
0xb3: {  	[tilespmem:$0x81D0] =	vst v0;
	[smem:$0x46] =	sst s2;
	s24 =	spop (v2sf)  }
0xb4: {  	[tilespmem:$0x81E0] =	vst v0;
	(v2sf) =	vpush v3, $0xF;
	s25 =	sshll.u32 s24, $0x3;
	p0 =	slt.s32 s24, $0x0;
	s26 =	spop (v2sf)  }
0xb5: {  	[tilespmem:$0x81F0] =	vst v0;
	(v2sf) =	vpush v1, $0x0;
	s0 =	sor.u32 $0x3, s25;
	s2 =	sshll.u32 s26, $0x3;
	s28 =	spop (v2sf)  }
0xb6: {  	[tilespmem:$0x8200] =	vst v0;
	(v2sf) =	vpush v1, $0x1;
	s0 =	simm.s32 @p0 $0x103;
	p0 =	slt.s32 s26, $0x0;
	s29 =	sshll.u32 s28, $0x3  }
0xb7: {  	[tilespmem:$0x8210] =	vst v0;
	s30 =	spop (v2sf);
	[smem:$0x47] =	sst s0;
	s2 =	simm.s32 @p0 $0x100  }
0xb8: {  	[tilespmem:$0x8220] =	vst v0;
	(v2sf) =	vpush v1, $0x2;
	p0 =	slt.s32 s28, $0x0;
	s0 =	sor.u32 $0x1, s29;
	s31 =	sshll.u32 s30, $0x3  }
0xb9: {  	[tilespmem:$0x8230] =	vst v0;
	s7 =	spop (v2sf);
	[smem:$0x48] =	sst s2;
	s0 =	simm.s32 @p0 $0x101  }
0xba: {  	[tilespmem:$0x8240] =	vst v0;
	(v2sf) =	vpush v1, $0x3;
	p0 =	slt.s32 s30, $0x0;
	s2 =	sor.u32 $0x2, s31;
	s10 =	sshll.u32 s7, $0x3  }
0xbb: {  	[tilespmem:$0x8250] =	vst v0;
	s11 =	spop (v2sf);
	[smem:$0x49] =	sst s0;
	s2 =	simm.s32 @p0 $0x102  }
0xbc: {  	[tilespmem:$0x8260] =	vst v0;
	(v2sf) =	vpush v1, $0x4;
	p0 =	slt.s32 s7, $0x0;
	s0 =	sor.u32 $0x3, s10;
	s12 =	spop (v2sf)  }
0xbd: {  	[tilespmem:$0x8270] =	vst v0;
	(v2sf) =	vpush v1, $0x5;
	[smem:$0x4A] =	sst s2;
	s0 =	simm.s32 @p0 $0x103;
	p0 =	slt.s32 s11, $0x0  }
0xbe: {  	[tilespmem:$0x8280] =	vst v0;
	s2 =	sshll.u32 s11, $0x3;
	s20 =	sshll.u32 s12, $0x3;
	s21 =	spop (v2sf)  }
0xbf: {  	[tilespmem:$0x8290] =	vst v0;
	(v2sf) =	vpush v1, $0x6;
	[smem:$0x4B] =	sst s0;
	s2 =	simm.s32 @p0 $0x100;
	p0 =	slt.s32 s12, $0x0  }
0xc0: {  	[tilespmem:$0x82A0] =	vst v0;
	s0 =	sor.u32 $0x1, s20;
	s22 =	sshll.u32 s21, $0x3;
	[smem:$0x4C] =	sst s2  }
0xc1: {  	[tilespmem:$0x82B0] =	vst v0;
	s0 =	simm.s32 @p0 $0x101;
	p0 =	slt.s32 s21, $0x0;
	s2 =	sor.u32 $0x2, s22  }
0xc2: {  	[tilespmem:$0x82C0] =	vst v0;
	[smem:$0x4D] =	sst s0;
	s2 =	simm.s32 @p0 $0x102  }
0xc3: {  	[tilespmem:$0x82D0] =	vst v0;
	[smem:$0x4E] =	sst s2;
	s23 =	spop (v2sf)  }
0xc4: {  	[tilespmem:$0x82E0] =	vst v0;
	(v2sf) =	vpush v1, $0x7;
	s24 =	sshll.u32 s23, $0x3;
	p0 =	slt.s32 s23, $0x0;
	s25 =	spop (v2sf)  }
0xc5: {  	[tilespmem:$0x82F0] =	vst v0;
	(v2sf) =	vpush v1, $0x8;
	s0 =	sor.u32 $0x3, s24;
	s2 =	sshll.u32 s25, $0x3;
	s26 =	spop (v2sf)  }
0xc6: {  	[tilespmem:$0x8300] =	vst v0;
	(v2sf) =	vpush v1, $0x9;
	s0 =	simm.s32 @p0 $0x103;
	p0 =	slt.s32 s25, $0x0;
	s28 =	sshll.u32 s26, $0x3  }
0xc7: {  	[tilespmem:$0x8310] =	vst v0;
	s29 =	spop (v2sf);
	[smem:$0x4F] =	sst s0;
	s2 =	simm.s32 @p0 $0x100  }
0xc8: {  	[tilespmem:$0x8320] =	vst v0;
	(v2sf) =	vpush v1, $0xA;
	p0 =	slt.s32 s26, $0x0;
	s0 =	sor.u32 $0x1, s28;
	s30 =	sshll.u32 s29, $0x3  }
0xc9: {  	[tilespmem:$0x8330] =	vst v0;
	s31 =	spop (v2sf);
	[smem:$0x50] =	sst s2;
	s0 =	simm.s32 @p0 $0x101  }
0xca: {  	[tilespmem:$0x8340] =	vst v0;
	(v2sf) =	vpush v1, $0xB;
	p0 =	slt.s32 s29, $0x0;
	s2 =	sor.u32 $0x2, s30;
	s7 =	sshll.u32 s31, $0x3  }
0xcb: {  	[tilespmem:$0x8350] =	vst v0;
	s10 =	spop (v2sf);
	[smem:$0x51] =	sst s0;
	s2 =	simm.s32 @p0 $0x102  }
0xcc: {  	[tilespmem:$0x8360] =	vst v0;
	(v2sf) =	vpush v1, $0xC;
	p0 =	slt.s32 s31, $0x0;
	s0 =	sor.u32 $0x3, s7;
	s11 =	spop (v2sf)  }
0xcd: {  	[tilespmem:$0x8370] =	vst v0;
	(v2sf) =	vpush v1, $0xD;
	[smem:$0x52] =	sst s2;
	s0 =	simm.s32 @p0 $0x103;
	p0 =	slt.s32 s10, $0x0  }
0xce: {  	[tilespmem:$0x8380] =	vst v0;
	s2 =	sshll.u32 s10, $0x3;
	s12 =	sshll.u32 s11, $0x3;
	s20 =	spop (v2sf)  }
0xcf: {  	[tilespmem:$0x8390] =	vst v0;
	(v2sf) =	vpush v1, $0xE;
	[smem:$0x53] =	sst s0;
	s2 =	simm.s32 @p0 $0x100;
	p0 =	slt.s32 s11, $0x0  }
0xd0: {  	[tilespmem:$0x83A0] =	vst v0;
	v2 =	vld [tilespmem:$0x18860];
	s0 =	sor.u32 $0x1, s12;
	s21 =	sshll.u32 s20, $0x3;
	[smem:$0x54] =	sst s2  }
0xd1: {  	[tilespmem:$0x83B0] =	vst v0;
	s0 =	simm.s32 @p0 $0x101;
	p0 =	slt.s32 s20, $0x0;
	s2 =	sor.u32 $0x2, s21  }
0xd2: {  	[tilespmem:$0x83C0] =	vst v0;
	[smem:$0x55] =	sst s0;
	s2 =	simm.s32 @p0 $0x102  }
0xd3: {  	[tilespmem:$0x83D0] =	vst v0;
	[smem:$0x56] =	sst s2;
	s22 =	spop (v2sf)  }
0xd4: {  	[tilespmem:$0x83E0] =	vst v0;
	(v2sf) =	vpush v1, $0xF;
	s23 =	sshll.u32 s22, $0x3;
	p0 =	slt.s32 s22, $0x0;
	s24 =	spop (v2sf)  }
0xd5: {  	[tilespmem:$0x83F0] =	vst v0;
	(v2sf) =	vpush v2, $0x0;
	s0 =	sor.u32 $0x3, s23;
	s2 =	sshll.u32 s24, $0x3;
	s25 =	spop (v2sf)  }
0xd6: {  	[tilespmem:$0x10400] =	vst v0;
	(v2sf) =	vpush v2, $0x1;
	s0 =	simm.s32 @p0 $0x103;
	p0 =	slt.s32 s24, $0x0;
	s26 =	sshll.u32 s25, $0x3  }
0xd7: {  	[tilespmem:$0x10410] =	vst v0;
	s28 =	spop (v2sf);
	[smem:$0x57] =	sst s0;
	s2 =	simm.s32 @p0 $0x100  }
0xd8: {  	[tilespmem:$0x10420] =	vst v0;
	(v2sf) =	vpush v2, $0x2;
	p0 =	slt.s32 s25, $0x0;
	s0 =	sor.u32 $0x1, s26;
	s29 =	sshll.u32 s28, $0x3  }
0xd9: {  	[tilespmem:$0x10430] =	vst v0;
	s30 =	spop (v2sf);
	[smem:$0x58] =	sst s2;
	s0 =	simm.s32 @p0 $0x101  }
0xda: {  	[tilespmem:$0x10440] =	vst v0;
	(v2sf) =	vpush v2, $0x3;
	p0 =	slt.s32 s28, $0x0;
	s2 =	sor.u32 $0x2, s29;
	s31 =	sshll.u32 s30, $0x3  }
0xdb: {  	[tilespmem:$0x10450] =	vst v0;
	s6 =	spop (v2sf);
	[smem:$0x59] =	sst s0;
	s2 =	simm.s32 @p0 $0x102  }
0xdc: {  	[tilespmem:$0x10460] =	vst v0;
	(v2sf) =	vpush v2, $0x4;
	p0 =	slt.s32 s30, $0x0;
	s0 =	sor.u32 $0x3, s31;
	s7 =	spop (v2sf)  }
0xdd: {  	[tilespmem:$0x10470] =	vst v0;
	(v2sf) =	vpush v2, $0x5;
	[smem:$0x5A] =	sst s2;
	s0 =	simm.s32 @p0 $0x103;
	p0 =	slt.s32 s6, $0x0  }
0xde: {  	[tilespmem:$0x10480] =	vst v0;
	s2 =	sshll.u32 s6, $0x3;
	s10 =	sshll.u32 s7, $0x3;
	s11 =	spop (v2sf)  }
0xdf: {  	[tilespmem:$0x10490] =	vst v0;
	(v2sf) =	vpush v2, $0x6;
	[smem:$0x5B] =	sst s0;
	s2 =	simm.s32 @p0 $0x100;
	p0 =	slt.s32 s7, $0x0  }
0xe0: {  	[tilespmem:$0x104A0] =	vst v0;
	s0 =	sor.u32 $0x1, s10;
	s12 =	sshll.u32 s11, $0x3;
	[smem:$0x5C] =	sst s2  }
0xe1: {  	[tilespmem:$0x104B0] =	vst v0;
	s0 =	simm.s32 @p0 $0x101;
	p0 =	slt.s32 s11, $0x0;
	s2 =	sor.u32 $0x2, s12  }
0xe2: {  	[tilespmem:$0x104C0] =	vst v0;
	[smem:$0x5D] =	sst s0;
	s2 =	simm.s32 @p0 $0x102  }
0xe3: {  	[tilespmem:$0x104D0] =	vst v0;
	[smem:$0x5E] =	sst s2;
	s20 =	spop (v2sf);
	(v2sf) =	vpush v2, $0x7  }
0xe4: {  	[tilespmem:$0x104E0] =	vst v0;
	s21 =	sshll.u32 s20, $0x3;
	p0 =	slt.s32 s20, $0x0;
	s22 =	spop (v2sf)  }
0xe5: {  	[tilespmem:$0x104F0] =	vst v0;
	(v2sf) =	vpush v2, $0x8;
	s0 =	sor.u32 $0x3, s21;
	s2 =	sshll.u32 s22, $0x3;
	s23 =	spop (v2sf)  }
0xe6: {  	[tilespmem:$0x10500] =	vst v0;
	(v2sf) =	vpush v2, $0x9;
	s0 =	simm.s32 @p0 $0x103;
	p0 =	slt.s32 s22, $0x0;
	s24 =	sshll.u32 s23, $0x3  }
0xe7: {  	[tilespmem:$0x10510] =	vst v0;
	s25 =	spop (v2sf);
	(v2sf) =	vpush v2, $0xA;
	[smem:$0x5F] =	sst s0;
	s2 =	simm.s32 @p0 $0x100  }
0xe8: {  	[tilespmem:$0x10520] =	vst v0;
	p0 =	slt.s32 s23, $0x0;
	s0 =	sor.u32 $0x1, s24;
	s26 =	sshll.u32 s25, $0x3  }
0xe9: {  	[tilespmem:$0x10530] =	vst v0;
	s28 =	spop (v2sf);
	(v2sf) =	vpush v2, $0xB;
	[smem:$0x60] =	sst s2;
	s0 =	simm.s32 @p0 $0x101  }
0xea: {  	[tilespmem:$0x10540] =	vst v0;
	p0 =	slt.s32 s25, $0x0;
	s2 =	sor.u32 $0x2, s26;
	s29 =	sshll.u32 s28, $0x3  }
0xeb: {  	[tilespmem:$0x10550] =	vst v0;
	s30 =	spop (v2sf);
	(v2sf) =	vpush v2, $0xC;
	[smem:$0x61] =	sst s0;
	s2 =	simm.s32 @p0 $0x102  }
0xec: {  	[tilespmem:$0x10560] =	vst v0;
	p0 =	slt.s32 s28, $0x0;
	s0 =	sor.u32 $0x3, s29;
	s31 =	spop (v2sf)  }
0xed: {  	[tilespmem:$0x10570] =	vst v0;
	(v2sf) =	vpush v2, $0xD;
	[smem:$0x62] =	sst s2;
	s0 =	simm.s32 @p0 $0x103;
	p0 =	slt.s32 s30, $0x0  }
0xee: {  	[tilespmem:$0x10580] =	vst v0;
	s2 =	sshll.u32 s30, $0x3;
	s7 =	sshll.u32 s31, $0x3;
	s10 =	spop (v2sf)  }
0xef: {  	[tilespmem:$0x10590] =	vst v0;
	(v2sf) =	vpush v2, $0xE;
	[smem:$0x63] =	sst s0;
	s2 =	simm.s32 @p0 $0x100;
	p0 =	slt.s32 s31, $0x0  }
0xf0: {  	[tilespmem:$0x105A0] =	vst v0;
	v1 =	vld [tilespmem:$0x18870];
	s0 =	sor.u32 $0x1, s7;
	s11 =	sshll.u32 s10, $0x3;
	[smem:$0x64] =	sst s2  }
0xf1: {  	[tilespmem:$0x105B0] =	vst v0;
	s0 =	simm.s32 @p0 $0x101;
	p0 =	slt.s32 s10, $0x0;
	s2 =	sor.u32 $0x2, s11  }
0xf2: {  	[tilespmem:$0x105C0] =	vst v0;
	[smem:$0x65] =	sst s0;
	s2 =	simm.s32 @p0 $0x102;
	s12 =	spop (v2sf);
	(v2sf) =	vpush v2, $0xF  }
0xf3: {  	[tilespmem:$0x105D0] =	vst v0;
	[smem:$0x66] =	sst s2;
	s20 =	sshll.u32 s12, $0x3  }
0xf4: {  	[tilespmem:$0x105E0] =	vst v0;
	p0 =	slt.s32 s12, $0x0;
	s21 =	spop (v2sf);
	s0 =	sor.u32 $0x3, s20  }
0xf5: {  	[tilespmem:$0x105F0] =	vst v0;
	(v2sf) =	vpush v1, $0x0;
	s2 =	sshll.u32 s21, $0x3;
	s22 =	spop (v2sf);
	s0 =	simm.s32 @p0 $0x103  }
0xf6: {  	[tilespmem:$0x10600] =	vst v0;
	(v2sf) =	vpush v1, $0x1;
	p0 =	slt.s32 s21, $0x0;
	s23 =	sshll.u32 s22, $0x3;
	s24 =	spop (v2sf)  }
0xf7: {  	[tilespmem:$0x10610] =	vst v0;
	[smem:$0x67] =	sst s0;
	s2 =	simm.s32 @p0 $0x100;
	p0 =	slt.s32 s22, $0x0  }
0xf8: {  	[tilespmem:$0x10620] =	vst v0;
	(v2sf) =	vpush v1, $0x2;
	s0 =	sor.u32 $0x1, s23;
	s25 =	sshll.u32 s24, $0x3;
	s26 =	spop (v2sf)  }
0xf9: {  	[tilespmem:$0x10630] =	vst v0;
	(v2sf) =	vpush v1, $0x3;
	[smem:$0x68] =	sst s2;
	s0 =	simm.s32 @p0 $0x101;
	p0 =	slt.s32 s24, $0x0  }
0xfa: {  	[tilespmem:$0x10640] =	vst v0;
	s2 =	sor.u32 $0x2, s25;
	s28 =	sshll.u32 s26, $0x3;
	s29 =	spop (v2sf)  }
0xfb: {  	[tilespmem:$0x10650] =	vst v0;
	[smem:$0x69] =	sst s0;
	s2 =	simm.s32 @p0 $0x102;
	p0 =	slt.s32 s26, $0x0  }
0xfc: {  	[tilespmem:$0x10660] =	vst v0;
	(v2sf) =	vpush v1, $0x4;
	s0 =	sor.u32 $0x3, s28;
	s30 =	spop (v2sf);
	[smem:$0x6A] =	sst s2  }
0xfd: {  	[tilespmem:$0x10670] =	vst v0;
	(v2sf) =	vpush v1, $0x5;
	s0 =	simm.s32 @p0 $0x103;
	p0 =	slt.s32 s29, $0x0;
	s2 =	sshll.u32 s29, $0x3  }
0xfe: {  	[tilespmem:$0x10680] =	vst v0;
	s31 =	sshll.u32 s30, $0x3;
	s7 =	spop (v2sf);
	[smem:$0x6B] =	sst s0  }
0xff: {  	[tilespmem:$0x10690] =	vst v0;
	s2 =	simm.s32 @p0 $0x100;
	p0 =	slt.s32 s30, $0x0;
	s0 =	sor.u32 $0x1, s31  }
0x100: {  	[tilespmem:$0x106A0] =	vst v0;
	s10 =	sshll.u32 s7, $0x3;
	[smem:$0x6C] =	sst s2;
	s0 =	simm.s32 @p0 $0x101  }
0x101: {  	[tilespmem:$0x106B0] =	vst v0;
	p0 =	slt.s32 s7, $0x0;
	s2 =	sor.u32 $0x2, s10;
	s11 =	spop (v2sf);
	(v2sf) =	vpush v1, $0x6  }
0x102: {  	[tilespmem:$0x106C0] =	vst v0;
	[smem:$0x6D] =	sst s0;
	s2 =	simm.s32 @p0 $0x102;
	(v2sf) =	vpush v1, $0x7  }
0x103: {  	[tilespmem:$0x106D0] =	vst v0;
	[smem:$0x6E] =	sst s2  }
0x104: {  	[tilespmem:$0x106E0] =	vst v0;
	s12 =	sshll.u32 s11, $0x3;
	p0 =	slt.s32 s11, $0x0;
	s20 =	spop (v2sf);
	(v2sf) =	vpush v1, $0x8  }
0x105: {  	[tilespmem:$0x106F0] =	vst v0;
	s0 =	sor.u32 $0x3, s12;
	s21 =	spop (v2sf);
	s2 =	sshll.u32 s20, $0x3;
	(v2sf) =	vpush v1, $0x9  }
0x106: {  	[tilespmem:$0x10700] =	vst v0;
	s0 =	simm.s32 @p0 $0x103;
	p0 =	slt.s32 s20, $0x0;
	s22 =	sshll.u32 s21, $0x3  }
0x107: {  	[tilespmem:$0x10710] =	vst v0;
	s23 =	spop (v2sf);
	[smem:$0x6F] =	sst s0;
	s2 =	simm.s32 @p0 $0x100  }
0x108: {  	[tilespmem:$0x10720] =	vst v0;
	p0 =	slt.s32 s21, $0x0;
	s0 =	sor.u32 $0x1, s22;
	s24 =	spop (v2sf);
	(v2sf) =	vpush v1, $0xA  }
0x109: {  	[tilespmem:$0x10730] =	vst v0;
	[smem:$0x70] =	sst s2;
	s0 =	simm.s32 @p0 $0x101;
	p0 =	slt.s32 s23, $0x0;
	(v2sf) =	vpush v1, $0xB  }
0x10a: {  	[tilespmem:$0x10740] =	vst v0;
	p1 =	slt.s32 s24, $0x0;
	[smem:$0x71] =	sst s0;
	s0 =	sshll.u32 s23, $0x3  }
0x10b: {  	[tilespmem:$0x10750] =	vst v0;
	s2 =	sshll.u32 s24, $0x3;
	s25 =	spop (v2sf);
	s0 =	sor.u32 $0x2, s0  }
0x10c: {  	[tilespmem:$0x10760] =	vst v0;
	s2 =	sor.u32 $0x3, s2;
	s26 =	spop (v2sf);
	s0 =	simm.s32 @p0 $0x102  }
0x10d: {  	[tilespmem:$0x10770] =	vst v0;
	s2 =	simm.s32 @p1 $0x103;
	s28 =	sshll.u32 s26, $0x3;
	[smem:$0x72] =	sst s0  }
0x10e: {  	[tilespmem:$0x10780] =	vst v0;
	(v2sf) =	vpush v1, $0xC;
	p0 =	slt.s32 s25, $0x0;
	s0 =	sshll.u32 s25, $0x3;
	[smem:$0x73] =	sst s2  }
0x10f: {  	[tilespmem:$0x10790] =	vst v0;
	s0 =	simm.s32 @p0 $0x100;
	p0 =	slt.s32 s26, $0x0;
	s2 =	sor.u32 $0x1, s28  }
0x110: {  	[tilespmem:$0x107A0] =	vst v0;
	[smem:$0x74] =	sst s0;
	s2 =	simm.s32 @p0 $0x101;
	s29 =	spop (v2sf);
	(v2sf) =	vpush v1, $0xD  }
0x111: {  	[tilespmem:$0x107B0] =	vst v0;
	[smem:$0x75] =	sst s2;
	s30 =	sshll.u32 s29, $0x3;
	s31 =	spop (v2sf);
	(v2sf) =	vpush v1, $0xE  }
0x112: {  	[tilespmem:$0x107C0] =	vst v0;
	p0 =	slt.s32 s29, $0x0;
	s0 =	sor.u32 $0x2, s30;
	s7 =	sshll.u32 s31, $0x3  }
0x113: {  	[tilespmem:$0x107D0] =	vst v0;
	s10 =	spop (v2sf);
	(v2sf) =	vpush v1, $0xF;
	s0 =	simm.s32 @p0 $0x102;
	p0 =	slt.s32 s31, $0x0  }
0x114: {  	[tilespmem:$0x107E0] =	vst v0;
	s11 =	spop (v2sf);
	s2 =	sshll.u32 s10, $0x3;
	s31 =	rddreg [dreg:$0x5]  }
0x115: {  	[tilespmem:$0x107F0] =	vst v0;
	[smem:$0x76] =	sst s0;
	s0 =	sor.u32 $0x3, s7;
	s12 =	sshll.u32 s11, $0x3  }
0x116: {  	[tilespmem:s4], [sflag:$0x1] =	stream.linear.gather [hbm4b:s31+s4], $0x8000, $0x38;
	[tilespmem:$0x18880] =	vst v63  }
0x117: {  	s20 =	spop (v2sf);
	s0 =	simm.s32 @p0 $0x103;
	p0 =	slt.s32 s10, $0x0  }
0x118: {  	s21 =	spop (v2sf);
	s22 =	sshll.u32 s20, $0x3;
	[smem:$0x77] =	sst s0  }
0x119: {  	s2 =	simm.s32 @p0 $0x100;
	p0 =	slt.s32 s11, $0x0;
	s0 =	sor.u32 $0x1, s12  }
0x11a: {  	s23 =	sshll.u32 s21, $0x3;
	[smem:$0x78] =	sst s2;
	s0 =	simm.s32 @p0 $0x101  }
0x11b: {  	p0 =	slt.s32 s20, $0x0;
	[smem:$0x79] =	sst s0;
	s0 =	sor.u32 $0x2, s22  }
0x11c: {  	p1 =	slt.s32 s21, $0x0;
	s2 =	sor.u32 $0x3, s23;
	s0 =	simm.s32 @p0 $0x102  }
0x11d: {  	s24 =	spop (v2sf);
	s2 =	simm.s32 @p1 $0x103;
	[smem:$0x7A] =	sst s0  }
0x11e: {  	p0 =	slt.s32 s24, $0x0;
	[smem:$0x7B] =	sst s2;
	s2 =	sshll.u32 s24, $0x3  }
0x11f: {  	s2 =	simm.s32 @p0 $0x100;
	s25 =	spop (v2sf)  }
0x120: {  	[smem:$0x7C] =	sst s2;
	s0 =	sshll.u32 s25, $0x3;
	s26 =	spop (v2sf)  }
0x121: {  	p1 =	slt.s32 s25, $0x0;
	s0 =	sor.u32 $0x1, s0;
	s28 =	sshll.u32 s26, $0x3  }
0x122: {  	s29 =	spop (v2sf);
	p0 =	slt.s32 s26, $0x0;
	s0 =	simm.s32 @p1 $0x101  }
0x123: {  	s30 =	sshll.u32 s29, $0x3;
	[smem:$0x7D] =	sst s0;
	s0 =	sor.u32 $0x2, s28  }
0x124: {  	p1 =	slt.s32 s29, $0x0;
	s2 =	sor.u32 $0x3, s30;
	s0 =	simm.s32 @p0 $0x102  }
0x125: {  	s2 =	simm.s32 @p1 $0x103;
	[smem:$0x7E] =	sst s0  }
0x126: {  	s20 =	simm.s32 $0x0;
	[smem:$0x7F] =	sst s2  }
.LBB2_2:
0x127: {  	s22 =	sshll.u32 s20, $0x1  }
0x128: {  	s0 =	sor.u32 s22, s5  }
0x129: {  	s23 =	sshll.u32 s0, $0xC  }
0x12a: {  	s21 =	sor.u32 $0x1000, s23  }
0x12b: {  	s7 =	sadd.s32 s1, s21  }
0x12c: {  	[tilespmem:s13], [sflag:$0x2] =	stream.linear.gather [hbm4b:s7+s4], $0x8000, $0x38;
	[tilespmem:$0x18880] =	vst v63  }
0x12d: {  	_ =	swait.ge [sflag:s14], $0x8000  }
0x12e: {  	p0 =	seq.s32 s20, $0x0;
	[sflag:s14] =	ssyncset.done $0x0  }
0x12f: {  	s0 =	simm.s32 @!p0 $0x3;
	[sflag:s14] =	ssyncadd.s32 $0xFFFF8000  }
0x130: {  	_ =	swait.ge @!p0 [sflag:s0], $0x4000  }
0x131: {  	[sflag:s0] =	ssyncset.done @!p0 $0x0  }
0x132: {  	[sflag:s0] =	ssyncadd.s32 @!p0 $0xFFFFC000  }
0x133: {  	s0 =	sld [smem:$0x3]  }
0x134: {  	s2 =	sld [smem:$0x1];
	_ =	sdelay $0x1  }
0x135: {  	s7 =	sld [smem:$0x2];
	s0 =	sshll.u32 s0, $0x9  }
0x136: {  	s11 =	sld [smem:$0x0];
	s2 =	sshll.u32 s2, $0x9;
	s6 =	sshra.s32 s0, $0x2  }
0x137: {  	s25 =	sshra.s32 s2, $0x2;
	v1 =	vld [tilespmem:s6+$0x0]  }
0x138: {  	s7 =	sshll.u32 s7, $0x9;
	v2 =	vld [tilespmem:s25+$0x0]  }
0x139: {  	s10 =	sshll.u32 s11, $0x9;
	s26 =	sshra.s32 s7, $0x2  }
0x13a: {  	s2 =	sshra.s32 s10, $0x2;
	v4 =	vld [tilespmem:s26+$0x0]  }
0x13b: {  	s24 =	simm.s32 $0x10A00;
	v3 =	vld [tilespmem:s2+$0x0]  }
0x13c: {  	[tilespmem:s24+$0xFFFFFF80] =	vst v1  }
0x13d: {  	[tilespmem:s24+$0xFFFFFE80] =	vst v2;
	v1 =	vld [tilespmem:s6+$0x10]  }
0x13e: {  	v2 =	vld [tilespmem:s25+$0x10]  }
0x13f: {  	[tilespmem:s24+$0xFFFFFF00] =	vst v4  }
0x140: {  	[tilespmem:s24+$0xFFFFFE00] =	vst v3;
	v4 =	vld [tilespmem:s26+$0x10]  }
0x141: {  	v3 =	vld [tilespmem:s2+$0x10]  }
0x142: {  	[tilespmem:s24+$0xFFFFFF90] =	vst v1  }
0x143: {  	[tilespmem:s24+$0xFFFFFE90] =	vst v2;
	v1 =	vld [tilespmem:s6+$0x20]  }
0x144: {  	v2 =	vld [tilespmem:s25+$0x20]  }
0x145: {  	[tilespmem:s24+$0xFFFFFF10] =	vst v4  }
0x146: {  	[tilespmem:s24+$0xFFFFFE10] =	vst v3;
	v4 =	vld [tilespmem:s26+$0x20]  }
0x147: {  	v3 =	vld [tilespmem:s2+$0x20]  }
0x148: {  	[tilespmem:s24+$0xFFFFFFA0] =	vst v1  }
0x149: {  	[tilespmem:s24+$0xFFFFFEA0] =	vst v2;
	v1 =	vld [tilespmem:s6+$0x30]  }
0x14a: {  	v2 =	vld [tilespmem:s25+$0x30]  }
0x14b: {  	[tilespmem:s24+$0xFFFFFF20] =	vst v4  }
0x14c: {  	[tilespmem:s24+$0xFFFFFE20] =	vst v3;
	v4 =	vld [tilespmem:s26+$0x30]  }
0x14d: {  	v3 =	vld [tilespmem:s2+$0x30]  }
0x14e: {  	[tilespmem:s24+$0xFFFFFFB0] =	vst v1  }
0x14f: {  	[tilespmem:s24+$0xFFFFFEB0] =	vst v2;
	v1 =	vld [tilespmem:s6+$0x40]  }
0x150: {  	v2 =	vld [tilespmem:s25+$0x40]  }
0x151: {  	[tilespmem:s24+$0xFFFFFF30] =	vst v4  }
0x152: {  	[tilespmem:s24+$0xFFFFFE30] =	vst v3;
	v4 =	vld [tilespmem:s26+$0x40]  }
0x153: {  	v3 =	vld [tilespmem:s2+$0x40]  }
0x154: {  	[tilespmem:s24+$0xFFFFFFC0] =	vst v1  }
0x155: {  	[tilespmem:s24+$0xFFFFFEC0] =	vst v2;
	v1 =	vld [tilespmem:s6+$0x50]  }
0x156: {  	v2 =	vld [tilespmem:s25+$0x50]  }
0x157: {  	[tilespmem:s24+$0xFFFFFF40] =	vst v4  }
0x158: {  	[tilespmem:s24+$0xFFFFFE40] =	vst v3;
	v4 =	vld [tilespmem:s26+$0x50]  }
0x159: {  	v3 =	vld [tilespmem:s2+$0x50]  }
0x15a: {  	[tilespmem:s24+$0xFFFFFFD0] =	vst v1  }
0x15b: {  	[tilespmem:s24+$0xFFFFFED0] =	vst v2;
	v1 =	vld [tilespmem:s6+$0x60]  }
0x15c: {  	v2 =	vld [tilespmem:s25+$0x60]  }
0x15d: {  	[tilespmem:s24+$0xFFFFFF50] =	vst v4  }
0x15e: {  	[tilespmem:s24+$0xFFFFFE50] =	vst v3;
	v4 =	vld [tilespmem:s26+$0x60]  }
0x15f: {  	v3 =	vld [tilespmem:s2+$0x60]  }
0x160: {  	[tilespmem:s24+$0xFFFFFFE0] =	vst v1  }
0x161: {  	[tilespmem:s24+$0xFFFFFEE0] =	vst v2;
	v1 =	vld [tilespmem:s6+$0x70]  }
0x162: {  	v2 =	vld [tilespmem:s25+$0x70]  }
0x163: {  	[tilespmem:s24+$0xFFFFFF60] =	vst v4  }
0x164: {  	[tilespmem:s24+$0xFFFFFE60] =	vst v3;
	v4 =	vld [tilespmem:s26+$0x70]  }
0x165: {  	v3 =	vld [tilespmem:s2+$0x70]  }
0x166: {  	[tilespmem:s24+$0xFFFFFFF0] =	vst v1  }
0x167: {  	[tilespmem:s24+$0xFFFFFEF0] =	vst v2;
	v1 =	vld [tilespmem:s6+$0x200]  }
0x168: {  	v2 =	vld [tilespmem:s25+$0x200]  }
0x169: {  	[tilespmem:s24+$0xFFFFFF70] =	vst v4  }
0x16a: {  	[tilespmem:s24+$0xFFFFFE70] =	vst v3;
	v4 =	vld [tilespmem:s26+$0x200]  }
0x16b: {  	v3 =	vld [tilespmem:s2+$0x200]  }
0x16c: {  	[tilespmem:s24+$0x180] =	vst v1  }
0x16d: {  	[tilespmem:s24+$0x80] =	vst v2;
	v1 =	vld [tilespmem:s6+$0x210]  }
0x16e: {  	v2 =	vld [tilespmem:s25+$0x210]  }
0x16f: {  	[tilespmem:s24+$0x100] =	vst v4  }
0x170: {  	[tilespmem:s24+$0x0] =	vst v3;
	v4 =	vld [tilespmem:s26+$0x210]  }
0x171: {  	v3 =	vld [tilespmem:s2+$0x210];
	s11 =	sld [smem:$0x7]  }
0x172: {  	[tilespmem:s24+$0x190] =	vst v1  }
0x173: {  	s12 =	sld [smem:$0x5];
	[tilespmem:s24+$0x90] =	vst v2;
	v1 =	vld [tilespmem:s6+$0x220]  }
0x174: {  	s0 =	sshll.u32 s11, $0x9;
	s10 =	sld [smem:$0x6]  }
0x175: {  	v2 =	vld [tilespmem:s25+$0x220];
	s28 =	sshra.s32 s0, $0x2;
	s29 =	sld [smem:$0x4]  }
0x176: {  	[tilespmem:s24+$0x10] =	vst v3;
	v5 =	vld [tilespmem:s28+$0x0];
	s7 =	sshll.u32 s12, $0x9  }
0x177: {  	v3 =	vld [tilespmem:s2+$0x220];
	s0 =	sshra.s32 s7, $0x2  }
0x178: {  	s12 =	sshll.u32 s29, $0x9;
	v6 =	vld [tilespmem:s0+$0x0];
	[tilespmem:s24+$0x1A0] =	vst v1  }
0x179: {  	[tilespmem:s24+$0x110] =	vst v4;
	s11 =	sshll.u32 s10, $0x9;
	s30 =	sshra.s32 s12, $0x2;
	v1 =	vld [tilespmem:s6+$0x230]  }
0x17a: {  	s31 =	sshra.s32 s11, $0x2;
	s29 =	simm.s32 $0x10E00;
	[tilespmem:s24+$0xA0] =	vst v2;
	v2 =	vld [tilespmem:s30+$0x0]  }
0x17b: {  	v4 =	vld [tilespmem:s31+$0x0];
	[tilespmem:s29+$0xFFFFFF80] =	vst v5  }
0x17c: {  	[tilespmem:s24+$0x20] =	vst v3;
	v3 =	vld [tilespmem:s26+$0x220]  }
0x17d: {  	v5 =	vld [tilespmem:s28+$0x10];
	[tilespmem:s29+$0xFFFFFE80] =	vst v6  }
0x17e: {  	v6 =	vld [tilespmem:s0+$0x10];
	[tilespmem:s24+$0x1B0] =	vst v1  }
0x17f: {  	[tilespmem:s29+$0xFFFFFE00] =	vst v2;
	v1 =	vld [tilespmem:s6+$0x240]  }
0x180: {  	[tilespmem:s29+$0xFFFFFF00] =	vst v4;
	v2 =	vld [tilespmem:s30+$0x10]  }
0x181: {  	v4 =	vld [tilespmem:s31+$0x10];
	[tilespmem:s24+$0x120] =	vst v3  }
0x182: {  	[tilespmem:s29+$0xFFFFFF90] =	vst v5;
	v3 =	vld [tilespmem:s2+$0x230]  }
0x183: {  	v5 =	vld [tilespmem:s28+$0x20];
	[tilespmem:s29+$0xFFFFFE90] =	vst v6  }
0x184: {  	v6 =	vld [tilespmem:s0+$0x20];
	[tilespmem:s24+$0x1C0] =	vst v1  }
0x185: {  	[tilespmem:s29+$0xFFFFFE10] =	vst v2;
	v1 =	vld [tilespmem:s6+$0x250]  }
0x186: {  	[tilespmem:s29+$0xFFFFFF10] =	vst v4;
	v2 =	vld [tilespmem:s30+$0x20]  }
0x187: {  	v4 =	vld [tilespmem:s31+$0x20];
	[tilespmem:s24+$0x30] =	vst v3  }
0x188: {  	v3 =	vld [tilespmem:s25+$0x230];
	[tilespmem:s29+$0xFFFFFFA0] =	vst v5  }
0x189: {  	v5 =	vld [tilespmem:s28+$0x30];
	[tilespmem:s29+$0xFFFFFEA0] =	vst v6  }
0x18a: {  	v6 =	vld [tilespmem:s0+$0x30];
	[tilespmem:s24+$0x1D0] =	vst v1  }
0x18b: {  	[tilespmem:s29+$0xFFFFFE20] =	vst v2;
	v1 =	vld [tilespmem:s6+$0x260]  }
0x18c: {  	[tilespmem:s29+$0xFFFFFF20] =	vst v4;
	v2 =	vld [tilespmem:s30+$0x30]  }
0x18d: {  	[tilespmem:s24+$0xB0] =	vst v3;
	v4 =	vld [tilespmem:s31+$0x30]  }
0x18e: {  	v3 =	vld [tilespmem:s26+$0x230];
	[tilespmem:s29+$0xFFFFFFB0] =	vst v5  }
0x18f: {  	v5 =	vld [tilespmem:s28+$0x40];
	[tilespmem:s29+$0xFFFFFEB0] =	vst v6  }
0x190: {  	v6 =	vld [tilespmem:s0+$0x40];
	[tilespmem:s24+$0x1E0] =	vst v1  }
0x191: {  	[tilespmem:s29+$0xFFFFFE30] =	vst v2;
	v1 =	vld [tilespmem:s6+$0x270]  }
0x192: {  	[tilespmem:s29+$0xFFFFFF30] =	vst v4;
	v2 =	vld [tilespmem:s30+$0x40]  }
0x193: {  	[tilespmem:s24+$0x130] =	vst v3;
	v4 =	vld [tilespmem:s31+$0x40]  }
0x194: {  	v3 =	vld [tilespmem:s2+$0x240];
	[tilespmem:s29+$0xFFFFFFC0] =	vst v5  }
0x195: {  	v5 =	vld [tilespmem:s28+$0x50];
	[tilespmem:s29+$0xFFFFFEC0] =	vst v6  }
0x196: {  	v6 =	vld [tilespmem:s0+$0x50];
	[tilespmem:s24+$0x1F0] =	vst v1  }
0x197: {  	v1 =	vld [tilespmem:s25+$0x240];
	[tilespmem:s29+$0xFFFFFE40] =	vst v2  }
0x198: {  	[tilespmem:s29+$0xFFFFFF40] =	vst v4;
	v2 =	vld [tilespmem:s30+$0x50]  }
0x199: {  	[tilespmem:s24+$0x40] =	vst v3;
	v4 =	vld [tilespmem:s31+$0x50]  }
0x19a: {  	v3 =	vld [tilespmem:s26+$0x240];
	[tilespmem:s29+$0xFFFFFFD0] =	vst v5  }
0x19b: {  	v5 =	vld [tilespmem:s28+$0x60];
	[tilespmem:s29+$0xFFFFFED0] =	vst v6  }
0x19c: {  	[tilespmem:s24+$0xC0] =	vst v1;
	v6 =	vld [tilespmem:s0+$0x60]  }
0x19d: {  	v1 =	vld [tilespmem:s2+$0x250];
	[tilespmem:s29+$0xFFFFFE50] =	vst v2  }
0x19e: {  	[tilespmem:s29+$0xFFFFFF50] =	vst v4;
	v2 =	vld [tilespmem:s30+$0x60]  }
0x19f: {  	[tilespmem:s24+$0x140] =	vst v3;
	v4 =	vld [tilespmem:s31+$0x60]  }
0x1a0: {  	v3 =	vld [tilespmem:s25+$0x250];
	[tilespmem:s29+$0xFFFFFFE0] =	vst v5  }
0x1a1: {  	v5 =	vld [tilespmem:s28+$0x70];
	[tilespmem:s29+$0xFFFFFEE0] =	vst v6  }
0x1a2: {  	[tilespmem:s24+$0x50] =	vst v1;
	v6 =	vld [tilespmem:s0+$0x70]  }
0x1a3: {  	v1 =	vld [tilespmem:s26+$0x250];
	[tilespmem:s29+$0xFFFFFE60] =	vst v2  }
0x1a4: {  	[tilespmem:s29+$0xFFFFFF60] =	vst v4;
	v2 =	vld [tilespmem:s30+$0x70]  }
0x1a5: {  	[tilespmem:s24+$0xD0] =	vst v3;
	v4 =	vld [tilespmem:s31+$0x70]  }
0x1a6: {  	v3 =	vld [tilespmem:s2+$0x260];
	[tilespmem:s29+$0xFFFFFFF0] =	vst v5  }
0x1a7: {  	v5 =	vld [tilespmem:s28+$0x200];
	[tilespmem:s29+$0xFFFFFEF0] =	vst v6  }
0x1a8: {  	[tilespmem:s24+$0x150] =	vst v1;
	v6 =	vld [tilespmem:s0+$0x200]  }
0x1a9: {  	v1 =	vld [tilespmem:s25+$0x260];
	[tilespmem:s29+$0xFFFFFE70] =	vst v2  }
0x1aa: {  	[tilespmem:s29+$0xFFFFFF70] =	vst v4;
	v2 =	vld [tilespmem:s30+$0x200]  }
0x1ab: {  	[tilespmem:s24+$0x60] =	vst v3;
	v7 =	vld [tilespmem:s31+$0x200]  }
0x1ac: {  	v8 =	vld [tilespmem:s26+$0x260];
	[tilespmem:s29+$0x180] =	vst v5  }
0x1ad: {  	v5 =	vld [tilespmem:s28+$0x210];
	[tilespmem:s29+$0x80] =	vst v6  }
0x1ae: {  	[tilespmem:s24+$0xE0] =	vst v1;
	v3 =	vld [tilespmem:s0+$0x210]  }
0x1af: {  	v1 =	vld [tilespmem:s2+$0x270];
	[tilespmem:s29+$0x0] =	vst v2  }
0x1b0: {  	[tilespmem:s29+$0x100] =	vst v7;
	v4 =	vld [tilespmem:s30+$0x210]  }
0x1b1: {  	s11 =	simm.s32 $0xA;
	s2 =	simm.s32 $0x4;
	[tilespmem:s24+$0x160] =	vst v8;
	v2 =	vld [tilespmem:s31+$0x210]  }
.LBB2_3:
0x1b2: {  	s6 =	sld [smem:s11+$0x1];
	s2 =	sadd.s32 $0x4, s2;
	[tilespmem:s29+$0x190] =	vst v5;
	v5 =	vld [tilespmem:s25+$0x270];
	s25 =	smov.u32 s0  }
0x1b3: {  	s0 =	sld [smem:s11+$0xFFFFFFFF];
	p1 =	slt.u32 s2, $0x3C;
	[tilespmem:s29+$0x90] =	vst v3;
	v3 =	vld [tilespmem:s28+$0x220]  }
0x1b4: {  	s10 =	sld [smem:s11+$0x0];
	v6 =	vld [tilespmem:s25+$0x220];
	[tilespmem:s24+$0x70] =	vst v1  }
0x1b5: {  	s12 =	sld [smem:s11+$0xFFFFFFFE];
	s6 =	sshll.u32 s6, $0x9;
	[tilespmem:s29+$0x10] =	vst v4;
	v1 =	vld [tilespmem:s26+$0x270];
	s26 =	smov.u32 s31  }
0x1b6: {  	s0 =	sshll.u32 s0, $0x9;
	s7 =	sshra.s32 s6, $0x2;
	v4 =	vld [tilespmem:s30+$0x220];
	[tilespmem:s29+$0x110] =	vst v2  }
0x1b7: {  	s0 =	sshra.s32 s0, $0x2;
	s6 =	sshll.u32 s10, $0x9;
	v2 =	vld [tilespmem:s7+$0x0];
	[tilespmem:s24+$0xF0] =	vst v5  }
0x1b8: {  	s10 =	sshll.u32 s12, $0x9;
	v5 =	vld [tilespmem:s0+$0x0];
	s31 =	sshra.s32 s6, $0x2;
	[tilespmem:s29+$0x1A0] =	vst v3  }
0x1b9: {  	s6 =	sshra.s32 s10, $0x2;
	[tilespmem:s29+$0xA0] =	vst v6;
	v3 =	vld [tilespmem:s28+$0x230]  }
0x1ba: {  	v6 =	vld [tilespmem:s6+$0x0];
	[tilespmem:s24+$0x170] =	vst v1;
	s24 =	smov.u32 s29  }
0x1bb: {  	s29 =	sadd.s32 $0x400, s29;
	v1 =	vld [tilespmem:s31+$0x0];
	[tilespmem:s24+$0x20] =	vst v4  }
0x1bc: {  	[tilespmem:s29+$0xFFFFFF80] =	vst v2;
	v2 =	vld [tilespmem:s26+$0x220]  }
0x1bd: {  	[tilespmem:s29+$0xFFFFFE80] =	vst v5;
	v4 =	vld [tilespmem:s7+$0x10]  }
0x1be: {  	v5 =	vld [tilespmem:s0+$0x10];
	[tilespmem:s24+$0x1B0] =	vst v3  }
0x1bf: {  	[tilespmem:s29+$0xFFFFFE00] =	vst v6;
	v3 =	vld [tilespmem:s28+$0x240]  }
0x1c0: {  	v6 =	vld [tilespmem:s6+$0x10];
	[tilespmem:s29+$0xFFFFFF00] =	vst v1  }
0x1c1: {  	v1 =	vld [tilespmem:s31+$0x10];
	[tilespmem:s24+$0x120] =	vst v2  }
0x1c2: {  	[tilespmem:s29+$0xFFFFFF90] =	vst v4;
	v2 =	vld [tilespmem:s30+$0x230]  }
0x1c3: {  	[tilespmem:s29+$0xFFFFFE90] =	vst v5;
	v4 =	vld [tilespmem:s7+$0x20]  }
0x1c4: {  	v5 =	vld [tilespmem:s0+$0x20];
	[tilespmem:s24+$0x1C0] =	vst v3  }
0x1c5: {  	[tilespmem:s29+$0xFFFFFE10] =	vst v6;
	v3 =	vld [tilespmem:s28+$0x250]  }
0x1c6: {  	v6 =	vld [tilespmem:s6+$0x20];
	[tilespmem:s29+$0xFFFFFF10] =	vst v1  }
0x1c7: {  	v1 =	vld [tilespmem:s31+$0x20];
	[tilespmem:s24+$0x30] =	vst v2  }
0x1c8: {  	[tilespmem:s29+$0xFFFFFFA0] =	vst v4;
	v2 =	vld [tilespmem:s25+$0x230]  }
0x1c9: {  	[tilespmem:s29+$0xFFFFFEA0] =	vst v5;
	v4 =	vld [tilespmem:s7+$0x30]  }
0x1ca: {  	v5 =	vld [tilespmem:s0+$0x30];
	[tilespmem:s24+$0x1D0] =	vst v3  }
0x1cb: {  	[tilespmem:s29+$0xFFFFFE20] =	vst v6;
	v3 =	vld [tilespmem:s28+$0x260]  }
0x1cc: {  	v6 =	vld [tilespmem:s6+$0x30];
	[tilespmem:s29+$0xFFFFFF20] =	vst v1  }
0x1cd: {  	v1 =	vld [tilespmem:s31+$0x30];
	[tilespmem:s24+$0xB0] =	vst v2  }
0x1ce: {  	[tilespmem:s29+$0xFFFFFFB0] =	vst v4;
	v2 =	vld [tilespmem:s26+$0x230]  }
0x1cf: {  	[tilespmem:s29+$0xFFFFFEB0] =	vst v5;
	v4 =	vld [tilespmem:s7+$0x40]  }
0x1d0: {  	v5 =	vld [tilespmem:s0+$0x40];
	[tilespmem:s24+$0x1E0] =	vst v3  }
0x1d1: {  	[tilespmem:s29+$0xFFFFFE30] =	vst v6;
	v3 =	vld [tilespmem:s28+$0x270];
	s28 =	smov.u32 s7  }
0x1d2: {  	v6 =	vld [tilespmem:s6+$0x40];
	[tilespmem:s29+$0xFFFFFF30] =	vst v1  }
0x1d3: {  	v1 =	vld [tilespmem:s31+$0x40];
	[tilespmem:s24+$0x130] =	vst v2  }
0x1d4: {  	[tilespmem:s29+$0xFFFFFFC0] =	vst v4;
	v2 =	vld [tilespmem:s30+$0x240]  }
0x1d5: {  	[tilespmem:s29+$0xFFFFFEC0] =	vst v5;
	v4 =	vld [tilespmem:s28+$0x50]  }
0x1d6: {  	v5 =	vld [tilespmem:s0+$0x50];
	[tilespmem:s24+$0x1F0] =	vst v3  }
0x1d7: {  	[tilespmem:s29+$0xFFFFFE40] =	vst v6;
	v3 =	vld [tilespmem:s25+$0x240]  }
0x1d8: {  	v6 =	vld [tilespmem:s6+$0x50];
	[tilespmem:s29+$0xFFFFFF40] =	vst v1  }
0x1d9: {  	v1 =	vld [tilespmem:s31+$0x50];
	[tilespmem:s24+$0x40] =	vst v2  }
0x1da: {  	[tilespmem:s29+$0xFFFFFFD0] =	vst v4;
	v2 =	vld [tilespmem:s26+$0x240]  }
0x1db: {  	[tilespmem:s29+$0xFFFFFED0] =	vst v5;
	v4 =	vld [tilespmem:s28+$0x60]  }
0x1dc: {  	v5 =	vld [tilespmem:s0+$0x60];
	[tilespmem:s24+$0xC0] =	vst v3  }
0x1dd: {  	[tilespmem:s29+$0xFFFFFE50] =	vst v6;
	v3 =	vld [tilespmem:s30+$0x250]  }
0x1de: {  	v6 =	vld [tilespmem:s6+$0x60];
	[tilespmem:s29+$0xFFFFFF50] =	vst v1  }
0x1df: {  	v1 =	vld [tilespmem:s31+$0x60];
	[tilespmem:s24+$0x140] =	vst v2  }
0x1e0: {  	[tilespmem:s29+$0xFFFFFFE0] =	vst v4;
	v2 =	vld [tilespmem:s25+$0x250]  }
0x1e1: {  	[tilespmem:s29+$0xFFFFFEE0] =	vst v5;
	v4 =	vld [tilespmem:s28+$0x70]  }
0x1e2: {  	v5 =	vld [tilespmem:s0+$0x70];
	[tilespmem:s24+$0x50] =	vst v3  }
0x1e3: {  	[tilespmem:s29+$0xFFFFFE60] =	vst v6;
	v3 =	vld [tilespmem:s26+$0x250]  }
0x1e4: {  	v6 =	vld [tilespmem:s6+$0x70];
	[tilespmem:s29+$0xFFFFFF60] =	vst v1  }
0x1e5: {  	v1 =	vld [tilespmem:s31+$0x70];
	[tilespmem:s24+$0xD0] =	vst v2  }
0x1e6: {  	[tilespmem:s29+$0xFFFFFFF0] =	vst v4;
	v2 =	vld [tilespmem:s30+$0x260]  }
0x1e7: {  	[tilespmem:s29+$0xFFFFFEF0] =	vst v5;
	v4 =	vld [tilespmem:s28+$0x200]  }
0x1e8: {  	v5 =	vld [tilespmem:s0+$0x200];
	[tilespmem:s24+$0x150] =	vst v3  }
0x1e9: {  	[tilespmem:s29+$0xFFFFFE70] =	vst v6;
	v6 =	vld [tilespmem:s25+$0x260]  }
0x1ea: {  	v7 =	vld [tilespmem:s6+$0x200];
	[tilespmem:s29+$0xFFFFFF70] =	vst v1  }
0x1eb: {  	v8 =	vld [tilespmem:s31+$0x200];
	[tilespmem:s24+$0x60] =	vst v2  }
0x1ec: {  	[tilespmem:s29+$0x180] =	vst v4;
	v9 =	vld [tilespmem:s26+$0x260]  }
.Ltmp0:
0x1ed: {  	[tilespmem:s29+$0x80] =	vst v5;
	v5 =	vld [tilespmem:s28+$0x210];
	(pc) =	sbr.rel @p1 .LBB2_3-.Ltmp0, $4  }
0x1ee: {  	v3 =	vld [tilespmem:s0+$0x210];
	[tilespmem:s24+$0xE0] =	vst v6  }
0x1ef: {  	[tilespmem:s29+$0x0] =	vst v7;
	v1 =	vld [tilespmem:s30+$0x270];
	s30 =	smov.u32 s6  }
0x1f0: {  	v4 =	vld [tilespmem:s30+$0x210];
	[tilespmem:s29+$0x100] =	vst v8  }
0x1f1: {  	s11 =	sadd.s32 $0x4, s11;
	v2 =	vld [tilespmem:s31+$0x210];
	[tilespmem:s24+$0x160] =	vst v9  }
0x1f2: {  	_ =	sdelay $0x1  }
0x1f3: {  	[tilespmem:s29+$0x190] =	vst v5  }
0x1f4: {  	v5 =	vld [tilespmem:s28+$0x220];
	[tilespmem:s29+$0x10] =	vst v4  }
0x1f5: {  	[tilespmem:s29+$0x90] =	vst v3;
	v3 =	vld [tilespmem:s30+$0x220]  }
0x1f6: {  	v4 =	vld [tilespmem:s0+$0x220];
	[tilespmem:s29+$0x110] =	vst v2  }
0x1f7: {  	v2 =	vld [tilespmem:s31+$0x220];
	_ =	sdelay $0x1  }
0x1f8: {  	[tilespmem:s29+$0x1A0] =	vst v5  }
0x1f9: {  	v5 =	vld [tilespmem:s28+$0x230];
	[tilespmem:s29+$0x20] =	vst v3  }
0x1fa: {  	[tilespmem:s29+$0xA0] =	vst v4;
	v3 =	vld [tilespmem:s30+$0x230]  }
0x1fb: {  	[tilespmem:s29+$0x120] =	vst v2;
	v2 =	vld [tilespmem:s0+$0x230]  }
0x1fc: {  	v4 =	vld [tilespmem:s31+$0x230];
	_ =	sdelay $0x1  }
0x1fd: {  	[tilespmem:s29+$0x1B0] =	vst v5  }
0x1fe: {  	v5 =	vld [tilespmem:s28+$0x240];
	[tilespmem:s29+$0x30] =	vst v3  }
0x1ff: {  	[tilespmem:s29+$0xB0] =	vst v2;
	v2 =	vld [tilespmem:s30+$0x240]  }
0x200: {  	[tilespmem:s29+$0x130] =	vst v4;
	v3 =	vld [tilespmem:s0+$0x240]  }
0x201: {  	v4 =	vld [tilespmem:s31+$0x240];
	_ =	sdelay $0x1  }
0x202: {  	[tilespmem:s29+$0x1C0] =	vst v5  }
0x203: {  	v5 =	vld [tilespmem:s28+$0x250];
	[tilespmem:s29+$0x40] =	vst v2  }
0x204: {  	[tilespmem:s29+$0xC0] =	vst v3;
	v2 =	vld [tilespmem:s30+$0x250]  }
0x205: {  	[tilespmem:s29+$0x140] =	vst v4;
	v3 =	vld [tilespmem:s0+$0x250]  }
0x206: {  	v4 =	vld [tilespmem:s31+$0x250];
	_ =	sdelay $0x1  }
0x207: {  	[tilespmem:s29+$0x1D0] =	vst v5  }
0x208: {  	v5 =	vld [tilespmem:s28+$0x260];
	[tilespmem:s29+$0x50] =	vst v2  }
0x209: {  	[tilespmem:s29+$0xD0] =	vst v3;
	v2 =	vld [tilespmem:s30+$0x260]  }
0x20a: {  	[tilespmem:s29+$0x150] =	vst v4;
	v3 =	vld [tilespmem:s0+$0x260]  }
0x20b: {  	v4 =	vld [tilespmem:s31+$0x260]  }
0x20c: {  	v6 =	vld [tilespmem:s25+$0x270];
	[tilespmem:s24+$0x70] =	vst v1  }
0x20d: {  	v1 =	vld [tilespmem:s26+$0x270];
	[tilespmem:s29+$0x1E0] =	vst v5  }
0x20e: {  	v5 =	vld [tilespmem:s28+$0x270];
	[tilespmem:s29+$0x60] =	vst v2  }
0x20f: {  	[tilespmem:s29+$0xE0] =	vst v3;
	v2 =	vld [tilespmem:s30+$0x270]  }
0x210: {  	[tilespmem:s29+$0x160] =	vst v4;
	v3 =	vld [tilespmem:s0+$0x270]  }
0x211: {  	[tilespmem:s24+$0xF0] =	vst v6;
	v4 =	vld [tilespmem:s31+$0x270]  }
0x212: {  	[tilespmem:s24+$0x170] =	vst v1  }
0x213: {  	[tilespmem:s29+$0x1F0] =	vst v5  }
0x214: {  	[tilespmem:s29+$0x70] =	vst v2  }
0x215: {  	[tilespmem:s29+$0xF0] =	vst v3  }
0x216: {  	s26 =	sadd.s32 s3, s23;
	s0 =	simm.s32 @!p0 $0x4;
	[tilespmem:s29+$0x170] =	vst v4  }
0x217: {  	[hbm4b:s26+s4] =	stream.linear.scatter [tilespmem:s15], [sflag:$0x3], $0x4000, $0x38;
	[tilespmem:$0x18880] =	vst v63  }
0x218: {  	_ =	swait.ge @!p0 [sflag:s0], $0x4000  }
0x219: {  	[sflag:s0] =	ssyncset.done @!p0 $0x0  }
0x21a: {  	[sflag:s0] =	ssyncadd.s32 @!p0 $0xFFFFC000  }
0x21b: {  	s0 =	sld [smem:$0x43]  }
0x21c: {  	s2 =	sld [smem:$0x41];
	_ =	sdelay $0x1  }
0x21d: {  	s7 =	sld [smem:$0x42];
	s0 =	sshll.u32 s0, $0x9  }
0x21e: {  	s10 =	sld [smem:$0x40];
	s2 =	sshll.u32 s2, $0x9;
	s6 =	sshra.s32 s0, $0x2  }
0x21f: {  	s25 =	sshra.s32 s2, $0x2;
	v1 =	vld [tilespmem:s6+$0x0]  }
0x220: {  	s7 =	sshll.u32 s7, $0x9;
	v2 =	vld [tilespmem:s25+$0x0]  }
0x221: {  	s2 =	sshll.u32 s10, $0x9;
	s26 =	sshra.s32 s7, $0x2  }
0x222: {  	s2 =	sshra.s32 s2, $0x2;
	v4 =	vld [tilespmem:s26+$0x0]  }
0x223: {  	s24 =	simm.s32 $0x14800;
	v3 =	vld [tilespmem:s2+$0x0]  }
0x224: {  	[tilespmem:s24+$0x180] =	vst v1  }
0x225: {  	[tilespmem:s24+$0x80] =	vst v2;
	v1 =	vld [tilespmem:s6+$0x10]  }
0x226: {  	v2 =	vld [tilespmem:s25+$0x10]  }
0x227: {  	[tilespmem:s24+$0x100] =	vst v4  }
0x228: {  	[tilespmem:s24+$0x0] =	vst v3;
	v4 =	vld [tilespmem:s26+$0x10]  }
0x229: {  	v3 =	vld [tilespmem:s2+$0x10]  }
0x22a: {  	[tilespmem:s24+$0x190] =	vst v1  }
0x22b: {  	[tilespmem:s24+$0x90] =	vst v2;
	v1 =	vld [tilespmem:s6+$0x20]  }
0x22c: {  	v2 =	vld [tilespmem:s25+$0x20]  }
0x22d: {  	[tilespmem:s24+$0x110] =	vst v4  }
0x22e: {  	[tilespmem:s24+$0x10] =	vst v3;
	v4 =	vld [tilespmem:s26+$0x20]  }
0x22f: {  	v3 =	vld [tilespmem:s2+$0x20]  }
0x230: {  	[tilespmem:s24+$0x1A0] =	vst v1  }
0x231: {  	[tilespmem:s24+$0xA0] =	vst v2;
	v1 =	vld [tilespmem:s6+$0x30]  }
0x232: {  	v2 =	vld [tilespmem:s25+$0x30]  }
0x233: {  	[tilespmem:s24+$0x120] =	vst v4  }
0x234: {  	[tilespmem:s24+$0x20] =	vst v3;
	v4 =	vld [tilespmem:s26+$0x30]  }
0x235: {  	v3 =	vld [tilespmem:s2+$0x30]  }
0x236: {  	[tilespmem:s24+$0x1B0] =	vst v1  }
0x237: {  	[tilespmem:s24+$0xB0] =	vst v2;
	v1 =	vld [tilespmem:s6+$0x40]  }
0x238: {  	v2 =	vld [tilespmem:s25+$0x40]  }
0x239: {  	[tilespmem:s24+$0x130] =	vst v4  }
0x23a: {  	[tilespmem:s24+$0x30] =	vst v3;
	v4 =	vld [tilespmem:s26+$0x40]  }
0x23b: {  	v3 =	vld [tilespmem:s2+$0x40]  }
0x23c: {  	[tilespmem:s24+$0x1C0] =	vst v1  }
0x23d: {  	[tilespmem:s24+$0xC0] =	vst v2;
	v1 =	vld [tilespmem:s6+$0x50]  }
0x23e: {  	v2 =	vld [tilespmem:s25+$0x50]  }
0x23f: {  	[tilespmem:s24+$0x140] =	vst v4  }
0x240: {  	[tilespmem:s24+$0x40] =	vst v3;
	v4 =	vld [tilespmem:s26+$0x50]  }
0x241: {  	v3 =	vld [tilespmem:s2+$0x50]  }
0x242: {  	[tilespmem:s24+$0x1D0] =	vst v1  }
0x243: {  	[tilespmem:s24+$0xD0] =	vst v2;
	v1 =	vld [tilespmem:s6+$0x60]  }
0x244: {  	v2 =	vld [tilespmem:s25+$0x60]  }
0x245: {  	[tilespmem:s24+$0x150] =	vst v4  }
0x246: {  	[tilespmem:s24+$0x50] =	vst v3;
	v4 =	vld [tilespmem:s26+$0x60]  }
0x247: {  	v3 =	vld [tilespmem:s2+$0x60]  }
0x248: {  	[tilespmem:s24+$0x1E0] =	vst v1  }
0x249: {  	[tilespmem:s24+$0xE0] =	vst v2;
	v1 =	vld [tilespmem:s6+$0x70]  }
0x24a: {  	v2 =	vld [tilespmem:s25+$0x70]  }
0x24b: {  	[tilespmem:s24+$0x160] =	vst v4  }
0x24c: {  	[tilespmem:s24+$0x60] =	vst v3;
	v4 =	vld [tilespmem:s26+$0x70]  }
0x24d: {  	v3 =	vld [tilespmem:s2+$0x70]  }
0x24e: {  	[tilespmem:s24+$0x1F0] =	vst v1  }
0x24f: {  	[tilespmem:s24+$0xF0] =	vst v2;
	v1 =	vld [tilespmem:s6+$0x200]  }
0x250: {  	v2 =	vld [tilespmem:s25+$0x200]  }
0x251: {  	[tilespmem:s24+$0x170] =	vst v4  }
0x252: {  	[tilespmem:s24+$0x70] =	vst v3;
	v4 =	vld [tilespmem:s26+$0x200]  }
0x253: {  	v3 =	vld [tilespmem:s2+$0x200]  }
0x254: {  	[tilespmem:s24+$0x380] =	vst v1  }
0x255: {  	[tilespmem:s24+$0x280] =	vst v2;
	v1 =	vld [tilespmem:s6+$0x210]  }
0x256: {  	v2 =	vld [tilespmem:s25+$0x210]  }
0x257: {  	[tilespmem:s24+$0x300] =	vst v4  }
0x258: {  	[tilespmem:s24+$0x200] =	vst v3;
	v4 =	vld [tilespmem:s26+$0x210]  }
0x259: {  	v3 =	vld [tilespmem:s2+$0x210];
	s7 =	sld [smem:$0x47]  }
0x25a: {  	[tilespmem:s24+$0x390] =	vst v1  }
0x25b: {  	s12 =	sld [smem:$0x45];
	[tilespmem:s24+$0x290] =	vst v2;
	v1 =	vld [tilespmem:s6+$0x220]  }
0x25c: {  	s0 =	sshll.u32 s7, $0x9;
	s10 =	sld [smem:$0x46]  }
0x25d: {  	v2 =	vld [tilespmem:s25+$0x220];
	s28 =	sshra.s32 s0, $0x2;
	s11 =	sld [smem:$0x44]  }
0x25e: {  	[tilespmem:s24+$0x210] =	vst v3;
	v5 =	vld [tilespmem:s28+$0x0];
	s7 =	sshll.u32 s12, $0x9  }
0x25f: {  	v3 =	vld [tilespmem:s2+$0x220];
	s0 =	sshra.s32 s7, $0x2  }
0x260: {  	s12 =	sshll.u32 s11, $0x9;
	v6 =	vld [tilespmem:s0+$0x0];
	[tilespmem:s24+$0x3A0] =	vst v1  }
0x261: {  	[tilespmem:s24+$0x310] =	vst v4;
	s10 =	sshll.u32 s10, $0x9;
	s30 =	sshra.s32 s12, $0x2;
	v1 =	vld [tilespmem:s6+$0x230]  }
0x262: {  	s29 =	simm.s32 $0x14C00;
	s31 =	sshra.s32 s10, $0x2;
	[tilespmem:s24+$0x2A0] =	vst v2;
	v2 =	vld [tilespmem:s30+$0x0]  }
0x263: {  	v4 =	vld [tilespmem:s31+$0x0];
	[tilespmem:s29+$0x180] =	vst v5  }
0x264: {  	[tilespmem:s24+$0x220] =	vst v3;
	v3 =	vld [tilespmem:s26+$0x220]  }
0x265: {  	v5 =	vld [tilespmem:s28+$0x10];
	[tilespmem:s29+$0x80] =	vst v6  }
0x266: {  	v6 =	vld [tilespmem:s0+$0x10];
	[tilespmem:s24+$0x3B0] =	vst v1  }
0x267: {  	[tilespmem:s29+$0x0] =	vst v2;
	v1 =	vld [tilespmem:s6+$0x240]  }
0x268: {  	[tilespmem:s29+$0x100] =	vst v4;
	v2 =	vld [tilespmem:s30+$0x10]  }
0x269: {  	v4 =	vld [tilespmem:s31+$0x10];
	[tilespmem:s24+$0x320] =	vst v3  }
0x26a: {  	[tilespmem:s29+$0x190] =	vst v5;
	v3 =	vld [tilespmem:s2+$0x230]  }
0x26b: {  	v5 =	vld [tilespmem:s28+$0x20];
	[tilespmem:s29+$0x90] =	vst v6  }
0x26c: {  	v6 =	vld [tilespmem:s0+$0x20];
	[tilespmem:s24+$0x3C0] =	vst v1  }
0x26d: {  	[tilespmem:s29+$0x10] =	vst v2;
	v1 =	vld [tilespmem:s6+$0x250]  }
0x26e: {  	[tilespmem:s29+$0x110] =	vst v4;
	v2 =	vld [tilespmem:s30+$0x20]  }
0x26f: {  	v4 =	vld [tilespmem:s31+$0x20];
	[tilespmem:s24+$0x230] =	vst v3  }
0x270: {  	v3 =	vld [tilespmem:s25+$0x230];
	[tilespmem:s29+$0x1A0] =	vst v5  }
0x271: {  	v5 =	vld [tilespmem:s28+$0x30];
	[tilespmem:s29+$0xA0] =	vst v6  }
0x272: {  	v6 =	vld [tilespmem:s0+$0x30];
	[tilespmem:s24+$0x3D0] =	vst v1  }
0x273: {  	[tilespmem:s29+$0x20] =	vst v2;
	v1 =	vld [tilespmem:s6+$0x260]  }
0x274: {  	[tilespmem:s29+$0x120] =	vst v4;
	v2 =	vld [tilespmem:s30+$0x30]  }
0x275: {  	[tilespmem:s24+$0x2B0] =	vst v3;
	v4 =	vld [tilespmem:s31+$0x30]  }
0x276: {  	v3 =	vld [tilespmem:s26+$0x230];
	[tilespmem:s29+$0x1B0] =	vst v5  }
0x277: {  	v5 =	vld [tilespmem:s28+$0x40];
	[tilespmem:s29+$0xB0] =	vst v6  }
0x278: {  	v6 =	vld [tilespmem:s0+$0x40];
	[tilespmem:s24+$0x3E0] =	vst v1  }
0x279: {  	[tilespmem:s29+$0x30] =	vst v2;
	v1 =	vld [tilespmem:s6+$0x270]  }
0x27a: {  	[tilespmem:s29+$0x130] =	vst v4;
	v2 =	vld [tilespmem:s30+$0x40]  }
0x27b: {  	[tilespmem:s24+$0x330] =	vst v3;
	v4 =	vld [tilespmem:s31+$0x40]  }
0x27c: {  	v3 =	vld [tilespmem:s2+$0x240];
	[tilespmem:s29+$0x1C0] =	vst v5  }
0x27d: {  	v5 =	vld [tilespmem:s28+$0x50];
	[tilespmem:s29+$0xC0] =	vst v6  }
0x27e: {  	v6 =	vld [tilespmem:s0+$0x50];
	[tilespmem:s24+$0x3F0] =	vst v1  }
0x27f: {  	v1 =	vld [tilespmem:s25+$0x240];
	[tilespmem:s29+$0x40] =	vst v2  }
0x280: {  	[tilespmem:s29+$0x140] =	vst v4;
	v2 =	vld [tilespmem:s30+$0x50]  }
0x281: {  	[tilespmem:s24+$0x240] =	vst v3;
	v4 =	vld [tilespmem:s31+$0x50]  }
0x282: {  	v3 =	vld [tilespmem:s26+$0x240];
	[tilespmem:s29+$0x1D0] =	vst v5  }
0x283: {  	v5 =	vld [tilespmem:s28+$0x60];
	[tilespmem:s29+$0xD0] =	vst v6  }
0x284: {  	[tilespmem:s24+$0x2C0] =	vst v1;
	v6 =	vld [tilespmem:s0+$0x60]  }
0x285: {  	v1 =	vld [tilespmem:s2+$0x250];
	[tilespmem:s29+$0x50] =	vst v2  }
0x286: {  	[tilespmem:s29+$0x150] =	vst v4;
	v2 =	vld [tilespmem:s30+$0x60]  }
0x287: {  	[tilespmem:s24+$0x340] =	vst v3;
	v4 =	vld [tilespmem:s31+$0x60]  }
0x288: {  	v3 =	vld [tilespmem:s25+$0x250];
	[tilespmem:s29+$0x1E0] =	vst v5  }
0x289: {  	v5 =	vld [tilespmem:s28+$0x70];
	[tilespmem:s29+$0xE0] =	vst v6  }
0x28a: {  	[tilespmem:s24+$0x250] =	vst v1;
	v6 =	vld [tilespmem:s0+$0x70]  }
0x28b: {  	v1 =	vld [tilespmem:s26+$0x250];
	[tilespmem:s29+$0x60] =	vst v2  }
0x28c: {  	[tilespmem:s29+$0x160] =	vst v4;
	v2 =	vld [tilespmem:s30+$0x70]  }
0x28d: {  	[tilespmem:s24+$0x2D0] =	vst v3;
	v4 =	vld [tilespmem:s31+$0x70]  }
0x28e: {  	v3 =	vld [tilespmem:s2+$0x260];
	[tilespmem:s29+$0x1F0] =	vst v5  }
0x28f: {  	v5 =	vld [tilespmem:s28+$0x200];
	[tilespmem:s29+$0xF0] =	vst v6  }
0x290: {  	[tilespmem:s24+$0x350] =	vst v1;
	v6 =	vld [tilespmem:s0+$0x200]  }
0x291: {  	v1 =	vld [tilespmem:s25+$0x260];
	[tilespmem:s29+$0x70] =	vst v2  }
0x292: {  	[tilespmem:s29+$0x170] =	vst v4;
	v2 =	vld [tilespmem:s30+$0x200]  }
0x293: {  	[tilespmem:s24+$0x260] =	vst v3;
	v7 =	vld [tilespmem:s31+$0x200]  }
0x294: {  	v8 =	vld [tilespmem:s26+$0x260];
	[tilespmem:s29+$0x380] =	vst v5  }
0x295: {  	v5 =	vld [tilespmem:s28+$0x210];
	[tilespmem:s29+$0x280] =	vst v6  }
0x296: {  	[tilespmem:s24+$0x2E0] =	vst v1;
	v3 =	vld [tilespmem:s0+$0x210]  }
0x297: {  	v1 =	vld [tilespmem:s2+$0x270];
	[tilespmem:s29+$0x200] =	vst v2  }
0x298: {  	[tilespmem:s29+$0x300] =	vst v7;
	v4 =	vld [tilespmem:s30+$0x210]  }
0x299: {  	s11 =	simm.s32 $0x4B;
	s2 =	simm.s32 $0x4;
	[tilespmem:s24+$0x360] =	vst v8;
	v2 =	vld [tilespmem:s31+$0x210]  }
.LBB2_5:
0x29a: {  	s6 =	sld [smem:s11+$0x0];
	s2 =	sadd.s32 $0x4, s2;
	[tilespmem:s29+$0x390] =	vst v5;
	v5 =	vld [tilespmem:s25+$0x270];
	s25 =	smov.u32 s0  }
0x29b: {  	s0 =	sld [smem:s11+$0xFFFFFFFE];
	p0 =	slt.u32 s2, $0x3C;
	[tilespmem:s29+$0x290] =	vst v3;
	v3 =	vld [tilespmem:s28+$0x220]  }
0x29c: {  	s10 =	sld [smem:s11+$0xFFFFFFFF];
	v6 =	vld [tilespmem:s25+$0x220];
	[tilespmem:s24+$0x270] =	vst v1  }
0x29d: {  	s12 =	sld [smem:s11+$0xFFFFFFFD];
	s6 =	sshll.u32 s6, $0x9;
	[tilespmem:s29+$0x210] =	vst v4;
	v1 =	vld [tilespmem:s26+$0x270];
	s26 =	smov.u32 s31  }
0x29e: {  	s0 =	sshll.u32 s0, $0x9;
	s7 =	sshra.s32 s6, $0x2;
	v4 =	vld [tilespmem:s30+$0x220];
	[tilespmem:s29+$0x310] =	vst v2  }
0x29f: {  	s0 =	sshra.s32 s0, $0x2;
	s6 =	sshll.u32 s10, $0x9;
	v2 =	vld [tilespmem:s7+$0x0];
	[tilespmem:s24+$0x2F0] =	vst v5  }
0x2a0: {  	s10 =	sshll.u32 s12, $0x9;
	v5 =	vld [tilespmem:s0+$0x0];
	s31 =	sshra.s32 s6, $0x2;
	[tilespmem:s29+$0x3A0] =	vst v3  }
0x2a1: {  	s6 =	sshra.s32 s10, $0x2;
	[tilespmem:s29+$0x2A0] =	vst v6;
	v3 =	vld [tilespmem:s28+$0x230]  }
0x2a2: {  	v6 =	vld [tilespmem:s6+$0x0];
	[tilespmem:s24+$0x370] =	vst v1;
	s24 =	smov.u32 s29  }
0x2a3: {  	s29 =	sadd.s32 $0x400, s29;
	v1 =	vld [tilespmem:s31+$0x0];
	[tilespmem:s24+$0x220] =	vst v4  }
0x2a4: {  	[tilespmem:s29+$0x180] =	vst v2;
	v2 =	vld [tilespmem:s26+$0x220]  }
0x2a5: {  	[tilespmem:s29+$0x80] =	vst v5;
	v4 =	vld [tilespmem:s7+$0x10]  }
0x2a6: {  	v5 =	vld [tilespmem:s0+$0x10];
	[tilespmem:s24+$0x3B0] =	vst v3  }
0x2a7: {  	[tilespmem:s29+$0x0] =	vst v6;
	v3 =	vld [tilespmem:s28+$0x240]  }
0x2a8: {  	v6 =	vld [tilespmem:s6+$0x10];
	[tilespmem:s29+$0x100] =	vst v1  }
0x2a9: {  	v1 =	vld [tilespmem:s31+$0x10];
	[tilespmem:s24+$0x320] =	vst v2  }
0x2aa: {  	[tilespmem:s29+$0x190] =	vst v4;
	v2 =	vld [tilespmem:s30+$0x230]  }
0x2ab: {  	[tilespmem:s29+$0x90] =	vst v5;
	v4 =	vld [tilespmem:s7+$0x20]  }
0x2ac: {  	v5 =	vld [tilespmem:s0+$0x20];
	[tilespmem:s24+$0x3C0] =	vst v3  }
0x2ad: {  	[tilespmem:s29+$0x10] =	vst v6;
	v3 =	vld [tilespmem:s28+$0x250]  }
0x2ae: {  	v6 =	vld [tilespmem:s6+$0x20];
	[tilespmem:s29+$0x110] =	vst v1  }
0x2af: {  	v1 =	vld [tilespmem:s31+$0x20];
	[tilespmem:s24+$0x230] =	vst v2  }
0x2b0: {  	[tilespmem:s29+$0x1A0] =	vst v4;
	v2 =	vld [tilespmem:s25+$0x230]  }
0x2b1: {  	[tilespmem:s29+$0xA0] =	vst v5;
	v4 =	vld [tilespmem:s7+$0x30]  }
0x2b2: {  	v5 =	vld [tilespmem:s0+$0x30];
	[tilespmem:s24+$0x3D0] =	vst v3  }
0x2b3: {  	[tilespmem:s29+$0x20] =	vst v6;
	v3 =	vld [tilespmem:s28+$0x260]  }
0x2b4: {  	v6 =	vld [tilespmem:s6+$0x30];
	[tilespmem:s29+$0x120] =	vst v1  }
0x2b5: {  	v1 =	vld [tilespmem:s31+$0x30];
	[tilespmem:s24+$0x2B0] =	vst v2  }
0x2b6: {  	[tilespmem:s29+$0x1B0] =	vst v4;
	v2 =	vld [tilespmem:s26+$0x230]  }
0x2b7: {  	[tilespmem:s29+$0xB0] =	vst v5;
	v4 =	vld [tilespmem:s7+$0x40]  }
0x2b8: {  	v5 =	vld [tilespmem:s0+$0x40];
	[tilespmem:s24+$0x3E0] =	vst v3  }
0x2b9: {  	[tilespmem:s29+$0x30] =	vst v6;
	v3 =	vld [tilespmem:s28+$0x270];
	s28 =	smov.u32 s7  }
0x2ba: {  	v6 =	vld [tilespmem:s6+$0x40];
	[tilespmem:s29+$0x130] =	vst v1  }
0x2bb: {  	v1 =	vld [tilespmem:s31+$0x40];
	[tilespmem:s24+$0x330] =	vst v2  }
0x2bc: {  	[tilespmem:s29+$0x1C0] =	vst v4;
	v2 =	vld [tilespmem:s30+$0x240]  }
0x2bd: {  	[tilespmem:s29+$0xC0] =	vst v5;
	v4 =	vld [tilespmem:s28+$0x50]  }
0x2be: {  	v5 =	vld [tilespmem:s0+$0x50];
	[tilespmem:s24+$0x3F0] =	vst v3  }
0x2bf: {  	[tilespmem:s29+$0x40] =	vst v6;
	v3 =	vld [tilespmem:s25+$0x240]  }
0x2c0: {  	v6 =	vld [tilespmem:s6+$0x50];
	[tilespmem:s29+$0x140] =	vst v1  }
0x2c1: {  	v1 =	vld [tilespmem:s31+$0x50];
	[tilespmem:s24+$0x240] =	vst v2  }
0x2c2: {  	[tilespmem:s29+$0x1D0] =	vst v4;
	v2 =	vld [tilespmem:s26+$0x240]  }
0x2c3: {  	[tilespmem:s29+$0xD0] =	vst v5;
	v4 =	vld [tilespmem:s28+$0x60]  }
0x2c4: {  	v5 =	vld [tilespmem:s0+$0x60];
	[tilespmem:s24+$0x2C0] =	vst v3  }
0x2c5: {  	[tilespmem:s29+$0x50] =	vst v6;
	v3 =	vld [tilespmem:s30+$0x250]  }
0x2c6: {  	v6 =	vld [tilespmem:s6+$0x60];
	[tilespmem:s29+$0x150] =	vst v1  }
0x2c7: {  	v1 =	vld [tilespmem:s31+$0x60];
	[tilespmem:s24+$0x340] =	vst v2  }
0x2c8: {  	[tilespmem:s29+$0x1E0] =	vst v4;
	v2 =	vld [tilespmem:s25+$0x250]  }
0x2c9: {  	[tilespmem:s29+$0xE0] =	vst v5;
	v4 =	vld [tilespmem:s28+$0x70]  }
0x2ca: {  	v5 =	vld [tilespmem:s0+$0x70];
	[tilespmem:s24+$0x250] =	vst v3  }
0x2cb: {  	[tilespmem:s29+$0x60] =	vst v6;
	v3 =	vld [tilespmem:s26+$0x250]  }
0x2cc: {  	v6 =	vld [tilespmem:s6+$0x70];
	[tilespmem:s29+$0x160] =	vst v1  }
0x2cd: {  	v1 =	vld [tilespmem:s31+$0x70];
	[tilespmem:s24+$0x2D0] =	vst v2  }
0x2ce: {  	[tilespmem:s29+$0x1F0] =	vst v4;
	v2 =	vld [tilespmem:s30+$0x260]  }
0x2cf: {  	[tilespmem:s29+$0xF0] =	vst v5;
	v4 =	vld [tilespmem:s28+$0x200]  }
0x2d0: {  	v5 =	vld [tilespmem:s0+$0x200];
	[tilespmem:s24+$0x350] =	vst v3  }
0x2d1: {  	[tilespmem:s29+$0x70] =	vst v6;
	v6 =	vld [tilespmem:s25+$0x260]  }
0x2d2: {  	v7 =	vld [tilespmem:s6+$0x200];
	[tilespmem:s29+$0x170] =	vst v1  }
0x2d3: {  	v8 =	vld [tilespmem:s31+$0x200];
	[tilespmem:s24+$0x260] =	vst v2  }
0x2d4: {  	[tilespmem:s29+$0x380] =	vst v4;
	v9 =	vld [tilespmem:s26+$0x260]  }
.Ltmp1:
0x2d5: {  	[tilespmem:s29+$0x280] =	vst v5;
	v5 =	vld [tilespmem:s28+$0x210];
	(pc) =	sbr.rel @p0 .LBB2_5-.Ltmp1, $4  }
0x2d6: {  	v3 =	vld [tilespmem:s0+$0x210];
	[tilespmem:s24+$0x2E0] =	vst v6  }
0x2d7: {  	[tilespmem:s29+$0x200] =	vst v7;
	v1 =	vld [tilespmem:s30+$0x270];
	s30 =	smov.u32 s6  }
0x2d8: {  	v4 =	vld [tilespmem:s30+$0x210];
	[tilespmem:s29+$0x300] =	vst v8  }
0x2d9: {  	s11 =	sadd.s32 $0x4, s11;
	v2 =	vld [tilespmem:s31+$0x210];
	[tilespmem:s24+$0x360] =	vst v9  }
0x2da: {  	_ =	sdelay $0x1  }
0x2db: {  	[tilespmem:s29+$0x390] =	vst v5  }
0x2dc: {  	v5 =	vld [tilespmem:s28+$0x220];
	[tilespmem:s29+$0x210] =	vst v4  }
0x2dd: {  	[tilespmem:s29+$0x290] =	vst v3;
	v3 =	vld [tilespmem:s30+$0x220]  }
0x2de: {  	v4 =	vld [tilespmem:s0+$0x220];
	[tilespmem:s29+$0x310] =	vst v2  }
0x2df: {  	v2 =	vld [tilespmem:s31+$0x220];
	_ =	sdelay $0x1  }
0x2e0: {  	[tilespmem:s29+$0x3A0] =	vst v5  }
0x2e1: {  	v5 =	vld [tilespmem:s28+$0x230];
	[tilespmem:s29+$0x220] =	vst v3  }
0x2e2: {  	[tilespmem:s29+$0x2A0] =	vst v4;
	v3 =	vld [tilespmem:s30+$0x230]  }
0x2e3: {  	[tilespmem:s29+$0x320] =	vst v2;
	v2 =	vld [tilespmem:s0+$0x230]  }
0x2e4: {  	v4 =	vld [tilespmem:s31+$0x230];
	_ =	sdelay $0x1  }
0x2e5: {  	[tilespmem:s29+$0x3B0] =	vst v5  }
0x2e6: {  	v5 =	vld [tilespmem:s28+$0x240];
	[tilespmem:s29+$0x230] =	vst v3  }
0x2e7: {  	[tilespmem:s29+$0x2B0] =	vst v2;
	v2 =	vld [tilespmem:s30+$0x240]  }
0x2e8: {  	[tilespmem:s29+$0x330] =	vst v4;
	v3 =	vld [tilespmem:s0+$0x240]  }
0x2e9: {  	v4 =	vld [tilespmem:s31+$0x240];
	_ =	sdelay $0x1  }
0x2ea: {  	[tilespmem:s29+$0x3C0] =	vst v5  }
0x2eb: {  	v5 =	vld [tilespmem:s28+$0x250];
	[tilespmem:s29+$0x240] =	vst v2  }
0x2ec: {  	[tilespmem:s29+$0x2C0] =	vst v3;
	v2 =	vld [tilespmem:s30+$0x250]  }
0x2ed: {  	[tilespmem:s29+$0x340] =	vst v4;
	v3 =	vld [tilespmem:s0+$0x250]  }
0x2ee: {  	v4 =	vld [tilespmem:s31+$0x250];
	_ =	sdelay $0x1  }
0x2ef: {  	[tilespmem:s29+$0x3D0] =	vst v5  }
0x2f0: {  	v5 =	vld [tilespmem:s28+$0x260];
	[tilespmem:s29+$0x250] =	vst v2  }
0x2f1: {  	[tilespmem:s29+$0x2D0] =	vst v3;
	v2 =	vld [tilespmem:s30+$0x260]  }
0x2f2: {  	[tilespmem:s29+$0x350] =	vst v4;
	v3 =	vld [tilespmem:s0+$0x260]  }
0x2f3: {  	v4 =	vld [tilespmem:s31+$0x260]  }
0x2f4: {  	v6 =	vld [tilespmem:s25+$0x270];
	[tilespmem:s24+$0x270] =	vst v1  }
0x2f5: {  	v1 =	vld [tilespmem:s26+$0x270];
	[tilespmem:s29+$0x3E0] =	vst v5  }
0x2f6: {  	v5 =	vld [tilespmem:s28+$0x270];
	[tilespmem:s29+$0x260] =	vst v2  }
0x2f7: {  	[tilespmem:s29+$0x2E0] =	vst v3;
	v2 =	vld [tilespmem:s30+$0x270]  }
0x2f8: {  	[tilespmem:s29+$0x360] =	vst v4;
	v3 =	vld [tilespmem:s0+$0x270]  }
0x2f9: {  	[tilespmem:s24+$0x2F0] =	vst v6;
	v4 =	vld [tilespmem:s31+$0x270]  }
0x2fa: {  	[tilespmem:s24+$0x370] =	vst v1  }
0x2fb: {  	[tilespmem:s29+$0x3F0] =	vst v5  }
0x2fc: {  	p0 =	seq.s32 s20, $0xF;
	[tilespmem:s29+$0x270] =	vst v2  }
0x2fd: {  	s0 =	sadd.s32 @!p0 s22, s9;
	[tilespmem:s29+$0x2F0] =	vst v3  }
0x2fe: {  	s30 =	sadd.s32 s23, s8;
	s0 =	sshll.u32 @!p0 s0, $0xC;
	[tilespmem:s29+$0x370] =	vst v4  }
0x2ff: {  	[hbm4b:s30+s4] =	stream.linear.scatter [tilespmem:s16], [sflag:$0x4], $0x4000, $0x38;
	[tilespmem:$0x18880] =	vst v63  }
0x300: {  	s2 =	simm.s32 @!p0 $0x0;
	s31 =	simm.s32 $0x2;
	s0 =	sadd.s32 @!p0 s1, s0  }
0x301: {  	[tilespmem:s2], [sflag:$0x1] =	stream.linear.gather @!p0 [hbm4b:s0+s2], $0x8000, $0x38;
	[tilespmem:$0x18880] =	vst v63  }
0x302: {  	_ =	swait.ge [sflag:s31], $0x8000  }
0x303: {  	[sflag:s31] =	ssyncset.done $0x0  }
0x304: {  	[sflag:s31] =	ssyncadd.s32 $0xFFFF8000  }
0x305: {  	_ =	swait.ge [sflag:s17], $0x4000  }
0x306: {  	[sflag:s17] =	ssyncset.done $0x0  }
0x307: {  	[sflag:s17] =	ssyncadd.s32 $0xFFFFC000  }
0x308: {  	s2 =	sld [smem:$0x3]  }
0x309: {  	s6 =	sld [smem:$0x1];
	_ =	sdelay $0x1  }
0x30a: {  	s7 =	sld [smem:$0x2];
	s0 =	sshll.u32 s2, $0x9  }
0x30b: {  	s10 =	sld [smem:$0x0];
	s2 =	sshll.u32 s6, $0x9;
	s6 =	sshra.s32 s0, $0x2  }
0x30c: {  	s23 =	sshra.s32 s2, $0x2;
	v1 =	vld [tilespmem:s6+$0x8400]  }
0x30d: {  	s7 =	sshll.u32 s7, $0x9;
	v2 =	vld [tilespmem:s23+$0x8400]  }
0x30e: {  	s11 =	sshll.u32 s10, $0x9;
	s24 =	sshra.s32 s7, $0x2  }
0x30f: {  	s12 =	sshra.s32 s11, $0x2;
	v4 =	vld [tilespmem:s24+$0x8400]  }
0x310: {  	s22 =	simm.s32 $0x10A00;
	v3 =	vld [tilespmem:s12+$0x8400]  }
0x311: {  	[tilespmem:s22+$0xFFFFFF80] =	vst v1  }
0x312: {  	[tilespmem:s22+$0xFFFFFE80] =	vst v2;
	v1 =	vld [tilespmem:s6+$0x8410]  }
0x313: {  	v2 =	vld [tilespmem:s23+$0x8410]  }
0x314: {  	[tilespmem:s22+$0xFFFFFF00] =	vst v4  }
0x315: {  	[tilespmem:s22+$0xFFFFFE00] =	vst v3;
	v4 =	vld [tilespmem:s24+$0x8410]  }
0x316: {  	v3 =	vld [tilespmem:s12+$0x8410]  }
0x317: {  	[tilespmem:s22+$0xFFFFFF90] =	vst v1  }
0x318: {  	[tilespmem:s22+$0xFFFFFE90] =	vst v2;
	v1 =	vld [tilespmem:s6+$0x8420]  }
0x319: {  	v2 =	vld [tilespmem:s23+$0x8420]  }
0x31a: {  	[tilespmem:s22+$0xFFFFFF10] =	vst v4  }
0x31b: {  	[tilespmem:s22+$0xFFFFFE10] =	vst v3;
	v4 =	vld [tilespmem:s24+$0x8420]  }
0x31c: {  	v3 =	vld [tilespmem:s12+$0x8420]  }
0x31d: {  	[tilespmem:s22+$0xFFFFFFA0] =	vst v1  }
0x31e: {  	[tilespmem:s22+$0xFFFFFEA0] =	vst v2;
	v1 =	vld [tilespmem:s6+$0x8430]  }
0x31f: {  	v2 =	vld [tilespmem:s23+$0x8430]  }
0x320: {  	[tilespmem:s22+$0xFFFFFF20] =	vst v4  }
0x321: {  	[tilespmem:s22+$0xFFFFFE20] =	vst v3;
	v4 =	vld [tilespmem:s24+$0x8430]  }
0x322: {  	v3 =	vld [tilespmem:s12+$0x8430]  }
0x323: {  	[tilespmem:s22+$0xFFFFFFB0] =	vst v1  }
0x324: {  	[tilespmem:s22+$0xFFFFFEB0] =	vst v2;
	v1 =	vld [tilespmem:s6+$0x8440]  }
0x325: {  	v2 =	vld [tilespmem:s23+$0x8440]  }
0x326: {  	[tilespmem:s22+$0xFFFFFF30] =	vst v4  }
0x327: {  	[tilespmem:s22+$0xFFFFFE30] =	vst v3;
	v4 =	vld [tilespmem:s24+$0x8440]  }
0x328: {  	v3 =	vld [tilespmem:s12+$0x8440]  }
0x329: {  	[tilespmem:s22+$0xFFFFFFC0] =	vst v1  }
0x32a: {  	[tilespmem:s22+$0xFFFFFEC0] =	vst v2;
	v1 =	vld [tilespmem:s6+$0x8450]  }
0x32b: {  	v2 =	vld [tilespmem:s23+$0x8450]  }
0x32c: {  	[tilespmem:s22+$0xFFFFFF40] =	vst v4  }
0x32d: {  	[tilespmem:s22+$0xFFFFFE40] =	vst v3;
	v4 =	vld [tilespmem:s24+$0x8450]  }
0x32e: {  	v3 =	vld [tilespmem:s12+$0x8450]  }
0x32f: {  	[tilespmem:s22+$0xFFFFFFD0] =	vst v1  }
0x330: {  	[tilespmem:s22+$0xFFFFFED0] =	vst v2;
	v1 =	vld [tilespmem:s6+$0x8460]  }
0x331: {  	v2 =	vld [tilespmem:s23+$0x8460]  }
0x332: {  	[tilespmem:s22+$0xFFFFFF50] =	vst v4  }
0x333: {  	[tilespmem:s22+$0xFFFFFE50] =	vst v3;
	v4 =	vld [tilespmem:s24+$0x8460]  }
0x334: {  	v3 =	vld [tilespmem:s12+$0x8460]  }
0x335: {  	[tilespmem:s22+$0xFFFFFFE0] =	vst v1  }
0x336: {  	[tilespmem:s22+$0xFFFFFEE0] =	vst v2;
	v1 =	vld [tilespmem:s6+$0x8470]  }
0x337: {  	v2 =	vld [tilespmem:s23+$0x8470]  }
0x338: {  	[tilespmem:s22+$0xFFFFFF60] =	vst v4  }
0x339: {  	[tilespmem:s22+$0xFFFFFE60] =	vst v3;
	v4 =	vld [tilespmem:s24+$0x8470]  }
0x33a: {  	v3 =	vld [tilespmem:s12+$0x8470]  }
0x33b: {  	[tilespmem:s22+$0xFFFFFFF0] =	vst v1  }
0x33c: {  	[tilespmem:s22+$0xFFFFFEF0] =	vst v2;
	v1 =	vld [tilespmem:s6+$0x8600]  }
0x33d: {  	v2 =	vld [tilespmem:s23+$0x8600]  }
0x33e: {  	[tilespmem:s22+$0xFFFFFF70] =	vst v4  }
0x33f: {  	[tilespmem:s22+$0xFFFFFE70] =	vst v3;
	v4 =	vld [tilespmem:s24+$0x8600]  }
0x340: {  	v3 =	vld [tilespmem:s12+$0x8600]  }
0x341: {  	[tilespmem:s22+$0x180] =	vst v1  }
0x342: {  	[tilespmem:s22+$0x80] =	vst v2;
	v1 =	vld [tilespmem:s6+$0x8610]  }
0x343: {  	v2 =	vld [tilespmem:s23+$0x8610]  }
0x344: {  	[tilespmem:s22+$0x100] =	vst v4  }
0x345: {  	[tilespmem:s22+$0x0] =	vst v3;
	v4 =	vld [tilespmem:s24+$0x8610]  }
0x346: {  	v3 =	vld [tilespmem:s12+$0x8610];
	s25 =	sld [smem:$0x7]  }
0x347: {  	[tilespmem:s22+$0x190] =	vst v1  }
0x348: {  	s26 =	sld [smem:$0x5];
	[tilespmem:s22+$0x90] =	vst v2;
	v1 =	vld [tilespmem:s6+$0x8620]  }
0x349: {  	s0 =	sshll.u32 s25, $0x9;
	s30 =	sld [smem:$0x6]  }
0x34a: {  	v2 =	vld [tilespmem:s23+$0x8620];
	s25 =	sshra.s32 s0, $0x2;
	s11 =	sld [smem:$0x4]  }
0x34b: {  	[tilespmem:s22+$0x10] =	vst v3;
	v5 =	vld [tilespmem:s25+$0x8400];
	s7 =	sshll.u32 s26, $0x9  }
0x34c: {  	v3 =	vld [tilespmem:s12+$0x8620];
	s0 =	sshra.s32 s7, $0x2  }
0x34d: {  	s31 =	sshll.u32 s11, $0x9;
	v6 =	vld [tilespmem:s0+$0x8400];
	[tilespmem:s22+$0x1A0] =	vst v1  }
0x34e: {  	[tilespmem:s22+$0x110] =	vst v4;
	s10 =	sshll.u32 s30, $0x9;
	s28 =	sshra.s32 s31, $0x2;
	v1 =	vld [tilespmem:s6+$0x8630]  }
0x34f: {  	s26 =	simm.s32 $0x10E00;
	s29 =	sshra.s32 s10, $0x2;
	[tilespmem:s22+$0xA0] =	vst v2;
	v2 =	vld [tilespmem:s28+$0x8400]  }
0x350: {  	v4 =	vld [tilespmem:s29+$0x8400];
	[tilespmem:s26+$0xFFFFFF80] =	vst v5  }
0x351: {  	[tilespmem:s22+$0x20] =	vst v3;
	v3 =	vld [tilespmem:s24+$0x8620]  }
0x352: {  	v5 =	vld [tilespmem:s25+$0x8410];
	[tilespmem:s26+$0xFFFFFE80] =	vst v6  }
0x353: {  	v6 =	vld [tilespmem:s0+$0x8410];
	[tilespmem:s22+$0x1B0] =	vst v1  }
0x354: {  	[tilespmem:s26+$0xFFFFFE00] =	vst v2;
	v1 =	vld [tilespmem:s6+$0x8640]  }
0x355: {  	[tilespmem:s26+$0xFFFFFF00] =	vst v4;
	v2 =	vld [tilespmem:s28+$0x8410]  }
0x356: {  	v4 =	vld [tilespmem:s29+$0x8410];
	[tilespmem:s22+$0x120] =	vst v3  }
0x357: {  	[tilespmem:s26+$0xFFFFFF90] =	vst v5;
	v3 =	vld [tilespmem:s12+$0x8630]  }
0x358: {  	v5 =	vld [tilespmem:s25+$0x8420];
	[tilespmem:s26+$0xFFFFFE90] =	vst v6  }
0x359: {  	v6 =	vld [tilespmem:s0+$0x8420];
	[tilespmem:s22+$0x1C0] =	vst v1  }
0x35a: {  	[tilespmem:s26+$0xFFFFFE10] =	vst v2;
	v1 =	vld [tilespmem:s6+$0x8650]  }
0x35b: {  	[tilespmem:s26+$0xFFFFFF10] =	vst v4;
	v2 =	vld [tilespmem:s28+$0x8420]  }
0x35c: {  	v4 =	vld [tilespmem:s29+$0x8420];
	[tilespmem:s22+$0x30] =	vst v3  }
0x35d: {  	v3 =	vld [tilespmem:s23+$0x8630];
	[tilespmem:s26+$0xFFFFFFA0] =	vst v5  }
0x35e: {  	v5 =	vld [tilespmem:s25+$0x8430];
	[tilespmem:s26+$0xFFFFFEA0] =	vst v6  }
0x35f: {  	v6 =	vld [tilespmem:s0+$0x8430];
	[tilespmem:s22+$0x1D0] =	vst v1  }
0x360: {  	[tilespmem:s26+$0xFFFFFE20] =	vst v2;
	v1 =	vld [tilespmem:s6+$0x8660]  }
0x361: {  	[tilespmem:s26+$0xFFFFFF20] =	vst v4;
	v2 =	vld [tilespmem:s28+$0x8430]  }
0x362: {  	[tilespmem:s22+$0xB0] =	vst v3;
	v4 =	vld [tilespmem:s29+$0x8430]  }
0x363: {  	v3 =	vld [tilespmem:s24+$0x8630];
	[tilespmem:s26+$0xFFFFFFB0] =	vst v5  }
0x364: {  	v5 =	vld [tilespmem:s25+$0x8440];
	[tilespmem:s26+$0xFFFFFEB0] =	vst v6  }
0x365: {  	v6 =	vld [tilespmem:s0+$0x8440];
	[tilespmem:s22+$0x1E0] =	vst v1  }
0x366: {  	[tilespmem:s26+$0xFFFFFE30] =	vst v2;
	v1 =	vld [tilespmem:s6+$0x8670]  }
0x367: {  	[tilespmem:s26+$0xFFFFFF30] =	vst v4;
	v2 =	vld [tilespmem:s28+$0x8440]  }
0x368: {  	[tilespmem:s22+$0x130] =	vst v3;
	v4 =	vld [tilespmem:s29+$0x8440]  }
0x369: {  	v3 =	vld [tilespmem:s12+$0x8640];
	[tilespmem:s26+$0xFFFFFFC0] =	vst v5  }
0x36a: {  	v5 =	vld [tilespmem:s25+$0x8450];
	[tilespmem:s26+$0xFFFFFEC0] =	vst v6  }
0x36b: {  	v6 =	vld [tilespmem:s0+$0x8450];
	[tilespmem:s22+$0x1F0] =	vst v1  }
0x36c: {  	v1 =	vld [tilespmem:s23+$0x8640];
	[tilespmem:s26+$0xFFFFFE40] =	vst v2  }
0x36d: {  	[tilespmem:s26+$0xFFFFFF40] =	vst v4;
	v2 =	vld [tilespmem:s28+$0x8450]  }
0x36e: {  	[tilespmem:s22+$0x40] =	vst v3;
	v4 =	vld [tilespmem:s29+$0x8450]  }
0x36f: {  	v3 =	vld [tilespmem:s24+$0x8640];
	[tilespmem:s26+$0xFFFFFFD0] =	vst v5  }
0x370: {  	v5 =	vld [tilespmem:s25+$0x8460];
	[tilespmem:s26+$0xFFFFFED0] =	vst v6  }
0x371: {  	[tilespmem:s22+$0xC0] =	vst v1;
	v6 =	vld [tilespmem:s0+$0x8460]  }
0x372: {  	v1 =	vld [tilespmem:s12+$0x8650];
	[tilespmem:s26+$0xFFFFFE50] =	vst v2  }
0x373: {  	[tilespmem:s26+$0xFFFFFF50] =	vst v4;
	v2 =	vld [tilespmem:s28+$0x8460]  }
0x374: {  	[tilespmem:s22+$0x140] =	vst v3;
	v4 =	vld [tilespmem:s29+$0x8460]  }
0x375: {  	v3 =	vld [tilespmem:s23+$0x8650];
	[tilespmem:s26+$0xFFFFFFE0] =	vst v5  }
0x376: {  	v5 =	vld [tilespmem:s25+$0x8470];
	[tilespmem:s26+$0xFFFFFEE0] =	vst v6  }
0x377: {  	[tilespmem:s22+$0x50] =	vst v1;
	v6 =	vld [tilespmem:s0+$0x8470]  }
0x378: {  	v1 =	vld [tilespmem:s24+$0x8650];
	[tilespmem:s26+$0xFFFFFE60] =	vst v2  }
0x379: {  	[tilespmem:s26+$0xFFFFFF60] =	vst v4;
	v2 =	vld [tilespmem:s28+$0x8470]  }
0x37a: {  	[tilespmem:s22+$0xD0] =	vst v3;
	v4 =	vld [tilespmem:s29+$0x8470]  }
0x37b: {  	v3 =	vld [tilespmem:s12+$0x8660];
	[tilespmem:s26+$0xFFFFFFF0] =	vst v5  }
0x37c: {  	v5 =	vld [tilespmem:s25+$0x8600];
	[tilespmem:s26+$0xFFFFFEF0] =	vst v6  }
0x37d: {  	[tilespmem:s22+$0x150] =	vst v1;
	v6 =	vld [tilespmem:s0+$0x8600]  }
0x37e: {  	v1 =	vld [tilespmem:s23+$0x8660];
	[tilespmem:s26+$0xFFFFFE70] =	vst v2  }
0x37f: {  	[tilespmem:s26+$0xFFFFFF70] =	vst v4;
	v2 =	vld [tilespmem:s28+$0x8600]  }
0x380: {  	[tilespmem:s22+$0x60] =	vst v3;
	v7 =	vld [tilespmem:s29+$0x8600]  }
0x381: {  	v8 =	vld [tilespmem:s24+$0x8660];
	[tilespmem:s26+$0x180] =	vst v5  }
0x382: {  	v5 =	vld [tilespmem:s25+$0x8610];
	[tilespmem:s26+$0x80] =	vst v6  }
0x383: {  	[tilespmem:s22+$0xE0] =	vst v1;
	v3 =	vld [tilespmem:s0+$0x8610]  }
0x384: {  	v1 =	vld [tilespmem:s12+$0x8670];
	[tilespmem:s26+$0x0] =	vst v2  }
0x385: {  	[tilespmem:s26+$0x100] =	vst v7;
	v4 =	vld [tilespmem:s28+$0x8610]  }
0x386: {  	s2 =	simm.s32 $0x4;
	s11 =	simm.s32 $0xA;
	[tilespmem:s22+$0x160] =	vst v8;
	v2 =	vld [tilespmem:s29+$0x8610]  }
.LBB2_7:
0x387: {  	s6 =	sld [smem:s11+$0x1];
	s2 =	sadd.s32 $0x4, s2;
	[tilespmem:s26+$0x190] =	vst v5;
	v5 =	vld [tilespmem:s23+$0x8670];
	s23 =	smov.u32 s0  }
0x388: {  	s0 =	sld [smem:s11+$0xFFFFFFFF];
	p0 =	slt.u32 s2, $0x3C;
	[tilespmem:s26+$0x90] =	vst v3;
	v3 =	vld [tilespmem:s25+$0x8620]  }
0x389: {  	s10 =	sld [smem:s11+$0x0];
	v6 =	vld [tilespmem:s23+$0x8620];
	[tilespmem:s22+$0x70] =	vst v1  }
0x38a: {  	s12 =	sld [smem:s11+$0xFFFFFFFE];
	s6 =	sshll.u32 s6, $0x9;
	[tilespmem:s26+$0x10] =	vst v4;
	v1 =	vld [tilespmem:s24+$0x8670];
	s24 =	smov.u32 s29  }
0x38b: {  	s0 =	sshll.u32 s0, $0x9;
	s7 =	sshra.s32 s6, $0x2;
	v4 =	vld [tilespmem:s28+$0x8620];
	[tilespmem:s26+$0x110] =	vst v2  }
0x38c: {  	s0 =	sshra.s32 s0, $0x2;
	s6 =	sshll.u32 s10, $0x9;
	v2 =	vld [tilespmem:s7+$0x8400];
	[tilespmem:s22+$0xF0] =	vst v5  }
0x38d: {  	s10 =	sshll.u32 s12, $0x9;
	v5 =	vld [tilespmem:s0+$0x8400];
	s29 =	sshra.s32 s6, $0x2;
	[tilespmem:s26+$0x1A0] =	vst v3  }
0x38e: {  	s6 =	sshra.s32 s10, $0x2;
	[tilespmem:s26+$0xA0] =	vst v6;
	v3 =	vld [tilespmem:s25+$0x8630]  }
0x38f: {  	v6 =	vld [tilespmem:s6+$0x8400];
	[tilespmem:s22+$0x170] =	vst v1;
	s22 =	smov.u32 s26  }
0x390: {  	s26 =	sadd.s32 $0x400, s26;
	v1 =	vld [tilespmem:s29+$0x8400];
	[tilespmem:s22+$0x20] =	vst v4  }
0x391: {  	[tilespmem:s26+$0xFFFFFF80] =	vst v2;
	v2 =	vld [tilespmem:s24+$0x8620]  }
0x392: {  	[tilespmem:s26+$0xFFFFFE80] =	vst v5;
	v4 =	vld [tilespmem:s7+$0x8410]  }
0x393: {  	v5 =	vld [tilespmem:s0+$0x8410];
	[tilespmem:s22+$0x1B0] =	vst v3  }
0x394: {  	[tilespmem:s26+$0xFFFFFE00] =	vst v6;
	v3 =	vld [tilespmem:s25+$0x8640]  }
0x395: {  	v6 =	vld [tilespmem:s6+$0x8410];
	[tilespmem:s26+$0xFFFFFF00] =	vst v1  }
0x396: {  	v1 =	vld [tilespmem:s29+$0x8410];
	[tilespmem:s22+$0x120] =	vst v2  }
0x397: {  	[tilespmem:s26+$0xFFFFFF90] =	vst v4;
	v2 =	vld [tilespmem:s28+$0x8630]  }
0x398: {  	[tilespmem:s26+$0xFFFFFE90] =	vst v5;
	v4 =	vld [tilespmem:s7+$0x8420]  }
0x399: {  	v5 =	vld [tilespmem:s0+$0x8420];
	[tilespmem:s22+$0x1C0] =	vst v3  }
0x39a: {  	[tilespmem:s26+$0xFFFFFE10] =	vst v6;
	v3 =	vld [tilespmem:s25+$0x8650]  }
0x39b: {  	v6 =	vld [tilespmem:s6+$0x8420];
	[tilespmem:s26+$0xFFFFFF10] =	vst v1  }
0x39c: {  	v1 =	vld [tilespmem:s29+$0x8420];
	[tilespmem:s22+$0x30] =	vst v2  }
0x39d: {  	[tilespmem:s26+$0xFFFFFFA0] =	vst v4;
	v2 =	vld [tilespmem:s23+$0x8630]  }
0x39e: {  	[tilespmem:s26+$0xFFFFFEA0] =	vst v5;
	v4 =	vld [tilespmem:s7+$0x8430]  }
0x39f: {  	v5 =	vld [tilespmem:s0+$0x8430];
	[tilespmem:s22+$0x1D0] =	vst v3  }
0x3a0: {  	[tilespmem:s26+$0xFFFFFE20] =	vst v6;
	v3 =	vld [tilespmem:s25+$0x8660]  }
0x3a1: {  	v6 =	vld [tilespmem:s6+$0x8430];
	[tilespmem:s26+$0xFFFFFF20] =	vst v1  }
0x3a2: {  	v1 =	vld [tilespmem:s29+$0x8430];
	[tilespmem:s22+$0xB0] =	vst v2  }
0x3a3: {  	[tilespmem:s26+$0xFFFFFFB0] =	vst v4;
	v2 =	vld [tilespmem:s24+$0x8630]  }
0x3a4: {  	[tilespmem:s26+$0xFFFFFEB0] =	vst v5;
	v4 =	vld [tilespmem:s7+$0x8440]  }
0x3a5: {  	v5 =	vld [tilespmem:s0+$0x8440];
	[tilespmem:s22+$0x1E0] =	vst v3  }
0x3a6: {  	[tilespmem:s26+$0xFFFFFE30] =	vst v6;
	v3 =	vld [tilespmem:s25+$0x8670];
	s25 =	smov.u32 s7  }
0x3a7: {  	v6 =	vld [tilespmem:s6+$0x8440];
	[tilespmem:s26+$0xFFFFFF30] =	vst v1  }
0x3a8: {  	v1 =	vld [tilespmem:s29+$0x8440];
	[tilespmem:s22+$0x130] =	vst v2  }
0x3a9: {  	[tilespmem:s26+$0xFFFFFFC0] =	vst v4;
	v2 =	vld [tilespmem:s28+$0x8640]  }
0x3aa: {  	[tilespmem:s26+$0xFFFFFEC0] =	vst v5;
	v4 =	vld [tilespmem:s25+$0x8450]  }
0x3ab: {  	v5 =	vld [tilespmem:s0+$0x8450];
	[tilespmem:s22+$0x1F0] =	vst v3  }
0x3ac: {  	[tilespmem:s26+$0xFFFFFE40] =	vst v6;
	v3 =	vld [tilespmem:s23+$0x8640]  }
0x3ad: {  	v6 =	vld [tilespmem:s6+$0x8450];
	[tilespmem:s26+$0xFFFFFF40] =	vst v1  }
0x3ae: {  	v1 =	vld [tilespmem:s29+$0x8450];
	[tilespmem:s22+$0x40] =	vst v2  }
0x3af: {  	[tilespmem:s26+$0xFFFFFFD0] =	vst v4;
	v2 =	vld [tilespmem:s24+$0x8640]  }
0x3b0: {  	[tilespmem:s26+$0xFFFFFED0] =	vst v5;
	v4 =	vld [tilespmem:s25+$0x8460]  }
0x3b1: {  	v5 =	vld [tilespmem:s0+$0x8460];
	[tilespmem:s22+$0xC0] =	vst v3  }
0x3b2: {  	[tilespmem:s26+$0xFFFFFE50] =	vst v6;
	v3 =	vld [tilespmem:s28+$0x8650]  }
0x3b3: {  	v6 =	vld [tilespmem:s6+$0x8460];
	[tilespmem:s26+$0xFFFFFF50] =	vst v1  }
0x3b4: {  	v1 =	vld [tilespmem:s29+$0x8460];
	[tilespmem:s22+$0x140] =	vst v2  }
0x3b5: {  	[tilespmem:s26+$0xFFFFFFE0] =	vst v4;
	v2 =	vld [tilespmem:s23+$0x8650]  }
0x3b6: {  	[tilespmem:s26+$0xFFFFFEE0] =	vst v5;
	v4 =	vld [tilespmem:s25+$0x8470]  }
0x3b7: {  	v5 =	vld [tilespmem:s0+$0x8470];
	[tilespmem:s22+$0x50] =	vst v3  }
0x3b8: {  	[tilespmem:s26+$0xFFFFFE60] =	vst v6;
	v3 =	vld [tilespmem:s24+$0x8650]  }
0x3b9: {  	v6 =	vld [tilespmem:s6+$0x8470];
	[tilespmem:s26+$0xFFFFFF60] =	vst v1  }
0x3ba: {  	v1 =	vld [tilespmem:s29+$0x8470];
	[tilespmem:s22+$0xD0] =	vst v2  }
0x3bb: {  	[tilespmem:s26+$0xFFFFFFF0] =	vst v4;
	v2 =	vld [tilespmem:s28+$0x8660]  }
0x3bc: {  	[tilespmem:s26+$0xFFFFFEF0] =	vst v5;
	v4 =	vld [tilespmem:s25+$0x8600]  }
0x3bd: {  	v5 =	vld [tilespmem:s0+$0x8600];
	[tilespmem:s22+$0x150] =	vst v3  }
0x3be: {  	[tilespmem:s26+$0xFFFFFE70] =	vst v6;
	v6 =	vld [tilespmem:s23+$0x8660]  }
0x3bf: {  	v7 =	vld [tilespmem:s6+$0x8600];
	[tilespmem:s26+$0xFFFFFF70] =	vst v1  }
0x3c0: {  	v8 =	vld [tilespmem:s29+$0x8600];
	[tilespmem:s22+$0x60] =	vst v2  }
0x3c1: {  	[tilespmem:s26+$0x180] =	vst v4;
	v9 =	vld [tilespmem:s24+$0x8660]  }
.Ltmp2:
0x3c2: {  	[tilespmem:s26+$0x80] =	vst v5;
	v5 =	vld [tilespmem:s25+$0x8610];
	(pc) =	sbr.rel @p0 .LBB2_7-.Ltmp2, $4  }
0x3c3: {  	v3 =	vld [tilespmem:s0+$0x8610];
	[tilespmem:s22+$0xE0] =	vst v6  }
0x3c4: {  	[tilespmem:s26+$0x0] =	vst v7;
	v1 =	vld [tilespmem:s28+$0x8670];
	s28 =	smov.u32 s6  }
0x3c5: {  	v4 =	vld [tilespmem:s28+$0x8610];
	[tilespmem:s26+$0x100] =	vst v8  }
0x3c6: {  	s11 =	sadd.s32 $0x4, s11;
	v2 =	vld [tilespmem:s29+$0x8610];
	[tilespmem:s22+$0x160] =	vst v9  }
0x3c7: {  	_ =	sdelay $0x1  }
0x3c8: {  	[tilespmem:s26+$0x190] =	vst v5  }
0x3c9: {  	v5 =	vld [tilespmem:s25+$0x8620];
	[tilespmem:s26+$0x10] =	vst v4  }
0x3ca: {  	[tilespmem:s26+$0x90] =	vst v3;
	v3 =	vld [tilespmem:s28+$0x8620]  }
0x3cb: {  	v4 =	vld [tilespmem:s0+$0x8620];
	[tilespmem:s26+$0x110] =	vst v2  }
0x3cc: {  	v2 =	vld [tilespmem:s29+$0x8620];
	_ =	sdelay $0x1  }
0x3cd: {  	[tilespmem:s26+$0x1A0] =	vst v5  }
0x3ce: {  	v5 =	vld [tilespmem:s25+$0x8630];
	[tilespmem:s26+$0x20] =	vst v3  }
0x3cf: {  	[tilespmem:s26+$0xA0] =	vst v4;
	v3 =	vld [tilespmem:s28+$0x8630]  }
0x3d0: {  	[tilespmem:s26+$0x120] =	vst v2;
	v2 =	vld [tilespmem:s0+$0x8630]  }
0x3d1: {  	v4 =	vld [tilespmem:s29+$0x8630];
	_ =	sdelay $0x1  }
0x3d2: {  	[tilespmem:s26+$0x1B0] =	vst v5  }
0x3d3: {  	v5 =	vld [tilespmem:s25+$0x8640];
	[tilespmem:s26+$0x30] =	vst v3  }
0x3d4: {  	[tilespmem:s26+$0xB0] =	vst v2;
	v2 =	vld [tilespmem:s28+$0x8640]  }
0x3d5: {  	[tilespmem:s26+$0x130] =	vst v4;
	v3 =	vld [tilespmem:s0+$0x8640]  }
0x3d6: {  	v4 =	vld [tilespmem:s29+$0x8640];
	_ =	sdelay $0x1  }
0x3d7: {  	[tilespmem:s26+$0x1C0] =	vst v5  }
0x3d8: {  	v5 =	vld [tilespmem:s25+$0x8650];
	[tilespmem:s26+$0x40] =	vst v2  }
0x3d9: {  	[tilespmem:s26+$0xC0] =	vst v3;
	v2 =	vld [tilespmem:s28+$0x8650]  }
0x3da: {  	[tilespmem:s26+$0x140] =	vst v4;
	v3 =	vld [tilespmem:s0+$0x8650]  }
0x3db: {  	v4 =	vld [tilespmem:s29+$0x8650];
	_ =	sdelay $0x1  }
0x3dc: {  	[tilespmem:s26+$0x1D0] =	vst v5  }
0x3dd: {  	v5 =	vld [tilespmem:s25+$0x8660];
	[tilespmem:s26+$0x50] =	vst v2  }
0x3de: {  	[tilespmem:s26+$0xD0] =	vst v3;
	v2 =	vld [tilespmem:s28+$0x8660]  }
0x3df: {  	[tilespmem:s26+$0x150] =	vst v4;
	v3 =	vld [tilespmem:s0+$0x8660]  }
0x3e0: {  	v4 =	vld [tilespmem:s29+$0x8660]  }
0x3e1: {  	v6 =	vld [tilespmem:s23+$0x8670];
	[tilespmem:s22+$0x70] =	vst v1  }
0x3e2: {  	v1 =	vld [tilespmem:s24+$0x8670];
	[tilespmem:s26+$0x1E0] =	vst v5  }
0x3e3: {  	v5 =	vld [tilespmem:s25+$0x8670];
	[tilespmem:s26+$0x60] =	vst v2  }
0x3e4: {  	[tilespmem:s26+$0xE0] =	vst v3;
	v2 =	vld [tilespmem:s28+$0x8670]  }
0x3e5: {  	[tilespmem:s26+$0x160] =	vst v4;
	v3 =	vld [tilespmem:s0+$0x8670]  }
0x3e6: {  	[tilespmem:s22+$0xF0] =	vst v6;
	v4 =	vld [tilespmem:s29+$0x8670]  }
0x3e7: {  	[tilespmem:s22+$0x170] =	vst v1  }
0x3e8: {  	[tilespmem:s26+$0x1F0] =	vst v5  }
0x3e9: {  	[tilespmem:s26+$0x70] =	vst v2  }
0x3ea: {  	[tilespmem:s26+$0xF0] =	vst v3  }
0x3eb: {  	s2 =	sadd.s32 s3, s21;
	[tilespmem:s26+$0x170] =	vst v4  }
0x3ec: {  	[hbm4b:s2+s4] =	stream.linear.scatter [tilespmem:s15], [sflag:$0x3], $0x4000, $0x38;
	[tilespmem:$0x18880] =	vst v63  }
0x3ed: {  	_ =	swait.ge [sflag:s18], $0x4000  }
0x3ee: {  	[sflag:s18] =	ssyncset.done $0x0  }
0x3ef: {  	[sflag:s18] =	ssyncadd.s32 $0xFFFFC000  }
0x3f0: {  	s6 =	sld [smem:$0x43]  }
0x3f1: {  	s2 =	sld [smem:$0x41];
	_ =	sdelay $0x1  }
0x3f2: {  	s7 =	sld [smem:$0x42];
	s0 =	sshll.u32 s6, $0x9  }
0x3f3: {  	s10 =	sld [smem:$0x40];
	s2 =	sshll.u32 s2, $0x9;
	s6 =	sshra.s32 s0, $0x2  }
0x3f4: {  	s23 =	sshra.s32 s2, $0x2;
	v1 =	vld [tilespmem:s6+$0x8400]  }
0x3f5: {  	s7 =	sshll.u32 s7, $0x9;
	v2 =	vld [tilespmem:s23+$0x8400]  }
0x3f6: {  	s11 =	sshll.u32 s10, $0x9;
	s24 =	sshra.s32 s7, $0x2  }
0x3f7: {  	s12 =	sshra.s32 s11, $0x2;
	v4 =	vld [tilespmem:s24+$0x8400]  }
0x3f8: {  	s22 =	simm.s32 $0x14800;
	v3 =	vld [tilespmem:s12+$0x8400]  }
0x3f9: {  	[tilespmem:s22+$0x180] =	vst v1  }
0x3fa: {  	[tilespmem:s22+$0x80] =	vst v2;
	v1 =	vld [tilespmem:s6+$0x8410]  }
0x3fb: {  	v2 =	vld [tilespmem:s23+$0x8410]  }
0x3fc: {  	[tilespmem:s22+$0x100] =	vst v4  }
0x3fd: {  	[tilespmem:s22+$0x0] =	vst v3;
	v4 =	vld [tilespmem:s24+$0x8410]  }
0x3fe: {  	v3 =	vld [tilespmem:s12+$0x8410]  }
0x3ff: {  	[tilespmem:s22+$0x190] =	vst v1  }
0x400: {  	[tilespmem:s22+$0x90] =	vst v2;
	v1 =	vld [tilespmem:s6+$0x8420]  }
0x401: {  	v2 =	vld [tilespmem:s23+$0x8420]  }
0x402: {  	[tilespmem:s22+$0x110] =	vst v4  }
0x403: {  	[tilespmem:s22+$0x10] =	vst v3;
	v4 =	vld [tilespmem:s24+$0x8420]  }
0x404: {  	v3 =	vld [tilespmem:s12+$0x8420]  }
0x405: {  	[tilespmem:s22+$0x1A0] =	vst v1  }
0x406: {  	[tilespmem:s22+$0xA0] =	vst v2;
	v1 =	vld [tilespmem:s6+$0x8430]  }
0x407: {  	v2 =	vld [tilespmem:s23+$0x8430]  }
0x408: {  	[tilespmem:s22+$0x120] =	vst v4  }
0x409: {  	[tilespmem:s22+$0x20] =	vst v3;
	v4 =	vld [tilespmem:s24+$0x8430]  }
0x40a: {  	v3 =	vld [tilespmem:s12+$0x8430]  }
0x40b: {  	[tilespmem:s22+$0x1B0] =	vst v1  }
0x40c: {  	[tilespmem:s22+$0xB0] =	vst v2;
	v1 =	vld [tilespmem:s6+$0x8440]  }
0x40d: {  	v2 =	vld [tilespmem:s23+$0x8440]  }
0x40e: {  	[tilespmem:s22+$0x130] =	vst v4  }
0x40f: {  	[tilespmem:s22+$0x30] =	vst v3;
	v4 =	vld [tilespmem:s24+$0x8440]  }
0x410: {  	v3 =	vld [tilespmem:s12+$0x8440]  }
0x411: {  	[tilespmem:s22+$0x1C0] =	vst v1  }
0x412: {  	[tilespmem:s22+$0xC0] =	vst v2;
	v1 =	vld [tilespmem:s6+$0x8450]  }
0x413: {  	v2 =	vld [tilespmem:s23+$0x8450]  }
0x414: {  	[tilespmem:s22+$0x140] =	vst v4  }
0x415: {  	[tilespmem:s22+$0x40] =	vst v3;
	v4 =	vld [tilespmem:s24+$0x8450]  }
0x416: {  	v3 =	vld [tilespmem:s12+$0x8450]  }
0x417: {  	[tilespmem:s22+$0x1D0] =	vst v1  }
0x418: {  	[tilespmem:s22+$0xD0] =	vst v2;
	v1 =	vld [tilespmem:s6+$0x8460]  }
0x419: {  	v2 =	vld [tilespmem:s23+$0x8460]  }
0x41a: {  	[tilespmem:s22+$0x150] =	vst v4  }
0x41b: {  	[tilespmem:s22+$0x50] =	vst v3;
	v4 =	vld [tilespmem:s24+$0x8460]  }
0x41c: {  	v3 =	vld [tilespmem:s12+$0x8460]  }
0x41d: {  	[tilespmem:s22+$0x1E0] =	vst v1  }
0x41e: {  	[tilespmem:s22+$0xE0] =	vst v2;
	v1 =	vld [tilespmem:s6+$0x8470]  }
0x41f: {  	v2 =	vld [tilespmem:s23+$0x8470]  }
0x420: {  	[tilespmem:s22+$0x160] =	vst v4  }
0x421: {  	[tilespmem:s22+$0x60] =	vst v3;
	v4 =	vld [tilespmem:s24+$0x8470]  }
0x422: {  	v3 =	vld [tilespmem:s12+$0x8470]  }
0x423: {  	[tilespmem:s22+$0x1F0] =	vst v1  }
0x424: {  	[tilespmem:s22+$0xF0] =	vst v2;
	v1 =	vld [tilespmem:s6+$0x8600]  }
0x425: {  	v2 =	vld [tilespmem:s23+$0x8600]  }
0x426: {  	[tilespmem:s22+$0x170] =	vst v4  }
0x427: {  	[tilespmem:s22+$0x70] =	vst v3;
	v4 =	vld [tilespmem:s24+$0x8600]  }
0x428: {  	v3 =	vld [tilespmem:s12+$0x8600]  }
0x429: {  	[tilespmem:s22+$0x380] =	vst v1  }
0x42a: {  	[tilespmem:s22+$0x280] =	vst v2;
	v1 =	vld [tilespmem:s6+$0x8610]  }
0x42b: {  	v2 =	vld [tilespmem:s23+$0x8610]  }
0x42c: {  	[tilespmem:s22+$0x300] =	vst v4  }
0x42d: {  	[tilespmem:s22+$0x200] =	vst v3;
	v4 =	vld [tilespmem:s24+$0x8610]  }
0x42e: {  	v3 =	vld [tilespmem:s12+$0x8610];
	s25 =	sld [smem:$0x47]  }
0x42f: {  	[tilespmem:s22+$0x390] =	vst v1  }
0x430: {  	s26 =	sld [smem:$0x45];
	[tilespmem:s22+$0x290] =	vst v2;
	v1 =	vld [tilespmem:s6+$0x8620]  }
0x431: {  	s0 =	sshll.u32 s25, $0x9;
	s30 =	sld [smem:$0x46]  }
0x432: {  	v2 =	vld [tilespmem:s23+$0x8620];
	s25 =	sshra.s32 s0, $0x2;
	s11 =	sld [smem:$0x44]  }
0x433: {  	[tilespmem:s22+$0x210] =	vst v3;
	v5 =	vld [tilespmem:s25+$0x8400];
	s7 =	sshll.u32 s26, $0x9  }
0x434: {  	v3 =	vld [tilespmem:s12+$0x8620];
	s0 =	sshra.s32 s7, $0x2  }
0x435: {  	s31 =	sshll.u32 s11, $0x9;
	v6 =	vld [tilespmem:s0+$0x8400];
	[tilespmem:s22+$0x3A0] =	vst v1  }
0x436: {  	[tilespmem:s22+$0x310] =	vst v4;
	s10 =	sshll.u32 s30, $0x9;
	s28 =	sshra.s32 s31, $0x2;
	v1 =	vld [tilespmem:s6+$0x8630]  }
0x437: {  	s26 =	simm.s32 $0x14C00;
	s29 =	sshra.s32 s10, $0x2;
	[tilespmem:s22+$0x2A0] =	vst v2;
	v2 =	vld [tilespmem:s28+$0x8400]  }
0x438: {  	v4 =	vld [tilespmem:s29+$0x8400];
	[tilespmem:s26+$0x180] =	vst v5  }
0x439: {  	[tilespmem:s22+$0x220] =	vst v3;
	v3 =	vld [tilespmem:s24+$0x8620]  }
0x43a: {  	v5 =	vld [tilespmem:s25+$0x8410];
	[tilespmem:s26+$0x80] =	vst v6  }
0x43b: {  	v6 =	vld [tilespmem:s0+$0x8410];
	[tilespmem:s22+$0x3B0] =	vst v1  }
0x43c: {  	[tilespmem:s26+$0x0] =	vst v2;
	v1 =	vld [tilespmem:s6+$0x8640]  }
0x43d: {  	[tilespmem:s26+$0x100] =	vst v4;
	v2 =	vld [tilespmem:s28+$0x8410]  }
0x43e: {  	v4 =	vld [tilespmem:s29+$0x8410];
	[tilespmem:s22+$0x320] =	vst v3  }
0x43f: {  	[tilespmem:s26+$0x190] =	vst v5;
	v3 =	vld [tilespmem:s12+$0x8630]  }
0x440: {  	v5 =	vld [tilespmem:s25+$0x8420];
	[tilespmem:s26+$0x90] =	vst v6  }
0x441: {  	v6 =	vld [tilespmem:s0+$0x8420];
	[tilespmem:s22+$0x3C0] =	vst v1  }
0x442: {  	[tilespmem:s26+$0x10] =	vst v2;
	v1 =	vld [tilespmem:s6+$0x8650]  }
0x443: {  	[tilespmem:s26+$0x110] =	vst v4;
	v2 =	vld [tilespmem:s28+$0x8420]  }
0x444: {  	v4 =	vld [tilespmem:s29+$0x8420];
	[tilespmem:s22+$0x230] =	vst v3  }
0x445: {  	v3 =	vld [tilespmem:s23+$0x8630];
	[tilespmem:s26+$0x1A0] =	vst v5  }
0x446: {  	v5 =	vld [tilespmem:s25+$0x8430];
	[tilespmem:s26+$0xA0] =	vst v6  }
0x447: {  	v6 =	vld [tilespmem:s0+$0x8430];
	[tilespmem:s22+$0x3D0] =	vst v1  }
0x448: {  	[tilespmem:s26+$0x20] =	vst v2;
	v1 =	vld [tilespmem:s6+$0x8660]  }
0x449: {  	[tilespmem:s26+$0x120] =	vst v4;
	v2 =	vld [tilespmem:s28+$0x8430]  }
0x44a: {  	[tilespmem:s22+$0x2B0] =	vst v3;
	v4 =	vld [tilespmem:s29+$0x8430]  }
0x44b: {  	v3 =	vld [tilespmem:s24+$0x8630];
	[tilespmem:s26+$0x1B0] =	vst v5  }
0x44c: {  	v5 =	vld [tilespmem:s25+$0x8440];
	[tilespmem:s26+$0xB0] =	vst v6  }
0x44d: {  	v6 =	vld [tilespmem:s0+$0x8440];
	[tilespmem:s22+$0x3E0] =	vst v1  }
0x44e: {  	[tilespmem:s26+$0x30] =	vst v2;
	v1 =	vld [tilespmem:s6+$0x8670]  }
0x44f: {  	[tilespmem:s26+$0x130] =	vst v4;
	v2 =	vld [tilespmem:s28+$0x8440]  }
0x450: {  	[tilespmem:s22+$0x330] =	vst v3;
	v4 =	vld [tilespmem:s29+$0x8440]  }
0x451: {  	v3 =	vld [tilespmem:s12+$0x8640];
	[tilespmem:s26+$0x1C0] =	vst v5  }
0x452: {  	v5 =	vld [tilespmem:s25+$0x8450];
	[tilespmem:s26+$0xC0] =	vst v6  }
0x453: {  	v6 =	vld [tilespmem:s0+$0x8450];
	[tilespmem:s22+$0x3F0] =	vst v1  }
0x454: {  	v1 =	vld [tilespmem:s23+$0x8640];
	[tilespmem:s26+$0x40] =	vst v2  }
0x455: {  	[tilespmem:s26+$0x140] =	vst v4;
	v2 =	vld [tilespmem:s28+$0x8450]  }
0x456: {  	[tilespmem:s22+$0x240] =	vst v3;
	v4 =	vld [tilespmem:s29+$0x8450]  }
0x457: {  	v3 =	vld [tilespmem:s24+$0x8640];
	[tilespmem:s26+$0x1D0] =	vst v5  }
0x458: {  	v5 =	vld [tilespmem:s25+$0x8460];
	[tilespmem:s26+$0xD0] =	vst v6  }
0x459: {  	[tilespmem:s22+$0x2C0] =	vst v1;
	v6 =	vld [tilespmem:s0+$0x8460]  }
0x45a: {  	v1 =	vld [tilespmem:s12+$0x8650];
	[tilespmem:s26+$0x50] =	vst v2  }
0x45b: {  	[tilespmem:s26+$0x150] =	vst v4;
	v2 =	vld [tilespmem:s28+$0x8460]  }
0x45c: {  	[tilespmem:s22+$0x340] =	vst v3;
	v4 =	vld [tilespmem:s29+$0x8460]  }
0x45d: {  	v3 =	vld [tilespmem:s23+$0x8650];
	[tilespmem:s26+$0x1E0] =	vst v5  }
0x45e: {  	v5 =	vld [tilespmem:s25+$0x8470];
	[tilespmem:s26+$0xE0] =	vst v6  }
0x45f: {  	[tilespmem:s22+$0x250] =	vst v1;
	v6 =	vld [tilespmem:s0+$0x8470]  }
0x460: {  	v1 =	vld [tilespmem:s24+$0x8650];
	[tilespmem:s26+$0x60] =	vst v2  }
0x461: {  	[tilespmem:s26+$0x160] =	vst v4;
	v2 =	vld [tilespmem:s28+$0x8470]  }
0x462: {  	[tilespmem:s22+$0x2D0] =	vst v3;
	v4 =	vld [tilespmem:s29+$0x8470]  }
0x463: {  	v3 =	vld [tilespmem:s12+$0x8660];
	[tilespmem:s26+$0x1F0] =	vst v5  }
0x464: {  	v5 =	vld [tilespmem:s25+$0x8600];
	[tilespmem:s26+$0xF0] =	vst v6  }
0x465: {  	[tilespmem:s22+$0x350] =	vst v1;
	v6 =	vld [tilespmem:s0+$0x8600]  }
0x466: {  	v1 =	vld [tilespmem:s23+$0x8660];
	[tilespmem:s26+$0x70] =	vst v2  }
0x467: {  	[tilespmem:s26+$0x170] =	vst v4;
	v2 =	vld [tilespmem:s28+$0x8600]  }
0x468: {  	[tilespmem:s22+$0x260] =	vst v3;
	v7 =	vld [tilespmem:s29+$0x8600]  }
0x469: {  	v8 =	vld [tilespmem:s24+$0x8660];
	[tilespmem:s26+$0x380] =	vst v5  }
0x46a: {  	v5 =	vld [tilespmem:s25+$0x8610];
	[tilespmem:s26+$0x280] =	vst v6  }
0x46b: {  	[tilespmem:s22+$0x2E0] =	vst v1;
	v3 =	vld [tilespmem:s0+$0x8610]  }
0x46c: {  	v1 =	vld [tilespmem:s12+$0x8670];
	[tilespmem:s26+$0x200] =	vst v2  }
0x46d: {  	[tilespmem:s26+$0x300] =	vst v7;
	v4 =	vld [tilespmem:s28+$0x8610]  }
0x46e: {  	s2 =	simm.s32 $0x4;
	s11 =	simm.s32 $0x4B;
	[tilespmem:s22+$0x360] =	vst v8;
	v2 =	vld [tilespmem:s29+$0x8610]  }
.LBB2_9:
0x46f: {  	s6 =	sld [smem:s11+$0x0];
	s2 =	sadd.s32 $0x4, s2;
	[tilespmem:s26+$0x390] =	vst v5;
	v5 =	vld [tilespmem:s23+$0x8670];
	s23 =	smov.u32 s0  }
0x470: {  	s0 =	sld [smem:s11+$0xFFFFFFFE];
	p0 =	slt.u32 s2, $0x3C;
	[tilespmem:s26+$0x290] =	vst v3;
	v3 =	vld [tilespmem:s25+$0x8620]  }
0x471: {  	s10 =	sld [smem:s11+$0xFFFFFFFF];
	v6 =	vld [tilespmem:s23+$0x8620];
	[tilespmem:s22+$0x270] =	vst v1  }
0x472: {  	s12 =	sld [smem:s11+$0xFFFFFFFD];
	s6 =	sshll.u32 s6, $0x9;
	[tilespmem:s26+$0x210] =	vst v4;
	v1 =	vld [tilespmem:s24+$0x8670];
	s24 =	smov.u32 s29  }
0x473: {  	s0 =	sshll.u32 s0, $0x9;
	s7 =	sshra.s32 s6, $0x2;
	v4 =	vld [tilespmem:s28+$0x8620];
	[tilespmem:s26+$0x310] =	vst v2  }
0x474: {  	s0 =	sshra.s32 s0, $0x2;
	s6 =	sshll.u32 s10, $0x9;
	v2 =	vld [tilespmem:s7+$0x8400];
	[tilespmem:s22+$0x2F0] =	vst v5  }
0x475: {  	s10 =	sshll.u32 s12, $0x9;
	v5 =	vld [tilespmem:s0+$0x8400];
	s29 =	sshra.s32 s6, $0x2;
	[tilespmem:s26+$0x3A0] =	vst v3  }
0x476: {  	s6 =	sshra.s32 s10, $0x2;
	[tilespmem:s26+$0x2A0] =	vst v6;
	v3 =	vld [tilespmem:s25+$0x8630]  }
0x477: {  	v6 =	vld [tilespmem:s6+$0x8400];
	[tilespmem:s22+$0x370] =	vst v1;
	s22 =	smov.u32 s26  }
0x478: {  	s26 =	sadd.s32 $0x400, s26;
	v1 =	vld [tilespmem:s29+$0x8400];
	[tilespmem:s22+$0x220] =	vst v4  }
0x479: {  	[tilespmem:s26+$0x180] =	vst v2;
	v2 =	vld [tilespmem:s24+$0x8620]  }
0x47a: {  	[tilespmem:s26+$0x80] =	vst v5;
	v4 =	vld [tilespmem:s7+$0x8410]  }
0x47b: {  	v5 =	vld [tilespmem:s0+$0x8410];
	[tilespmem:s22+$0x3B0] =	vst v3  }
0x47c: {  	[tilespmem:s26+$0x0] =	vst v6;
	v3 =	vld [tilespmem:s25+$0x8640]  }
0x47d: {  	v6 =	vld [tilespmem:s6+$0x8410];
	[tilespmem:s26+$0x100] =	vst v1  }
0x47e: {  	v1 =	vld [tilespmem:s29+$0x8410];
	[tilespmem:s22+$0x320] =	vst v2  }
0x47f: {  	[tilespmem:s26+$0x190] =	vst v4;
	v2 =	vld [tilespmem:s28+$0x8630]  }
0x480: {  	[tilespmem:s26+$0x90] =	vst v5;
	v4 =	vld [tilespmem:s7+$0x8420]  }
0x481: {  	v5 =	vld [tilespmem:s0+$0x8420];
	[tilespmem:s22+$0x3C0] =	vst v3  }
0x482: {  	[tilespmem:s26+$0x10] =	vst v6;
	v3 =	vld [tilespmem:s25+$0x8650]  }
0x483: {  	v6 =	vld [tilespmem:s6+$0x8420];
	[tilespmem:s26+$0x110] =	vst v1  }
0x484: {  	v1 =	vld [tilespmem:s29+$0x8420];
	[tilespmem:s22+$0x230] =	vst v2  }
0x485: {  	[tilespmem:s26+$0x1A0] =	vst v4;
	v2 =	vld [tilespmem:s23+$0x8630]  }
0x486: {  	[tilespmem:s26+$0xA0] =	vst v5;
	v4 =	vld [tilespmem:s7+$0x8430]  }
0x487: {  	v5 =	vld [tilespmem:s0+$0x8430];
	[tilespmem:s22+$0x3D0] =	vst v3  }
0x488: {  	[tilespmem:s26+$0x20] =	vst v6;
	v3 =	vld [tilespmem:s25+$0x8660]  }
0x489: {  	v6 =	vld [tilespmem:s6+$0x8430];
	[tilespmem:s26+$0x120] =	vst v1  }
0x48a: {  	v1 =	vld [tilespmem:s29+$0x8430];
	[tilespmem:s22+$0x2B0] =	vst v2  }
0x48b: {  	[tilespmem:s26+$0x1B0] =	vst v4;
	v2 =	vld [tilespmem:s24+$0x8630]  }
0x48c: {  	[tilespmem:s26+$0xB0] =	vst v5;
	v4 =	vld [tilespmem:s7+$0x8440]  }
0x48d: {  	v5 =	vld [tilespmem:s0+$0x8440];
	[tilespmem:s22+$0x3E0] =	vst v3  }
0x48e: {  	[tilespmem:s26+$0x30] =	vst v6;
	v3 =	vld [tilespmem:s25+$0x8670];
	s25 =	smov.u32 s7  }
0x48f: {  	v6 =	vld [tilespmem:s6+$0x8440];
	[tilespmem:s26+$0x130] =	vst v1  }
0x490: {  	v1 =	vld [tilespmem:s29+$0x8440];
	[tilespmem:s22+$0x330] =	vst v2  }
0x491: {  	[tilespmem:s26+$0x1C0] =	vst v4;
	v2 =	vld [tilespmem:s28+$0x8640]  }
0x492: {  	[tilespmem:s26+$0xC0] =	vst v5;
	v4 =	vld [tilespmem:s25+$0x8450]  }
0x493: {  	v5 =	vld [tilespmem:s0+$0x8450];
	[tilespmem:s22+$0x3F0] =	vst v3  }
0x494: {  	[tilespmem:s26+$0x40] =	vst v6;
	v3 =	vld [tilespmem:s23+$0x8640]  }
0x495: {  	v6 =	vld [tilespmem:s6+$0x8450];
	[tilespmem:s26+$0x140] =	vst v1  }
0x496: {  	v1 =	vld [tilespmem:s29+$0x8450];
	[tilespmem:s22+$0x240] =	vst v2  }
0x497: {  	[tilespmem:s26+$0x1D0] =	vst v4;
	v2 =	vld [tilespmem:s24+$0x8640]  }
0x498: {  	[tilespmem:s26+$0xD0] =	vst v5;
	v4 =	vld [tilespmem:s25+$0x8460]  }
0x499: {  	v5 =	vld [tilespmem:s0+$0x8460];
	[tilespmem:s22+$0x2C0] =	vst v3  }
0x49a: {  	[tilespmem:s26+$0x50] =	vst v6;
	v3 =	vld [tilespmem:s28+$0x8650]  }
0x49b: {  	v6 =	vld [tilespmem:s6+$0x8460];
	[tilespmem:s26+$0x150] =	vst v1  }
0x49c: {  	v1 =	vld [tilespmem:s29+$0x8460];
	[tilespmem:s22+$0x340] =	vst v2  }
0x49d: {  	[tilespmem:s26+$0x1E0] =	vst v4;
	v2 =	vld [tilespmem:s23+$0x8650]  }
0x49e: {  	[tilespmem:s26+$0xE0] =	vst v5;
	v4 =	vld [tilespmem:s25+$0x8470]  }
0x49f: {  	v5 =	vld [tilespmem:s0+$0x8470];
	[tilespmem:s22+$0x250] =	vst v3  }
0x4a0: {  	[tilespmem:s26+$0x60] =	vst v6;
	v3 =	vld [tilespmem:s24+$0x8650]  }
0x4a1: {  	v6 =	vld [tilespmem:s6+$0x8470];
	[tilespmem:s26+$0x160] =	vst v1  }
0x4a2: {  	v1 =	vld [tilespmem:s29+$0x8470];
	[tilespmem:s22+$0x2D0] =	vst v2  }
0x4a3: {  	[tilespmem:s26+$0x1F0] =	vst v4;
	v2 =	vld [tilespmem:s28+$0x8660]  }
0x4a4: {  	[tilespmem:s26+$0xF0] =	vst v5;
	v4 =	vld [tilespmem:s25+$0x8600]  }
0x4a5: {  	v5 =	vld [tilespmem:s0+$0x8600];
	[tilespmem:s22+$0x350] =	vst v3  }
0x4a6: {  	[tilespmem:s26+$0x70] =	vst v6;
	v6 =	vld [tilespmem:s23+$0x8660]  }
0x4a7: {  	v7 =	vld [tilespmem:s6+$0x8600];
	[tilespmem:s26+$0x170] =	vst v1  }
0x4a8: {  	v8 =	vld [tilespmem:s29+$0x8600];
	[tilespmem:s22+$0x260] =	vst v2  }
0x4a9: {  	[tilespmem:s26+$0x380] =	vst v4;
	v9 =	vld [tilespmem:s24+$0x8660]  }
.Ltmp3:
0x4aa: {  	[tilespmem:s26+$0x280] =	vst v5;
	v5 =	vld [tilespmem:s25+$0x8610];
	(pc) =	sbr.rel @p0 .LBB2_9-.Ltmp3, $4  }
0x4ab: {  	v3 =	vld [tilespmem:s0+$0x8610];
	[tilespmem:s22+$0x2E0] =	vst v6  }
0x4ac: {  	[tilespmem:s26+$0x200] =	vst v7;
	v1 =	vld [tilespmem:s28+$0x8670];
	s28 =	smov.u32 s6  }
0x4ad: {  	v4 =	vld [tilespmem:s28+$0x8610];
	[tilespmem:s26+$0x300] =	vst v8  }
0x4ae: {  	s11 =	sadd.s32 $0x4, s11;
	v2 =	vld [tilespmem:s29+$0x8610];
	[tilespmem:s22+$0x360] =	vst v9  }
0x4af: {  	_ =	sdelay $0x1  }
0x4b0: {  	[tilespmem:s26+$0x390] =	vst v5  }
0x4b1: {  	v5 =	vld [tilespmem:s25+$0x8620];
	[tilespmem:s26+$0x210] =	vst v4  }
0x4b2: {  	[tilespmem:s26+$0x290] =	vst v3;
	v3 =	vld [tilespmem:s28+$0x8620]  }
0x4b3: {  	v62 =	vld [tilespmem:s0+$0x8620];
	[tilespmem:s26+$0x310] =	vst v2  }
0x4b4: {  	v2 =	vld [tilespmem:s29+$0x8620];
	_ =	sdelay $0x1  }
0x4b5: {  	[tilespmem:s26+$0x3A0] =	vst v5  }
0x4b6: {  	v5 =	vld [tilespmem:s25+$0x8630];
	[tilespmem:s26+$0x220] =	vst v3  }
0x4b7: {  	[tilespmem:s26+$0x2A0] =	vst v62;
	v3 =	vld [tilespmem:s28+$0x8630]  }
0x4b8: {  	[tilespmem:s26+$0x320] =	vst v2;
	v2 =	vld [tilespmem:s0+$0x8630]  }
0x4b9: {  	v63 =	vld [tilespmem:s29+$0x8630];
	_ =	sdelay $0x1  }
0x4ba: {  	[tilespmem:s26+$0x3B0] =	vst v5  }
0x4bb: {  	v5 =	vld [tilespmem:s25+$0x8640];
	[tilespmem:s26+$0x230] =	vst v3  }
0x4bc: {  	[tilespmem:s26+$0x2B0] =	vst v2;
	v2 =	vld [tilespmem:s28+$0x8640]  }
0x4bd: {  	[tilespmem:s26+$0x330] =	vst v63;
	v3 =	vld [tilespmem:s0+$0x8640]  }
0x4be: {  	v4 =	vld [tilespmem:s29+$0x8640];
	_ =	sdelay $0x1  }
0x4bf: {  	[tilespmem:s26+$0x3C0] =	vst v5  }
0x4c0: {  	v5 =	vld [tilespmem:s25+$0x8650];
	[tilespmem:s26+$0x240] =	vst v2  }
0x4c1: {  	[tilespmem:s26+$0x2C0] =	vst v3;
	v2 =	vld [tilespmem:s28+$0x8650]  }
0x4c2: {  	[tilespmem:s26+$0x340] =	vst v4;
	v3 =	vld [tilespmem:s0+$0x8650]  }
0x4c3: {  	v4 =	vld [tilespmem:s29+$0x8650];
	_ =	sdelay $0x1  }
0x4c4: {  	[tilespmem:s26+$0x3D0] =	vst v5  }
0x4c5: {  	v5 =	vld [tilespmem:s25+$0x8660];
	[tilespmem:s26+$0x250] =	vst v2  }
0x4c6: {  	[tilespmem:s26+$0x2D0] =	vst v3;
	v2 =	vld [tilespmem:s28+$0x8660]  }
0x4c7: {  	[tilespmem:s26+$0x350] =	vst v4;
	v3 =	vld [tilespmem:s0+$0x8660]  }
0x4c8: {  	v4 =	vld [tilespmem:s29+$0x8660]  }
0x4c9: {  	v6 =	vld [tilespmem:s23+$0x8670];
	[tilespmem:s22+$0x270] =	vst v1  }
0x4ca: {  	v1 =	vld [tilespmem:s24+$0x8670];
	[tilespmem:s26+$0x3E0] =	vst v5  }
0x4cb: {  	v5 =	vld [tilespmem:s25+$0x8670];
	[tilespmem:s26+$0x260] =	vst v2  }
0x4cc: {  	[tilespmem:s26+$0x2E0] =	vst v3;
	v2 =	vld [tilespmem:s28+$0x8670]  }
0x4cd: {  	[tilespmem:s26+$0x360] =	vst v4;
	v3 =	vld [tilespmem:s0+$0x8670]  }
0x4ce: {  	s20 =	sadd.s32 $0x1, s20;
	[tilespmem:s22+$0x2F0] =	vst v6;
	v4 =	vld [tilespmem:s29+$0x8670]  }
0x4cf: {  	p0 =	sne.s32 s20, $0x10;
	[tilespmem:s22+$0x370] =	vst v1  }
.Ltmp4:
0x4d0: {  	[tilespmem:s26+$0x3F0] =	vst v5;
	(pc) =	sbr.rel @p0 .LBB2_2-.Ltmp4, $4  }
0x4d1: {  	[tilespmem:s26+$0x270] =	vst v2  }
0x4d2: {  	[tilespmem:s26+$0x2F0] =	vst v3  }
0x4d3: {  	s31 =	sadd.s32 s21, s8;
	[tilespmem:s26+$0x370] =	vst v4  }
0x4d4: {  	[hbm4b:s31+s4] =	stream.linear.scatter [tilespmem:s16], [sflag:$0x4], $0x4000, $0x38;
	[tilespmem:$0x18880] =	vst v63  }
0x4d5: {  	_ =	swait.ge [sflag:s17], $0x4000  }
0x4d6: {  	[sflag:s17] =	ssyncset.done $0x0  }
0x4d7: {  	[sflag:s17] =	ssyncadd.s32 $0xFFFFC000  }
0x4d8: {  	_ =	swait.ge [sflag:s18], $0x4000  }
0x4d9: {  	s19 =	sadd.s32 $0x1, s19;
	s0 =	rddreg [dreg:$0x6]  }
0x4da: {  	p0 =	sne.s32 s19, s0  }
.Ltmp5:
0x4db: {  	_ = 	snop;
	(pc) =	sbr.rel @p0 .LBB2_1-.Ltmp5, $3  }
0x4dc: {  	_ =	sdelay $0x1  }
0x4dd: {  	[sflag:s18] =	ssyncset.done $0x0  }
0x4de: {  	[sflag:s18] =	ssyncadd.s32 $0xFFFFC000  }
0x4df: {  	_ =	sfence.sel $0x180000  }
0x4e0: {  	[bflag:$0x0] =	sbarrier.arrive $0xFFFF  }
0x4e1: {  	_ =	strace $0x90000047  }
0x4e2: {  	s0 =	stileid.u32;
	[bflag:$0x2] =	sbarrier.arrive $0xFFFF  }
0x4e3: {  	p0 =	sne.s32 s0, $0x0;
	s0 =	rddreg [dreg:$0x3]  }
0x4e4: {  	s0 =	sadd.s32 @!p0 $0x100000, s0  }
0x4e5: {  	[sflag:s0] =	ssyncadd.tile.s32 @!p0 $0x1;
	_ =	shalt  }
.Lfunc_end2:
_tile_overlayer_lowered:
.L_overlay_start_2:
0x4e6: {  	(tag) =	ssettag $0x2  }
0x4e7: {  	s0 =	rddreg [dreg:$0x0];
	s2 =	stileid.u32  }
0x4e8: {  	s1 =	rddreg [dreg:$0x1];
	p0 =	sne.s32 s2, $0x0  }
0x4e9: {  	s3 =	rddreg [dreg:$0x2];
	[bflag:$0x3] =	sbarrier.arrive $0xFFFF;
	s2 =	simm.s32 @!p0 $0x1C05  }
0x4ea: {  	[timem:s3], [sflag:s2] =	dma.local @!p0 [hbm:s0], s1  }
0x4eb: {  	s0 =	simm.s32 @!p0 $0x5  }
0x4ec: {  	_ =	swait.ge @!p0 [sflag:s0], s1  }
0x4ed: {  	s1 =	ssub.s32 @!p0 $0x0, s1;
	[sflag:s0] =	ssyncset.done @!p0 $0x0  }
0x4ee: {  	[sflag:s0] =	ssyncadd.s32 @!p0 s1  }
0x4ef: {  	[bflag:$0x3] =	sbarrier.arrive $0xFFFF  }
0x4f0: {  	_ =	shalt  }

</sc_bundles>
